<compile_context>
chip_gen: v7x
topology: tpu7x:2x2x1
jax: 0.10.2.dev20260603
libtpu: 0.0.44.dev20260713+nightly
codegen_flags: <defaults>
</compile_context>

<pallas_src>
import functools

import jax
import jax.numpy as jnp
from jax import lax
from jax.experimental import pallas as pl
from jax.experimental.pallas import tpu as pltpu
from jax.experimental.pallas import tpu_sc as plsc

N = 2048
FIN = 3
G = 64
GF = G * FIN
GFP = 256
E = 4096
EA = E + N
BF = jnp.bfloat16
D_MODEL = 128
D_STATE = 32
D_CONV = 4
D_INNER = 256
N_LAYERS = 3
DT_RANK = 8
BZ, SL = 4, 16
NC, NS = 2, 16
EPS = EA // (NC * NS)
ECH = 512
NECH = EA // ECH
GB = 8
NPH = NECH + G // GB + 1
HP = lax.Precision.HIGHEST


def _prep_kernel(xrow_ref, dst_ref, m_ref, gcol_ref, bcol_ref, xs_ref,
                 dinv_ref):
    xr = xrow_ref[...]
    mm = m_ref[...]
    xh = xr.astype(BF)
    r1 = xr - xh.astype(jnp.float32)
    xl = r1.astype(BF)
    xll = (r1 - xl.astype(jnp.float32)).astype(BF)
    mean = (jnp.dot(xh, mm, preferred_element_type=jnp.float32)
            + jnp.dot(xl, mm, preferred_element_type=jnp.float32)
            + jnp.dot(xll, mm, preferred_element_type=jnp.float32)) * (1.0 / FIN)
    d = xr - mean
    dsq = d * d
    dh = dsq.astype(BF)
    dl = (dsq - dh.astype(jnp.float32)).astype(BF)
    var = (jnp.dot(dh, mm, preferred_element_type=jnp.float32)
           + jnp.dot(dl, mm, preferred_element_type=jnp.float32)) * (1.0 / FIN)
    xln = d * (1.0 / jnp.sqrt(var + 1e-5)) * gcol_ref[...] + bcol_ref[...]
    dstv = dst_ref[...]
    chunks = []
    for k in range(N // 128):
        nid = lax.broadcasted_iota(jnp.int32, (128, 1), 0) + (k * 128)
        cnt = jnp.sum((dstv == nid).astype(jnp.float32), axis=1, keepdims=True)
        chunks.append(cnt)
    deg = jnp.concatenate(chunks, axis=0) + 1.0
    dinv = 1.0 / jnp.sqrt(deg)
    xs_ref[...] = jnp.concatenate(
        [xln * dinv, jnp.zeros((N, GFP - GF), jnp.float32)], axis=1)
    dinv_ref[...] = jnp.broadcast_to(dinv, (N, 8))


def _sc_gather(xs, srcp):
    mesh = plsc.VectorSubcoreMesh(core_axis_name="c", subcore_axis_name="s")

    @functools.partial(
        pl.kernel,
        out_type=jax.ShapeDtypeStruct((EA, GFP), jnp.float32),
        mesh=mesh,
        scratch_types=[
            pltpu.VMEM((EPS,), jnp.int32),
            pltpu.VMEM((EPS, GFP), jnp.float32),
            pltpu.SemaphoreType.DMA,
        ],
    )
    def gat(xs_hbm, src_hbm, out_hbm, srcv, rows, sem):
        c = lax.axis_index("c")
        s = lax.axis_index("s")
        base = (c * NS + s) * EPS
        pltpu.sync_copy(src_hbm.at[pl.ds(base, EPS)], srcv)
        h1 = pltpu.async_copy(
            xs_hbm.at[srcv.at[pl.ds(0, 128)]], rows.at[pl.ds(0, 128)], sem)
        h2 = pltpu.async_copy(
            xs_hbm.at[srcv.at[pl.ds(128, EPS - 128)]],
            rows.at[pl.ds(128, EPS - 128)], sem)
        h1.wait()
        h2.wait()
        pltpu.sync_copy(rows, out_hbm.at[pl.ds(base, EPS)])

    return gat(xs, srcp)


def _silu(v):
    return v * jax.nn.sigmoid(v)


def _softplus(v):
    return jnp.maximum(v, 0.0) + jnp.log(1.0 + jnp.exp(-jnp.abs(v)))


def _tail_kernel(msgs_ref, dstp_ref, dinv_ref, gw_ref, gb_ref, lng_ref,
                 lnb_ref, inproj_ref, convw_ref, convb_ref, xpdt_ref, xpb_ref,
                 xpc_ref, dtw_ref, dtb_ref, alogt_ref, dp_ref, outproj_ref,
                 rw1_ref, rb1_ref, rw2_ref, rb2_ref, xw1_ref, xb1_ref,
                 xw2_ref, xb2_ref, out_ref, acc_ref, tacc_ref):
    j = pl.program_id(0)

    @pl.when(j == 0)
    def _init():
        acc_ref[...] = jnp.zeros_like(acc_ref)

    @pl.when(j < NECH)
    def _agg():
        dstc = dstp_ref[0]
        onehot = (dstc == lax.broadcasted_iota(jnp.int32, (ECH, N), 1)
                  ).astype(jnp.bfloat16)
        m = msgs_ref[:, :GF]
        mh = m.astype(jnp.bfloat16)
        r1 = m - mh.astype(jnp.float32)
        ml = r1.astype(jnp.bfloat16)
        mll = (r1 - ml.astype(jnp.float32)).astype(jnp.bfloat16)
        dn = (((0,), (0,)), ((), ()))
        acc_ref[...] += (
            lax.dot_general(mh, onehot, dn, preferred_element_type=jnp.float32)
            + lax.dot_general(ml, onehot, dn,
                              preferred_element_type=jnp.float32)
            + lax.dot_general(mll, onehot, dn,
                              preferred_element_type=jnp.float32))

    @pl.when(jnp.logical_and(j >= NECH, j < NECH + G // GB))
    def _gcn():
        p = j - NECH
        ublk = jnp.transpose(acc_ref[pl.ds(p * GB * FIN, GB * FIN), :])
        u = ublk * dinv_ref[:, 0:1]
        rows = []
        for g in range(GB):
            ht = gb_ref[...]
            for f in range(FIN):
                ht = ht + u[:, g * FIN + f:g * FIN + f + 1] * gw_ref[f:f + 1]
            ht = jnp.maximum(ht, 0.0)
            rows.append(jnp.sum(ht, axis=0, keepdims=True) * (1.0 / N))
        tacc_ref[pl.ds(p * GB, GB), :] = jnp.concatenate(rows, axis=0)

    @pl.when(j == NECH + G // GB)
    def _fin():
        t = tacc_ref[...]
        for l in range(N_LAYERS):
            mean = jnp.mean(t, axis=1, keepdims=True)
            d = t - mean
            var = jnp.mean(d * d, axis=1, keepdims=True)
            tln = (d * (1.0 / jnp.sqrt(var + 1e-5)) * lng_ref[l][None, :]
                   + lnb_ref[l][None, :])
            xz = jnp.dot(tln, inproj_ref[l],
                         preferred_element_type=jnp.float32, precision=HP)
            xi, z = xz[:, :D_INNER], xz[:, D_INNER:]
            xi3 = xi.reshape(BZ, SL, D_INNER)
            conv = xi3 * convw_ref[l, :, D_CONV - 1][None, None, :]
            for k in range(D_CONV - 1):
                sh = D_CONV - 1 - k
                shifted = jnp.concatenate(
                    [jnp.zeros((BZ, sh, D_INNER), jnp.float32),
                     xi3[:, :SL - sh, :]], axis=1)
                conv = conv + shifted * convw_ref[l, :, k][None, None, :]
            xi2 = _silu(conv.reshape(G, D_INNER) + convb_ref[l][None, :])
            dtr = jnp.dot(xi2, xpdt_ref[l],
                          preferred_element_type=jnp.float32, precision=HP)
            dt = _softplus(
                jnp.dot(dtr, dtw_ref[l], preferred_element_type=jnp.float32,
                        precision=HP) + dtb_ref[l][None, :])
            bc = jnp.dot(xi2, xpb_ref[l], preferred_element_type=jnp.float32,
                         precision=HP)
            cc = jnp.dot(xi2, xpc_ref[l], preferred_element_type=jnp.float32,
                         precision=HP)
            at = -jnp.exp(alogt_ref[l])
            dt3 = dt.reshape(BZ, SL, D_INNER)
            u3 = xi2.reshape(BZ, SL, D_INNER)
            bc3 = bc.reshape(BZ, SL, D_STATE)
            cc3 = cc.reshape(BZ, SL, D_STATE)
            h = jnp.zeros((BZ, D_STATE, D_INNER), jnp.float32)
            ys = []
            for s_ in range(SL):
                dts = dt3[:, s_, :][:, None, :]
                da = jnp.exp(dts * at[None])
                us = u3[:, s_, :][:, None, :]
                bs = bc3[:, s_, :][:, :, None]
                h = da * h + dts * bs * us
                cs = cc3[:, s_, :][:, :, None]
                ys.append(jnp.sum(h * cs, axis=1))
            y = jnp.stack(ys, axis=1).reshape(G, D_INNER)
            y = y + xi2 * dp_ref[l][None, :]
            y = y * _silu(z)
            t = t + jnp.dot(y, outproj_ref[l],
                            preferred_element_type=jnp.float32, precision=HP)
        final = t.reshape(BZ, SL, D_MODEL)[:, SL - 1, :]
        f1 = jnp.maximum(
            jnp.dot(final, rw1_ref[...], preferred_element_type=jnp.float32,
                    precision=HP) + rb1_ref[...], 0.0)
        r = jnp.sum(f1 * rw2_ref[...], axis=1, keepdims=True) + rb2_ref[...]
        f2 = jnp.maximum(
            jnp.dot(final, xw1_ref[...], preferred_element_type=jnp.float32,
                    precision=HP) + xb1_ref[...], 0.0)
        xp = jnp.sum(f2 * xw2_ref[...], axis=1, keepdims=True) + xb2_ref[...]
        out_ref[...] = jnp.concatenate(
            [r, xp, jnp.zeros((BZ, D_MODEL - 2), jnp.float32)], axis=1)


def kernel(x, edge_index, nrm_g, nrm_b, gW1, gb1, ln_g, ln_b, in_proj, conv_w,
           conv_b, x_proj, dt_proj_W, dt_bias, A_log, Dp, rW1, rb1, rW2, rb2,
           xW1, xb1, xW2, xb2, out_proj):
    f32 = jnp.float32
    xrow = x.reshape(G, N, FIN).transpose(1, 0, 2).reshape(N, GF)
    src = edge_index[0]
    dst = edge_index[1]
    dst_row = dst.reshape(1, E)
    nid = jnp.arange(N, dtype=jnp.int32)
    srcp = jnp.concatenate([src, nid])
    dstp = jnp.concatenate([dst, nid]).reshape(NECH, ECH, 1)
    eye = jnp.eye(G, dtype=f32)
    mmat = jnp.repeat(jnp.repeat(eye, FIN, axis=0), FIN, axis=1).astype(BF)
    gcol = jnp.tile(nrm_g, G).reshape(1, GF)
    bcol = jnp.tile(nrm_b, G).reshape(1, GF)
    gbrow = gb1.reshape(1, D_MODEL)
    alogt = A_log.transpose(0, 2, 1)
    xp_dt = x_proj[:, :, :DT_RANK]
    xp_b = x_proj[:, :, DT_RANK:DT_RANK + D_STATE]
    xp_c = x_proj[:, :, DT_RANK + D_STATE:]
    rb1r = rb1.reshape(1, D_MODEL // 2)
    rw2r = rW2.reshape(1, D_MODEL // 2)
    rb2r = rb2.reshape(1, 1)
    xb1r = xb1.reshape(1, D_MODEL // 2)
    xw2r = xW2.reshape(1, D_MODEL // 2)
    xb2r = xb2.reshape(1, 1)

    xs, dinv = pl.pallas_call(
        _prep_kernel,
        out_shape=(jax.ShapeDtypeStruct((N, GFP), f32),
                   jax.ShapeDtypeStruct((N, 8), f32)),
    )(xrow, dst_row, mmat, gcol, bcol)

    msgs = _sc_gather(xs, srcp)

    cst = lambda j: (0, 0)
    cst3 = lambda j: (0, 0, 0)
    out128 = pl.pallas_call(
        _tail_kernel,
        grid=(NPH,),
        in_specs=[
            pl.BlockSpec((ECH, GFP), lambda j: (jnp.minimum(j, NECH - 1), 0)),
            pl.BlockSpec((1, ECH, 1),
                         lambda j: (jnp.minimum(j, NECH - 1), 0, 0)),
            pl.BlockSpec((N, 8), cst),
            pl.BlockSpec((FIN, D_MODEL), cst),
            pl.BlockSpec((1, D_MODEL), cst),
            pl.BlockSpec((N_LAYERS, D_MODEL), cst),
            pl.BlockSpec((N_LAYERS, D_MODEL), cst),
            pl.BlockSpec((N_LAYERS, D_MODEL, 2 * D_INNER), cst3),
            pl.BlockSpec((N_LAYERS, D_INNER, D_CONV), cst3),
            pl.BlockSpec((N_LAYERS, D_INNER), cst),
            pl.BlockSpec((N_LAYERS, D_INNER, DT_RANK), cst3),
            pl.BlockSpec((N_LAYERS, D_INNER, D_STATE), cst3),
            pl.BlockSpec((N_LAYERS, D_INNER, D_STATE), cst3),
            pl.BlockSpec((N_LAYERS, DT_RANK, D_INNER), cst3),
            pl.BlockSpec((N_LAYERS, D_INNER), cst),
            pl.BlockSpec((N_LAYERS, D_STATE, D_INNER), cst3),
            pl.BlockSpec((N_LAYERS, D_INNER), cst),
            pl.BlockSpec((N_LAYERS, D_INNER, D_MODEL), cst3),
            pl.BlockSpec((D_MODEL, D_MODEL // 2), cst),
            pl.BlockSpec((1, D_MODEL // 2), cst),
            pl.BlockSpec((1, D_MODEL // 2), cst),
            pl.BlockSpec((1, 1), cst),
            pl.BlockSpec((D_MODEL, D_MODEL // 2), cst),
            pl.BlockSpec((1, D_MODEL // 2), cst),
            pl.BlockSpec((1, D_MODEL // 2), cst),
            pl.BlockSpec((1, 1), cst),
        ],
        out_specs=pl.BlockSpec((BZ, D_MODEL), cst),
        out_shape=jax.ShapeDtypeStruct((BZ, D_MODEL), f32),
        scratch_shapes=[
            pltpu.VMEM((GF, N), f32),
            pltpu.VMEM((G, D_MODEL), f32),
        ],
    )(msgs, dstp, dinv, gW1, gbrow, ln_g, ln_b, in_proj, conv_w, conv_b,
      xp_dt, xp_b, xp_c, dt_proj_W, dt_bias, alogt, Dp, out_proj, rW1, rb1r,
      rw2r, rb2r, xW1, xb1r, xw2r, xb2r)
    return out128[:, :2]

# --- scband reference (transcript-rebuilt; emitter-appended) ---
"""Pipeline reference for scband-improved-graph-mamba-28501402976845 (READ-ONLY COPY).

The authoritative reference and input builder live on the scoring server;
editing this copy changes nothing except your own understanding.
"""

import jax, jax.numpy as jnp
import numpy as np

NUM_NODES = 2048
IN_F = 3
D_MODEL = 128
D_STATE = 32
D_CONV = 4
EXPAND = 2
N_LAYERS = 3
D_INNER = EXPAND * D_MODEL
DT_RANK = D_MODEL // 16
B, S, E = 4, 16, 4096


def setup_inputs(seed: int = 0):
    key = jax.random.key(seed)
    ks = jax.random.split(key, 24)
    L = N_LAYERS
    inp = {}
    inp['x'] = jax.random.normal(ks[0], (B, S, NUM_NODES, IN_F), dtype=jnp.float32)
    inp['edge_index'] = jax.random.randint(ks[1], (2, E), 0, NUM_NODES, dtype=jnp.int32)
    inp['nrm_g'] = jnp.ones((IN_F,), jnp.float32)
    inp['nrm_b'] = jnp.zeros((IN_F,), jnp.float32)
    inp['gW1'] = jax.random.normal(ks[2], (IN_F, D_MODEL), dtype=jnp.float32) * 0.1
    inp['gb1'] = jnp.zeros((D_MODEL,), jnp.float32)
    inp['ln_g'] = jnp.ones((L, D_MODEL), jnp.float32)
    inp['ln_b'] = jnp.zeros((L, D_MODEL), jnp.float32)
    inp['in_proj'] = jax.random.normal(ks[3], (L, D_MODEL, 2 * D_INNER), dtype=jnp.float32) * 0.05
    inp['conv_w'] = jax.random.normal(ks[4], (L, D_INNER, D_CONV), dtype=jnp.float32) * 0.1
    inp['conv_b'] = jnp.zeros((L, D_INNER), jnp.float32)
    inp['x_proj'] = jax.random.normal(ks[5], (L, D_INNER, DT_RANK + 2 * D_STATE), dtype=jnp.float32) * 0.05
    inp['dt_proj_W'] = jax.random.normal(ks[6], (L, DT_RANK, D_INNER), dtype=jnp.float32) * 0.1
    inp['dt_bias'] = jnp.zeros((L, D_INNER), jnp.float32)
    inp['A_log'] = jnp.log(jnp.broadcast_to(jnp.arange(1, D_STATE + 1, dtype=jnp.float32), (L, D_INNER, D_STATE)))
    inp['Dp'] = jnp.ones((L, D_INNER), jnp.float32)
    inp['rW1'] = jax.random.normal(ks[8], (D_MODEL, D_MODEL // 2), dtype=jnp.float32) * 0.1
    inp['rb1'] = jnp.zeros((D_MODEL // 2,), jnp.float32)
    inp['rW2'] = jax.random.normal(ks[9], (D_MODEL // 2, 1), dtype=jnp.float32) * 0.1
    inp['rb2'] = jnp.zeros((1,), jnp.float32)
    inp['xW1'] = jax.random.normal(ks[10], (D_MODEL, D_MODEL // 2), dtype=jnp.float32) * 0.1
    inp['xb1'] = jnp.zeros((D_MODEL // 2,), jnp.float32)
    inp['xW2'] = jax.random.normal(ks[11], (D_MODEL // 2, 1), dtype=jnp.float32) * 0.1
    inp['xb2'] = jnp.zeros((1,), jnp.float32)
    inp['out_proj'] = jax.random.normal(ks[7], (L, D_INNER, D_MODEL), dtype=jnp.float32) * 0.05
    return inp


def layer_norm(x, g, b, eps=1e-5):
    m = x.mean(-1, keepdims=True)
    v = ((x - m) ** 2).mean(-1, keepdims=True)
    return (x - m) / jnp.sqrt(v + eps) * g + b


def silu(x):
    return x * jax.nn.sigmoid(x)


def gcn_conv(x, W, bias, src, dst, n):
    # x: [G, N, Fin]; GCNConv with self loops + symmetric norm; shared topology across G graphs
    xw = x @ W
    deg = jnp.zeros((n,), jnp.float32).at[dst].add(1.0) + 1.0
    dinv = 1.0 / jnp.sqrt(deg)
    norm = dinv[src] * dinv[dst]
    msgs = xw[:, src, :] * norm[None, :, None]
    out = jnp.zeros_like(xw).at[:, dst, :].add(msgs)
    out = out + xw * (dinv * dinv)[None, :, None]
    return out + bias


def causal_conv1d(x, w, b):
    # x: [B, S, di], w: [di, dc] depthwise causal conv
    dc = w.shape[-1]
    Sl = x.shape[1]
    xp = jnp.pad(x, ((0, 0), (dc - 1, 0), (0, 0)))
    out = jnp.zeros_like(x)
    for k in range(dc):
        out = out + xp[:, k:k + Sl, :] * w[:, k][None, None, :]
    return out + b


def selective_scan(u, dt, A, Bc, Cc, Dp):
    # u, dt: [B,S,di]; A: [di,ds]; Bc, Cc: [B,S,ds]
    dA = jnp.exp(dt[..., None] * A)
    dBu = dt[..., None] * Bc[:, :, None, :] * u[..., None]

    def step(h, xs):
        dA_t, dBu_t, C_t = xs
        h = dA_t * h + dBu_t
        y = (h * C_t[:, None, :]).sum(-1)
        return h, y

    h0 = jnp.zeros((u.shape[0], u.shape[2], A.shape[1]), u.dtype)
    _, ys = jax.lax.scan(step, h0, (jnp.swapaxes(dA, 0, 1), jnp.swapaxes(dBu, 0, 1), jnp.swapaxes(Cc, 0, 1)))
    return jnp.swapaxes(ys, 0, 1) + u * Dp


def mamba_block(x, in_proj, conv_w, conv_b, x_proj, dt_proj_W, dt_bias, A_log, Dp, out_proj):
    xz = x @ in_proj
    xi, z = jnp.split(xz, 2, axis=-1)
    xi = silu(causal_conv1d(xi, conv_w, conv_b))
    dbc = xi @ x_proj
    dt = jax.nn.softplus(dbc[..., :DT_RANK] @ dt_proj_W + dt_bias)
    Bc = dbc[..., DT_RANK:DT_RANK + D_STATE]
    Cc = dbc[..., DT_RANK + D_STATE:]
    A = -jnp.exp(A_log)
    y = selective_scan(xi, dt, A, Bc, Cc, Dp)
    y = y * silu(z)
    return y @ out_proj


def reference(x, edge_index, nrm_g, nrm_b, gW1, gb1, ln_g, ln_b, in_proj, conv_w, conv_b, x_proj, dt_proj_W, dt_bias, A_log, Dp, rW1, rb1, rW2, rb2, xW1, xb1, xW2, xb2, out_proj):
    Bz, Sl, N, F = x.shape
    xf = x.reshape(Bz * Sl * N, F)
    xf = layer_norm(xf, nrm_g, nrm_b)
    xg = xf.reshape(Bz * Sl, N, F)
    src, dst = edge_index[0], edge_index[1]
    h = jax.nn.relu(gcn_conv(xg, gW1, gb1, src, dst, N))
    emb = h.mean(axis=1).reshape(Bz, Sl, D_MODEL)
    t = emb
    for l in range(N_LAYERS):
        t = t + mamba_block(layer_norm(t, ln_g[l], ln_b[l]), in_proj[l], conv_w[l], conv_b[l], x_proj[l], dt_proj_W[l], dt_bias[l], A_log[l], Dp[l], out_proj[l])
    final = t[:, -1, :]
    r = (jax.nn.relu(final @ rW1 + rb1) @ rW2 + rb2)[:, 0]
    xpred = (jax.nn.relu(final @ xW1 + xb1) @ xW2 + xb2)[:, 0]
    return jnp.stack([r, xpred], axis=1)

if __name__ == "__main__":
    import jax
    _d = setup_inputs()
    print(jax.jit(kernel)(*tuple(_d.values())))

</pallas_src>

<mosaic_0001>
#map = affine_map<(d0, d1) -> (0, 0)>
#map1 = affine_map<(d0, d1) -> (0)>
module attributes {stable_mosaic.version = 14 : i64} {
  func.func @gat(%arg0: i32, %arg1: i32, %arg2: memref<2048x256xf32, #tpu.memory_space<hbm>>, %arg3: memref<6144xi32, #tpu.memory_space<hbm>>, %arg4: memref<6144x256xf32, #tpu.memory_space<hbm>>, %arg5: memref<192xi32, #tpu.memory_space<vmem>>, %arg6: memref<192x256xf32, #tpu.memory_space<vmem>>, %arg7: memref<!tpu.dma_semaphore, #tpu.memory_space<semaphore_mem>>) attributes {dimension_semantics = [#tpu.dimension_semantics<core_parallel>, #tpu.dimension_semantics<subcore_parallel>], iteration_bounds = array<i64: 2, 16>, scalar_prefetch = 0 : i64, scratch_operands = 3 : i64, tpu.core_type = #tpu.core_type<sc_vector_subcore>, window_params = [{transform_indices = #map}, {transform_indices = #map1}, {transform_indices = #map}]} {
    %mul3A = arith.constant 16 : i32
    %mul3A_0 = arith.muli %arg0, %mul3A : i32
    %add3A = arith.addi %mul3A_0, %arg1 : i32
    %mul3A_1 = arith.constant 192 : i32
    %mul3A_2 = arith.muli %add3A, %mul3A_1 : i32
    "tpu.region"() ({
      %run_scoped3A = tpu.sem_alloc : memref<!tpu.dma_semaphore, #tpu.memory_space<semaphore_mem>>
      %dma_start3A_33 = tpu.memref_slice %arg3[%mul3A_2] : memref<6144xi32, #tpu.memory_space<hbm>> -> memref<192xi32, #tpu.memory_space<hbm>>
      %dma_start3A_34 = tpu.memref_slice %arg3[%mul3A_2] : memref<6144xi32, #tpu.memory_space<hbm>> -> memref<192xi32, #tpu.memory_space<hbm>>
      tpu.enqueue_dma source(%dma_start3A_34 : memref<192xi32, #tpu.memory_space<hbm>>) target(%arg5 : memref<192xi32, #tpu.memory_space<vmem>>) target_semaphore(%run_scoped3A : memref<!tpu.dma_semaphore, #tpu.memory_space<semaphore_mem>>)
      %dma_wait3A_35 = tpu.memref_slice %arg3[%mul3A_2] : memref<6144xi32, #tpu.memory_space<hbm>> -> memref<192xi32, #tpu.memory_space<hbm>>
      %dma_wait3A_36 = tpu.memref_slice %arg3[%mul3A_2] : memref<6144xi32, #tpu.memory_space<hbm>> -> memref<192xi32, #tpu.memory_space<hbm>>
      tpu.wait_dma2 semaphore(%run_scoped3A : memref<!tpu.dma_semaphore, #tpu.memory_space<semaphore_mem>>) src(%dma_wait3A_36 : memref<192xi32, #tpu.memory_space<hbm>>) dst(%arg5 : memref<192xi32, #tpu.memory_space<vmem>>)
      tpu.yield
    }) : () -> ()
    %dma_start3A = arith.constant 0 : i32
    %dma_start3A_3 = arith.constant 0 : i32
    %dma_start3A_4 = tpu.memref_slice %arg6[%dma_start3A, %dma_start3A_3] : memref<192x256xf32, #tpu.memory_space<vmem>> -> memref<128x256xf32, #tpu.memory_space<vmem>>
    %dma_start3A_5 = arith.constant 0 : i32
    %dma_start3A_6 = tpu.memref_slice %arg5[%dma_start3A_5] : memref<192xi32, #tpu.memory_space<vmem>> -> memref<128xi32, #tpu.memory_space<vmem>>
    %dma_start3A_7 = arith.constant 0 : i32
    %dma_start3A_8 = arith.constant 0 : i32
    %dma_start3A_9 = tpu.memref_slice %arg2[%dma_start3A_7, %dma_start3A_8] : memref<2048x256xf32, #tpu.memory_space<hbm>> -> memref<2048x256xf32, #tpu.memory_space<hbm>>
    tpu.enqueue_indirect_dma source(%dma_start3A_9 : memref<2048x256xf32, #tpu.memory_space<hbm>>) target(%dma_start3A_4 : memref<128x256xf32, #tpu.memory_space<vmem>>) offsets(%dma_start3A_6 : memref<128xi32, #tpu.memory_space<vmem>>) semaphore(%arg7 : memref<!tpu.dma_semaphore, #tpu.memory_space<semaphore_mem>>)
    %dma_start3A_10 = arith.constant 128 : i32
    %dma_start3A_11 = arith.constant 0 : i32
    %dma_start3A_12 = tpu.memref_slice %arg6[%dma_start3A_10, %dma_start3A_11] : memref<192x256xf32, #tpu.memory_space<vmem>> -> memref<64x256xf32, #tpu.memory_space<vmem>>
    %dma_start3A_13 = arith.constant 128 : i32
    %dma_start3A_14 = tpu.memref_slice %arg5[%dma_start3A_13] : memref<192xi32, #tpu.memory_space<vmem>> -> memref<64xi32, #tpu.memory_space<vmem>>
    %dma_start3A_15 = arith.constant 0 : i32
    %dma_start3A_16 = arith.constant 0 : i32
    %dma_start3A_17 = tpu.memref_slice %arg2[%dma_start3A_15, %dma_start3A_16] : memref<2048x256xf32, #tpu.memory_space<hbm>> -> memref<2048x256xf32, #tpu.memory_space<hbm>>
    tpu.enqueue_indirect_dma source(%dma_start3A_17 : memref<2048x256xf32, #tpu.memory_space<hbm>>) target(%dma_start3A_12 : memref<64x256xf32, #tpu.memory_space<vmem>>) offsets(%dma_start3A_14 : memref<64xi32, #tpu.memory_space<vmem>>) semaphore(%arg7 : memref<!tpu.dma_semaphore, #tpu.memory_space<semaphore_mem>>)
    %dma_wait3A = arith.constant 0 : i32
    %dma_wait3A_18 = arith.constant 0 : i32
    %dma_wait3A_19 = tpu.memref_slice %arg6[%dma_wait3A, %dma_wait3A_18] : memref<192x256xf32, #tpu.memory_space<vmem>> -> memref<128x256xf32, #tpu.memory_space<vmem>>
    %dma_wait3A_20 = arith.constant 0 : i32
    %dma_wait3A_21 = tpu.memref_slice %arg5[%dma_wait3A_20] : memref<192xi32, #tpu.memory_space<vmem>> -> memref<128xi32, #tpu.memory_space<vmem>>
    %dma_wait3A_22 = arith.constant 0 : i32
    %dma_wait3A_23 = arith.constant 0 : i32
    %dma_wait3A_24 = tpu.memref_slice %arg2[%dma_wait3A_22, %dma_wait3A_23] : memref<2048x256xf32, #tpu.memory_space<hbm>> -> memref<2048x256xf32, #tpu.memory_space<hbm>>
    tpu.wait_indirect_dma semaphore(%arg7 : memref<!tpu.dma_semaphore, #tpu.memory_space<semaphore_mem>>) src(%dma_wait3A_24 : memref<2048x256xf32, #tpu.memory_space<hbm>>) dst(%dma_wait3A_19 : memref<128x256xf32, #tpu.memory_space<vmem>>)
    %dma_wait3A_25 = arith.constant 128 : i32
    %dma_wait3A_26 = arith.constant 0 : i32
    %dma_wait3A_27 = tpu.memref_slice %arg6[%dma_wait3A_25, %dma_wait3A_26] : memref<192x256xf32, #tpu.memory_space<vmem>> -> memref<64x256xf32, #tpu.memory_space<vmem>>
    %dma_wait3A_28 = arith.constant 128 : i32
    %dma_wait3A_29 = tpu.memref_slice %arg5[%dma_wait3A_28] : memref<192xi32, #tpu.memory_space<vmem>> -> memref<64xi32, #tpu.memory_space<vmem>>
    %dma_wait3A_30 = arith.constant 0 : i32
    %dma_wait3A_31 = arith.constant 0 : i32
    %dma_wait3A_32 = tpu.memref_slice %arg2[%dma_wait3A_30, %dma_wait3A_31] : memref<2048x256xf32, #tpu.memory_space<hbm>> -> memref<2048x256xf32, #tpu.memory_space<hbm>>
    tpu.wait_indirect_dma semaphore(%arg7 : memref<!tpu.dma_semaphore, #tpu.memory_space<semaphore_mem>>) src(%dma_wait3A_32 : memref<2048x256xf32, #tpu.memory_space<hbm>>) dst(%dma_wait3A_27 : memref<64x256xf32, #tpu.memory_space<vmem>>)
    "tpu.region"() ({
      %run_scoped3A = tpu.sem_alloc : memref<!tpu.dma_semaphore, #tpu.memory_space<semaphore_mem>>
      %dma_start3A_33 = arith.constant 0 : i32
      %dma_start3A_34 = tpu.memref_slice %arg4[%mul3A_2, %dma_start3A_33] : memref<6144x256xf32, #tpu.memory_space<hbm>> -> memref<192x256xf32, #tpu.memory_space<hbm>>
      %dma_start3A_35 = arith.constant 0 : i32
      %dma_start3A_36 = tpu.memref_slice %arg4[%mul3A_2, %dma_start3A_35] : memref<6144x256xf32, #tpu.memory_space<hbm>> -> memref<192x256xf32, #tpu.memory_space<hbm>>
      tpu.enqueue_dma source(%arg6 : memref<192x256xf32, #tpu.memory_space<vmem>>) target(%dma_start3A_36 : memref<192x256xf32, #tpu.memory_space<hbm>>) target_semaphore(%run_scoped3A : memref<!tpu.dma_semaphore, #tpu.memory_space<semaphore_mem>>)
      %dma_wait3A_37 = arith.constant 0 : i32
      %dma_wait3A_38 = tpu.memref_slice %arg4[%mul3A_2, %dma_wait3A_37] : memref<6144x256xf32, #tpu.memory_space<hbm>> -> memref<192x256xf32, #tpu.memory_space<hbm>>
      %dma_wait3A_39 = arith.constant 0 : i32
      %dma_wait3A_40 = tpu.memref_slice %arg4[%mul3A_2, %dma_wait3A_39] : memref<6144x256xf32, #tpu.memory_space<hbm>> -> memref<192x256xf32, #tpu.memory_space<hbm>>
      tpu.wait_dma2 semaphore(%run_scoped3A : memref<!tpu.dma_semaphore, #tpu.memory_space<semaphore_mem>>) src(%arg6 : memref<192x256xf32, #tpu.memory_space<vmem>>) dst(%dma_wait3A_40 : memref<192x256xf32, #tpu.memory_space<hbm>>)
      tpu.yield
    }) : () -> ()
    return
  }
}

module attributes {stable_mosaic.version = 14 : i64} {
  func.func @_prep_kernel(%arg0: memref<2048x192xf32, #tpu.memory_space<vmem>>, %arg1: memref<1x4096xi32, #tpu.memory_space<vmem>>, %arg2: memref<192x192xbf16, #tpu.memory_space<vmem>>, %arg3: memref<1x192xf32, #tpu.memory_space<vmem>>, %arg4: memref<1x192xf32, #tpu.memory_space<vmem>>, %arg5: memref<2048x256xf32, #tpu.memory_space<vmem>>, %arg6: memref<2048x8xf32, #tpu.memory_space<vmem>>) attributes {dimension_semantics = [], scalar_prefetch = 0 : i64, scratch_operands = 0 : i64, tpu.core_type = #tpu.core_type<tc>} {
    %get3A = arith.constant 0 : index
    %get3A_0 = arith.constant 0 : index
    %get3A_1 = vector.load %arg0[%get3A, %get3A_0] : memref<2048x192xf32, #tpu.memory_space<vmem>>, vector<2048x192xf32>
    %get3A_2 = arith.constant 0 : index
    %get3A_3 = arith.constant 0 : index
    %get3A_4 = vector.load %arg2[%get3A_2, %get3A_3] : memref<192x192xbf16, #tpu.memory_space<vmem>>, vector<192x192xbf16>
    %convert_element_type3A = arith.truncf %get3A_1 : vector<2048x192xf32> to vector<2048x192xbf16>
    %convert_element_type3A_5 = arith.extf %convert_element_type3A : vector<2048x192xbf16> to vector<2048x192xf32>
    %sub3A = arith.subf %get3A_1, %convert_element_type3A_5 : vector<2048x192xf32>
    %convert_element_type3A_6 = arith.truncf %sub3A : vector<2048x192xf32> to vector<2048x192xbf16>
    %convert_element_type3A_7 = arith.extf %convert_element_type3A_6 : vector<2048x192xbf16> to vector<2048x192xf32>
    %sub3A_8 = arith.subf %sub3A, %convert_element_type3A_7 : vector<2048x192xf32>
    %convert_element_type3A_9 = arith.truncf %sub3A_8 : vector<2048x192xf32> to vector<2048x192xbf16>
    %dot_general3A = arith.constant dense<0.000000e+00> : vector<2048x192xf32>
    %dot_general3A_10 = tpu.matmul %convert_element_type3A, %get3A_4, %dot_general3A {dimension_numbers = #tpu.dot_dimension_numbers<[1], [0], [0], [1], [0, 0, 1, 1], [], []>, transpose_lhs_hint = false} : vector<2048x192xbf16>, vector<192x192xbf16>, vector<2048x192xf32> -> vector<2048x192xf32>
    %dot_general3A_11 = arith.constant dense<0.000000e+00> : vector<2048x192xf32>
    %dot_general3A_12 = tpu.matmul %convert_element_type3A_6, %get3A_4, %dot_general3A_11 {dimension_numbers = #tpu.dot_dimension_numbers<[1], [0], [0], [1], [0, 0, 1, 1], [], []>, transpose_lhs_hint = false} : vector<2048x192xbf16>, vector<192x192xbf16>, vector<2048x192xf32> -> vector<2048x192xf32>
    %add3A = arith.addf %dot_general3A_10, %dot_general3A_12 : vector<2048x192xf32>
    %dot_general3A_13 = arith.constant dense<0.000000e+00> : vector<2048x192xf32>
    %dot_general3A_14 = tpu.matmul %convert_element_type3A_9, %get3A_4, %dot_general3A_13 {dimension_numbers = #tpu.dot_dimension_numbers<[1], [0], [0], [1], [0, 0, 1, 1], [], []>, transpose_lhs_hint = false} : vector<2048x192xbf16>, vector<192x192xbf16>, vector<2048x192xf32> -> vector<2048x192xf32>
    %add3A_15 = arith.addf %add3A, %dot_general3A_14 : vector<2048x192xf32>
    %mul3A = arith.constant 0.333333343 : f32
    %mul3A_16 = vector.broadcast %mul3A : f32 to vector<2048x192xf32>
    %mul3A_17 = arith.mulf %add3A_15, %mul3A_16 : vector<2048x192xf32>
    %sub3A_18 = arith.subf %get3A_1, %mul3A_17 : vector<2048x192xf32>
    %mul3A_19 = arith.mulf %sub3A_18, %sub3A_18 : vector<2048x192xf32>
    %convert_element_type3A_20 = arith.truncf %mul3A_19 : vector<2048x192xf32> to vector<2048x192xbf16>
    %convert_element_type3A_21 = arith.extf %convert_element_type3A_20 : vector<2048x192xbf16> to vector<2048x192xf32>
    %sub3A_22 = arith.subf %mul3A_19, %convert_element_type3A_21 : vector<2048x192xf32>
    %convert_element_type3A_23 = arith.truncf %sub3A_22 : vector<2048x192xf32> to vector<2048x192xbf16>
    %dot_general3A_24 = arith.constant dense<0.000000e+00> : vector<2048x192xf32>
    %dot_general3A_25 = tpu.matmul %convert_element_type3A_20, %get3A_4, %dot_general3A_24 {dimension_numbers = #tpu.dot_dimension_numbers<[1], [0], [0], [1], [0, 0, 1, 1], [], []>, transpose_lhs_hint = false} : vector<2048x192xbf16>, vector<192x192xbf16>, vector<2048x192xf32> -> vector<2048x192xf32>
    %dot_general3A_26 = arith.constant dense<0.000000e+00> : vector<2048x192xf32>
    %dot_general3A_27 = tpu.matmul %convert_element_type3A_23, %get3A_4, %dot_general3A_26 {dimension_numbers = #tpu.dot_dimension_numbers<[1], [0], [0], [1], [0, 0, 1, 1], [], []>, transpose_lhs_hint = false} : vector<2048x192xbf16>, vector<192x192xbf16>, vector<2048x192xf32> -> vector<2048x192xf32>
    %add3A_28 = arith.addf %dot_general3A_25, %dot_general3A_27 : vector<2048x192xf32>
    %mul3A_29 = arith.constant 0.333333343 : f32
    %mul3A_30 = vector.broadcast %mul3A_29 : f32 to vector<2048x192xf32>
    %mul3A_31 = arith.mulf %add3A_28, %mul3A_30 : vector<2048x192xf32>
    %add3A_32 = arith.constant 9.99999974E-6 : f32
    %add3A_33 = vector.broadcast %add3A_32 : f32 to vector<2048x192xf32>
    %add3A_34 = arith.addf %mul3A_31, %add3A_33 : vector<2048x192xf32>
    %sqrt3A = math.sqrt %add3A_34 : vector<2048x192xf32>
    %div3A = arith.constant 1.000000e+00 : f32
    %div3A_35 = vector.broadcast %div3A : f32 to vector<2048x192xf32>
    %div3A_36 = arith.divf %div3A_35, %sqrt3A : vector<2048x192xf32>
    %mul3A_37 = arith.mulf %sub3A_18, %div3A_36 : vector<2048x192xf32>
    %get3A_38 = arith.constant 0 : index
    %get3A_39 = arith.constant 0 : index
    %get3A_40 = vector.load %arg3[%get3A_38, %get3A_39] : memref<1x192xf32, #tpu.memory_space<vmem>>, vector<1x192xf32>
    %mul3A_41 = vector.broadcast %get3A_40 : vector<1x192xf32> to vector<2048x192xf32>
    %mul3A_42 = arith.mulf %mul3A_37, %mul3A_41 : vector<2048x192xf32>
    %get3A_43 = arith.constant 0 : index
    %get3A_44 = arith.constant 0 : index
    %get3A_45 = vector.load %arg4[%get3A_43, %get3A_44] : memref<1x192xf32, #tpu.memory_space<vmem>>, vector<1x192xf32>
    %add3A_46 = vector.broadcast %get3A_45 : vector<1x192xf32> to vector<2048x192xf32>
    %add3A_47 = arith.addf %mul3A_42, %add3A_46 : vector<2048x192xf32>
    %get3A_48 = arith.constant 0 : index
    %get3A_49 = arith.constant 0 : index
    %get3A_50 = vector.load %arg1[%get3A_48, %get3A_49] : memref<1x4096xi32, #tpu.memory_space<vmem>>, vector<1x4096xi32>
    %iota3A = tpu.iota {dimensions = array<i32: 0>} : vector<128x1xi32>
    %add3A_51 = arith.constant 0 : i32
    %add3A_52 = vector.broadcast %add3A_51 : i32 to vector<128x1xi32>
    %add3A_53 = arith.addi %iota3A, %add3A_52 : vector<128x1xi32>
    %eq3A = vector.broadcast %get3A_50 : vector<1x4096xi32> to vector<128x4096xi32>
    %eq3A_54 = vector.broadcast %add3A_53 : vector<128x1xi32> to vector<128x4096xi32>
    %eq3A_55 = arith.cmpi eq, %eq3A, %eq3A_54 : vector<128x4096xi32>
    %convert_element_type3A_56 = arith.extui %eq3A_55 : vector<128x4096xi1> to vector<128x4096xi32>
    %convert_element_type3A_57 = arith.sitofp %convert_element_type3A_56 : vector<128x4096xi32> to vector<128x4096xf32>
    %reduce_sum3A = arith.constant dense<0.000000e+00> : vector<128xf32>
    %reduce_sum3A_58 = vector.multi_reduction <add>, %convert_element_type3A_57, %reduce_sum3A [1] : vector<128x4096xf32> to vector<128xf32>
    %broadcast_in_dim3A = vector.shape_cast %reduce_sum3A_58 : vector<128xf32> to vector<128x1xf32>
    %iota3A_59 = tpu.iota {dimensions = array<i32: 0>} : vector<128x1xi32>
    %add3A_60 = arith.constant 128 : i32
    %add3A_61 = vector.broadcast %add3A_60 : i32 to vector<128x1xi32>
    %add3A_62 = arith.addi %iota3A_59, %add3A_61 : vector<128x1xi32>
    %eq3A_63 = vector.broadcast %get3A_50 : vector<1x4096xi32> to vector<128x4096xi32>
    %eq3A_64 = vector.broadcast %add3A_62 : vector<128x1xi32> to vector<128x4096xi32>
    %eq3A_65 = arith.cmpi eq, %eq3A_63, %eq3A_64 : vector<128x4096xi32>
    %convert_element_type3A_66 = arith.extui %eq3A_65 : vector<128x4096xi1> to vector<128x4096xi32>
    %convert_element_type3A_67 = arith.sitofp %convert_element_type3A_66 : vector<128x4096xi32> to vector<128x4096xf32>
    %reduce_sum3A_68 = arith.constant dense<0.000000e+00> : vector<128xf32>
    %reduce_sum3A_69 = vector.multi_reduction <add>, %convert_element_type3A_67, %reduce_sum3A_68 [1] : vector<128x4096xf32> to vector<128xf32>
    %broadcast_in_dim3A_70 = vector.shape_cast %reduce_sum3A_69 : vector<128xf32> to vector<128x1xf32>
    %iota3A_71 = tpu.iota {dimensions = array<i32: 0>} : vector<128x1xi32>
    %add3A_72 = arith.constant 256 : i32
    %add3A_73 = vector.broadcast %add3A_72 : i32 to vector<128x1xi32>
    %add3A_74 = arith.addi %iota3A_71, %add3A_73 : vector<128x1xi32>
    %eq3A_75 = vector.broadcast %get3A_50 : vector<1x4096xi32> to vector<128x4096xi32>
    %eq3A_76 = vector.broadcast %add3A_74 : vector<128x1xi32> to vector<128x4096xi32>
    %eq3A_77 = arith.cmpi eq, %eq3A_75, %eq3A_76 : vector<128x4096xi32>
    %convert_element_type3A_78 = arith.extui %eq3A_77 : vector<128x4096xi1> to vector<128x4096xi32>
    %convert_element_type3A_79 = arith.sitofp %convert_element_type3A_78 : vector<128x4096xi32> to vector<128x4096xf32>
    %reduce_sum3A_80 = arith.constant dense<0.000000e+00> : vector<128xf32>
    %reduce_sum3A_81 = vector.multi_reduction <add>, %convert_element_type3A_79, %reduce_sum3A_80 [1] : vector<128x4096xf32> to vector<128xf32>
    %broadcast_in_dim3A_82 = vector.shape_cast %reduce_sum3A_81 : vector<128xf32> to vector<128x1xf32>
    %iota3A_83 = tpu.iota {dimensions = array<i32: 0>} : vector<128x1xi32>
    %add3A_84 = arith.constant 384 : i32
    %add3A_85 = vector.broadcast %add3A_84 : i32 to vector<128x1xi32>
    %add3A_86 = arith.addi %iota3A_83, %add3A_85 : vector<128x1xi32>
    %eq3A_87 = vector.broadcast %get3A_50 : vector<1x4096xi32> to vector<128x4096xi32>
    %eq3A_88 = vector.broadcast %add3A_86 : vector<128x1xi32> to vector<128x4096xi32>
    %eq3A_89 = arith.cmpi eq, %eq3A_87, %eq3A_88 : vector<128x4096xi32>
    %convert_element_type3A_90 = arith.extui %eq3A_89 : vector<128x4096xi1> to vector<128x4096xi32>
    %convert_element_type3A_91 = arith.sitofp %convert_element_type3A_90 : vector<128x4096xi32> to vector<128x4096xf32>
    %reduce_sum3A_92 = arith.constant dense<0.000000e+00> : vector<128xf32>
    %reduce_sum3A_93 = vector.multi_reduction <add>, %convert_element_type3A_91, %reduce_sum3A_92 [1] : vector<128x4096xf32> to vector<128xf32>
    %broadcast_in_dim3A_94 = vector.shape_cast %reduce_sum3A_93 : vector<128xf32> to vector<128x1xf32>
    %iota3A_95 = tpu.iota {dimensions = array<i32: 0>} : vector<128x1xi32>
    %add3A_96 = arith.constant 512 : i32
    %add3A_97 = vector.broadcast %add3A_96 : i32 to vector<128x1xi32>
    %add3A_98 = arith.addi %iota3A_95, %add3A_97 : vector<128x1xi32>
    %eq3A_99 = vector.broadcast %get3A_50 : vector<1x4096xi32> to vector<128x4096xi32>
    %eq3A_100 = vector.broadcast %add3A_98 : vector<128x1xi32> to vector<128x4096xi32>
    %eq3A_101 = arith.cmpi eq, %eq3A_99, %eq3A_100 : vector<128x4096xi32>
    %convert_element_type3A_102 = arith.extui %eq3A_101 : vector<128x4096xi1> to vector<128x4096xi32>
    %convert_element_type3A_103 = arith.sitofp %convert_element_type3A_102 : vector<128x4096xi32> to vector<128x4096xf32>
    %reduce_sum3A_104 = arith.constant dense<0.000000e+00> : vector<128xf32>
    %reduce_sum3A_105 = vector.multi_reduction <add>, %convert_element_type3A_103, %reduce_sum3A_104 [1] : vector<128x4096xf32> to vector<128xf32>
    %broadcast_in_dim3A_106 = vector.shape_cast %reduce_sum3A_105 : vector<128xf32> to vector<128x1xf32>
    %iota3A_107 = tpu.iota {dimensions = array<i32: 0>} : vector<128x1xi32>
    %add3A_108 = arith.constant 640 : i32
    %add3A_109 = vector.broadcast %add3A_108 : i32 to vector<128x1xi32>
    %add3A_110 = arith.addi %iota3A_107, %add3A_109 : vector<128x1xi32>
    %eq3A_111 = vector.broadcast %get3A_50 : vector<1x4096xi32> to vector<128x4096xi32>
    %eq3A_112 = vector.broadcast %add3A_110 : vector<128x1xi32> to vector<128x4096xi32>
    %eq3A_113 = arith.cmpi eq, %eq3A_111, %eq3A_112 : vector<128x4096xi32>
    %convert_element_type3A_114 = arith.extui %eq3A_113 : vector<128x4096xi1> to vector<128x4096xi32>
    %convert_element_type3A_115 = arith.sitofp %convert_element_type3A_114 : vector<128x4096xi32> to vector<128x4096xf32>
    %reduce_sum3A_116 = arith.constant dense<0.000000e+00> : vector<128xf32>
    %reduce_sum3A_117 = vector.multi_reduction <add>, %convert_element_type3A_115, %reduce_sum3A_116 [1] : vector<128x4096xf32> to vector<128xf32>
    %broadcast_in_dim3A_118 = vector.shape_cast %reduce_sum3A_117 : vector<128xf32> to vector<128x1xf32>
    %iota3A_119 = tpu.iota {dimensions = array<i32: 0>} : vector<128x1xi32>
    %add3A_120 = arith.constant 768 : i32
    %add3A_121 = vector.broadcast %add3A_120 : i32 to vector<128x1xi32>
    %add3A_122 = arith.addi %iota3A_119, %add3A_121 : vector<128x1xi32>
    %eq3A_123 = vector.broadcast %get3A_50 : vector<1x4096xi32> to vector<128x4096xi32>
    %eq3A_124 = vector.broadcast %add3A_122 : vector<128x1xi32> to vector<128x4096xi32>
    %eq3A_125 = arith.cmpi eq, %eq3A_123, %eq3A_124 : vector<128x4096xi32>
    %convert_element_type3A_126 = arith.extui %eq3A_125 : vector<128x4096xi1> to vector<128x4096xi32>
    %convert_element_type3A_127 = arith.sitofp %convert_element_type3A_126 : vector<128x4096xi32> to vector<128x4096xf32>
    %reduce_sum3A_128 = arith.constant dense<0.000000e+00> : vector<128xf32>
    %reduce_sum3A_129 = vector.multi_reduction <add>, %convert_element_type3A_127, %reduce_sum3A_128 [1] : vector<128x4096xf32> to vector<128xf32>
    %broadcast_in_dim3A_130 = vector.shape_cast %reduce_sum3A_129 : vector<128xf32> to vector<128x1xf32>
    %iota3A_131 = tpu.iota {dimensions = array<i32: 0>} : vector<128x1xi32>
    %add3A_132 = arith.constant 896 : i32
    %add3A_133 = vector.broadcast %add3A_132 : i32 to vector<128x1xi32>
    %add3A_134 = arith.addi %iota3A_131, %add3A_133 : vector<128x1xi32>
    %eq3A_135 = vector.broadcast %get3A_50 : vector<1x4096xi32> to vector<128x4096xi32>
    %eq3A_136 = vector.broadcast %add3A_134 : vector<128x1xi32> to vector<128x4096xi32>
    %eq3A_137 = arith.cmpi eq, %eq3A_135, %eq3A_136 : vector<128x4096xi32>
    %convert_element_type3A_138 = arith.extui %eq3A_137 : vector<128x4096xi1> to vector<128x4096xi32>
    %convert_element_type3A_139 = arith.sitofp %convert_element_type3A_138 : vector<128x4096xi32> to vector<128x4096xf32>
    %reduce_sum3A_140 = arith.constant dense<0.000000e+00> : vector<128xf32>
    %reduce_sum3A_141 = vector.multi_reduction <add>, %convert_element_type3A_139, %reduce_sum3A_140 [1] : vector<128x4096xf32> to vector<128xf32>
    %broadcast_in_dim3A_142 = vector.shape_cast %reduce_sum3A_141 : vector<128xf32> to vector<128x1xf32>
    %iota3A_143 = tpu.iota {dimensions = array<i32: 0>} : vector<128x1xi32>
    %add3A_144 = arith.constant 1024 : i32
    %add3A_145 = vector.broadcast %add3A_144 : i32 to vector<128x1xi32>
    %add3A_146 = arith.addi %iota3A_143, %add3A_145 : vector<128x1xi32>
    %eq3A_147 = vector.broadcast %get3A_50 : vector<1x4096xi32> to vector<128x4096xi32>
    %eq3A_148 = vector.broadcast %add3A_146 : vector<128x1xi32> to vector<128x4096xi32>
    %eq3A_149 = arith.cmpi eq, %eq3A_147, %eq3A_148 : vector<128x4096xi32>
    %convert_element_type3A_150 = arith.extui %eq3A_149 : vector<128x4096xi1> to vector<128x4096xi32>
    %convert_element_type3A_151 = arith.sitofp %convert_element_type3A_150 : vector<128x4096xi32> to vector<128x4096xf32>
    %reduce_sum3A_152 = arith.constant dense<0.000000e+00> : vector<128xf32>
    %reduce_sum3A_153 = vector.multi_reduction <add>, %convert_element_type3A_151, %reduce_sum3A_152 [1] : vector<128x4096xf32> to vector<128xf32>
    %broadcast_in_dim3A_154 = vector.shape_cast %reduce_sum3A_153 : vector<128xf32> to vector<128x1xf32>
    %iota3A_155 = tpu.iota {dimensions = array<i32: 0>} : vector<128x1xi32>
    %add3A_156 = arith.constant 1152 : i32
    %add3A_157 = vector.broadcast %add3A_156 : i32 to vector<128x1xi32>
    %add3A_158 = arith.addi %iota3A_155, %add3A_157 : vector<128x1xi32>
    %eq3A_159 = vector.broadcast %get3A_50 : vector<1x4096xi32> to vector<128x4096xi32>
    %eq3A_160 = vector.broadcast %add3A_158 : vector<128x1xi32> to vector<128x4096xi32>
    %eq3A_161 = arith.cmpi eq, %eq3A_159, %eq3A_160 : vector<128x4096xi32>
    %convert_element_type3A_162 = arith.extui %eq3A_161 : vector<128x4096xi1> to vector<128x4096xi32>
    %convert_element_type3A_163 = arith.sitofp %convert_element_type3A_162 : vector<128x4096xi32> to vector<128x4096xf32>
    %reduce_sum3A_164 = arith.constant dense<0.000000e+00> : vector<128xf32>
    %reduce_sum3A_165 = vector.multi_reduction <add>, %convert_element_type3A_163, %reduce_sum3A_164 [1] : vector<128x4096xf32> to vector<128xf32>
    %broadcast_in_dim3A_166 = vector.shape_cast %reduce_sum3A_165 : vector<128xf32> to vector<128x1xf32>
    %iota3A_167 = tpu.iota {dimensions = array<i32: 0>} : vector<128x1xi32>
    %add3A_168 = arith.constant 1280 : i32
    %add3A_169 = vector.broadcast %add3A_168 : i32 to vector<128x1xi32>
    %add3A_170 = arith.addi %iota3A_167, %add3A_169 : vector<128x1xi32>
    %eq3A_171 = vector.broadcast %get3A_50 : vector<1x4096xi32> to vector<128x4096xi32>
    %eq3A_172 = vector.broadcast %add3A_170 : vector<128x1xi32> to vector<128x4096xi32>
    %eq3A_173 = arith.cmpi eq, %eq3A_171, %eq3A_172 : vector<128x4096xi32>
    %convert_element_type3A_174 = arith.extui %eq3A_173 : vector<128x4096xi1> to vector<128x4096xi32>
    %convert_element_type3A_175 = arith.sitofp %convert_element_type3A_174 : vector<128x4096xi32> to vector<128x4096xf32>
    %reduce_sum3A_176 = arith.constant dense<0.000000e+00> : vector<128xf32>
    %reduce_sum3A_177 = vector.multi_reduction <add>, %convert_element_type3A_175, %reduce_sum3A_176 [1] : vector<128x4096xf32> to vector<128xf32>
    %broadcast_in_dim3A_178 = vector.shape_cast %reduce_sum3A_177 : vector<128xf32> to vector<128x1xf32>
    %iota3A_179 = tpu.iota {dimensions = array<i32: 0>} : vector<128x1xi32>
    %add3A_180 = arith.constant 1408 : i32
    %add3A_181 = vector.broadcast %add3A_180 : i32 to vector<128x1xi32>
    %add3A_182 = arith.addi %iota3A_179, %add3A_181 : vector<128x1xi32>
    %eq3A_183 = vector.broadcast %get3A_50 : vector<1x4096xi32> to vector<128x4096xi32>
    %eq3A_184 = vector.broadcast %add3A_182 : vector<128x1xi32> to vector<128x4096xi32>
    %eq3A_185 = arith.cmpi eq, %eq3A_183, %eq3A_184 : vector<128x4096xi32>
    %convert_element_type3A_186 = arith.extui %eq3A_185 : vector<128x4096xi1> to vector<128x4096xi32>
    %convert_element_type3A_187 = arith.sitofp %convert_element_type3A_186 : vector<128x4096xi32> to vector<128x4096xf32>
    %reduce_sum3A_188 = arith.constant dense<0.000000e+00> : vector<128xf32>
    %reduce_sum3A_189 = vector.multi_reduction <add>, %convert_element_type3A_187, %reduce_sum3A_188 [1] : vector<128x4096xf32> to vector<128xf32>
    %broadcast_in_dim3A_190 = vector.shape_cast %reduce_sum3A_189 : vector<128xf32> to vector<128x1xf32>
    %iota3A_191 = tpu.iota {dimensions = array<i32: 0>} : vector<128x1xi32>
    %add3A_192 = arith.constant 1536 : i32
    %add3A_193 = vector.broadcast %add3A_192 : i32 to vector<128x1xi32>
    %add3A_194 = arith.addi %iota3A_191, %add3A_193 : vector<128x1xi32>
    %eq3A_195 = vector.broadcast %get3A_50 : vector<1x4096xi32> to vector<128x4096xi32>
    %eq3A_196 = vector.broadcast %add3A_194 : vector<128x1xi32> to vector<128x4096xi32>
    %eq3A_197 = arith.cmpi eq, %eq3A_195, %eq3A_196 : vector<128x4096xi32>
    %convert_element_type3A_198 = arith.extui %eq3A_197 : vector<128x4096xi1> to vector<128x4096xi32>
    %convert_element_type3A_199 = arith.sitofp %convert_element_type3A_198 : vector<128x4096xi32> to vector<128x4096xf32>
    %reduce_sum3A_200 = arith.constant dense<0.000000e+00> : vector<128xf32>
    %reduce_sum3A_201 = vector.multi_reduction <add>, %convert_element_type3A_199, %reduce_sum3A_200 [1] : vector<128x4096xf32> to vector<128xf32>
    %broadcast_in_dim3A_202 = vector.shape_cast %reduce_sum3A_201 : vector<128xf32> to vector<128x1xf32>
    %iota3A_203 = tpu.iota {dimensions = array<i32: 0>} : vector<128x1xi32>
    %add3A_204 = arith.constant 1664 : i32
    %add3A_205 = vector.broadcast %add3A_204 : i32 to vector<128x1xi32>
    %add3A_206 = arith.addi %iota3A_203, %add3A_205 : vector<128x1xi32>
    %eq3A_207 = vector.broadcast %get3A_50 : vector<1x4096xi32> to vector<128x4096xi32>
    %eq3A_208 = vector.broadcast %add3A_206 : vector<128x1xi32> to vector<128x4096xi32>
    %eq3A_209 = arith.cmpi eq, %eq3A_207, %eq3A_208 : vector<128x4096xi32>
    %convert_element_type3A_210 = arith.extui %eq3A_209 : vector<128x4096xi1> to vector<128x4096xi32>
    %convert_element_type3A_211 = arith.sitofp %convert_element_type3A_210 : vector<128x4096xi32> to vector<128x4096xf32>
    %reduce_sum3A_212 = arith.constant dense<0.000000e+00> : vector<128xf32>
    %reduce_sum3A_213 = vector.multi_reduction <add>, %convert_element_type3A_211, %reduce_sum3A_212 [1] : vector<128x4096xf32> to vector<128xf32>
    %broadcast_in_dim3A_214 = vector.shape_cast %reduce_sum3A_213 : vector<128xf32> to vector<128x1xf32>
    %iota3A_215 = tpu.iota {dimensions = array<i32: 0>} : vector<128x1xi32>
    %add3A_216 = arith.constant 1792 : i32
    %add3A_217 = vector.broadcast %add3A_216 : i32 to vector<128x1xi32>
    %add3A_218 = arith.addi %iota3A_215, %add3A_217 : vector<128x1xi32>
    %eq3A_219 = vector.broadcast %get3A_50 : vector<1x4096xi32> to vector<128x4096xi32>
    %eq3A_220 = vector.broadcast %add3A_218 : vector<128x1xi32> to vector<128x4096xi32>
    %eq3A_221 = arith.cmpi eq, %eq3A_219, %eq3A_220 : vector<128x4096xi32>
    %convert_element_type3A_222 = arith.extui %eq3A_221 : vector<128x4096xi1> to vector<128x4096xi32>
    %convert_element_type3A_223 = arith.sitofp %convert_element_type3A_222 : vector<128x4096xi32> to vector<128x4096xf32>
    %reduce_sum3A_224 = arith.constant dense<0.000000e+00> : vector<128xf32>
    %reduce_sum3A_225 = vector.multi_reduction <add>, %convert_element_type3A_223, %reduce_sum3A_224 [1] : vector<128x4096xf32> to vector<128xf32>
    %broadcast_in_dim3A_226 = vector.shape_cast %reduce_sum3A_225 : vector<128xf32> to vector<128x1xf32>
    %iota3A_227 = tpu.iota {dimensions = array<i32: 0>} : vector<128x1xi32>
    %add3A_228 = arith.constant 1920 : i32
    %add3A_229 = vector.broadcast %add3A_228 : i32 to vector<128x1xi32>
    %add3A_230 = arith.addi %iota3A_227, %add3A_229 : vector<128x1xi32>
    %eq3A_231 = vector.broadcast %get3A_50 : vector<1x4096xi32> to vector<128x4096xi32>
    %eq3A_232 = vector.broadcast %add3A_230 : vector<128x1xi32> to vector<128x4096xi32>
    %eq3A_233 = arith.cmpi eq, %eq3A_231, %eq3A_232 : vector<128x4096xi32>
    %convert_element_type3A_234 = arith.extui %eq3A_233 : vector<128x4096xi1> to vector<128x4096xi32>
    %convert_element_type3A_235 = arith.sitofp %convert_element_type3A_234 : vector<128x4096xi32> to vector<128x4096xf32>
    %reduce_sum3A_236 = arith.constant dense<0.000000e+00> : vector<128xf32>
    %reduce_sum3A_237 = vector.multi_reduction <add>, %convert_element_type3A_235, %reduce_sum3A_236 [1] : vector<128x4096xf32> to vector<128xf32>
    %broadcast_in_dim3A_238 = vector.shape_cast %reduce_sum3A_237 : vector<128xf32> to vector<128x1xf32>
    %concatenate3A = tpu.concatenate %broadcast_in_dim3A, %broadcast_in_dim3A_70, %broadcast_in_dim3A_82, %broadcast_in_dim3A_94, %broadcast_in_dim3A_106, %broadcast_in_dim3A_118, %broadcast_in_dim3A_130, %broadcast_in_dim3A_142, %broadcast_in_dim3A_154, %broadcast_in_dim3A_166, %broadcast_in_dim3A_178, %broadcast_in_dim3A_190, %broadcast_in_dim3A_202, %broadcast_in_dim3A_214, %broadcast_in_dim3A_226, %broadcast_in_dim3A_238 in 0 : vector<128x1xf32>, vector<128x1xf32>, vector<128x1xf32>, vector<128x1xf32>, vector<128x1xf32>, vector<128x1xf32>, vector<128x1xf32>, vector<128x1xf32>, vector<128x1xf32>, vector<128x1xf32>, vector<128x1xf32>, vector<128x1xf32>, vector<128x1xf32>, vector<128x1xf32>, vector<128x1xf32>, vector<128x1xf32> -> vector<2048x1xf32>
    %add3A_239 = arith.constant 1.000000e+00 : f32
    %add3A_240 = vector.broadcast %add3A_239 : f32 to vector<2048x1xf32>
    %add3A_241 = arith.addf %concatenate3A, %add3A_240 : vector<2048x1xf32>
    %sqrt3A_242 = math.sqrt %add3A_241 : vector<2048x1xf32>
    %div3A_243 = arith.constant 1.000000e+00 : f32
    %div3A_244 = vector.broadcast %div3A_243 : f32 to vector<2048x1xf32>
    %div3A_245 = arith.divf %div3A_244, %sqrt3A_242 : vector<2048x1xf32>
    %mul3A_246 = vector.broadcast %div3A_245 : vector<2048x1xf32> to vector<2048x192xf32>
    %mul3A_247 = arith.mulf %add3A_47, %mul3A_246 : vector<2048x192xf32>
    %broadcast_in_dim3A_248 = arith.constant 0.000000e+00 : f32
    %broadcast_in_dim3A_249 = vector.broadcast %broadcast_in_dim3A_248 : f32 to vector<2048x64xf32>
    %concatenate3A_250 = tpu.concatenate %mul3A_247, %broadcast_in_dim3A_249 in 1 : vector<2048x192xf32>, vector<2048x64xf32> -> vector<2048x256xf32>
    %swap3A = arith.constant 0 : index
    %swap3A_251 = arith.constant 0 : index
    %swap3A_252 = vector.load %arg5[%swap3A, %swap3A_251] : memref<2048x256xf32, #tpu.memory_space<vmem>>, vector<2048x256xf32>
    tpu.vector_store %arg5[%swap3A, %swap3A_251], %concatenate3A_250 {strides = array<i32>} : memref<2048x256xf32, #tpu.memory_space<vmem>>, vector<2048x256xf32>,
    %broadcast_in_dim3A_253 = vector.shape_cast %div3A_245 : vector<2048x1xf32> to vector<2048x1xf32>
    %broadcast_in_dim3A_254 = vector.broadcast %broadcast_in_dim3A_253 : vector<2048x1xf32> to vector<2048x8xf32>
    %swap3A_255 = arith.constant 0 : index
    %swap3A_256 = arith.constant 0 : index
    %swap3A_257 = vector.load %arg6[%swap3A_255, %swap3A_256] : memref<2048x8xf32, #tpu.memory_space<vmem>>, vector<2048x8xf32>
    tpu.vector_store %arg6[%swap3A_255, %swap3A_256], %broadcast_in_dim3A_254 {strides = array<i32>} : memref<2048x8xf32, #tpu.memory_space<vmem>>, vector<2048x8xf32>,
    return
  }
}

module attributes {stable_mosaic.version = 14 : i64} {
  func.func @_tail_kernel(%arg0: i32, %arg1: memref<512x256xf32, #tpu.memory_space<vmem>>, %arg2: memref<1x512x1xi32, #tpu.memory_space<vmem>>, %arg3: memref<2048x8xf32, #tpu.memory_space<vmem>>, %arg4: memref<3x128xf32, #tpu.memory_space<vmem>>, %arg5: memref<1x128xf32, #tpu.memory_space<vmem>>, %arg6: memref<3x128xf32, #tpu.memory_space<vmem>>, %arg7: memref<3x128xf32, #tpu.memory_space<vmem>>, %arg8: memref<3x128x512xf32, #tpu.memory_space<vmem>>, %arg9: memref<3x256x4xf32, #tpu.memory_space<vmem>>, %arg10: memref<3x256xf32, #tpu.memory_space<vmem>>, %arg11: memref<3x256x8xf32, #tpu.memory_space<vmem>>, %arg12: memref<3x256x32xf32, #tpu.memory_space<vmem>>, %arg13: memref<3x256x32xf32, #tpu.memory_space<vmem>>, %arg14: memref<3x8x256xf32, #tpu.memory_space<vmem>>, %arg15: memref<3x256xf32, #tpu.memory_space<vmem>>, %arg16: memref<3x32x256xf32, #tpu.memory_space<vmem>>, %arg17: memref<3x256xf32, #tpu.memory_space<vmem>>, %arg18: memref<3x256x128xf32, #tpu.memory_space<vmem>>, %arg19: memref<128x64xf32, #tpu.memory_space<vmem>>, %arg20: memref<1x64xf32, #tpu.memory_space<vmem>>, %arg21: memref<1x64xf32, #tpu.memory_space<vmem>>, %arg22: memref<1x1xf32, #tpu.memory_space<vmem>>, %arg23: memref<128x64xf32, #tpu.memory_space<vmem>>, %arg24: memref<1x64xf32, #tpu.memory_space<vmem>>, %arg25: memref<1x64xf32, #tpu.memory_space<vmem>>, %arg26: memref<1x1xf32, #tpu.memory_space<vmem>>, %arg27: memref<4x128xf32, #tpu.memory_space<vmem>>, %arg28: memref<192x2048xf32, #tpu.memory_space<vmem>>, %arg29: memref<64x128xf32, #tpu.memory_space<vmem>>) attributes {dimension_semantics = [#tpu.dimension_semantics<arbitrary>], iteration_bounds = array<i64: 21>, scalar_prefetch = 0 : i64, scratch_operands = 2 : i64, tpu.core_type = #tpu.core_type<tc>, window_params = [{transform_indices = @transform_0, window_bounds = array<i64: 512, 256>}, {transform_indices = @transform_1, window_bounds = array<i64: 1, 512, 1>}, {pipeline_mode = #tpu.pipeline_mode<synchronous>, transform_indices = @transform_2, window_bounds = array<i64: 2048, 8>}, {pipeline_mode = #tpu.pipeline_mode<synchronous>, transform_indices = @transform_3, window_bounds = array<i64: 3, 128>}, {pipeline_mode = #tpu.pipeline_mode<synchronous>, transform_indices = @transform_4, window_bounds = array<i64: 1, 128>}, {pipeline_mode = #tpu.pipeline_mode<synchronous>, transform_indices = @transform_5, window_bounds = array<i64: 3, 128>}, {pipeline_mode = #tpu.pipeline_mode<synchronous>, transform_indices = @transform_6, window_bounds = array<i64: 3, 128>}, {pipeline_mode = #tpu.pipeline_mode<synchronous>, transform_indices = @transform_7, window_bounds = array<i64: 3, 128, 512>}, {pipeline_mode = #tpu.pipeline_mode<synchronous>, transform_indices = @transform_8, window_bounds = array<i64: 3, 256, 4>}, {pipeline_mode = #tpu.pipeline_mode<synchronous>, transform_indices = @transform_9, window_bounds = array<i64: 3, 256>}, {pipeline_mode = #tpu.pipeline_mode<synchronous>, transform_indices = @transform_10, window_bounds = array<i64: 3, 256, 8>}, {pipeline_mode = #tpu.pipeline_mode<synchronous>, transform_indices = @transform_11, window_bounds = array<i64: 3, 256, 32>}, {pipeline_mode = #tpu.pipeline_mode<synchronous>, transform_indices = @transform_12, window_bounds = array<i64: 3, 256, 32>}, {pipeline_mode = #tpu.pipeline_mode<synchronous>, transform_indices = @transform_13, window_bounds = array<i64: 3, 8, 256>}, {pipeline_mode = #tpu.pipeline_mode<synchronous>, transform_indices = @transform_14, window_bounds = array<i64: 3, 256>}, {pipeline_mode = #tpu.pipeline_mode<synchronous>, transform_indices = @transform_15, window_bounds = array<i64: 3, 32, 256>}, {pipeline_mode = #tpu.pipeline_mode<synchronous>, transform_indices = @transform_16, window_bounds = array<i64: 3, 256>}, {pipeline_mode = #tpu.pipeline_mode<synchronous>, transform_indices = @transform_17, window_bounds = array<i64: 3, 256, 128>}, {pipeline_mode = #tpu.pipeline_mode<synchronous>, transform_indices = @transform_18, window_bounds = array<i64: 128, 64>}, {pipeline_mode = #tpu.pipeline_mode<synchronous>, transform_indices = @transform_19, window_bounds = array<i64: 1, 64>}, {pipeline_mode = #tpu.pipeline_mode<synchronous>, transform_indices = @transform_20, window_bounds = array<i64: 1, 64>}, {pipeline_mode = #tpu.pipeline_mode<synchronous>, transform_indices = @transform_21, window_bounds = array<i64: 1, 1>}, {pipeline_mode = #tpu.pipeline_mode<synchronous>, transform_indices = @transform_22, window_bounds = array<i64: 128, 64>}, {pipeline_mode = #tpu.pipeline_mode<synchronous>, transform_indices = @transform_23, window_bounds = array<i64: 1, 64>}, {pipeline_mode = #tpu.pipeline_mode<synchronous>, transform_indices = @transform_24, window_bounds = array<i64: 1, 64>}, {pipeline_mode = #tpu.pipeline_mode<synchronous>, transform_indices = @transform_25, window_bounds = array<i64: 1, 1>}, {pipeline_mode = #tpu.pipeline_mode<synchronous>, transform_indices = @transform_26, window_bounds = array<i64: 4, 128>}]} {
    %eq3A = arith.constant 0 : i32
    %eq3A_0 = arith.cmpi eq, %arg0, %eq3A : i32
    %convert_element_type3A = arith.extui %eq3A_0 : i1 to i32
    %cond3A = arith.constant 0 : i32
    %cond3A_1 = arith.cmpi ne, %convert_element_type3A, %cond3A : i32
    scf.if %cond3A_1 {
      %broadcast_in_dim3A = arith.constant 0.000000e+00 : f32
      %broadcast_in_dim3A_17 = vector.broadcast %broadcast_in_dim3A : f32 to vector<192x2048xf32>
      %swap3A = arith.constant 0 : index
      %swap3A_18 = arith.constant 0 : index
      %swap3A_19 = vector.load %arg28[%swap3A, %swap3A_18] : memref<192x2048xf32, #tpu.memory_space<vmem>>, vector<192x2048xf32>
      tpu.vector_store %arg28[%swap3A, %swap3A_18], %broadcast_in_dim3A_17 {strides = array<i32>} : memref<192x2048xf32, #tpu.memory_space<vmem>>, vector<192x2048xf32>,
    } else {
    }
    %lt3A = arith.constant 12 : i32
    %lt3A_2 = arith.cmpi slt, %arg0, %lt3A : i32
    %convert_element_type3A_3 = arith.extui %lt3A_2 : i1 to i32
    %cond3A_4 = arith.constant 0 : i32
    %cond3A_5 = arith.cmpi ne, %convert_element_type3A_3, %cond3A_4 : i32
    scf.if %cond3A_5 {
      %get3A = arith.constant 0 : index
      %get3A_17 = arith.constant 0 : index
      %get3A_18 = arith.constant 0 : index
      %get3A_19 = vector.load %arg2[%get3A, %get3A_17, %get3A_18] : memref<1x512x1xi32, #tpu.memory_space<vmem>>, vector<1x512x1xi32>
      %get3A_20 = vector.shape_cast %get3A_19 : vector<1x512x1xi32> to vector<512x1xi32>
      %iota3A = tpu.iota {dimensions = array<i32: 1>} : vector<512x2048xi32>
      %eq3A_21 = vector.broadcast %get3A_20 : vector<512x1xi32> to vector<512x2048xi32>
      %eq3A_22 = arith.cmpi eq, %eq3A_21, %iota3A : vector<512x2048xi32>
      %convert_element_type3A_23 = arith.extui %eq3A_22 : vector<512x2048xi1> to vector<512x2048xi32>
      %convert_element_type3A_24 = arith.sitofp %convert_element_type3A_23 : vector<512x2048xi32> to vector<512x2048xf32>
      %convert_element_type3A_25 = arith.truncf %convert_element_type3A_24 : vector<512x2048xf32> to vector<512x2048xbf16>
      %get3A_26 = arith.constant 0 : index
      %get3A_27 = arith.constant 0 : index
      %get3A_28 = vector.load %arg1[%get3A_26, %get3A_27] : memref<512x256xf32, #tpu.memory_space<vmem>>, vector<512x192xf32>
      %convert_element_type3A_29 = arith.truncf %get3A_28 : vector<512x192xf32> to vector<512x192xbf16>
      %convert_element_type3A_30 = arith.extf %convert_element_type3A_29 : vector<512x192xbf16> to vector<512x192xf32>
      %sub3A = arith.subf %get3A_28, %convert_element_type3A_30 : vector<512x192xf32>
      %convert_element_type3A_31 = arith.truncf %sub3A : vector<512x192xf32> to vector<512x192xbf16>
      %convert_element_type3A_32 = arith.extf %convert_element_type3A_31 : vector<512x192xbf16> to vector<512x192xf32>
      %sub3A_33 = arith.subf %sub3A, %convert_element_type3A_32 : vector<512x192xf32>
      %convert_element_type3A_34 = arith.truncf %sub3A_33 : vector<512x192xf32> to vector<512x192xbf16>
      %get3A_35 = arith.constant 0 : index
      %get3A_36 = arith.constant 0 : index
      %get3A_37 = vector.load %arg28[%get3A_35, %get3A_36] : memref<192x2048xf32, #tpu.memory_space<vmem>>, vector<192x2048xf32>
      %dot_general3A = arith.constant dense<0.000000e+00> : vector<192x2048xf32>
      %dot_general3A_38 = tpu.matmul %convert_element_type3A_29, %convert_element_type3A_25, %dot_general3A {dimension_numbers = #tpu.dot_dimension_numbers<[0], [0], [1], [1], [0, 1, 1, 1], [], []>, transpose_lhs_hint = false} : vector<512x192xbf16>, vector<512x2048xbf16>, vector<192x2048xf32> -> vector<192x2048xf32>
      %dot_general3A_39 = arith.constant dense<0.000000e+00> : vector<192x2048xf32>
      %dot_general3A_40 = tpu.matmul %convert_element_type3A_31, %convert_element_type3A_25, %dot_general3A_39 {dimension_numbers = #tpu.dot_dimension_numbers<[0], [0], [1], [1], [0, 1, 1, 1], [], []>, transpose_lhs_hint = false} : vector<512x192xbf16>, vector<512x2048xbf16>, vector<192x2048xf32> -> vector<192x2048xf32>
      %add3A = arith.addf %dot_general3A_38, %dot_general3A_40 : vector<192x2048xf32>
      %dot_general3A_41 = arith.constant dense<0.000000e+00> : vector<192x2048xf32>
      %dot_general3A_42 = tpu.matmul %convert_element_type3A_34, %convert_element_type3A_25, %dot_general3A_41 {dimension_numbers = #tpu.dot_dimension_numbers<[0], [0], [1], [1], [0, 1, 1, 1], [], []>, transpose_lhs_hint = false} : vector<512x192xbf16>, vector<512x2048xbf16>, vector<192x2048xf32> -> vector<192x2048xf32>
      %add3A_43 = arith.addf %add3A, %dot_general3A_42 : vector<192x2048xf32>
      %add3A_44 = arith.addf %get3A_37, %add3A_43 : vector<192x2048xf32>
      %swap3A = arith.constant 0 : index
      %swap3A_45 = arith.constant 0 : index
      %swap3A_46 = vector.load %arg28[%swap3A, %swap3A_45] : memref<192x2048xf32, #tpu.memory_space<vmem>>, vector<192x2048xf32>
      tpu.vector_store %arg28[%swap3A, %swap3A_45], %add3A_44 {strides = array<i32>} : memref<192x2048xf32, #tpu.memory_space<vmem>>, vector<192x2048xf32>,
    } else {
    }
    %ge3A = arith.constant 12 : i32
    %ge3A_6 = arith.cmpi sge, %arg0, %ge3A : i32
    %lt3A_7 = arith.constant 20 : i32
    %lt3A_8 = arith.cmpi slt, %arg0, %lt3A_7 : i32
    %and3A = arith.andi %ge3A_6, %lt3A_8 : i1
    %convert_element_type3A_9 = arith.extui %and3A : i1 to i32
    %cond3A_10 = arith.constant 0 : i32
    %cond3A_11 = arith.cmpi ne, %convert_element_type3A_9, %cond3A_10 : i32
    scf.if %cond3A_11 {
      %sub3A = arith.constant 12 : i32
      %sub3A_17 = arith.subi %arg0, %sub3A : i32
      %mul3A = arith.constant 8 : i32
      %mul3A_18 = arith.muli %sub3A_17, %mul3A : i32
      %mul3A_19 = arith.constant 3 : i32
      %mul3A_20 = arith.muli %mul3A_18, %mul3A_19 : i32
      %get3A = arith.index_cast %mul3A_20 : i32 to index
      %get3A_21 = arith.constant 0 : index
      %get3A_22 = vector.load %arg28[%get3A, %get3A_21] : memref<192x2048xf32, #tpu.memory_space<vmem>>, vector<24x2048xf32>
      %transpose3A = tpu.transpose %get3A_22, [1, 0] : vector<24x2048xf32> -> vector<2048x24xf32>
      %get3A_23 = arith.constant 0 : index
      %get3A_24 = arith.constant 0 : index
      %get3A_25 = vector.load %arg3[%get3A_23, %get3A_24] : memref<2048x8xf32, #tpu.memory_space<vmem>>, vector<2048x1xf32>
      %mul3A_26 = vector.broadcast %get3A_25 : vector<2048x1xf32> to vector<2048x24xf32>
      %mul3A_27 = arith.mulf %transpose3A, %mul3A_26 : vector<2048x24xf32>
      %get3A_28 = arith.constant 0 : index
      %get3A_29 = arith.constant 0 : index
      %get3A_30 = vector.load %arg5[%get3A_28, %get3A_29] : memref<1x128xf32, #tpu.memory_space<vmem>>, vector<1x128xf32>
      %slice3A = vector.extract_strided_slice %mul3A_27 {offsets = [0, 0], sizes = [2048, 1], strides = [1, 1]} : vector<2048x24xf32> to vector<2048x1xf32>
      %get3A_31 = arith.constant 0 : index
      %get3A_32 = arith.constant 0 : index
      %get3A_33 = vector.load %arg4[%get3A_31, %get3A_32] : memref<3x128xf32, #tpu.memory_space<vmem>>, vector<1x128xf32>
      %mul3A_34 = vector.broadcast %slice3A : vector<2048x1xf32> to vector<2048x128xf32>
      %mul3A_35 = vector.broadcast %get3A_33 : vector<1x128xf32> to vector<2048x128xf32>
      %mul3A_36 = arith.mulf %mul3A_34, %mul3A_35 : vector<2048x128xf32>
      %add3A = vector.broadcast %get3A_30 : vector<1x128xf32> to vector<2048x128xf32>
      %add3A_37 = arith.addf %add3A, %mul3A_36 : vector<2048x128xf32>
      %slice3A_38 = vector.extract_strided_slice %mul3A_27 {offsets = [0, 1], sizes = [2048, 1], strides = [1, 1]} : vector<2048x24xf32> to vector<2048x1xf32>
      %get3A_39 = arith.constant 1 : index
      %get3A_40 = arith.constant 0 : index
      %get3A_41 = vector.load %arg4[%get3A_39, %get3A_40] : memref<3x128xf32, #tpu.memory_space<vmem>>, vector<1x128xf32>
      %mul3A_42 = vector.broadcast %slice3A_38 : vector<2048x1xf32> to vector<2048x128xf32>
      %mul3A_43 = vector.broadcast %get3A_41 : vector<1x128xf32> to vector<2048x128xf32>
      %mul3A_44 = arith.mulf %mul3A_42, %mul3A_43 : vector<2048x128xf32>
      %add3A_45 = arith.addf %add3A_37, %mul3A_44 : vector<2048x128xf32>
      %slice3A_46 = vector.extract_strided_slice %mul3A_27 {offsets = [0, 2], sizes = [2048, 1], strides = [1, 1]} : vector<2048x24xf32> to vector<2048x1xf32>
      %get3A_47 = arith.constant 2 : index
      %get3A_48 = arith.constant 0 : index
      %get3A_49 = vector.load %arg4[%get3A_47, %get3A_48] : memref<3x128xf32, #tpu.memory_space<vmem>>, vector<1x128xf32>
      %mul3A_50 = vector.broadcast %slice3A_46 : vector<2048x1xf32> to vector<2048x128xf32>
      %mul3A_51 = vector.broadcast %get3A_49 : vector<1x128xf32> to vector<2048x128xf32>
      %mul3A_52 = arith.mulf %mul3A_50, %mul3A_51 : vector<2048x128xf32>
      %add3A_53 = arith.addf %add3A_45, %mul3A_52 : vector<2048x128xf32>
      %max3A = arith.constant 0.000000e+00 : f32
      %max3A_54 = vector.broadcast %max3A : f32 to vector<2048x128xf32>
      %max3A_55 = arith.maximumf %add3A_53, %max3A_54 : vector<2048x128xf32>
      %reduce_sum3A = arith.constant dense<0.000000e+00> : vector<128xf32>
      %reduce_sum3A_56 = vector.multi_reduction <add>, %max3A_55, %reduce_sum3A [0] : vector<2048x128xf32> to vector<128xf32>
      %broadcast_in_dim3A = vector.shape_cast %reduce_sum3A_56 : vector<128xf32> to vector<1x128xf32>
      %mul3A_57 = arith.constant 4.8828125E-4 : f32
      %mul3A_58 = vector.broadcast %mul3A_57 : f32 to vector<1x128xf32>
      %mul3A_59 = arith.mulf %broadcast_in_dim3A, %mul3A_58 : vector<1x128xf32>
      %get3A_60 = arith.constant 0 : index
      %get3A_61 = arith.constant 0 : index
      %get3A_62 = vector.load %arg5[%get3A_60, %get3A_61] : memref<1x128xf32, #tpu.memory_space<vmem>>, vector<1x128xf32>
      %slice3A_63 = vector.extract_strided_slice %mul3A_27 {offsets = [0, 3], sizes = [2048, 1], strides = [1, 1]} : vector<2048x24xf32> to vector<2048x1xf32>
      %get3A_64 = arith.constant 0 : index
      %get3A_65 = arith.constant 0 : index
      %get3A_66 = vector.load %arg4[%get3A_64, %get3A_65] : memref<3x128xf32, #tpu.memory_space<vmem>>, vector<1x128xf32>
      %mul3A_67 = vector.broadcast %slice3A_63 : vector<2048x1xf32> to vector<2048x128xf32>
      %mul3A_68 = vector.broadcast %get3A_66 : vector<1x128xf32> to vector<2048x128xf32>
      %mul3A_69 = arith.mulf %mul3A_67, %mul3A_68 : vector<2048x128xf32>
      %add3A_70 = vector.broadcast %get3A_62 : vector<1x128xf32> to vector<2048x128xf32>
      %add3A_71 = arith.addf %add3A_70, %mul3A_69 : vector<2048x128xf32>
      %slice3A_72 = vector.extract_strided_slice %mul3A_27 {offsets = [0, 4], sizes = [2048, 1], strides = [1, 1]} : vector<2048x24xf32> to vector<2048x1xf32>
      %get3A_73 = arith.constant 1 : index
      %get3A_74 = arith.constant 0 : index
      %get3A_75 = vector.load %arg4[%get3A_73, %get3A_74] : memref<3x128xf32, #tpu.memory_space<vmem>>, vector<1x128xf32>
      %mul3A_76 = vector.broadcast %slice3A_72 : vector<2048x1xf32> to vector<2048x128xf32>
      %mul3A_77 = vector.broadcast %get3A_75 : vector<1x128xf32> to vector<2048x128xf32>
      %mul3A_78 = arith.mulf %mul3A_76, %mul3A_77 : vector<2048x128xf32>
      %add3A_79 = arith.addf %add3A_71, %mul3A_78 : vector<2048x128xf32>
      %slice3A_80 = vector.extract_strided_slice %mul3A_27 {offsets = [0, 5], sizes = [2048, 1], strides = [1, 1]} : vector<2048x24xf32> to vector<2048x1xf32>
      %get3A_81 = arith.constant 2 : index
      %get3A_82 = arith.constant 0 : index
      %get3A_83 = vector.load %arg4[%get3A_81, %get3A_82] : memref<3x128xf32, #tpu.memory_space<vmem>>, vector<1x128xf32>
      %mul3A_84 = vector.broadcast %slice3A_80 : vector<2048x1xf32> to vector<2048x128xf32>
      %mul3A_85 = vector.broadcast %get3A_83 : vector<1x128xf32> to vector<2048x128xf32>
      %mul3A_86 = arith.mulf %mul3A_84, %mul3A_85 : vector<2048x128xf32>
      %add3A_87 = arith.addf %add3A_79, %mul3A_86 : vector<2048x128xf32>
      %max3A_88 = arith.constant 0.000000e+00 : f32
      %max3A_89 = vector.broadcast %max3A_88 : f32 to vector<2048x128xf32>
      %max3A_90 = arith.maximumf %add3A_87, %max3A_89 : vector<2048x128xf32>
      %reduce_sum3A_91 = arith.constant dense<0.000000e+00> : vector<128xf32>
      %reduce_sum3A_92 = vector.multi_reduction <add>, %max3A_90, %reduce_sum3A_91 [0] : vector<2048x128xf32> to vector<128xf32>
      %broadcast_in_dim3A_93 = vector.shape_cast %reduce_sum3A_92 : vector<128xf32> to vector<1x128xf32>
      %mul3A_94 = arith.constant 4.8828125E-4 : f32
      %mul3A_95 = vector.broadcast %mul3A_94 : f32 to vector<1x128xf32>
      %mul3A_96 = arith.mulf %broadcast_in_dim3A_93, %mul3A_95 : vector<1x128xf32>
      %get3A_97 = arith.constant 0 : index
      %get3A_98 = arith.constant 0 : index
      %get3A_99 = vector.load %arg5[%get3A_97, %get3A_98] : memref<1x128xf32, #tpu.memory_space<vmem>>, vector<1x128xf32>
      %slice3A_100 = vector.extract_strided_slice %mul3A_27 {offsets = [0, 6], sizes = [2048, 1], strides = [1, 1]} : vector<2048x24xf32> to vector<2048x1xf32>
      %get3A_101 = arith.constant 0 : index
      %get3A_102 = arith.constant 0 : index
      %get3A_103 = vector.load %arg4[%get3A_101, %get3A_102] : memref<3x128xf32, #tpu.memory_space<vmem>>, vector<1x128xf32>
      %mul3A_104 = vector.broadcast %slice3A_100 : vector<2048x1xf32> to vector<2048x128xf32>
      %mul3A_105 = vector.broadcast %get3A_103 : vector<1x128xf32> to vector<2048x128xf32>
      %mul3A_106 = arith.mulf %mul3A_104, %mul3A_105 : vector<2048x128xf32>
      %add3A_107 = vector.broadcast %get3A_99 : vector<1x128xf32> to vector<2048x128xf32>
      %add3A_108 = arith.addf %add3A_107, %mul3A_106 : vector<2048x128xf32>
      %slice3A_109 = vector.extract_strided_slice %mul3A_27 {offsets = [0, 7], sizes = [2048, 1], strides = [1, 1]} : vector<2048x24xf32> to vector<2048x1xf32>
      %get3A_110 = arith.constant 1 : index
      %get3A_111 = arith.constant 0 : index
      %get3A_112 = vector.load %arg4[%get3A_110, %get3A_111] : memref<3x128xf32, #tpu.memory_space<vmem>>, vector<1x128xf32>
      %mul3A_113 = vector.broadcast %slice3A_109 : vector<2048x1xf32> to vector<2048x128xf32>
      %mul3A_114 = vector.broadcast %get3A_112 : vector<1x128xf32> to vector<2048x128xf32>
      %mul3A_115 = arith.mulf %mul3A_113, %mul3A_114 : vector<2048x128xf32>
      %add3A_116 = arith.addf %add3A_108, %mul3A_115 : vector<2048x128xf32>
      %slice3A_117 = vector.extract_strided_slice %mul3A_27 {offsets = [0, 8], sizes = [2048, 1], strides = [1, 1]} : vector<2048x24xf32> to vector<2048x1xf32>
      %get3A_118 = arith.constant 2 : index
      %get3A_119 = arith.constant 0 : index
      %get3A_120 = vector.load %arg4[%get3A_118, %get3A_119] : memref<3x128xf32, #tpu.memory_space<vmem>>, vector<1x128xf32>
      %mul3A_121 = vector.broadcast %slice3A_117 : vector<2048x1xf32> to vector<2048x128xf32>
      %mul3A_122 = vector.broadcast %get3A_120 : vector<1x128xf32> to vector<2048x128xf32>
      %mul3A_123 = arith.mulf %mul3A_121, %mul3A_122 : vector<2048x128xf32>
      %add3A_124 = arith.addf %add3A_116, %mul3A_123 : vector<2048x128xf32>
      %max3A_125 = arith.constant 0.000000e+00 : f32
      %max3A_126 = vector.broadcast %max3A_125 : f32 to vector<2048x128xf32>
      %max3A_127 = arith.maximumf %add3A_124, %max3A_126 : vector<2048x128xf32>
      %reduce_sum3A_128 = arith.constant dense<0.000000e+00> : vector<128xf32>
      %reduce_sum3A_129 = vector.multi_reduction <add>, %max3A_127, %reduce_sum3A_128 [0] : vector<2048x128xf32> to vector<128xf32>
      %broadcast_in_dim3A_130 = vector.shape_cast %reduce_sum3A_129 : vector<128xf32> to vector<1x128xf32>
      %mul3A_131 = arith.constant 4.8828125E-4 : f32
      %mul3A_132 = vector.broadcast %mul3A_131 : f32 to vector<1x128xf32>
      %mul3A_133 = arith.mulf %broadcast_in_dim3A_130, %mul3A_132 : vector<1x128xf32>
      %get3A_134 = arith.constant 0 : index
      %get3A_135 = arith.constant 0 : index
      %get3A_136 = vector.load %arg5[%get3A_134, %get3A_135] : memref<1x128xf32, #tpu.memory_space<vmem>>, vector<1x128xf32>
      %slice3A_137 = vector.extract_strided_slice %mul3A_27 {offsets = [0, 9], sizes = [2048, 1], strides = [1, 1]} : vector<2048x24xf32> to vector<2048x1xf32>
      %get3A_138 = arith.constant 0 : index
      %get3A_139 = arith.constant 0 : index
      %get3A_140 = vector.load %arg4[%get3A_138, %get3A_139] : memref<3x128xf32, #tpu.memory_space<vmem>>, vector<1x128xf32>
      %mul3A_141 = vector.broadcast %slice3A_137 : vector<2048x1xf32> to vector<2048x128xf32>
      %mul3A_142 = vector.broadcast %get3A_140 : vector<1x128xf32> to vector<2048x128xf32>
      %mul3A_143 = arith.mulf %mul3A_141, %mul3A_142 : vector<2048x128xf32>
      %add3A_144 = vector.broadcast %get3A_136 : vector<1x128xf32> to vector<2048x128xf32>
      %add3A_145 = arith.addf %add3A_144, %mul3A_143 : vector<2048x128xf32>
      %slice3A_146 = vector.extract_strided_slice %mul3A_27 {offsets = [0, 10], sizes = [2048, 1], strides = [1, 1]} : vector<2048x24xf32> to vector<2048x1xf32>
      %get3A_147 = arith.constant 1 : index
      %get3A_148 = arith.constant 0 : index
      %get3A_149 = vector.load %arg4[%get3A_147, %get3A_148] : memref<3x128xf32, #tpu.memory_space<vmem>>, vector<1x128xf32>
      %mul3A_150 = vector.broadcast %slice3A_146 : vector<2048x1xf32> to vector<2048x128xf32>
      %mul3A_151 = vector.broadcast %get3A_149 : vector<1x128xf32> to vector<2048x128xf32>
      %mul3A_152 = arith.mulf %mul3A_150, %mul3A_151 : vector<2048x128xf32>
      %add3A_153 = arith.addf %add3A_145, %mul3A_152 : vector<2048x128xf32>
      %slice3A_154 = vector.extract_strided_slice %mul3A_27 {offsets = [0, 11], sizes = [2048, 1], strides = [1, 1]} : vector<2048x24xf32> to vector<2048x1xf32>
      %get3A_155 = arith.constant 2 : index
      %get3A_156 = arith.constant 0 : index
      %get3A_157 = vector.load %arg4[%get3A_155, %get3A_156] : memref<3x128xf32, #tpu.memory_space<vmem>>, vector<1x128xf32>
      %mul3A_158 = vector.broadcast %slice3A_154 : vector<2048x1xf32> to vector<2048x128xf32>
      %mul3A_159 = vector.broadcast %get3A_157 : vector<1x128xf32> to vector<2048x128xf32>
      %mul3A_160 = arith.mulf %mul3A_158, %mul3A_159 : vector<2048x128xf32>
      %add3A_161 = arith.addf %add3A_153, %mul3A_160 : vector<2048x128xf32>
      %max3A_162 = arith.constant 0.000000e+00 : f32
      %max3A_163 = vector.broadcast %max3A_162 : f32 to vector<2048x128xf32>
      %max3A_164 = arith.maximumf %add3A_161, %max3A_163 : vector<2048x128xf32>
      %reduce_sum3A_165 = arith.constant dense<0.000000e+00> : vector<128xf32>
      %reduce_sum3A_166 = vector.multi_reduction <add>, %max3A_164, %reduce_sum3A_165 [0] : vector<2048x128xf32> to vector<128xf32>
      %broadcast_in_dim3A_167 = vector.shape_cast %reduce_sum3A_166 : vector<128xf32> to vector<1x128xf32>
      %mul3A_168 = arith.constant 4.8828125E-4 : f32
      %mul3A_169 = vector.broadcast %mul3A_168 : f32 to vector<1x128xf32>
      %mul3A_170 = arith.mulf %broadcast_in_dim3A_167, %mul3A_169 : vector<1x128xf32>
      %get3A_171 = arith.constant 0 : index
      %get3A_172 = arith.constant 0 : index
      %get3A_173 = vector.load %arg5[%get3A_171, %get3A_172] : memref<1x128xf32, #tpu.memory_space<vmem>>, vector<1x128xf32>
      %slice3A_174 = vector.extract_strided_slice %mul3A_27 {offsets = [0, 12], sizes = [2048, 1], strides = [1, 1]} : vector<2048x24xf32> to vector<2048x1xf32>
      %get3A_175 = arith.constant 0 : index
      %get3A_176 = arith.constant 0 : index
      %get3A_177 = vector.load %arg4[%get3A_175, %get3A_176] : memref<3x128xf32, #tpu.memory_space<vmem>>, vector<1x128xf32>
      %mul3A_178 = vector.broadcast %slice3A_174 : vector<2048x1xf32> to vector<2048x128xf32>
      %mul3A_179 = vector.broadcast %get3A_177 : vector<1x128xf32> to vector<2048x128xf32>
      %mul3A_180 = arith.mulf %mul3A_178, %mul3A_179 : vector<2048x128xf32>
      %add3A_181 = vector.broadcast %get3A_173 : vector<1x128xf32> to vector<2048x128xf32>
      %add3A_182 = arith.addf %add3A_181, %mul3A_180 : vector<2048x128xf32>
      %slice3A_183 = vector.extract_strided_slice %mul3A_27 {offsets = [0, 13], sizes = [2048, 1], strides = [1, 1]} : vector<2048x24xf32> to vector<2048x1xf32>
      %get3A_184 = arith.constant 1 : index
      %get3A_185 = arith.constant 0 : index
      %get3A_186 = vector.load %arg4[%get3A_184, %get3A_185] : memref<3x128xf32, #tpu.memory_space<vmem>>, vector<1x128xf32>
      %mul3A_187 = vector.broadcast %slice3A_183 : vector<2048x1xf32> to vector<2048x128xf32>
      %mul3A_188 = vector.broadcast %get3A_186 : vector<1x128xf32> to vector<2048x128xf32>
      %mul3A_189 = arith.mulf %mul3A_187, %mul3A_188 : vector<2048x128xf32>
      %add3A_190 = arith.addf %add3A_182, %mul3A_189 : vector<2048x128xf32>
      %slice3A_191 = vector.extract_strided_slice %mul3A_27 {offsets = [0, 14], sizes = [2048, 1], strides = [1, 1]} : vector<2048x24xf32> to vector<2048x1xf32>
      %get3A_192 = arith.constant 2 : index
      %get3A_193 = arith.constant 0 : index
      %get3A_194 = vector.load %arg4[%get3A_192, %get3A_193] : memref<3x128xf32, #tpu.memory_space<vmem>>, vector<1x128xf32>
      %mul3A_195 = vector.broadcast %slice3A_191 : vector<2048x1xf32> to vector<2048x128xf32>
      %mul3A_196 = vector.broadcast %get3A_194 : vector<1x128xf32> to vector<2048x128xf32>
      %mul3A_197 = arith.mulf %mul3A_195, %mul3A_196 : vector<2048x128xf32>
      %add3A_198 = arith.addf %add3A_190, %mul3A_197 : vector<2048x128xf32>
      %max3A_199 = arith.constant 0.000000e+00 : f32
      %max3A_200 = vector.broadcast %max3A_199 : f32 to vector<2048x128xf32>
      %max3A_201 = arith.maximumf %add3A_198, %max3A_200 : vector<2048x128xf32>
      %reduce_sum3A_202 = arith.constant dense<0.000000e+00> : vector<128xf32>
      %reduce_sum3A_203 = vector.multi_reduction <add>, %max3A_201, %reduce_sum3A_202 [0] : vector<2048x128xf32> to vector<128xf32>
      %broadcast_in_dim3A_204 = vector.shape_cast %reduce_sum3A_203 : vector<128xf32> to vector<1x128xf32>
      %mul3A_205 = arith.constant 4.8828125E-4 : f32
      %mul3A_206 = vector.broadcast %mul3A_205 : f32 to vector<1x128xf32>
      %mul3A_207 = arith.mulf %broadcast_in_dim3A_204, %mul3A_206 : vector<1x128xf32>
      %get3A_208 = arith.constant 0 : index
      %get3A_209 = arith.constant 0 : index
      %get3A_210 = vector.load %arg5[%get3A_208, %get3A_209] : memref<1x128xf32, #tpu.memory_space<vmem>>, vector<1x128xf32>
      %slice3A_211 = vector.extract_strided_slice %mul3A_27 {offsets = [0, 15], sizes = [2048, 1], strides = [1, 1]} : vector<2048x24xf32> to vector<2048x1xf32>
      %get3A_212 = arith.constant 0 : index
      %get3A_213 = arith.constant 0 : index
      %get3A_214 = vector.load %arg4[%get3A_212, %get3A_213] : memref<3x128xf32, #tpu.memory_space<vmem>>, vector<1x128xf32>
      %mul3A_215 = vector.broadcast %slice3A_211 : vector<2048x1xf32> to vector<2048x128xf32>
      %mul3A_216 = vector.broadcast %get3A_214 : vector<1x128xf32> to vector<2048x128xf32>
      %mul3A_217 = arith.mulf %mul3A_215, %mul3A_216 : vector<2048x128xf32>
      %add3A_218 = vector.broadcast %get3A_210 : vector<1x128xf32> to vector<2048x128xf32>
      %add3A_219 = arith.addf %add3A_218, %mul3A_217 : vector<2048x128xf32>
      %slice3A_220 = vector.extract_strided_slice %mul3A_27 {offsets = [0, 16], sizes = [2048, 1], strides = [1, 1]} : vector<2048x24xf32> to vector<2048x1xf32>
      %get3A_221 = arith.constant 1 : index
      %get3A_222 = arith.constant 0 : index
      %get3A_223 = vector.load %arg4[%get3A_221, %get3A_222] : memref<3x128xf32, #tpu.memory_space<vmem>>, vector<1x128xf32>
      %mul3A_224 = vector.broadcast %slice3A_220 : vector<2048x1xf32> to vector<2048x128xf32>
      %mul3A_225 = vector.broadcast %get3A_223 : vector<1x128xf32> to vector<2048x128xf32>
      %mul3A_226 = arith.mulf %mul3A_224, %mul3A_225 : vector<2048x128xf32>
      %add3A_227 = arith.addf %add3A_219, %mul3A_226 : vector<2048x128xf32>
      %slice3A_228 = vector.extract_strided_slice %mul3A_27 {offsets = [0, 17], sizes = [2048, 1], strides = [1, 1]} : vector<2048x24xf32> to vector<2048x1xf32>
      %get3A_229 = arith.constant 2 : index
      %get3A_230 = arith.constant 0 : index
      %get3A_231 = vector.load %arg4[%get3A_229, %get3A_230] : memref<3x128xf32, #tpu.memory_space<vmem>>, vector<1x128xf32>
      %mul3A_232 = vector.broadcast %slice3A_228 : vector<2048x1xf32> to vector<2048x128xf32>
      %mul3A_233 = vector.broadcast %get3A_231 : vector<1x128xf32> to vector<2048x128xf32>
      %mul3A_234 = arith.mulf %mul3A_232, %mul3A_233 : vector<2048x128xf32>
      %add3A_235 = arith.addf %add3A_227, %mul3A_234 : vector<2048x128xf32>
      %max3A_236 = arith.constant 0.000000e+00 : f32
      %max3A_237 = vector.broadcast %max3A_236 : f32 to vector<2048x128xf32>
      %max3A_238 = arith.maximumf %add3A_235, %max3A_237 : vector<2048x128xf32>
      %reduce_sum3A_239 = arith.constant dense<0.000000e+00> : vector<128xf32>
      %reduce_sum3A_240 = vector.multi_reduction <add>, %max3A_238, %reduce_sum3A_239 [0] : vector<2048x128xf32> to vector<128xf32>
      %broadcast_in_dim3A_241 = vector.shape_cast %reduce_sum3A_240 : vector<128xf32> to vector<1x128xf32>
      %mul3A_242 = arith.constant 4.8828125E-4 : f32
      %mul3A_243 = vector.broadcast %mul3A_242 : f32 to vector<1x128xf32>
      %mul3A_244 = arith.mulf %broadcast_in_dim3A_241, %mul3A_243 : vector<1x128xf32>
      %get3A_245 = arith.constant 0 : index
      %get3A_246 = arith.constant 0 : index
      %get3A_247 = vector.load %arg5[%get3A_245, %get3A_246] : memref<1x128xf32, #tpu.memory_space<vmem>>, vector<1x128xf32>
      %slice3A_248 = vector.extract_strided_slice %mul3A_27 {offsets = [0, 18], sizes = [2048, 1], strides = [1, 1]} : vector<2048x24xf32> to vector<2048x1xf32>
      %get3A_249 = arith.constant 0 : index
      %get3A_250 = arith.constant 0 : index
      %get3A_251 = vector.load %arg4[%get3A_249, %get3A_250] : memref<3x128xf32, #tpu.memory_space<vmem>>, vector<1x128xf32>
      %mul3A_252 = vector.broadcast %slice3A_248 : vector<2048x1xf32> to vector<2048x128xf32>
      %mul3A_253 = vector.broadcast %get3A_251 : vector<1x128xf32> to vector<2048x128xf32>
      %mul3A_254 = arith.mulf %mul3A_252, %mul3A_253 : vector<2048x128xf32>
      %add3A_255 = vector.broadcast %get3A_247 : vector<1x128xf32> to vector<2048x128xf32>
      %add3A_256 = arith.addf %add3A_255, %mul3A_254 : vector<2048x128xf32>
      %slice3A_257 = vector.extract_strided_slice %mul3A_27 {offsets = [0, 19], sizes = [2048, 1], strides = [1, 1]} : vector<2048x24xf32> to vector<2048x1xf32>
      %get3A_258 = arith.constant 1 : index
      %get3A_259 = arith.constant 0 : index
      %get3A_260 = vector.load %arg4[%get3A_258, %get3A_259] : memref<3x128xf32, #tpu.memory_space<vmem>>, vector<1x128xf32>
      %mul3A_261 = vector.broadcast %slice3A_257 : vector<2048x1xf32> to vector<2048x128xf32>
      %mul3A_262 = vector.broadcast %get3A_260 : vector<1x128xf32> to vector<2048x128xf32>
      %mul3A_263 = arith.mulf %mul3A_261, %mul3A_262 : vector<2048x128xf32>
      %add3A_264 = arith.addf %add3A_256, %mul3A_263 : vector<2048x128xf32>
      %slice3A_265 = vector.extract_strided_slice %mul3A_27 {offsets = [0, 20], sizes = [2048, 1], strides = [1, 1]} : vector<2048x24xf32> to vector<2048x1xf32>
      %get3A_266 = arith.constant 2 : index
      %get3A_267 = arith.constant 0 : index
      %get3A_268 = vector.load %arg4[%get3A_266, %get3A_267] : memref<3x128xf32, #tpu.memory_space<vmem>>, vector<1x128xf32>
      %mul3A_269 = vector.broadcast %slice3A_265 : vector<2048x1xf32> to vector<2048x128xf32>
      %mul3A_270 = vector.broadcast %get3A_268 : vector<1x128xf32> to vector<2048x128xf32>
      %mul3A_271 = arith.mulf %mul3A_269, %mul3A_270 : vector<2048x128xf32>
      %add3A_272 = arith.addf %add3A_264, %mul3A_271 : vector<2048x128xf32>
      %max3A_273 = arith.constant 0.000000e+00 : f32
      %max3A_274 = vector.broadcast %max3A_273 : f32 to vector<2048x128xf32>
      %max3A_275 = arith.maximumf %add3A_272, %max3A_274 : vector<2048x128xf32>
      %reduce_sum3A_276 = arith.constant dense<0.000000e+00> : vector<128xf32>
      %reduce_sum3A_277 = vector.multi_reduction <add>, %max3A_275, %reduce_sum3A_276 [0] : vector<2048x128xf32> to vector<128xf32>
      %broadcast_in_dim3A_278 = vector.shape_cast %reduce_sum3A_277 : vector<128xf32> to vector<1x128xf32>
      %mul3A_279 = arith.constant 4.8828125E-4 : f32
      %mul3A_280 = vector.broadcast %mul3A_279 : f32 to vector<1x128xf32>
      %mul3A_281 = arith.mulf %broadcast_in_dim3A_278, %mul3A_280 : vector<1x128xf32>
      %get3A_282 = arith.constant 0 : index
      %get3A_283 = arith.constant 0 : index
      %get3A_284 = vector.load %arg5[%get3A_282, %get3A_283] : memref<1x128xf32, #tpu.memory_space<vmem>>, vector<1x128xf32>
      %slice3A_285 = vector.extract_strided_slice %mul3A_27 {offsets = [0, 21], sizes = [2048, 1], strides = [1, 1]} : vector<2048x24xf32> to vector<2048x1xf32>
      %get3A_286 = arith.constant 0 : index
      %get3A_287 = arith.constant 0 : index
      %get3A_288 = vector.load %arg4[%get3A_286, %get3A_287] : memref<3x128xf32, #tpu.memory_space<vmem>>, vector<1x128xf32>
      %mul3A_289 = vector.broadcast %slice3A_285 : vector<2048x1xf32> to vector<2048x128xf32>
      %mul3A_290 = vector.broadcast %get3A_288 : vector<1x128xf32> to vector<2048x128xf32>
      %mul3A_291 = arith.mulf %mul3A_289, %mul3A_290 : vector<2048x128xf32>
      %add3A_292 = vector.broadcast %get3A_284 : vector<1x128xf32> to vector<2048x128xf32>
      %add3A_293 = arith.addf %add3A_292, %mul3A_291 : vector<2048x128xf32>
      %slice3A_294 = vector.extract_strided_slice %mul3A_27 {offsets = [0, 22], sizes = [2048, 1], strides = [1, 1]} : vector<2048x24xf32> to vector<2048x1xf32>
      %get3A_295 = arith.constant 1 : index
      %get3A_296 = arith.constant 0 : index
      %get3A_297 = vector.load %arg4[%get3A_295, %get3A_296] : memref<3x128xf32, #tpu.memory_space<vmem>>, vector<1x128xf32>
      %mul3A_298 = vector.broadcast %slice3A_294 : vector<2048x1xf32> to vector<2048x128xf32>
      %mul3A_299 = vector.broadcast %get3A_297 : vector<1x128xf32> to vector<2048x128xf32>
      %mul3A_300 = arith.mulf %mul3A_298, %mul3A_299 : vector<2048x128xf32>
      %add3A_301 = arith.addf %add3A_293, %mul3A_300 : vector<2048x128xf32>
      %slice3A_302 = vector.extract_strided_slice %mul3A_27 {offsets = [0, 23], sizes = [2048, 1], strides = [1, 1]} : vector<2048x24xf32> to vector<2048x1xf32>
      %get3A_303 = arith.constant 2 : index
      %get3A_304 = arith.constant 0 : index
      %get3A_305 = vector.load %arg4[%get3A_303, %get3A_304] : memref<3x128xf32, #tpu.memory_space<vmem>>, vector<1x128xf32>
      %mul3A_306 = vector.broadcast %slice3A_302 : vector<2048x1xf32> to vector<2048x128xf32>
      %mul3A_307 = vector.broadcast %get3A_305 : vector<1x128xf32> to vector<2048x128xf32>
      %mul3A_308 = arith.mulf %mul3A_306, %mul3A_307 : vector<2048x128xf32>
      %add3A_309 = arith.addf %add3A_301, %mul3A_308 : vector<2048x128xf32>
      %max3A_310 = arith.constant 0.000000e+00 : f32
      %max3A_311 = vector.broadcast %max3A_310 : f32 to vector<2048x128xf32>
      %max3A_312 = arith.maximumf %add3A_309, %max3A_311 : vector<2048x128xf32>
      %reduce_sum3A_313 = arith.constant dense<0.000000e+00> : vector<128xf32>
      %reduce_sum3A_314 = vector.multi_reduction <add>, %max3A_312, %reduce_sum3A_313 [0] : vector<2048x128xf32> to vector<128xf32>
      %broadcast_in_dim3A_315 = vector.shape_cast %reduce_sum3A_314 : vector<128xf32> to vector<1x128xf32>
      %mul3A_316 = arith.constant 4.8828125E-4 : f32
      %mul3A_317 = vector.broadcast %mul3A_316 : f32 to vector<1x128xf32>
      %mul3A_318 = arith.mulf %broadcast_in_dim3A_315, %mul3A_317 : vector<1x128xf32>
      %concatenate3A = tpu.concatenate %mul3A_59, %mul3A_96, %mul3A_133, %mul3A_170, %mul3A_207, %mul3A_244, %mul3A_281, %mul3A_318 in 0 : vector<1x128xf32>, vector<1x128xf32>, vector<1x128xf32>, vector<1x128xf32>, vector<1x128xf32>, vector<1x128xf32>, vector<1x128xf32>, vector<1x128xf32> -> vector<8x128xf32>
      %mul3A_319 = arith.constant 8 : i32
      %mul3A_320 = arith.muli %sub3A_17, %mul3A_319 : i32
      %swap3A = arith.index_cast %mul3A_320 : i32 to index
      %swap3A_321 = arith.constant 0 : index
      %swap3A_322 = vector.load %arg29[%swap3A, %swap3A_321] : memref<64x128xf32, #tpu.memory_space<vmem>>, vector<8x128xf32>
      tpu.vector_store %arg29[%swap3A, %swap3A_321], %concatenate3A {strides = array<i32>} : memref<64x128xf32, #tpu.memory_space<vmem>>, vector<8x128xf32>,
    } else {
    }
    %eq3A_12 = arith.constant 20 : i32
    %eq3A_13 = arith.cmpi eq, %arg0, %eq3A_12 : i32
    %convert_element_type3A_14 = arith.extui %eq3A_13 : i1 to i32
    %cond3A_15 = arith.constant 0 : i32
    %cond3A_16 = arith.cmpi ne, %convert_element_type3A_14, %cond3A_15 : i32
    scf.if %cond3A_16 {
      %get3A = arith.constant 0 : index
      %get3A_17 = arith.constant 0 : index
      %get3A_18 = vector.load %arg29[%get3A, %get3A_17] : memref<64x128xf32, #tpu.memory_space<vmem>>, vector<64x128xf32>
      %reduce_sum3A = arith.constant dense<0.000000e+00> : vector<64xf32>
      %reduce_sum3A_19 = vector.multi_reduction <add>, %get3A_18, %reduce_sum3A [1] : vector<64x128xf32> to vector<64xf32>
      %broadcast_in_dim3A = vector.shape_cast %reduce_sum3A_19 : vector<64xf32> to vector<64x1xf32>
      %div3A = arith.constant 1.280000e+02 : f32
      %div3A_20 = vector.broadcast %div3A : f32 to vector<64x1xf32>
      %div3A_21 = arith.divf %broadcast_in_dim3A, %div3A_20 : vector<64x1xf32>
      %sub3A = vector.broadcast %div3A_21 : vector<64x1xf32> to vector<64x128xf32>
      %sub3A_22 = arith.subf %get3A_18, %sub3A : vector<64x128xf32>
      %mul3A = arith.mulf %sub3A_22, %sub3A_22 : vector<64x128xf32>
      %reduce_sum3A_23 = arith.constant dense<0.000000e+00> : vector<64xf32>
      %reduce_sum3A_24 = vector.multi_reduction <add>, %mul3A, %reduce_sum3A_23 [1] : vector<64x128xf32> to vector<64xf32>
      %broadcast_in_dim3A_25 = vector.shape_cast %reduce_sum3A_24 : vector<64xf32> to vector<64x1xf32>
      %div3A_26 = arith.constant 1.280000e+02 : f32
      %div3A_27 = vector.broadcast %div3A_26 : f32 to vector<64x1xf32>
      %div3A_28 = arith.divf %broadcast_in_dim3A_25, %div3A_27 : vector<64x1xf32>
      %add3A = arith.constant 9.99999974E-6 : f32
      %add3A_29 = vector.broadcast %add3A : f32 to vector<64x1xf32>
      %add3A_30 = arith.addf %div3A_28, %add3A_29 : vector<64x1xf32>
      %sqrt3A = math.sqrt %add3A_30 : vector<64x1xf32>
      %div3A_31 = arith.constant 1.000000e+00 : f32
      %div3A_32 = vector.broadcast %div3A_31 : f32 to vector<64x1xf32>
      %div3A_33 = arith.divf %div3A_32, %sqrt3A : vector<64x1xf32>
      %mul3A_34 = vector.broadcast %div3A_33 : vector<64x1xf32> to vector<64x128xf32>
      %mul3A_35 = arith.mulf %sub3A_22, %mul3A_34 : vector<64x128xf32>
      %get3A_36 = arith.constant 0 : index
      %get3A_37 = arith.constant 0 : index
      %get3A_38 = vector.load %arg6[%get3A_36, %get3A_37] : memref<3x128xf32, #tpu.memory_space<vmem>>, vector<1x128xf32>
      %get3A_39 = vector.shape_cast %get3A_38 : vector<1x128xf32> to vector<128xf32>
      %broadcast_in_dim3A_40 = vector.shape_cast %get3A_39 : vector<128xf32> to vector<1x128xf32>
      %mul3A_41 = vector.broadcast %broadcast_in_dim3A_40 : vector<1x128xf32> to vector<64x128xf32>
      %mul3A_42 = arith.mulf %mul3A_35, %mul3A_41 : vector<64x128xf32>
      %get3A_43 = arith.constant 0 : index
      %get3A_44 = arith.constant 0 : index
      %get3A_45 = vector.load %arg7[%get3A_43, %get3A_44] : memref<3x128xf32, #tpu.memory_space<vmem>>, vector<1x128xf32>
      %get3A_46 = vector.shape_cast %get3A_45 : vector<1x128xf32> to vector<128xf32>
      %broadcast_in_dim3A_47 = vector.shape_cast %get3A_46 : vector<128xf32> to vector<1x128xf32>
      %add3A_48 = vector.broadcast %broadcast_in_dim3A_47 : vector<1x128xf32> to vector<64x128xf32>
      %add3A_49 = arith.addf %mul3A_42, %add3A_48 : vector<64x128xf32>
      %get3A_50 = arith.constant 0 : index
      %get3A_51 = arith.constant 0 : index
      %get3A_52 = arith.constant 0 : index
      %get3A_53 = vector.load %arg8[%get3A_50, %get3A_51, %get3A_52] : memref<3x128x512xf32, #tpu.memory_space<vmem>>, vector<1x128x512xf32>
      %get3A_54 = vector.shape_cast %get3A_53 : vector<1x128x512xf32> to vector<128x512xf32>
      %dot_general3A = arith.constant dense<0.000000e+00> : vector<64x512xf32>
      %dot_general3A_55 = tpu.matmul %add3A_49, %get3A_54, %dot_general3A {dimension_numbers = #tpu.dot_dimension_numbers<[1], [0], [0], [1], [0, 0, 1, 1], [], []>, precision = #tpu.contract_precision<fp32>, transpose_lhs_hint = false} : vector<64x128xf32>, vector<128x512xf32>, vector<64x512xf32> -> vector<64x512xf32>
      %slice3A = vector.extract_strided_slice %dot_general3A_55 {offsets = [0, 0], sizes = [64, 256], strides = [1, 1]} : vector<64x512xf32> to vector<64x256xf32>
      %slice3A_56 = vector.extract_strided_slice %dot_general3A_55 {offsets = [0, 256], sizes = [64, 256], strides = [1, 1]} : vector<64x512xf32> to vector<64x256xf32>
      %reshape3A = vector.shape_cast %slice3A : vector<64x256xf32> to vector<4x16x256xf32>
      %get3A_57 = arith.constant 0 : index
      %get3A_58 = arith.constant 0 : index
      %get3A_59 = arith.constant 3 : index
      %get3A_60 = vector.load %arg9[%get3A_57, %get3A_58, %get3A_59] : memref<3x256x4xf32, #tpu.memory_space<vmem>>, vector<1x256x1xf32>
      %get3A_61 = vector.shape_cast %get3A_60 : vector<1x256x1xf32> to vector<256xf32>
      %broadcast_in_dim3A_62 = vector.shape_cast %get3A_61 : vector<256xf32> to vector<1x1x256xf32>
      %mul3A_63 = vector.broadcast %broadcast_in_dim3A_62 : vector<1x1x256xf32> to vector<4x16x256xf32>
      %mul3A_64 = arith.mulf %reshape3A, %mul3A_63 : vector<4x16x256xf32>
      %broadcast_in_dim3A_65 = arith.constant 0.000000e+00 : f32
      %broadcast_in_dim3A_66 = vector.broadcast %broadcast_in_dim3A_65 : f32 to vector<4x3x256xf32>
      %slice3A_67 = vector.extract_strided_slice %reshape3A {offsets = [0, 0, 0], sizes = [4, 13, 256], strides = [1, 1, 1]} : vector<4x16x256xf32> to vector<4x13x256xf32>
      %concatenate3A = tpu.concatenate %broadcast_in_dim3A_66, %slice3A_67 in 1 : vector<4x3x256xf32>, vector<4x13x256xf32> -> vector<4x16x256xf32>
      %get3A_68 = arith.constant 0 : index
      %get3A_69 = arith.constant 0 : index
      %get3A_70 = arith.constant 0 : index
      %get3A_71 = vector.load %arg9[%get3A_68, %get3A_69, %get3A_70] : memref<3x256x4xf32, #tpu.memory_space<vmem>>, vector<1x256x1xf32>
      %get3A_72 = vector.shape_cast %get3A_71 : vector<1x256x1xf32> to vector<256xf32>
      %broadcast_in_dim3A_73 = vector.shape_cast %get3A_72 : vector<256xf32> to vector<1x1x256xf32>
      %mul3A_74 = vector.broadcast %broadcast_in_dim3A_73 : vector<1x1x256xf32> to vector<4x16x256xf32>
      %mul3A_75 = arith.mulf %concatenate3A, %mul3A_74 : vector<4x16x256xf32>
      %add3A_76 = arith.addf %mul3A_64, %mul3A_75 : vector<4x16x256xf32>
      %broadcast_in_dim3A_77 = arith.constant 0.000000e+00 : f32
      %broadcast_in_dim3A_78 = vector.broadcast %broadcast_in_dim3A_77 : f32 to vector<4x2x256xf32>
      %slice3A_79 = vector.extract_strided_slice %reshape3A {offsets = [0, 0, 0], sizes = [4, 14, 256], strides = [1, 1, 1]} : vector<4x16x256xf32> to vector<4x14x256xf32>
      %concatenate3A_80 = tpu.concatenate %broadcast_in_dim3A_78, %slice3A_79 in 1 : vector<4x2x256xf32>, vector<4x14x256xf32> -> vector<4x16x256xf32>
      %get3A_81 = arith.constant 0 : index
      %get3A_82 = arith.constant 0 : index
      %get3A_83 = arith.constant 1 : index
      %get3A_84 = vector.load %arg9[%get3A_81, %get3A_82, %get3A_83] : memref<3x256x4xf32, #tpu.memory_space<vmem>>, vector<1x256x1xf32>
      %get3A_85 = vector.shape_cast %get3A_84 : vector<1x256x1xf32> to vector<256xf32>
      %broadcast_in_dim3A_86 = vector.shape_cast %get3A_85 : vector<256xf32> to vector<1x1x256xf32>
      %mul3A_87 = vector.broadcast %broadcast_in_dim3A_86 : vector<1x1x256xf32> to vector<4x16x256xf32>
      %mul3A_88 = arith.mulf %concatenate3A_80, %mul3A_87 : vector<4x16x256xf32>
      %add3A_89 = arith.addf %add3A_76, %mul3A_88 : vector<4x16x256xf32>
      %broadcast_in_dim3A_90 = arith.constant 0.000000e+00 : f32
      %broadcast_in_dim3A_91 = vector.broadcast %broadcast_in_dim3A_90 : f32 to vector<4x1x256xf32>
      %slice3A_92 = vector.extract_strided_slice %reshape3A {offsets = [0, 0, 0], sizes = [4, 15, 256], strides = [1, 1, 1]} : vector<4x16x256xf32> to vector<4x15x256xf32>
      %concatenate3A_93 = tpu.concatenate %broadcast_in_dim3A_91, %slice3A_92 in 1 : vector<4x1x256xf32>, vector<4x15x256xf32> -> vector<4x16x256xf32>
      %get3A_94 = arith.constant 0 : index
      %get3A_95 = arith.constant 0 : index
      %get3A_96 = arith.constant 2 : index
      %get3A_97 = vector.load %arg9[%get3A_94, %get3A_95, %get3A_96] : memref<3x256x4xf32, #tpu.memory_space<vmem>>, vector<1x256x1xf32>
      %get3A_98 = vector.shape_cast %get3A_97 : vector<1x256x1xf32> to vector<256xf32>
      %broadcast_in_dim3A_99 = vector.shape_cast %get3A_98 : vector<256xf32> to vector<1x1x256xf32>
      %mul3A_100 = vector.broadcast %broadcast_in_dim3A_99 : vector<1x1x256xf32> to vector<4x16x256xf32>
      %mul3A_101 = arith.mulf %concatenate3A_93, %mul3A_100 : vector<4x16x256xf32>
      %add3A_102 = arith.addf %add3A_89, %mul3A_101 : vector<4x16x256xf32>
      %reshape3A_103 = vector.shape_cast %add3A_102 : vector<4x16x256xf32> to vector<64x256xf32>
      %get3A_104 = arith.constant 0 : index
      %get3A_105 = arith.constant 0 : index
      %get3A_106 = vector.load %arg10[%get3A_104, %get3A_105] : memref<3x256xf32, #tpu.memory_space<vmem>>, vector<1x256xf32>
      %get3A_107 = vector.shape_cast %get3A_106 : vector<1x256xf32> to vector<256xf32>
      %broadcast_in_dim3A_108 = vector.shape_cast %get3A_107 : vector<256xf32> to vector<1x256xf32>
      %add3A_109 = vector.broadcast %broadcast_in_dim3A_108 : vector<1x256xf32> to vector<64x256xf32>
      %add3A_110 = arith.addf %reshape3A_103, %add3A_109 : vector<64x256xf32>
      %logistic3A = arith.negf %add3A_110 : vector<64x256xf32>
      %logistic3A_111 = math.exp %logistic3A : vector<64x256xf32>
      %logistic3A_112 = arith.constant 1.000000e+00 : f32
      %logistic3A_113 = vector.broadcast %logistic3A_112 : f32 to vector<64x256xf32>
      %logistic3A_114 = arith.addf %logistic3A_113, %logistic3A_111 : vector<64x256xf32>
      %logistic3A_115 = arith.divf %logistic3A_113, %logistic3A_114 : vector<64x256xf32>
      %mul3A_116 = arith.mulf %add3A_110, %logistic3A_115 : vector<64x256xf32>
      %get3A_117 = arith.constant 0 : index
      %get3A_118 = arith.constant 0 : index
      %get3A_119 = arith.constant 0 : index
      %get3A_120 = vector.load %arg11[%get3A_117, %get3A_118, %get3A_119] : memref<3x256x8xf32, #tpu.memory_space<vmem>>, vector<1x256x8xf32>
      %get3A_121 = vector.shape_cast %get3A_120 : vector<1x256x8xf32> to vector<256x8xf32>
      %dot_general3A_122 = arith.constant dense<0.000000e+00> : vector<64x8xf32>
      %dot_general3A_123 = tpu.matmul %mul3A_116, %get3A_121, %dot_general3A_122 {dimension_numbers = #tpu.dot_dimension_numbers<[1], [0], [0], [1], [0, 0, 1, 1], [], []>, precision = #tpu.contract_precision<fp32>, transpose_lhs_hint = false} : vector<64x256xf32>, vector<256x8xf32>, vector<64x8xf32> -> vector<64x8xf32>
      %get3A_124 = arith.constant 0 : index
      %get3A_125 = arith.constant 0 : index
      %get3A_126 = arith.constant 0 : index
      %get3A_127 = vector.load %arg14[%get3A_124, %get3A_125, %get3A_126] : memref<3x8x256xf32, #tpu.memory_space<vmem>>, vector<1x8x256xf32>
      %get3A_128 = vector.shape_cast %get3A_127 : vector<1x8x256xf32> to vector<8x256xf32>
      %dot_general3A_129 = arith.constant dense<0.000000e+00> : vector<64x256xf32>
      %dot_general3A_130 = tpu.matmul %dot_general3A_123, %get3A_128, %dot_general3A_129 {dimension_numbers = #tpu.dot_dimension_numbers<[1], [0], [0], [1], [0, 0, 1, 1], [], []>, precision = #tpu.contract_precision<fp32>, transpose_lhs_hint = false} : vector<64x8xf32>, vector<8x256xf32>, vector<64x256xf32> -> vector<64x256xf32>
      %get3A_131 = arith.constant 0 : index
      %get3A_132 = arith.constant 0 : index
      %get3A_133 = vector.load %arg15[%get3A_131, %get3A_132] : memref<3x256xf32, #tpu.memory_space<vmem>>, vector<1x256xf32>
      %get3A_134 = vector.shape_cast %get3A_133 : vector<1x256xf32> to vector<256xf32>
      %broadcast_in_dim3A_135 = vector.shape_cast %get3A_134 : vector<256xf32> to vector<1x256xf32>
      %add3A_136 = vector.broadcast %broadcast_in_dim3A_135 : vector<1x256xf32> to vector<64x256xf32>
      %add3A_137 = arith.addf %dot_general3A_130, %add3A_136 : vector<64x256xf32>
      %max3A = arith.constant 0.000000e+00 : f32
      %max3A_138 = vector.broadcast %max3A : f32 to vector<64x256xf32>
      %max3A_139 = arith.maximumf %add3A_137, %max3A_138 : vector<64x256xf32>
      %abs3A = math.absf %add3A_137 : vector<64x256xf32>
      %neg3A = arith.constant 0.000000e+00 : f32
      %neg3A_140 = vector.broadcast %neg3A : f32 to vector<64x256xf32>
      %neg3A_141 = arith.subf %neg3A_140, %abs3A : vector<64x256xf32>
      %exp3A = math.exp %neg3A_141 : vector<64x256xf32>
      %add3A_142 = arith.constant 1.000000e+00 : f32
      %add3A_143 = vector.broadcast %add3A_142 : f32 to vector<64x256xf32>
      %add3A_144 = arith.addf %add3A_143, %exp3A : vector<64x256xf32>
      %log3A = math.log %add3A_144 : vector<64x256xf32>
      %add3A_145 = arith.addf %max3A_139, %log3A : vector<64x256xf32>
      %get3A_146 = arith.constant 0 : index
      %get3A_147 = arith.constant 0 : index
      %get3A_148 = arith.constant 0 : index
      %get3A_149 = vector.load %arg12[%get3A_146, %get3A_147, %get3A_148] : memref<3x256x32xf32, #tpu.memory_space<vmem>>, vector<1x256x32xf32>
      %get3A_150 = vector.shape_cast %get3A_149 : vector<1x256x32xf32> to vector<256x32xf32>
      %dot_general3A_151 = arith.constant dense<0.000000e+00> : vector<64x32xf32>
      %dot_general3A_152 = tpu.matmul %mul3A_116, %get3A_150, %dot_general3A_151 {dimension_numbers = #tpu.dot_dimension_numbers<[1], [0], [0], [1], [0, 0, 1, 1], [], []>, precision = #tpu.contract_precision<fp32>, transpose_lhs_hint = false} : vector<64x256xf32>, vector<256x32xf32>, vector<64x32xf32> -> vector<64x32xf32>
      %get3A_153 = arith.constant 0 : index
      %get3A_154 = arith.constant 0 : index
      %get3A_155 = arith.constant 0 : index
      %get3A_156 = vector.load %arg13[%get3A_153, %get3A_154, %get3A_155] : memref<3x256x32xf32, #tpu.memory_space<vmem>>, vector<1x256x32xf32>
      %get3A_157 = vector.shape_cast %get3A_156 : vector<1x256x32xf32> to vector<256x32xf32>
      %dot_general3A_158 = arith.constant dense<0.000000e+00> : vector<64x32xf32>
      %dot_general3A_159 = tpu.matmul %mul3A_116, %get3A_157, %dot_general3A_158 {dimension_numbers = #tpu.dot_dimension_numbers<[1], [0], [0], [1], [0, 0, 1, 1], [], []>, precision = #tpu.contract_precision<fp32>, transpose_lhs_hint = false} : vector<64x256xf32>, vector<256x32xf32>, vector<64x32xf32> -> vector<64x32xf32>
      %get3A_160 = arith.constant 0 : index
      %get3A_161 = arith.constant 0 : index
      %get3A_162 = arith.constant 0 : index
      %get3A_163 = vector.load %arg16[%get3A_160, %get3A_161, %get3A_162] : memref<3x32x256xf32, #tpu.memory_space<vmem>>, vector<1x32x256xf32>
      %get3A_164 = vector.shape_cast %get3A_163 : vector<1x32x256xf32> to vector<32x256xf32>
      %exp3A_165 = math.exp %get3A_164 : vector<32x256xf32>
      %neg3A_166 = arith.constant 0.000000e+00 : f32
      %neg3A_167 = vector.broadcast %neg3A_166 : f32 to vector<32x256xf32>
      %neg3A_168 = arith.subf %neg3A_167, %exp3A_165 : vector<32x256xf32>
      %reshape3A_169 = vector.shape_cast %add3A_145 : vector<64x256xf32> to vector<4x16x256xf32>
      %reshape3A_170 = vector.shape_cast %mul3A_116 : vector<64x256xf32> to vector<4x16x256xf32>
      %reshape3A_171 = vector.shape_cast %dot_general3A_152 : vector<64x32xf32> to vector<4x16x32xf32>
      %reshape3A_172 = vector.shape_cast %dot_general3A_159 : vector<64x32xf32> to vector<4x16x32xf32>
      %broadcast_in_dim3A_173 = arith.constant 0.000000e+00 : f32
      %broadcast_in_dim3A_174 = vector.broadcast %broadcast_in_dim3A_173 : f32 to vector<4x32x256xf32>
      %slice3A_175 = vector.extract_strided_slice %reshape3A_169 {offsets = [0, 0, 0], sizes = [4, 1, 256], strides = [1, 1, 1]} : vector<4x16x256xf32> to vector<4x1x256xf32>
      %squeeze3A = vector.shape_cast %slice3A_175 : vector<4x1x256xf32> to vector<4x256xf32>
      %broadcast_in_dim3A_176 = vector.shape_cast %squeeze3A : vector<4x256xf32> to vector<4x1x256xf32>
      %broadcast_in_dim3A_177 = vector.shape_cast %neg3A_168 : vector<32x256xf32> to vector<1x32x256xf32>
      %mul3A_178 = vector.broadcast %broadcast_in_dim3A_176 : vector<4x1x256xf32> to vector<4x32x256xf32>
      %mul3A_179 = vector.broadcast %broadcast_in_dim3A_177 : vector<1x32x256xf32> to vector<4x32x256xf32>
      %mul3A_180 = arith.mulf %mul3A_178, %mul3A_179 : vector<4x32x256xf32>
      %exp3A_181 = math.exp %mul3A_180 : vector<4x32x256xf32>
      %slice3A_182 = vector.extract_strided_slice %reshape3A_170 {offsets = [0, 0, 0], sizes = [4, 1, 256], strides = [1, 1, 1]} : vector<4x16x256xf32> to vector<4x1x256xf32>
      %squeeze3A_183 = vector.shape_cast %slice3A_182 : vector<4x1x256xf32> to vector<4x256xf32>
      %broadcast_in_dim3A_184 = vector.shape_cast %squeeze3A_183 : vector<4x256xf32> to vector<4x1x256xf32>
      %slice3A_185 = vector.extract_strided_slice %reshape3A_171 {offsets = [0, 0, 0], sizes = [4, 1, 32], strides = [1, 1, 1]} : vector<4x16x32xf32> to vector<4x1x32xf32>
      %squeeze3A_186 = vector.shape_cast %slice3A_185 : vector<4x1x32xf32> to vector<4x32xf32>
      %broadcast_in_dim3A_187 = vector.shape_cast %squeeze3A_186 : vector<4x32xf32> to vector<4x32x1xf32>
      %mul3A_188 = arith.mulf %exp3A_181, %broadcast_in_dim3A_174 : vector<4x32x256xf32>
      %mul3A_189 = vector.broadcast %broadcast_in_dim3A_176 : vector<4x1x256xf32> to vector<4x32x256xf32>
      %mul3A_190 = vector.broadcast %broadcast_in_dim3A_187 : vector<4x32x1xf32> to vector<4x32x256xf32>
      %mul3A_191 = arith.mulf %mul3A_189, %mul3A_190 : vector<4x32x256xf32>
      %mul3A_192 = vector.broadcast %broadcast_in_dim3A_184 : vector<4x1x256xf32> to vector<4x32x256xf32>
      %mul3A_193 = arith.mulf %mul3A_191, %mul3A_192 : vector<4x32x256xf32>
      %add3A_194 = arith.addf %mul3A_188, %mul3A_193 : vector<4x32x256xf32>
      %slice3A_195 = vector.extract_strided_slice %reshape3A_172 {offsets = [0, 0, 0], sizes = [4, 1, 32], strides = [1, 1, 1]} : vector<4x16x32xf32> to vector<4x1x32xf32>
      %squeeze3A_196 = vector.shape_cast %slice3A_195 : vector<4x1x32xf32> to vector<4x32xf32>
      %broadcast_in_dim3A_197 = vector.shape_cast %squeeze3A_196 : vector<4x32xf32> to vector<4x32x1xf32>
      %mul3A_198 = vector.broadcast %broadcast_in_dim3A_197 : vector<4x32x1xf32> to vector<4x32x256xf32>
      %mul3A_199 = arith.mulf %add3A_194, %mul3A_198 : vector<4x32x256xf32>
      %reduce_sum3A_200 = arith.constant dense<0.000000e+00> : vector<4x256xf32>
      %reduce_sum3A_201 = vector.multi_reduction <add>, %mul3A_199, %reduce_sum3A_200 [1] : vector<4x32x256xf32> to vector<4x256xf32>
      %slice3A_202 = vector.extract_strided_slice %reshape3A_169 {offsets = [0, 1, 0], sizes = [4, 1, 256], strides = [1, 1, 1]} : vector<4x16x256xf32> to vector<4x1x256xf32>
      %squeeze3A_203 = vector.shape_cast %slice3A_202 : vector<4x1x256xf32> to vector<4x256xf32>
      %broadcast_in_dim3A_204 = vector.shape_cast %squeeze3A_203 : vector<4x256xf32> to vector<4x1x256xf32>
      %broadcast_in_dim3A_205 = vector.shape_cast %neg3A_168 : vector<32x256xf32> to vector<1x32x256xf32>
      %mul3A_206 = vector.broadcast %broadcast_in_dim3A_204 : vector<4x1x256xf32> to vector<4x32x256xf32>
      %mul3A_207 = vector.broadcast %broadcast_in_dim3A_205 : vector<1x32x256xf32> to vector<4x32x256xf32>
      %mul3A_208 = arith.mulf %mul3A_206, %mul3A_207 : vector<4x32x256xf32>
      %exp3A_209 = math.exp %mul3A_208 : vector<4x32x256xf32>
      %slice3A_210 = vector.extract_strided_slice %reshape3A_170 {offsets = [0, 1, 0], sizes = [4, 1, 256], strides = [1, 1, 1]} : vector<4x16x256xf32> to vector<4x1x256xf32>
      %squeeze3A_211 = vector.shape_cast %slice3A_210 : vector<4x1x256xf32> to vector<4x256xf32>
      %broadcast_in_dim3A_212 = vector.shape_cast %squeeze3A_211 : vector<4x256xf32> to vector<4x1x256xf32>
      %slice3A_213 = vector.extract_strided_slice %reshape3A_171 {offsets = [0, 1, 0], sizes = [4, 1, 32], strides = [1, 1, 1]} : vector<4x16x32xf32> to vector<4x1x32xf32>
      %squeeze3A_214 = vector.shape_cast %slice3A_213 : vector<4x1x32xf32> to vector<4x32xf32>
      %broadcast_in_dim3A_215 = vector.shape_cast %squeeze3A_214 : vector<4x32xf32> to vector<4x32x1xf32>
      %mul3A_216 = arith.mulf %exp3A_209, %add3A_194 : vector<4x32x256xf32>
      %mul3A_217 = vector.broadcast %broadcast_in_dim3A_204 : vector<4x1x256xf32> to vector<4x32x256xf32>
      %mul3A_218 = vector.broadcast %broadcast_in_dim3A_215 : vector<4x32x1xf32> to vector<4x32x256xf32>
      %mul3A_219 = arith.mulf %mul3A_217, %mul3A_218 : vector<4x32x256xf32>
      %mul3A_220 = vector.broadcast %broadcast_in_dim3A_212 : vector<4x1x256xf32> to vector<4x32x256xf32>
      %mul3A_221 = arith.mulf %mul3A_219, %mul3A_220 : vector<4x32x256xf32>
      %add3A_222 = arith.addf %mul3A_216, %mul3A_221 : vector<4x32x256xf32>
      %slice3A_223 = vector.extract_strided_slice %reshape3A_172 {offsets = [0, 1, 0], sizes = [4, 1, 32], strides = [1, 1, 1]} : vector<4x16x32xf32> to vector<4x1x32xf32>
      %squeeze3A_224 = vector.shape_cast %slice3A_223 : vector<4x1x32xf32> to vector<4x32xf32>
      %broadcast_in_dim3A_225 = vector.shape_cast %squeeze3A_224 : vector<4x32xf32> to vector<4x32x1xf32>
      %mul3A_226 = vector.broadcast %broadcast_in_dim3A_225 : vector<4x32x1xf32> to vector<4x32x256xf32>
      %mul3A_227 = arith.mulf %add3A_222, %mul3A_226 : vector<4x32x256xf32>
      %reduce_sum3A_228 = arith.constant dense<0.000000e+00> : vector<4x256xf32>
      %reduce_sum3A_229 = vector.multi_reduction <add>, %mul3A_227, %reduce_sum3A_228 [1] : vector<4x32x256xf32> to vector<4x256xf32>
      %slice3A_230 = vector.extract_strided_slice %reshape3A_169 {offsets = [0, 2, 0], sizes = [4, 1, 256], strides = [1, 1, 1]} : vector<4x16x256xf32> to vector<4x1x256xf32>
      %squeeze3A_231 = vector.shape_cast %slice3A_230 : vector<4x1x256xf32> to vector<4x256xf32>
      %broadcast_in_dim3A_232 = vector.shape_cast %squeeze3A_231 : vector<4x256xf32> to vector<4x1x256xf32>
      %broadcast_in_dim3A_233 = vector.shape_cast %neg3A_168 : vector<32x256xf32> to vector<1x32x256xf32>
      %mul3A_234 = vector.broadcast %broadcast_in_dim3A_232 : vector<4x1x256xf32> to vector<4x32x256xf32>
      %mul3A_235 = vector.broadcast %broadcast_in_dim3A_233 : vector<1x32x256xf32> to vector<4x32x256xf32>
      %mul3A_236 = arith.mulf %mul3A_234, %mul3A_235 : vector<4x32x256xf32>
      %exp3A_237 = math.exp %mul3A_236 : vector<4x32x256xf32>
      %slice3A_238 = vector.extract_strided_slice %reshape3A_170 {offsets = [0, 2, 0], sizes = [4, 1, 256], strides = [1, 1, 1]} : vector<4x16x256xf32> to vector<4x1x256xf32>
      %squeeze3A_239 = vector.shape_cast %slice3A_238 : vector<4x1x256xf32> to vector<4x256xf32>
      %broadcast_in_dim3A_240 = vector.shape_cast %squeeze3A_239 : vector<4x256xf32> to vector<4x1x256xf32>
      %slice3A_241 = vector.extract_strided_slice %reshape3A_171 {offsets = [0, 2, 0], sizes = [4, 1, 32], strides = [1, 1, 1]} : vector<4x16x32xf32> to vector<4x1x32xf32>
      %squeeze3A_242 = vector.shape_cast %slice3A_241 : vector<4x1x32xf32> to vector<4x32xf32>
      %broadcast_in_dim3A_243 = vector.shape_cast %squeeze3A_242 : vector<4x32xf32> to vector<4x32x1xf32>
      %mul3A_244 = arith.mulf %exp3A_237, %add3A_222 : vector<4x32x256xf32>
      %mul3A_245 = vector.broadcast %broadcast_in_dim3A_232 : vector<4x1x256xf32> to vector<4x32x256xf32>
      %mul3A_246 = vector.broadcast %broadcast_in_dim3A_243 : vector<4x32x1xf32> to vector<4x32x256xf32>
      %mul3A_247 = arith.mulf %mul3A_245, %mul3A_246 : vector<4x32x256xf32>
      %mul3A_248 = vector.broadcast %broadcast_in_dim3A_240 : vector<4x1x256xf32> to vector<4x32x256xf32>
      %mul3A_249 = arith.mulf %mul3A_247, %mul3A_248 : vector<4x32x256xf32>
      %add3A_250 = arith.addf %mul3A_244, %mul3A_249 : vector<4x32x256xf32>
      %slice3A_251 = vector.extract_strided_slice %reshape3A_172 {offsets = [0, 2, 0], sizes = [4, 1, 32], strides = [1, 1, 1]} : vector<4x16x32xf32> to vector<4x1x32xf32>
      %squeeze3A_252 = vector.shape_cast %slice3A_251 : vector<4x1x32xf32> to vector<4x32xf32>
      %broadcast_in_dim3A_253 = vector.shape_cast %squeeze3A_252 : vector<4x32xf32> to vector<4x32x1xf32>
      %mul3A_254 = vector.broadcast %broadcast_in_dim3A_253 : vector<4x32x1xf32> to vector<4x32x256xf32>
      %mul3A_255 = arith.mulf %add3A_250, %mul3A_254 : vector<4x32x256xf32>
      %reduce_sum3A_256 = arith.constant dense<0.000000e+00> : vector<4x256xf32>
      %reduce_sum3A_257 = vector.multi_reduction <add>, %mul3A_255, %reduce_sum3A_256 [1] : vector<4x32x256xf32> to vector<4x256xf32>
      %slice3A_258 = vector.extract_strided_slice %reshape3A_169 {offsets = [0, 3, 0], sizes = [4, 1, 256], strides = [1, 1, 1]} : vector<4x16x256xf32> to vector<4x1x256xf32>
      %squeeze3A_259 = vector.shape_cast %slice3A_258 : vector<4x1x256xf32> to vector<4x256xf32>
      %broadcast_in_dim3A_260 = vector.shape_cast %squeeze3A_259 : vector<4x256xf32> to vector<4x1x256xf32>
      %broadcast_in_dim3A_261 = vector.shape_cast %neg3A_168 : vector<32x256xf32> to vector<1x32x256xf32>
      %mul3A_262 = vector.broadcast %broadcast_in_dim3A_260 : vector<4x1x256xf32> to vector<4x32x256xf32>
      %mul3A_263 = vector.broadcast %broadcast_in_dim3A_261 : vector<1x32x256xf32> to vector<4x32x256xf32>
      %mul3A_264 = arith.mulf %mul3A_262, %mul3A_263 : vector<4x32x256xf32>
      %exp3A_265 = math.exp %mul3A_264 : vector<4x32x256xf32>
      %slice3A_266 = vector.extract_strided_slice %reshape3A_170 {offsets = [0, 3, 0], sizes = [4, 1, 256], strides = [1, 1, 1]} : vector<4x16x256xf32> to vector<4x1x256xf32>
      %squeeze3A_267 = vector.shape_cast %slice3A_266 : vector<4x1x256xf32> to vector<4x256xf32>
      %broadcast_in_dim3A_268 = vector.shape_cast %squeeze3A_267 : vector<4x256xf32> to vector<4x1x256xf32>
      %slice3A_269 = vector.extract_strided_slice %reshape3A_171 {offsets = [0, 3, 0], sizes = [4, 1, 32], strides = [1, 1, 1]} : vector<4x16x32xf32> to vector<4x1x32xf32>
      %squeeze3A_270 = vector.shape_cast %slice3A_269 : vector<4x1x32xf32> to vector<4x32xf32>
      %broadcast_in_dim3A_271 = vector.shape_cast %squeeze3A_270 : vector<4x32xf32> to vector<4x32x1xf32>
      %mul3A_272 = arith.mulf %exp3A_265, %add3A_250 : vector<4x32x256xf32>
      %mul3A_273 = vector.broadcast %broadcast_in_dim3A_260 : vector<4x1x256xf32> to vector<4x32x256xf32>
      %mul3A_274 = vector.broadcast %broadcast_in_dim3A_271 : vector<4x32x1xf32> to vector<4x32x256xf32>
      %mul3A_275 = arith.mulf %mul3A_273, %mul3A_274 : vector<4x32x256xf32>
      %mul3A_276 = vector.broadcast %broadcast_in_dim3A_268 : vector<4x1x256xf32> to vector<4x32x256xf32>
      %mul3A_277 = arith.mulf %mul3A_275, %mul3A_276 : vector<4x32x256xf32>
      %add3A_278 = arith.addf %mul3A_272, %mul3A_277 : vector<4x32x256xf32>
      %slice3A_279 = vector.extract_strided_slice %reshape3A_172 {offsets = [0, 3, 0], sizes = [4, 1, 32], strides = [1, 1, 1]} : vector<4x16x32xf32> to vector<4x1x32xf32>
      %squeeze3A_280 = vector.shape_cast %slice3A_279 : vector<4x1x32xf32> to vector<4x32xf32>
      %broadcast_in_dim3A_281 = vector.shape_cast %squeeze3A_280 : vector<4x32xf32> to vector<4x32x1xf32>
      %mul3A_282 = vector.broadcast %broadcast_in_dim3A_281 : vector<4x32x1xf32> to vector<4x32x256xf32>
      %mul3A_283 = arith.mulf %add3A_278, %mul3A_282 : vector<4x32x256xf32>
      %reduce_sum3A_284 = arith.constant dense<0.000000e+00> : vector<4x256xf32>
      %reduce_sum3A_285 = vector.multi_reduction <add>, %mul3A_283, %reduce_sum3A_284 [1] : vector<4x32x256xf32> to vector<4x256xf32>
      %slice3A_286 = vector.extract_strided_slice %reshape3A_169 {offsets = [0, 4, 0], sizes = [4, 1, 256], strides = [1, 1, 1]} : vector<4x16x256xf32> to vector<4x1x256xf32>
      %squeeze3A_287 = vector.shape_cast %slice3A_286 : vector<4x1x256xf32> to vector<4x256xf32>
      %broadcast_in_dim3A_288 = vector.shape_cast %squeeze3A_287 : vector<4x256xf32> to vector<4x1x256xf32>
      %broadcast_in_dim3A_289 = vector.shape_cast %neg3A_168 : vector<32x256xf32> to vector<1x32x256xf32>
      %mul3A_290 = vector.broadcast %broadcast_in_dim3A_288 : vector<4x1x256xf32> to vector<4x32x256xf32>
      %mul3A_291 = vector.broadcast %broadcast_in_dim3A_289 : vector<1x32x256xf32> to vector<4x32x256xf32>
      %mul3A_292 = arith.mulf %mul3A_290, %mul3A_291 : vector<4x32x256xf32>
      %exp3A_293 = math.exp %mul3A_292 : vector<4x32x256xf32>
      %slice3A_294 = vector.extract_strided_slice %reshape3A_170 {offsets = [0, 4, 0], sizes = [4, 1, 256], strides = [1, 1, 1]} : vector<4x16x256xf32> to vector<4x1x256xf32>
      %squeeze3A_295 = vector.shape_cast %slice3A_294 : vector<4x1x256xf32> to vector<4x256xf32>
      %broadcast_in_dim3A_296 = vector.shape_cast %squeeze3A_295 : vector<4x256xf32> to vector<4x1x256xf32>
      %slice3A_297 = vector.extract_strided_slice %reshape3A_171 {offsets = [0, 4, 0], sizes = [4, 1, 32], strides = [1, 1, 1]} : vector<4x16x32xf32> to vector<4x1x32xf32>
      %squeeze3A_298 = vector.shape_cast %slice3A_297 : vector<4x1x32xf32> to vector<4x32xf32>
      %broadcast_in_dim3A_299 = vector.shape_cast %squeeze3A_298 : vector<4x32xf32> to vector<4x32x1xf32>
      %mul3A_300 = arith.mulf %exp3A_293, %add3A_278 : vector<4x32x256xf32>
      %mul3A_301 = vector.broadcast %broadcast_in_dim3A_288 : vector<4x1x256xf32> to vector<4x32x256xf32>
      %mul3A_302 = vector.broadcast %broadcast_in_dim3A_299 : vector<4x32x1xf32> to vector<4x32x256xf32>
      %mul3A_303 = arith.mulf %mul3A_301, %mul3A_302 : vector<4x32x256xf32>
      %mul3A_304 = vector.broadcast %broadcast_in_dim3A_296 : vector<4x1x256xf32> to vector<4x32x256xf32>
      %mul3A_305 = arith.mulf %mul3A_303, %mul3A_304 : vector<4x32x256xf32>
      %add3A_306 = arith.addf %mul3A_300, %mul3A_305 : vector<4x32x256xf32>
      %slice3A_307 = vector.extract_strided_slice %reshape3A_172 {offsets = [0, 4, 0], sizes = [4, 1, 32], strides = [1, 1, 1]} : vector<4x16x32xf32> to vector<4x1x32xf32>
      %squeeze3A_308 = vector.shape_cast %slice3A_307 : vector<4x1x32xf32> to vector<4x32xf32>
      %broadcast_in_dim3A_309 = vector.shape_cast %squeeze3A_308 : vector<4x32xf32> to vector<4x32x1xf32>
      %mul3A_310 = vector.broadcast %broadcast_in_dim3A_309 : vector<4x32x1xf32> to vector<4x32x256xf32>
      %mul3A_311 = arith.mulf %add3A_306, %mul3A_310 : vector<4x32x256xf32>
      %reduce_sum3A_312 = arith.constant dense<0.000000e+00> : vector<4x256xf32>
      %reduce_sum3A_313 = vector.multi_reduction <add>, %mul3A_311, %reduce_sum3A_312 [1] : vector<4x32x256xf32> to vector<4x256xf32>
      %slice3A_314 = vector.extract_strided_slice %reshape3A_169 {offsets = [0, 5, 0], sizes = [4, 1, 256], strides = [1, 1, 1]} : vector<4x16x256xf32> to vector<4x1x256xf32>
      %squeeze3A_315 = vector.shape_cast %slice3A_314 : vector<4x1x256xf32> to vector<4x256xf32>
      %broadcast_in_dim3A_316 = vector.shape_cast %squeeze3A_315 : vector<4x256xf32> to vector<4x1x256xf32>
      %broadcast_in_dim3A_317 = vector.shape_cast %neg3A_168 : vector<32x256xf32> to vector<1x32x256xf32>
      %mul3A_318 = vector.broadcast %broadcast_in_dim3A_316 : vector<4x1x256xf32> to vector<4x32x256xf32>
      %mul3A_319 = vector.broadcast %broadcast_in_dim3A_317 : vector<1x32x256xf32> to vector<4x32x256xf32>
      %mul3A_320 = arith.mulf %mul3A_318, %mul3A_319 : vector<4x32x256xf32>
      %exp3A_321 = math.exp %mul3A_320 : vector<4x32x256xf32>
      %slice3A_322 = vector.extract_strided_slice %reshape3A_170 {offsets = [0, 5, 0], sizes = [4, 1, 256], strides = [1, 1, 1]} : vector<4x16x256xf32> to vector<4x1x256xf32>
      %squeeze3A_323 = vector.shape_cast %slice3A_322 : vector<4x1x256xf32> to vector<4x256xf32>
      %broadcast_in_dim3A_324 = vector.shape_cast %squeeze3A_323 : vector<4x256xf32> to vector<4x1x256xf32>
      %slice3A_325 = vector.extract_strided_slice %reshape3A_171 {offsets = [0, 5, 0], sizes = [4, 1, 32], strides = [1, 1, 1]} : vector<4x16x32xf32> to vector<4x1x32xf32>
      %squeeze3A_326 = vector.shape_cast %slice3A_325 : vector<4x1x32xf32> to vector<4x32xf32>
      %broadcast_in_dim3A_327 = vector.shape_cast %squeeze3A_326 : vector<4x32xf32> to vector<4x32x1xf32>
      %mul3A_328 = arith.mulf %exp3A_321, %add3A_306 : vector<4x32x256xf32>
      %mul3A_329 = vector.broadcast %broadcast_in_dim3A_316 : vector<4x1x256xf32> to vector<4x32x256xf32>
      %mul3A_330 = vector.broadcast %broadcast_in_dim3A_327 : vector<4x32x1xf32> to vector<4x32x256xf32>
      %mul3A_331 = arith.mulf %mul3A_329, %mul3A_330 : vector<4x32x256xf32>
      %mul3A_332 = vector.broadcast %broadcast_in_dim3A_324 : vector<4x1x256xf32> to vector<4x32x256xf32>
      %mul3A_333 = arith.mulf %mul3A_331, %mul3A_332 : vector<4x32x256xf32>
      %add3A_334 = arith.addf %mul3A_328, %mul3A_333 : vector<4x32x256xf32>
      %slice3A_335 = vector.extract_strided_slice %reshape3A_172 {offsets = [0, 5, 0], sizes = [4, 1, 32], strides = [1, 1, 1]} : vector<4x16x32xf32> to vector<4x1x32xf32>
      %squeeze3A_336 = vector.shape_cast %slice3A_335 : vector<4x1x32xf32> to vector<4x32xf32>
      %broadcast_in_dim3A_337 = vector.shape_cast %squeeze3A_336 : vector<4x32xf32> to vector<4x32x1xf32>
      %mul3A_338 = vector.broadcast %broadcast_in_dim3A_337 : vector<4x32x1xf32> to vector<4x32x256xf32>
      %mul3A_339 = arith.mulf %add3A_334, %mul3A_338 : vector<4x32x256xf32>
      %reduce_sum3A_340 = arith.constant dense<0.000000e+00> : vector<4x256xf32>
      %reduce_sum3A_341 = vector.multi_reduction <add>, %mul3A_339, %reduce_sum3A_340 [1] : vector<4x32x256xf32> to vector<4x256xf32>
      %slice3A_342 = vector.extract_strided_slice %reshape3A_169 {offsets = [0, 6, 0], sizes = [4, 1, 256], strides = [1, 1, 1]} : vector<4x16x256xf32> to vector<4x1x256xf32>
      %squeeze3A_343 = vector.shape_cast %slice3A_342 : vector<4x1x256xf32> to vector<4x256xf32>
      %broadcast_in_dim3A_344 = vector.shape_cast %squeeze3A_343 : vector<4x256xf32> to vector<4x1x256xf32>
      %broadcast_in_dim3A_345 = vector.shape_cast %neg3A_168 : vector<32x256xf32> to vector<1x32x256xf32>
      %mul3A_346 = vector.broadcast %broadcast_in_dim3A_344 : vector<4x1x256xf32> to vector<4x32x256xf32>
      %mul3A_347 = vector.broadcast %broadcast_in_dim3A_345 : vector<1x32x256xf32> to vector<4x32x256xf32>
      %mul3A_348 = arith.mulf %mul3A_346, %mul3A_347 : vector<4x32x256xf32>
      %exp3A_349 = math.exp %mul3A_348 : vector<4x32x256xf32>
      %slice3A_350 = vector.extract_strided_slice %reshape3A_170 {offsets = [0, 6, 0], sizes = [4, 1, 256], strides = [1, 1, 1]} : vector<4x16x256xf32> to vector<4x1x256xf32>
      %squeeze3A_351 = vector.shape_cast %slice3A_350 : vector<4x1x256xf32> to vector<4x256xf32>
      %broadcast_in_dim3A_352 = vector.shape_cast %squeeze3A_351 : vector<4x256xf32> to vector<4x1x256xf32>
      %slice3A_353 = vector.extract_strided_slice %reshape3A_171 {offsets = [0, 6, 0], sizes = [4, 1, 32], strides = [1, 1, 1]} : vector<4x16x32xf32> to vector<4x1x32xf32>
      %squeeze3A_354 = vector.shape_cast %slice3A_353 : vector<4x1x32xf32> to vector<4x32xf32>
      %broadcast_in_dim3A_355 = vector.shape_cast %squeeze3A_354 : vector<4x32xf32> to vector<4x32x1xf32>
      %mul3A_356 = arith.mulf %exp3A_349, %add3A_334 : vector<4x32x256xf32>
      %mul3A_357 = vector.broadcast %broadcast_in_dim3A_344 : vector<4x1x256xf32> to vector<4x32x256xf32>
      %mul3A_358 = vector.broadcast %broadcast_in_dim3A_355 : vector<4x32x1xf32> to vector<4x32x256xf32>
      %mul3A_359 = arith.mulf %mul3A_357, %mul3A_358 : vector<4x32x256xf32>
      %mul3A_360 = vector.broadcast %broadcast_in_dim3A_352 : vector<4x1x256xf32> to vector<4x32x256xf32>
      %mul3A_361 = arith.mulf %mul3A_359, %mul3A_360 : vector<4x32x256xf32>
      %add3A_362 = arith.addf %mul3A_356, %mul3A_361 : vector<4x32x256xf32>
      %slice3A_363 = vector.extract_strided_slice %reshape3A_172 {offsets = [0, 6, 0], sizes = [4, 1, 32], strides = [1, 1, 1]} : vector<4x16x32xf32> to vector<4x1x32xf32>
      %squeeze3A_364 = vector.shape_cast %slice3A_363 : vector<4x1x32xf32> to vector<4x32xf32>
      %broadcast_in_dim3A_365 = vector.shape_cast %squeeze3A_364 : vector<4x32xf32> to vector<4x32x1xf32>
      %mul3A_366 = vector.broadcast %broadcast_in_dim3A_365 : vector<4x32x1xf32> to vector<4x32x256xf32>
      %mul3A_367 = arith.mulf %add3A_362, %mul3A_366 : vector<4x32x256xf32>
      %reduce_sum3A_368 = arith.constant dense<0.000000e+00> : vector<4x256xf32>
      %reduce_sum3A_369 = vector.multi_reduction <add>, %mul3A_367, %reduce_sum3A_368 [1] : vector<4x32x256xf32> to vector<4x256xf32>
      %slice3A_370 = vector.extract_strided_slice %reshape3A_169 {offsets = [0, 7, 0], sizes = [4, 1, 256], strides = [1, 1, 1]} : vector<4x16x256xf32> to vector<4x1x256xf32>
      %squeeze3A_371 = vector.shape_cast %slice3A_370 : vector<4x1x256xf32> to vector<4x256xf32>
      %broadcast_in_dim3A_372 = vector.shape_cast %squeeze3A_371 : vector<4x256xf32> to vector<4x1x256xf32>
      %broadcast_in_dim3A_373 = vector.shape_cast %neg3A_168 : vector<32x256xf32> to vector<1x32x256xf32>
      %mul3A_374 = vector.broadcast %broadcast_in_dim3A_372 : vector<4x1x256xf32> to vector<4x32x256xf32>
      %mul3A_375 = vector.broadcast %broadcast_in_dim3A_373 : vector<1x32x256xf32> to vector<4x32x256xf32>
      %mul3A_376 = arith.mulf %mul3A_374, %mul3A_375 : vector<4x32x256xf32>
      %exp3A_377 = math.exp %mul3A_376 : vector<4x32x256xf32>
      %slice3A_378 = vector.extract_strided_slice %reshape3A_170 {offsets = [0, 7, 0], sizes = [4, 1, 256], strides = [1, 1, 1]} : vector<4x16x256xf32> to vector<4x1x256xf32>
      %squeeze3A_379 = vector.shape_cast %slice3A_378 : vector<4x1x256xf32> to vector<4x256xf32>
      %broadcast_in_dim3A_380 = vector.shape_cast %squeeze3A_379 : vector<4x256xf32> to vector<4x1x256xf32>
      %slice3A_381 = vector.extract_strided_slice %reshape3A_171 {offsets = [0, 7, 0], sizes = [4, 1, 32], strides = [1, 1, 1]} : vector<4x16x32xf32> to vector<4x1x32xf32>
      %squeeze3A_382 = vector.shape_cast %slice3A_381 : vector<4x1x32xf32> to vector<4x32xf32>
      %broadcast_in_dim3A_383 = vector.shape_cast %squeeze3A_382 : vector<4x32xf32> to vector<4x32x1xf32>
      %mul3A_384 = arith.mulf %exp3A_377, %add3A_362 : vector<4x32x256xf32>
      %mul3A_385 = vector.broadcast %broadcast_in_dim3A_372 : vector<4x1x256xf32> to vector<4x32x256xf32>
      %mul3A_386 = vector.broadcast %broadcast_in_dim3A_383 : vector<4x32x1xf32> to vector<4x32x256xf32>
      %mul3A_387 = arith.mulf %mul3A_385, %mul3A_386 : vector<4x32x256xf32>
      %mul3A_388 = vector.broadcast %broadcast_in_dim3A_380 : vector<4x1x256xf32> to vector<4x32x256xf32>
      %mul3A_389 = arith.mulf %mul3A_387, %mul3A_388 : vector<4x32x256xf32>
      %add3A_390 = arith.addf %mul3A_384, %mul3A_389 : vector<4x32x256xf32>
      %slice3A_391 = vector.extract_strided_slice %reshape3A_172 {offsets = [0, 7, 0], sizes = [4, 1, 32], strides = [1, 1, 1]} : vector<4x16x32xf32> to vector<4x1x32xf32>
      %squeeze3A_392 = vector.shape_cast %slice3A_391 : vector<4x1x32xf32> to vector<4x32xf32>
      %broadcast_in_dim3A_393 = vector.shape_cast %squeeze3A_392 : vector<4x32xf32> to vector<4x32x1xf32>
      %mul3A_394 = vector.broadcast %broadcast_in_dim3A_393 : vector<4x32x1xf32> to vector<4x32x256xf32>
      %mul3A_395 = arith.mulf %add3A_390, %mul3A_394 : vector<4x32x256xf32>
      %reduce_sum3A_396 = arith.constant dense<0.000000e+00> : vector<4x256xf32>
      %reduce_sum3A_397 = vector.multi_reduction <add>, %mul3A_395, %reduce_sum3A_396 [1] : vector<4x32x256xf32> to vector<4x256xf32>
      %slice3A_398 = vector.extract_strided_slice %reshape3A_169 {offsets = [0, 8, 0], sizes = [4, 1, 256], strides = [1, 1, 1]} : vector<4x16x256xf32> to vector<4x1x256xf32>
      %squeeze3A_399 = vector.shape_cast %slice3A_398 : vector<4x1x256xf32> to vector<4x256xf32>
      %broadcast_in_dim3A_400 = vector.shape_cast %squeeze3A_399 : vector<4x256xf32> to vector<4x1x256xf32>
      %broadcast_in_dim3A_401 = vector.shape_cast %neg3A_168 : vector<32x256xf32> to vector<1x32x256xf32>
      %mul3A_402 = vector.broadcast %broadcast_in_dim3A_400 : vector<4x1x256xf32> to vector<4x32x256xf32>
      %mul3A_403 = vector.broadcast %broadcast_in_dim3A_401 : vector<1x32x256xf32> to vector<4x32x256xf32>
      %mul3A_404 = arith.mulf %mul3A_402, %mul3A_403 : vector<4x32x256xf32>
      %exp3A_405 = math.exp %mul3A_404 : vector<4x32x256xf32>
      %slice3A_406 = vector.extract_strided_slice %reshape3A_170 {offsets = [0, 8, 0], sizes = [4, 1, 256], strides = [1, 1, 1]} : vector<4x16x256xf32> to vector<4x1x256xf32>
      %squeeze3A_407 = vector.shape_cast %slice3A_406 : vector<4x1x256xf32> to vector<4x256xf32>
      %broadcast_in_dim3A_408 = vector.shape_cast %squeeze3A_407 : vector<4x256xf32> to vector<4x1x256xf32>
      %slice3A_409 = vector.extract_strided_slice %reshape3A_171 {offsets = [0, 8, 0], sizes = [4, 1, 32], strides = [1, 1, 1]} : vector<4x16x32xf32> to vector<4x1x32xf32>
      %squeeze3A_410 = vector.shape_cast %slice3A_409 : vector<4x1x32xf32> to vector<4x32xf32>
      %broadcast_in_dim3A_411 = vector.shape_cast %squeeze3A_410 : vector<4x32xf32> to vector<4x32x1xf32>
      %mul3A_412 = arith.mulf %exp3A_405, %add3A_390 : vector<4x32x256xf32>
      %mul3A_413 = vector.broadcast %broadcast_in_dim3A_400 : vector<4x1x256xf32> to vector<4x32x256xf32>
      %mul3A_414 = vector.broadcast %broadcast_in_dim3A_411 : vector<4x32x1xf32> to vector<4x32x256xf32>
      %mul3A_415 = arith.mulf %mul3A_413, %mul3A_414 : vector<4x32x256xf32>
      %mul3A_416 = vector.broadcast %broadcast_in_dim3A_408 : vector<4x1x256xf32> to vector<4x32x256xf32>
      %mul3A_417 = arith.mulf %mul3A_415, %mul3A_416 : vector<4x32x256xf32>
      %add3A_418 = arith.addf %mul3A_412, %mul3A_417 : vector<4x32x256xf32>
      %slice3A_419 = vector.extract_strided_slice %reshape3A_172 {offsets = [0, 8, 0], sizes = [4, 1, 32], strides = [1, 1, 1]} : vector<4x16x32xf32> to vector<4x1x32xf32>
      %squeeze3A_420 = vector.shape_cast %slice3A_419 : vector<4x1x32xf32> to vector<4x32xf32>
      %broadcast_in_dim3A_421 = vector.shape_cast %squeeze3A_420 : vector<4x32xf32> to vector<4x32x1xf32>
      %mul3A_422 = vector.broadcast %broadcast_in_dim3A_421 : vector<4x32x1xf32> to vector<4x32x256xf32>
      %mul3A_423 = arith.mulf %add3A_418, %mul3A_422 : vector<4x32x256xf32>
      %reduce_sum3A_424 = arith.constant dense<0.000000e+00> : vector<4x256xf32>
      %reduce_sum3A_425 = vector.multi_reduction <add>, %mul3A_423, %reduce_sum3A_424 [1] : vector<4x32x256xf32> to vector<4x256xf32>
      %slice3A_426 = vector.extract_strided_slice %reshape3A_169 {offsets = [0, 9, 0], sizes = [4, 1, 256], strides = [1, 1, 1]} : vector<4x16x256xf32> to vector<4x1x256xf32>
      %squeeze3A_427 = vector.shape_cast %slice3A_426 : vector<4x1x256xf32> to vector<4x256xf32>
      %broadcast_in_dim3A_428 = vector.shape_cast %squeeze3A_427 : vector<4x256xf32> to vector<4x1x256xf32>
      %broadcast_in_dim3A_429 = vector.shape_cast %neg3A_168 : vector<32x256xf32> to vector<1x32x256xf32>
      %mul3A_430 = vector.broadcast %broadcast_in_dim3A_428 : vector<4x1x256xf32> to vector<4x32x256xf32>
      %mul3A_431 = vector.broadcast %broadcast_in_dim3A_429 : vector<1x32x256xf32> to vector<4x32x256xf32>
      %mul3A_432 = arith.mulf %mul3A_430, %mul3A_431 : vector<4x32x256xf32>
      %exp3A_433 = math.exp %mul3A_432 : vector<4x32x256xf32>
      %slice3A_434 = vector.extract_strided_slice %reshape3A_170 {offsets = [0, 9, 0], sizes = [4, 1, 256], strides = [1, 1, 1]} : vector<4x16x256xf32> to vector<4x1x256xf32>
      %squeeze3A_435 = vector.shape_cast %slice3A_434 : vector<4x1x256xf32> to vector<4x256xf32>
      %broadcast_in_dim3A_436 = vector.shape_cast %squeeze3A_435 : vector<4x256xf32> to vector<4x1x256xf32>
      %slice3A_437 = vector.extract_strided_slice %reshape3A_171 {offsets = [0, 9, 0], sizes = [4, 1, 32], strides = [1, 1, 1]} : vector<4x16x32xf32> to vector<4x1x32xf32>
      %squeeze3A_438 = vector.shape_cast %slice3A_437 : vector<4x1x32xf32> to vector<4x32xf32>
      %broadcast_in_dim3A_439 = vector.shape_cast %squeeze3A_438 : vector<4x32xf32> to vector<4x32x1xf32>
      %mul3A_440 = arith.mulf %exp3A_433, %add3A_418 : vector<4x32x256xf32>
      %mul3A_441 = vector.broadcast %broadcast_in_dim3A_428 : vector<4x1x256xf32> to vector<4x32x256xf32>
      %mul3A_442 = vector.broadcast %broadcast_in_dim3A_439 : vector<4x32x1xf32> to vector<4x32x256xf32>
      %mul3A_443 = arith.mulf %mul3A_441, %mul3A_442 : vector<4x32x256xf32>
      %mul3A_444 = vector.broadcast %broadcast_in_dim3A_436 : vector<4x1x256xf32> to vector<4x32x256xf32>
      %mul3A_445 = arith.mulf %mul3A_443, %mul3A_444 : vector<4x32x256xf32>
      %add3A_446 = arith.addf %mul3A_440, %mul3A_445 : vector<4x32x256xf32>
      %slice3A_447 = vector.extract_strided_slice %reshape3A_172 {offsets = [0, 9, 0], sizes = [4, 1, 32], strides = [1, 1, 1]} : vector<4x16x32xf32> to vector<4x1x32xf32>
      %squeeze3A_448 = vector.shape_cast %slice3A_447 : vector<4x1x32xf32> to vector<4x32xf32>
      %broadcast_in_dim3A_449 = vector.shape_cast %squeeze3A_448 : vector<4x32xf32> to vector<4x32x1xf32>
      %mul3A_450 = vector.broadcast %broadcast_in_dim3A_449 : vector<4x32x1xf32> to vector<4x32x256xf32>
      %mul3A_451 = arith.mulf %add3A_446, %mul3A_450 : vector<4x32x256xf32>
      %reduce_sum3A_452 = arith.constant dense<0.000000e+00> : vector<4x256xf32>
      %reduce_sum3A_453 = vector.multi_reduction <add>, %mul3A_451, %reduce_sum3A_452 [1] : vector<4x32x256xf32> to vector<4x256xf32>
      %slice3A_454 = vector.extract_strided_slice %reshape3A_169 {offsets = [0, 10, 0], sizes = [4, 1, 256], strides = [1, 1, 1]} : vector<4x16x256xf32> to vector<4x1x256xf32>
      %squeeze3A_455 = vector.shape_cast %slice3A_454 : vector<4x1x256xf32> to vector<4x256xf32>
      %broadcast_in_dim3A_456 = vector.shape_cast %squeeze3A_455 : vector<4x256xf32> to vector<4x1x256xf32>
      %broadcast_in_dim3A_457 = vector.shape_cast %neg3A_168 : vector<32x256xf32> to vector<1x32x256xf32>
      %mul3A_458 = vector.broadcast %broadcast_in_dim3A_456 : vector<4x1x256xf32> to vector<4x32x256xf32>
      %mul3A_459 = vector.broadcast %broadcast_in_dim3A_457 : vector<1x32x256xf32> to vector<4x32x256xf32>
      %mul3A_460 = arith.mulf %mul3A_458, %mul3A_459 : vector<4x32x256xf32>
      %exp3A_461 = math.exp %mul3A_460 : vector<4x32x256xf32>
      %slice3A_462 = vector.extract_strided_slice %reshape3A_170 {offsets = [0, 10, 0], sizes = [4, 1, 256], strides = [1, 1, 1]} : vector<4x16x256xf32> to vector<4x1x256xf32>
      %squeeze3A_463 = vector.shape_cast %slice3A_462 : vector<4x1x256xf32> to vector<4x256xf32>
      %broadcast_in_dim3A_464 = vector.shape_cast %squeeze3A_463 : vector<4x256xf32> to vector<4x1x256xf32>
      %slice3A_465 = vector.extract_strided_slice %reshape3A_171 {offsets = [0, 10, 0], sizes = [4, 1, 32], strides = [1, 1, 1]} : vector<4x16x32xf32> to vector<4x1x32xf32>
      %squeeze3A_466 = vector.shape_cast %slice3A_465 : vector<4x1x32xf32> to vector<4x32xf32>
      %broadcast_in_dim3A_467 = vector.shape_cast %squeeze3A_466 : vector<4x32xf32> to vector<4x32x1xf32>
      %mul3A_468 = arith.mulf %exp3A_461, %add3A_446 : vector<4x32x256xf32>
      %mul3A_469 = vector.broadcast %broadcast_in_dim3A_456 : vector<4x1x256xf32> to vector<4x32x256xf32>
      %mul3A_470 = vector.broadcast %broadcast_in_dim3A_467 : vector<4x32x1xf32> to vector<4x32x256xf32>
      %mul3A_471 = arith.mulf %mul3A_469, %mul3A_470 : vector<4x32x256xf32>
      %mul3A_472 = vector.broadcast %broadcast_in_dim3A_464 : vector<4x1x256xf32> to vector<4x32x256xf32>
      %mul3A_473 = arith.mulf %mul3A_471, %mul3A_472 : vector<4x32x256xf32>
      %add3A_474 = arith.addf %mul3A_468, %mul3A_473 : vector<4x32x256xf32>
      %slice3A_475 = vector.extract_strided_slice %reshape3A_172 {offsets = [0, 10, 0], sizes = [4, 1, 32], strides = [1, 1, 1]} : vector<4x16x32xf32> to vector<4x1x32xf32>
      %squeeze3A_476 = vector.shape_cast %slice3A_475 : vector<4x1x32xf32> to vector<4x32xf32>
      %broadcast_in_dim3A_477 = vector.shape_cast %squeeze3A_476 : vector<4x32xf32> to vector<4x32x1xf32>
      %mul3A_478 = vector.broadcast %broadcast_in_dim3A_477 : vector<4x32x1xf32> to vector<4x32x256xf32>
      %mul3A_479 = arith.mulf %add3A_474, %mul3A_478 : vector<4x32x256xf32>
      %reduce_sum3A_480 = arith.constant dense<0.000000e+00> : vector<4x256xf32>
      %reduce_sum3A_481 = vector.multi_reduction <add>, %mul3A_479, %reduce_sum3A_480 [1] : vector<4x32x256xf32> to vector<4x256xf32>
      %slice3A_482 = vector.extract_strided_slice %reshape3A_169 {offsets = [0, 11, 0], sizes = [4, 1, 256], strides = [1, 1, 1]} : vector<4x16x256xf32> to vector<4x1x256xf32>
      %squeeze3A_483 = vector.shape_cast %slice3A_482 : vector<4x1x256xf32> to vector<4x256xf32>
      %broadcast_in_dim3A_484 = vector.shape_cast %squeeze3A_483 : vector<4x256xf32> to vector<4x1x256xf32>
      %broadcast_in_dim3A_485 = vector.shape_cast %neg3A_168 : vector<32x256xf32> to vector<1x32x256xf32>
      %mul3A_486 = vector.broadcast %broadcast_in_dim3A_484 : vector<4x1x256xf32> to vector<4x32x256xf32>
      %mul3A_487 = vector.broadcast %broadcast_in_dim3A_485 : vector<1x32x256xf32> to vector<4x32x256xf32>
      %mul3A_488 = arith.mulf %mul3A_486, %mul3A_487 : vector<4x32x256xf32>
      %exp3A_489 = math.exp %mul3A_488 : vector<4x32x256xf32>
      %slice3A_490 = vector.extract_strided_slice %reshape3A_170 {offsets = [0, 11, 0], sizes = [4, 1, 256], strides = [1, 1, 1]} : vector<4x16x256xf32> to vector<4x1x256xf32>
      %squeeze3A_491 = vector.shape_cast %slice3A_490 : vector<4x1x256xf32> to vector<4x256xf32>
      %broadcast_in_dim3A_492 = vector.shape_cast %squeeze3A_491 : vector<4x256xf32> to vector<4x1x256xf32>
      %slice3A_493 = vector.extract_strided_slice %reshape3A_171 {offsets = [0, 11, 0], sizes = [4, 1, 32], strides = [1, 1, 1]} : vector<4x16x32xf32> to vector<4x1x32xf32>
      %squeeze3A_494 = vector.shape_cast %slice3A_493 : vector<4x1x32xf32> to vector<4x32xf32>
      %broadcast_in_dim3A_495 = vector.shape_cast %squeeze3A_494 : vector<4x32xf32> to vector<4x32x1xf32>
      %mul3A_496 = arith.mulf %exp3A_489, %add3A_474 : vector<4x32x256xf32>
      %mul3A_497 = vector.broadcast %broadcast_in_dim3A_484 : vector<4x1x256xf32> to vector<4x32x256xf32>
      %mul3A_498 = vector.broadcast %broadcast_in_dim3A_495 : vector<4x32x1xf32> to vector<4x32x256xf32>
      %mul3A_499 = arith.mulf %mul3A_497, %mul3A_498 : vector<4x32x256xf32>
      %mul3A_500 = vector.broadcast %broadcast_in_dim3A_492 : vector<4x1x256xf32> to vector<4x32x256xf32>
      %mul3A_501 = arith.mulf %mul3A_499, %mul3A_500 : vector<4x32x256xf32>
      %add3A_502 = arith.addf %mul3A_496, %mul3A_501 : vector<4x32x256xf32>
      %slice3A_503 = vector.extract_strided_slice %reshape3A_172 {offsets = [0, 11, 0], sizes = [4, 1, 32], strides = [1, 1, 1]} : vector<4x16x32xf32> to vector<4x1x32xf32>
      %squeeze3A_504 = vector.shape_cast %slice3A_503 : vector<4x1x32xf32> to vector<4x32xf32>
      %broadcast_in_dim3A_505 = vector.shape_cast %squeeze3A_504 : vector<4x32xf32> to vector<4x32x1xf32>
      %mul3A_506 = vector.broadcast %broadcast_in_dim3A_505 : vector<4x32x1xf32> to vector<4x32x256xf32>
      %mul3A_507 = arith.mulf %add3A_502, %mul3A_506 : vector<4x32x256xf32>
      %reduce_sum3A_508 = arith.constant dense<0.000000e+00> : vector<4x256xf32>
      %reduce_sum3A_509 = vector.multi_reduction <add>, %mul3A_507, %reduce_sum3A_508 [1] : vector<4x32x256xf32> to vector<4x256xf32>
      %slice3A_510 = vector.extract_strided_slice %reshape3A_169 {offsets = [0, 12, 0], sizes = [4, 1, 256], strides = [1, 1, 1]} : vector<4x16x256xf32> to vector<4x1x256xf32>
      %squeeze3A_511 = vector.shape_cast %slice3A_510 : vector<4x1x256xf32> to vector<4x256xf32>
      %broadcast_in_dim3A_512 = vector.shape_cast %squeeze3A_511 : vector<4x256xf32> to vector<4x1x256xf32>
      %broadcast_in_dim3A_513 = vector.shape_cast %neg3A_168 : vector<32x256xf32> to vector<1x32x256xf32>
      %mul3A_514 = vector.broadcast %broadcast_in_dim3A_512 : vector<4x1x256xf32> to vector<4x32x256xf32>
      %mul3A_515 = vector.broadcast %broadcast_in_dim3A_513 : vector<1x32x256xf32> to vector<4x32x256xf32>
      %mul3A_516 = arith.mulf %mul3A_514, %mul3A_515 : vector<4x32x256xf32>
      %exp3A_517 = math.exp %mul3A_516 : vector<4x32x256xf32>
      %slice3A_518 = vector.extract_strided_slice %reshape3A_170 {offsets = [0, 12, 0], sizes = [4, 1, 256], strides = [1, 1, 1]} : vector<4x16x256xf32> to vector<4x1x256xf32>
      %squeeze3A_519 = vector.shape_cast %slice3A_518 : vector<4x1x256xf32> to vector<4x256xf32>
      %broadcast_in_dim3A_520 = vector.shape_cast %squeeze3A_519 : vector<4x256xf32> to vector<4x1x256xf32>
      %slice3A_521 = vector.extract_strided_slice %reshape3A_171 {offsets = [0, 12, 0], sizes = [4, 1, 32], strides = [1, 1, 1]} : vector<4x16x32xf32> to vector<4x1x32xf32>
      %squeeze3A_522 = vector.shape_cast %slice3A_521 : vector<4x1x32xf32> to vector<4x32xf32>
      %broadcast_in_dim3A_523 = vector.shape_cast %squeeze3A_522 : vector<4x32xf32> to vector<4x32x1xf32>
      %mul3A_524 = arith.mulf %exp3A_517, %add3A_502 : vector<4x32x256xf32>
      %mul3A_525 = vector.broadcast %broadcast_in_dim3A_512 : vector<4x1x256xf32> to vector<4x32x256xf32>
      %mul3A_526 = vector.broadcast %broadcast_in_dim3A_523 : vector<4x32x1xf32> to vector<4x32x256xf32>
      %mul3A_527 = arith.mulf %mul3A_525, %mul3A_526 : vector<4x32x256xf32>
      %mul3A_528 = vector.broadcast %broadcast_in_dim3A_520 : vector<4x1x256xf32> to vector<4x32x256xf32>
      %mul3A_529 = arith.mulf %mul3A_527, %mul3A_528 : vector<4x32x256xf32>
      %add3A_530 = arith.addf %mul3A_524, %mul3A_529 : vector<4x32x256xf32>
      %slice3A_531 = vector.extract_strided_slice %reshape3A_172 {offsets = [0, 12, 0], sizes = [4, 1, 32], strides = [1, 1, 1]} : vector<4x16x32xf32> to vector<4x1x32xf32>
      %squeeze3A_532 = vector.shape_cast %slice3A_531 : vector<4x1x32xf32> to vector<4x32xf32>
      %broadcast_in_dim3A_533 = vector.shape_cast %squeeze3A_532 : vector<4x32xf32> to vector<4x32x1xf32>
      %mul3A_534 = vector.broadcast %broadcast_in_dim3A_533 : vector<4x32x1xf32> to vector<4x32x256xf32>
      %mul3A_535 = arith.mulf %add3A_530, %mul3A_534 : vector<4x32x256xf32>
      %reduce_sum3A_536 = arith.constant dense<0.000000e+00> : vector<4x256xf32>
      %reduce_sum3A_537 = vector.multi_reduction <add>, %mul3A_535, %reduce_sum3A_536 [1] : vector<4x32x256xf32> to vector<4x256xf32>
      %slice3A_538 = vector.extract_strided_slice %reshape3A_169 {offsets = [0, 13, 0], sizes = [4, 1, 256], strides = [1, 1, 1]} : vector<4x16x256xf32> to vector<4x1x256xf32>
      %squeeze3A_539 = vector.shape_cast %slice3A_538 : vector<4x1x256xf32> to vector<4x256xf32>
      %broadcast_in_dim3A_540 = vector.shape_cast %squeeze3A_539 : vector<4x256xf32> to vector<4x1x256xf32>
      %broadcast_in_dim3A_541 = vector.shape_cast %neg3A_168 : vector<32x256xf32> to vector<1x32x256xf32>
      %mul3A_542 = vector.broadcast %broadcast_in_dim3A_540 : vector<4x1x256xf32> to vector<4x32x256xf32>
      %mul3A_543 = vector.broadcast %broadcast_in_dim3A_541 : vector<1x32x256xf32> to vector<4x32x256xf32>
      %mul3A_544 = arith.mulf %mul3A_542, %mul3A_543 : vector<4x32x256xf32>
      %exp3A_545 = math.exp %mul3A_544 : vector<4x32x256xf32>
      %slice3A_546 = vector.extract_strided_slice %reshape3A_170 {offsets = [0, 13, 0], sizes = [4, 1, 256], strides = [1, 1, 1]} : vector<4x16x256xf32> to vector<4x1x256xf32>
      %squeeze3A_547 = vector.shape_cast %slice3A_546 : vector<4x1x256xf32> to vector<4x256xf32>
      %broadcast_in_dim3A_548 = vector.shape_cast %squeeze3A_547 : vector<4x256xf32> to vector<4x1x256xf32>
      %slice3A_549 = vector.extract_strided_slice %reshape3A_171 {offsets = [0, 13, 0], sizes = [4, 1, 32], strides = [1, 1, 1]} : vector<4x16x32xf32> to vector<4x1x32xf32>
      %squeeze3A_550 = vector.shape_cast %slice3A_549 : vector<4x1x32xf32> to vector<4x32xf32>
      %broadcast_in_dim3A_551 = vector.shape_cast %squeeze3A_550 : vector<4x32xf32> to vector<4x32x1xf32>
      %mul3A_552 = arith.mulf %exp3A_545, %add3A_530 : vector<4x32x256xf32>
      %mul3A_553 = vector.broadcast %broadcast_in_dim3A_540 : vector<4x1x256xf32> to vector<4x32x256xf32>
      %mul3A_554 = vector.broadcast %broadcast_in_dim3A_551 : vector<4x32x1xf32> to vector<4x32x256xf32>
      %mul3A_555 = arith.mulf %mul3A_553, %mul3A_554 : vector<4x32x256xf32>
      %mul3A_556 = vector.broadcast %broadcast_in_dim3A_548 : vector<4x1x256xf32> to vector<4x32x256xf32>
      %mul3A_557 = arith.mulf %mul3A_555, %mul3A_556 : vector<4x32x256xf32>
      %add3A_558 = arith.addf %mul3A_552, %mul3A_557 : vector<4x32x256xf32>
      %slice3A_559 = vector.extract_strided_slice %reshape3A_172 {offsets = [0, 13, 0], sizes = [4, 1, 32], strides = [1, 1, 1]} : vector<4x16x32xf32> to vector<4x1x32xf32>
      %squeeze3A_560 = vector.shape_cast %slice3A_559 : vector<4x1x32xf32> to vector<4x32xf32>
      %broadcast_in_dim3A_561 = vector.shape_cast %squeeze3A_560 : vector<4x32xf32> to vector<4x32x1xf32>
      %mul3A_562 = vector.broadcast %broadcast_in_dim3A_561 : vector<4x32x1xf32> to vector<4x32x256xf32>
      %mul3A_563 = arith.mulf %add3A_558, %mul3A_562 : vector<4x32x256xf32>
      %reduce_sum3A_564 = arith.constant dense<0.000000e+00> : vector<4x256xf32>
      %reduce_sum3A_565 = vector.multi_reduction <add>, %mul3A_563, %reduce_sum3A_564 [1] : vector<4x32x256xf32> to vector<4x256xf32>
      %slice3A_566 = vector.extract_strided_slice %reshape3A_169 {offsets = [0, 14, 0], sizes = [4, 1, 256], strides = [1, 1, 1]} : vector<4x16x256xf32> to vector<4x1x256xf32>
      %squeeze3A_567 = vector.shape_cast %slice3A_566 : vector<4x1x256xf32> to vector<4x256xf32>
      %broadcast_in_dim3A_568 = vector.shape_cast %squeeze3A_567 : vector<4x256xf32> to vector<4x1x256xf32>
      %broadcast_in_dim3A_569 = vector.shape_cast %neg3A_168 : vector<32x256xf32> to vector<1x32x256xf32>
      %mul3A_570 = vector.broadcast %broadcast_in_dim3A_568 : vector<4x1x256xf32> to vector<4x32x256xf32>
      %mul3A_571 = vector.broadcast %broadcast_in_dim3A_569 : vector<1x32x256xf32> to vector<4x32x256xf32>
      %mul3A_572 = arith.mulf %mul3A_570, %mul3A_571 : vector<4x32x256xf32>
      %exp3A_573 = math.exp %mul3A_572 : vector<4x32x256xf32>
      %slice3A_574 = vector.extract_strided_slice %reshape3A_170 {offsets = [0, 14, 0], sizes = [4, 1, 256], strides = [1, 1, 1]} : vector<4x16x256xf32> to vector<4x1x256xf32>
      %squeeze3A_575 = vector.shape_cast %slice3A_574 : vector<4x1x256xf32> to vector<4x256xf32>
      %broadcast_in_dim3A_576 = vector.shape_cast %squeeze3A_575 : vector<4x256xf32> to vector<4x1x256xf32>
      %slice3A_577 = vector.extract_strided_slice %reshape3A_171 {offsets = [0, 14, 0], sizes = [4, 1, 32], strides = [1, 1, 1]} : vector<4x16x32xf32> to vector<4x1x32xf32>
      %squeeze3A_578 = vector.shape_cast %slice3A_577 : vector<4x1x32xf32> to vector<4x32xf32>
      %broadcast_in_dim3A_579 = vector.shape_cast %squeeze3A_578 : vector<4x32xf32> to vector<4x32x1xf32>
      %mul3A_580 = arith.mulf %exp3A_573, %add3A_558 : vector<4x32x256xf32>
      %mul3A_581 = vector.broadcast %broadcast_in_dim3A_568 : vector<4x1x256xf32> to vector<4x32x256xf32>
      %mul3A_582 = vector.broadcast %broadcast_in_dim3A_579 : vector<4x32x1xf32> to vector<4x32x256xf32>
      %mul3A_583 = arith.mulf %mul3A_581, %mul3A_582 : vector<4x32x256xf32>
      %mul3A_584 = vector.broadcast %broadcast_in_dim3A_576 : vector<4x1x256xf32> to vector<4x32x256xf32>
      %mul3A_585 = arith.mulf %mul3A_583, %mul3A_584 : vector<4x32x256xf32>
      %add3A_586 = arith.addf %mul3A_580, %mul3A_585 : vector<4x32x256xf32>
      %slice3A_587 = vector.extract_strided_slice %reshape3A_172 {offsets = [0, 14, 0], sizes = [4, 1, 32], strides = [1, 1, 1]} : vector<4x16x32xf32> to vector<4x1x32xf32>
      %squeeze3A_588 = vector.shape_cast %slice3A_587 : vector<4x1x32xf32> to vector<4x32xf32>
      %broadcast_in_dim3A_589 = vector.shape_cast %squeeze3A_588 : vector<4x32xf32> to vector<4x32x1xf32>
      %mul3A_590 = vector.broadcast %broadcast_in_dim3A_589 : vector<4x32x1xf32> to vector<4x32x256xf32>
      %mul3A_591 = arith.mulf %add3A_586, %mul3A_590 : vector<4x32x256xf32>
      %reduce_sum3A_592 = arith.constant dense<0.000000e+00> : vector<4x256xf32>
      %reduce_sum3A_593 = vector.multi_reduction <add>, %mul3A_591, %reduce_sum3A_592 [1] : vector<4x32x256xf32> to vector<4x256xf32>
      %slice3A_594 = vector.extract_strided_slice %reshape3A_169 {offsets = [0, 15, 0], sizes = [4, 1, 256], strides = [1, 1, 1]} : vector<4x16x256xf32> to vector<4x1x256xf32>
      %squeeze3A_595 = vector.shape_cast %slice3A_594 : vector<4x1x256xf32> to vector<4x256xf32>
      %broadcast_in_dim3A_596 = vector.shape_cast %squeeze3A_595 : vector<4x256xf32> to vector<4x1x256xf32>
      %broadcast_in_dim3A_597 = vector.shape_cast %neg3A_168 : vector<32x256xf32> to vector<1x32x256xf32>
      %mul3A_598 = vector.broadcast %broadcast_in_dim3A_596 : vector<4x1x256xf32> to vector<4x32x256xf32>
      %mul3A_599 = vector.broadcast %broadcast_in_dim3A_597 : vector<1x32x256xf32> to vector<4x32x256xf32>
      %mul3A_600 = arith.mulf %mul3A_598, %mul3A_599 : vector<4x32x256xf32>
      %exp3A_601 = math.exp %mul3A_600 : vector<4x32x256xf32>
      %slice3A_602 = vector.extract_strided_slice %reshape3A_170 {offsets = [0, 15, 0], sizes = [4, 1, 256], strides = [1, 1, 1]} : vector<4x16x256xf32> to vector<4x1x256xf32>
      %squeeze3A_603 = vector.shape_cast %slice3A_602 : vector<4x1x256xf32> to vector<4x256xf32>
      %broadcast_in_dim3A_604 = vector.shape_cast %squeeze3A_603 : vector<4x256xf32> to vector<4x1x256xf32>
      %slice3A_605 = vector.extract_strided_slice %reshape3A_171 {offsets = [0, 15, 0], sizes = [4, 1, 32], strides = [1, 1, 1]} : vector<4x16x32xf32> to vector<4x1x32xf32>
      %squeeze3A_606 = vector.shape_cast %slice3A_605 : vector<4x1x32xf32> to vector<4x32xf32>
      %broadcast_in_dim3A_607 = vector.shape_cast %squeeze3A_606 : vector<4x32xf32> to vector<4x32x1xf32>
      %mul3A_608 = arith.mulf %exp3A_601, %add3A_586 : vector<4x32x256xf32>
      %mul3A_609 = vector.broadcast %broadcast_in_dim3A_596 : vector<4x1x256xf32> to vector<4x32x256xf32>
      %mul3A_610 = vector.broadcast %broadcast_in_dim3A_607 : vector<4x32x1xf32> to vector<4x32x256xf32>
      %mul3A_611 = arith.mulf %mul3A_609, %mul3A_610 : vector<4x32x256xf32>
      %mul3A_612 = vector.broadcast %broadcast_in_dim3A_604 : vector<4x1x256xf32> to vector<4x32x256xf32>
      %mul3A_613 = arith.mulf %mul3A_611, %mul3A_612 : vector<4x32x256xf32>
      %add3A_614 = arith.addf %mul3A_608, %mul3A_613 : vector<4x32x256xf32>
      %slice3A_615 = vector.extract_strided_slice %reshape3A_172 {offsets = [0, 15, 0], sizes = [4, 1, 32], strides = [1, 1, 1]} : vector<4x16x32xf32> to vector<4x1x32xf32>
      %squeeze3A_616 = vector.shape_cast %slice3A_615 : vector<4x1x32xf32> to vector<4x32xf32>
      %broadcast_in_dim3A_617 = vector.shape_cast %squeeze3A_616 : vector<4x32xf32> to vector<4x32x1xf32>
      %mul3A_618 = vector.broadcast %broadcast_in_dim3A_617 : vector<4x32x1xf32> to vector<4x32x256xf32>
      %mul3A_619 = arith.mulf %add3A_614, %mul3A_618 : vector<4x32x256xf32>
      %reduce_sum3A_620 = arith.constant dense<0.000000e+00> : vector<4x256xf32>
      %reduce_sum3A_621 = vector.multi_reduction <add>, %mul3A_619, %reduce_sum3A_620 [1] : vector<4x32x256xf32> to vector<4x256xf32>
      %stack3A = vector.shape_cast %reduce_sum3A_201 : vector<4x256xf32> to vector<4x1x256xf32>
      %stack3A_622 = vector.shape_cast %reduce_sum3A_229 : vector<4x256xf32> to vector<4x1x256xf32>
      %stack3A_623 = vector.shape_cast %reduce_sum3A_257 : vector<4x256xf32> to vector<4x1x256xf32>
      %stack3A_624 = vector.shape_cast %reduce_sum3A_285 : vector<4x256xf32> to vector<4x1x256xf32>
      %stack3A_625 = vector.shape_cast %reduce_sum3A_313 : vector<4x256xf32> to vector<4x1x256xf32>
      %stack3A_626 = vector.shape_cast %reduce_sum3A_341 : vector<4x256xf32> to vector<4x1x256xf32>
      %stack3A_627 = vector.shape_cast %reduce_sum3A_369 : vector<4x256xf32> to vector<4x1x256xf32>
      %stack3A_628 = vector.shape_cast %reduce_sum3A_397 : vector<4x256xf32> to vector<4x1x256xf32>
      %stack3A_629 = vector.shape_cast %reduce_sum3A_425 : vector<4x256xf32> to vector<4x1x256xf32>
      %stack3A_630 = vector.shape_cast %reduce_sum3A_453 : vector<4x256xf32> to vector<4x1x256xf32>
      %stack3A_631 = vector.shape_cast %reduce_sum3A_481 : vector<4x256xf32> to vector<4x1x256xf32>
      %stack3A_632 = vector.shape_cast %reduce_sum3A_509 : vector<4x256xf32> to vector<4x1x256xf32>
      %stack3A_633 = vector.shape_cast %reduce_sum3A_537 : vector<4x256xf32> to vector<4x1x256xf32>
      %stack3A_634 = vector.shape_cast %reduce_sum3A_565 : vector<4x256xf32> to vector<4x1x256xf32>
      %stack3A_635 = vector.shape_cast %reduce_sum3A_593 : vector<4x256xf32> to vector<4x1x256xf32>
      %stack3A_636 = vector.shape_cast %reduce_sum3A_621 : vector<4x256xf32> to vector<4x1x256xf32>
      %stack3A_637 = tpu.concatenate %stack3A, %stack3A_622, %stack3A_623, %stack3A_624, %stack3A_625, %stack3A_626, %stack3A_627, %stack3A_628, %stack3A_629, %stack3A_630, %stack3A_631, %stack3A_632, %stack3A_633, %stack3A_634, %stack3A_635, %stack3A_636 in 1 : vector<4x1x256xf32>, vector<4x1x256xf32>, vector<4x1x256xf32>, vector<4x1x256xf32>, vector<4x1x256xf32>, vector<4x1x256xf32>, vector<4x1x256xf32>, vector<4x1x256xf32>, vector<4x1x256xf32>, vector<4x1x256xf32>, vector<4x1x256xf32>, vector<4x1x256xf32>, vector<4x1x256xf32>, vector<4x1x256xf32>, vector<4x1x256xf32>, vector<4x1x256xf32> -> vector<4x16x256xf32>
      %reshape3A_638 = vector.shape_cast %stack3A_637 : vector<4x16x256xf32> to vector<64x256xf32>
      %get3A_639 = arith.constant 0 : index
      %get3A_640 = arith.constant 0 : index
      %get3A_641 = vector.load %arg17[%get3A_639, %get3A_640] : memref<3x256xf32, #tpu.memory_space<vmem>>, vector<1x256xf32>
      %get3A_642 = vector.shape_cast %get3A_641 : vector<1x256xf32> to vector<256xf32>
      %broadcast_in_dim3A_643 = vector.shape_cast %get3A_642 : vector<256xf32> to vector<1x256xf32>
      %mul3A_644 = vector.broadcast %broadcast_in_dim3A_643 : vector<1x256xf32> to vector<64x256xf32>
      %mul3A_645 = arith.mulf %mul3A_116, %mul3A_644 : vector<64x256xf32>
      %add3A_646 = arith.addf %reshape3A_638, %mul3A_645 : vector<64x256xf32>
      %logistic3A_647 = arith.negf %slice3A_56 : vector<64x256xf32>
      %logistic3A_648 = math.exp %logistic3A_647 : vector<64x256xf32>
      %logistic3A_649 = arith.constant 1.000000e+00 : f32
      %logistic3A_650 = vector.broadcast %logistic3A_649 : f32 to vector<64x256xf32>
      %logistic3A_651 = arith.addf %logistic3A_650, %logistic3A_648 : vector<64x256xf32>
      %logistic3A_652 = arith.divf %logistic3A_650, %logistic3A_651 : vector<64x256xf32>
      %mul3A_653 = arith.mulf %slice3A_56, %logistic3A_652 : vector<64x256xf32>
      %mul3A_654 = arith.mulf %add3A_646, %mul3A_653 : vector<64x256xf32>
      %get3A_655 = arith.constant 0 : index
      %get3A_656 = arith.constant 0 : index
      %get3A_657 = arith.constant 0 : index
      %get3A_658 = vector.load %arg18[%get3A_655, %get3A_656, %get3A_657] : memref<3x256x128xf32, #tpu.memory_space<vmem>>, vector<1x256x128xf32>
      %get3A_659 = vector.shape_cast %get3A_658 : vector<1x256x128xf32> to vector<256x128xf32>
      %dot_general3A_660 = arith.constant dense<0.000000e+00> : vector<64x128xf32>
      %dot_general3A_661 = tpu.matmul %mul3A_654, %get3A_659, %dot_general3A_660 {dimension_numbers = #tpu.dot_dimension_numbers<[1], [0], [0], [1], [0, 0, 1, 1], [], []>, precision = #tpu.contract_precision<fp32>, transpose_lhs_hint = false} : vector<64x256xf32>, vector<256x128xf32>, vector<64x128xf32> -> vector<64x128xf32>
      %add3A_662 = arith.addf %get3A_18, %dot_general3A_661 : vector<64x128xf32>
      %reduce_sum3A_663 = arith.constant dense<0.000000e+00> : vector<64xf32>
      %reduce_sum3A_664 = vector.multi_reduction <add>, %add3A_662, %reduce_sum3A_663 [1] : vector<64x128xf32> to vector<64xf32>
      %broadcast_in_dim3A_665 = vector.shape_cast %reduce_sum3A_664 : vector<64xf32> to vector<64x1xf32>
      %div3A_666 = arith.constant 1.280000e+02 : f32
      %div3A_667 = vector.broadcast %div3A_666 : f32 to vector<64x1xf32>
      %div3A_668 = arith.divf %broadcast_in_dim3A_665, %div3A_667 : vector<64x1xf32>
      %sub3A_669 = vector.broadcast %div3A_668 : vector<64x1xf32> to vector<64x128xf32>
      %sub3A_670 = arith.subf %add3A_662, %sub3A_669 : vector<64x128xf32>
      %mul3A_671 = arith.mulf %sub3A_670, %sub3A_670 : vector<64x128xf32>
      %reduce_sum3A_672 = arith.constant dense<0.000000e+00> : vector<64xf32>
      %reduce_sum3A_673 = vector.multi_reduction <add>, %mul3A_671, %reduce_sum3A_672 [1] : vector<64x128xf32> to vector<64xf32>
      %broadcast_in_dim3A_674 = vector.shape_cast %reduce_sum3A_673 : vector<64xf32> to vector<64x1xf32>
      %div3A_675 = arith.constant 1.280000e+02 : f32
      %div3A_676 = vector.broadcast %div3A_675 : f32 to vector<64x1xf32>
      %div3A_677 = arith.divf %broadcast_in_dim3A_674, %div3A_676 : vector<64x1xf32>
      %add3A_678 = arith.constant 9.99999974E-6 : f32
      %add3A_679 = vector.broadcast %add3A_678 : f32 to vector<64x1xf32>
      %add3A_680 = arith.addf %div3A_677, %add3A_679 : vector<64x1xf32>
      %sqrt3A_681 = math.sqrt %add3A_680 : vector<64x1xf32>
      %div3A_682 = arith.constant 1.000000e+00 : f32
      %div3A_683 = vector.broadcast %div3A_682 : f32 to vector<64x1xf32>
      %div3A_684 = arith.divf %div3A_683, %sqrt3A_681 : vector<64x1xf32>
      %mul3A_685 = vector.broadcast %div3A_684 : vector<64x1xf32> to vector<64x128xf32>
      %mul3A_686 = arith.mulf %sub3A_670, %mul3A_685 : vector<64x128xf32>
      %get3A_687 = arith.constant 1 : index
      %get3A_688 = arith.constant 0 : index
      %get3A_689 = vector.load %arg6[%get3A_687, %get3A_688] : memref<3x128xf32, #tpu.memory_space<vmem>>, vector<1x128xf32>
      %get3A_690 = vector.shape_cast %get3A_689 : vector<1x128xf32> to vector<128xf32>
      %broadcast_in_dim3A_691 = vector.shape_cast %get3A_690 : vector<128xf32> to vector<1x128xf32>
      %mul3A_692 = vector.broadcast %broadcast_in_dim3A_691 : vector<1x128xf32> to vector<64x128xf32>
      %mul3A_693 = arith.mulf %mul3A_686, %mul3A_692 : vector<64x128xf32>
      %get3A_694 = arith.constant 1 : index
      %get3A_695 = arith.constant 0 : index
      %get3A_696 = vector.load %arg7[%get3A_694, %get3A_695] : memref<3x128xf32, #tpu.memory_space<vmem>>, vector<1x128xf32>
      %get3A_697 = vector.shape_cast %get3A_696 : vector<1x128xf32> to vector<128xf32>
      %broadcast_in_dim3A_698 = vector.shape_cast %get3A_697 : vector<128xf32> to vector<1x128xf32>
      %add3A_699 = vector.broadcast %broadcast_in_dim3A_698 : vector<1x128xf32> to vector<64x128xf32>
      %add3A_700 = arith.addf %mul3A_693, %add3A_699 : vector<64x128xf32>
      %get3A_701 = arith.constant 1 : index
      %get3A_702 = arith.constant 0 : index
      %get3A_703 = arith.constant 0 : index
      %get3A_704 = vector.load %arg8[%get3A_701, %get3A_702, %get3A_703] : memref<3x128x512xf32, #tpu.memory_space<vmem>>, vector<1x128x512xf32>
      %get3A_705 = vector.shape_cast %get3A_704 : vector<1x128x512xf32> to vector<128x512xf32>
      %dot_general3A_706 = arith.constant dense<0.000000e+00> : vector<64x512xf32>
      %dot_general3A_707 = tpu.matmul %add3A_700, %get3A_705, %dot_general3A_706 {dimension_numbers = #tpu.dot_dimension_numbers<[1], [0], [0], [1], [0, 0, 1, 1], [], []>, precision = #tpu.contract_precision<fp32>, transpose_lhs_hint = false} : vector<64x128xf32>, vector<128x512xf32>, vector<64x512xf32> -> vector<64x512xf32>
      %slice3A_708 = vector.extract_strided_slice %dot_general3A_707 {offsets = [0, 0], sizes = [64, 256], strides = [1, 1]} : vector<64x512xf32> to vector<64x256xf32>
      %slice3A_709 = vector.extract_strided_slice %dot_general3A_707 {offsets = [0, 256], sizes = [64, 256], strides = [1, 1]} : vector<64x512xf32> to vector<64x256xf32>
      %reshape3A_710 = vector.shape_cast %slice3A_708 : vector<64x256xf32> to vector<4x16x256xf32>
      %get3A_711 = arith.constant 1 : index
      %get3A_712 = arith.constant 0 : index
      %get3A_713 = arith.constant 3 : index
      %get3A_714 = vector.load %arg9[%get3A_711, %get3A_712, %get3A_713] : memref<3x256x4xf32, #tpu.memory_space<vmem>>, vector<1x256x1xf32>
      %get3A_715 = vector.shape_cast %get3A_714 : vector<1x256x1xf32> to vector<256xf32>
      %broadcast_in_dim3A_716 = vector.shape_cast %get3A_715 : vector<256xf32> to vector<1x1x256xf32>
      %mul3A_717 = vector.broadcast %broadcast_in_dim3A_716 : vector<1x1x256xf32> to vector<4x16x256xf32>
      %mul3A_718 = arith.mulf %reshape3A_710, %mul3A_717 : vector<4x16x256xf32>
      %broadcast_in_dim3A_719 = arith.constant 0.000000e+00 : f32
      %broadcast_in_dim3A_720 = vector.broadcast %broadcast_in_dim3A_719 : f32 to vector<4x3x256xf32>
      %slice3A_721 = vector.extract_strided_slice %reshape3A_710 {offsets = [0, 0, 0], sizes = [4, 13, 256], strides = [1, 1, 1]} : vector<4x16x256xf32> to vector<4x13x256xf32>
      %concatenate3A_722 = tpu.concatenate %broadcast_in_dim3A_720, %slice3A_721 in 1 : vector<4x3x256xf32>, vector<4x13x256xf32> -> vector<4x16x256xf32>
      %get3A_723 = arith.constant 1 : index
      %get3A_724 = arith.constant 0 : index
      %get3A_725 = arith.constant 0 : index
      %get3A_726 = vector.load %arg9[%get3A_723, %get3A_724, %get3A_725] : memref<3x256x4xf32, #tpu.memory_space<vmem>>, vector<1x256x1xf32>
      %get3A_727 = vector.shape_cast %get3A_726 : vector<1x256x1xf32> to vector<256xf32>
      %broadcast_in_dim3A_728 = vector.shape_cast %get3A_727 : vector<256xf32> to vector<1x1x256xf32>
      %mul3A_729 = vector.broadcast %broadcast_in_dim3A_728 : vector<1x1x256xf32> to vector<4x16x256xf32>
      %mul3A_730 = arith.mulf %concatenate3A_722, %mul3A_729 : vector<4x16x256xf32>
      %add3A_731 = arith.addf %mul3A_718, %mul3A_730 : vector<4x16x256xf32>
      %broadcast_in_dim3A_732 = arith.constant 0.000000e+00 : f32
      %broadcast_in_dim3A_733 = vector.broadcast %broadcast_in_dim3A_732 : f32 to vector<4x2x256xf32>
      %slice3A_734 = vector.extract_strided_slice %reshape3A_710 {offsets = [0, 0, 0], sizes = [4, 14, 256], strides = [1, 1, 1]} : vector<4x16x256xf32> to vector<4x14x256xf32>
      %concatenate3A_735 = tpu.concatenate %broadcast_in_dim3A_733, %slice3A_734 in 1 : vector<4x2x256xf32>, vector<4x14x256xf32> -> vector<4x16x256xf32>
      %get3A_736 = arith.constant 1 : index
      %get3A_737 = arith.constant 0 : index
      %get3A_738 = arith.constant 1 : index
      %get3A_739 = vector.load %arg9[%get3A_736, %get3A_737, %get3A_738] : memref<3x256x4xf32, #tpu.memory_space<vmem>>, vector<1x256x1xf32>
      %get3A_740 = vector.shape_cast %get3A_739 : vector<1x256x1xf32> to vector<256xf32>
      %broadcast_in_dim3A_741 = vector.shape_cast %get3A_740 : vector<256xf32> to vector<1x1x256xf32>
      %mul3A_742 = vector.broadcast %broadcast_in_dim3A_741 : vector<1x1x256xf32> to vector<4x16x256xf32>
      %mul3A_743 = arith.mulf %concatenate3A_735, %mul3A_742 : vector<4x16x256xf32>
      %add3A_744 = arith.addf %add3A_731, %mul3A_743 : vector<4x16x256xf32>
      %broadcast_in_dim3A_745 = arith.constant 0.000000e+00 : f32
      %broadcast_in_dim3A_746 = vector.broadcast %broadcast_in_dim3A_745 : f32 to vector<4x1x256xf32>
      %slice3A_747 = vector.extract_strided_slice %reshape3A_710 {offsets = [0, 0, 0], sizes = [4, 15, 256], strides = [1, 1, 1]} : vector<4x16x256xf32> to vector<4x15x256xf32>
      %concatenate3A_748 = tpu.concatenate %broadcast_in_dim3A_746, %slice3A_747 in 1 : vector<4x1x256xf32>, vector<4x15x256xf32> -> vector<4x16x256xf32>
      %get3A_749 = arith.constant 1 : index
      %get3A_750 = arith.constant 0 : index
      %get3A_751 = arith.constant 2 : index
      %get3A_752 = vector.load %arg9[%get3A_749, %get3A_750, %get3A_751] : memref<3x256x4xf32, #tpu.memory_space<vmem>>, vector<1x256x1xf32>
      %get3A_753 = vector.shape_cast %get3A_752 : vector<1x256x1xf32> to vector<256xf32>
      %broadcast_in_dim3A_754 = vector.shape_cast %get3A_753 : vector<256xf32> to vector<1x1x256xf32>
      %mul3A_755 = vector.broadcast %broadcast_in_dim3A_754 : vector<1x1x256xf32> to vector<4x16x256xf32>
      %mul3A_756 = arith.mulf %concatenate3A_748, %mul3A_755 : vector<4x16x256xf32>
      %add3A_757 = arith.addf %add3A_744, %mul3A_756 : vector<4x16x256xf32>
      %reshape3A_758 = vector.shape_cast %add3A_757 : vector<4x16x256xf32> to vector<64x256xf32>
      %get3A_759 = arith.constant 1 : index
      %get3A_760 = arith.constant 0 : index
      %get3A_761 = vector.load %arg10[%get3A_759, %get3A_760] : memref<3x256xf32, #tpu.memory_space<vmem>>, vector<1x256xf32>
      %get3A_762 = vector.shape_cast %get3A_761 : vector<1x256xf32> to vector<256xf32>
      %broadcast_in_dim3A_763 = vector.shape_cast %get3A_762 : vector<256xf32> to vector<1x256xf32>
      %add3A_764 = vector.broadcast %broadcast_in_dim3A_763 : vector<1x256xf32> to vector<64x256xf32>
      %add3A_765 = arith.addf %reshape3A_758, %add3A_764 : vector<64x256xf32>
      %logistic3A_766 = arith.negf %add3A_765 : vector<64x256xf32>
      %logistic3A_767 = math.exp %logistic3A_766 : vector<64x256xf32>
      %logistic3A_768 = arith.constant 1.000000e+00 : f32
      %logistic3A_769 = vector.broadcast %logistic3A_768 : f32 to vector<64x256xf32>
      %logistic3A_770 = arith.addf %logistic3A_769, %logistic3A_767 : vector<64x256xf32>
      %logistic3A_771 = arith.divf %logistic3A_769, %logistic3A_770 : vector<64x256xf32>
      %mul3A_772 = arith.mulf %add3A_765, %logistic3A_771 : vector<64x256xf32>
      %get3A_773 = arith.constant 1 : index
      %get3A_774 = arith.constant 0 : index
      %get3A_775 = arith.constant 0 : index
      %get3A_776 = vector.load %arg11[%get3A_773, %get3A_774, %get3A_775] : memref<3x256x8xf32, #tpu.memory_space<vmem>>, vector<1x256x8xf32>
      %get3A_777 = vector.shape_cast %get3A_776 : vector<1x256x8xf32> to vector<256x8xf32>
      %dot_general3A_778 = arith.constant dense<0.000000e+00> : vector<64x8xf32>
      %dot_general3A_779 = tpu.matmul %mul3A_772, %get3A_777, %dot_general3A_778 {dimension_numbers = #tpu.dot_dimension_numbers<[1], [0], [0], [1], [0, 0, 1, 1], [], []>, precision = #tpu.contract_precision<fp32>, transpose_lhs_hint = false} : vector<64x256xf32>, vector<256x8xf32>, vector<64x8xf32> -> vector<64x8xf32>
      %get3A_780 = arith.constant 1 : index
      %get3A_781 = arith.constant 0 : index
      %get3A_782 = arith.constant 0 : index
      %get3A_783 = vector.load %arg14[%get3A_780, %get3A_781, %get3A_782] : memref<3x8x256xf32, #tpu.memory_space<vmem>>, vector<1x8x256xf32>
      %get3A_784 = vector.shape_cast %get3A_783 : vector<1x8x256xf32> to vector<8x256xf32>
      %dot_general3A_785 = arith.constant dense<0.000000e+00> : vector<64x256xf32>
      %dot_general3A_786 = tpu.matmul %dot_general3A_779, %get3A_784, %dot_general3A_785 {dimension_numbers = #tpu.dot_dimension_numbers<[1], [0], [0], [1], [0, 0, 1, 1], [], []>, precision = #tpu.contract_precision<fp32>, transpose_lhs_hint = false} : vector<64x8xf32>, vector<8x256xf32>, vector<64x256xf32> -> vector<64x256xf32>
      %get3A_787 = arith.constant 1 : index
      %get3A_788 = arith.constant 0 : index
      %get3A_789 = vector.load %arg15[%get3A_787, %get3A_788] : memref<3x256xf32, #tpu.memory_space<vmem>>, vector<1x256xf32>
      %get3A_790 = vector.shape_cast %get3A_789 : vector<1x256xf32> to vector<256xf32>
      %broadcast_in_dim3A_791 = vector.shape_cast %get3A_790 : vector<256xf32> to vector<1x256xf32>
      %add3A_792 = vector.broadcast %broadcast_in_dim3A_791 : vector<1x256xf32> to vector<64x256xf32>
      %add3A_793 = arith.addf %dot_general3A_786, %add3A_792 : vector<64x256xf32>
      %max3A_794 = arith.constant 0.000000e+00 : f32
      %max3A_795 = vector.broadcast %max3A_794 : f32 to vector<64x256xf32>
      %max3A_796 = arith.maximumf %add3A_793, %max3A_795 : vector<64x256xf32>
      %abs3A_797 = math.absf %add3A_793 : vector<64x256xf32>
      %neg3A_798 = arith.constant 0.000000e+00 : f32
      %neg3A_799 = vector.broadcast %neg3A_798 : f32 to vector<64x256xf32>
      %neg3A_800 = arith.subf %neg3A_799, %abs3A_797 : vector<64x256xf32>
      %exp3A_801 = math.exp %neg3A_800 : vector<64x256xf32>
      %add3A_802 = arith.constant 1.000000e+00 : f32
      %add3A_803 = vector.broadcast %add3A_802 : f32 to vector<64x256xf32>
      %add3A_804 = arith.addf %add3A_803, %exp3A_801 : vector<64x256xf32>
      %log3A_805 = math.log %add3A_804 : vector<64x256xf32>
      %add3A_806 = arith.addf %max3A_796, %log3A_805 : vector<64x256xf32>
      %get3A_807 = arith.constant 1 : index
      %get3A_808 = arith.constant 0 : index
      %get3A_809 = arith.constant 0 : index
      %get3A_810 = vector.load %arg12[%get3A_807, %get3A_808, %get3A_809] : memref<3x256x32xf32, #tpu.memory_space<vmem>>, vector<1x256x32xf32>
      %get3A_811 = vector.shape_cast %get3A_810 : vector<1x256x32xf32> to vector<256x32xf32>
      %dot_general3A_812 = arith.constant dense<0.000000e+00> : vector<64x32xf32>
      %dot_general3A_813 = tpu.matmul %mul3A_772, %get3A_811, %dot_general3A_812 {dimension_numbers = #tpu.dot_dimension_numbers<[1], [0], [0], [1], [0, 0, 1, 1], [], []>, precision = #tpu.contract_precision<fp32>, transpose_lhs_hint = false} : vector<64x256xf32>, vector<256x32xf32>, vector<64x32xf32> -> vector<64x32xf32>
      %get3A_814 = arith.constant 1 : index
      %get3A_815 = arith.constant 0 : index
      %get3A_816 = arith.constant 0 : index
      %get3A_817 = vector.load %arg13[%get3A_814, %get3A_815, %get3A_816] : memref<3x256x32xf32, #tpu.memory_space<vmem>>, vector<1x256x32xf32>
      %get3A_818 = vector.shape_cast %get3A_817 : vector<1x256x32xf32> to vector<256x32xf32>
      %dot_general3A_819 = arith.constant dense<0.000000e+00> : vector<64x32xf32>
      %dot_general3A_820 = tpu.matmul %mul3A_772, %get3A_818, %dot_general3A_819 {dimension_numbers = #tpu.dot_dimension_numbers<[1], [0], [0], [1], [0, 0, 1, 1], [], []>, precision = #tpu.contract_precision<fp32>, transpose_lhs_hint = false} : vector<64x256xf32>, vector<256x32xf32>, vector<64x32xf32> -> vector<64x32xf32>
      %get3A_821 = arith.constant 1 : index
      %get3A_822 = arith.constant 0 : index
      %get3A_823 = arith.constant 0 : index
      %get3A_824 = vector.load %arg16[%get3A_821, %get3A_822, %get3A_823] : memref<3x32x256xf32, #tpu.memory_space<vmem>>, vector<1x32x256xf32>
      %get3A_825 = vector.shape_cast %get3A_824 : vector<1x32x256xf32> to vector<32x256xf32>
      %exp3A_826 = math.exp %get3A_825 : vector<32x256xf32>
      %neg3A_827 = arith.constant 0.000000e+00 : f32
      %neg3A_828 = vector.broadcast %neg3A_827 : f32 to vector<32x256xf32>
      %neg3A_829 = arith.subf %neg3A_828, %exp3A_826 : vector<32x256xf32>
      %reshape3A_830 = vector.shape_cast %add3A_806 : vector<64x256xf32> to vector<4x16x256xf32>
      %reshape3A_831 = vector.shape_cast %mul3A_772 : vector<64x256xf32> to vector<4x16x256xf32>
      %reshape3A_832 = vector.shape_cast %dot_general3A_813 : vector<64x32xf32> to vector<4x16x32xf32>
      %reshape3A_833 = vector.shape_cast %dot_general3A_820 : vector<64x32xf32> to vector<4x16x32xf32>
      %broadcast_in_dim3A_834 = arith.constant 0.000000e+00 : f32
      %broadcast_in_dim3A_835 = vector.broadcast %broadcast_in_dim3A_834 : f32 to vector<4x32x256xf32>
      %slice3A_836 = vector.extract_strided_slice %reshape3A_830 {offsets = [0, 0, 0], sizes = [4, 1, 256], strides = [1, 1, 1]} : vector<4x16x256xf32> to vector<4x1x256xf32>
      %squeeze3A_837 = vector.shape_cast %slice3A_836 : vector<4x1x256xf32> to vector<4x256xf32>
      %broadcast_in_dim3A_838 = vector.shape_cast %squeeze3A_837 : vector<4x256xf32> to vector<4x1x256xf32>
      %broadcast_in_dim3A_839 = vector.shape_cast %neg3A_829 : vector<32x256xf32> to vector<1x32x256xf32>
      %mul3A_840 = vector.broadcast %broadcast_in_dim3A_838 : vector<4x1x256xf32> to vector<4x32x256xf32>
      %mul3A_841 = vector.broadcast %broadcast_in_dim3A_839 : vector<1x32x256xf32> to vector<4x32x256xf32>
      %mul3A_842 = arith.mulf %mul3A_840, %mul3A_841 : vector<4x32x256xf32>
      %exp3A_843 = math.exp %mul3A_842 : vector<4x32x256xf32>
      %slice3A_844 = vector.extract_strided_slice %reshape3A_831 {offsets = [0, 0, 0], sizes = [4, 1, 256], strides = [1, 1, 1]} : vector<4x16x256xf32> to vector<4x1x256xf32>
      %squeeze3A_845 = vector.shape_cast %slice3A_844 : vector<4x1x256xf32> to vector<4x256xf32>
      %broadcast_in_dim3A_846 = vector.shape_cast %squeeze3A_845 : vector<4x256xf32> to vector<4x1x256xf32>
      %slice3A_847 = vector.extract_strided_slice %reshape3A_832 {offsets = [0, 0, 0], sizes = [4, 1, 32], strides = [1, 1, 1]} : vector<4x16x32xf32> to vector<4x1x32xf32>
      %squeeze3A_848 = vector.shape_cast %slice3A_847 : vector<4x1x32xf32> to vector<4x32xf32>
      %broadcast_in_dim3A_849 = vector.shape_cast %squeeze3A_848 : vector<4x32xf32> to vector<4x32x1xf32>
      %mul3A_850 = arith.mulf %exp3A_843, %broadcast_in_dim3A_835 : vector<4x32x256xf32>
      %mul3A_851 = vector.broadcast %broadcast_in_dim3A_838 : vector<4x1x256xf32> to vector<4x32x256xf32>
      %mul3A_852 = vector.broadcast %broadcast_in_dim3A_849 : vector<4x32x1xf32> to vector<4x32x256xf32>
      %mul3A_853 = arith.mulf %mul3A_851, %mul3A_852 : vector<4x32x256xf32>
      %mul3A_854 = vector.broadcast %broadcast_in_dim3A_846 : vector<4x1x256xf32> to vector<4x32x256xf32>
      %mul3A_855 = arith.mulf %mul3A_853, %mul3A_854 : vector<4x32x256xf32>
      %add3A_856 = arith.addf %mul3A_850, %mul3A_855 : vector<4x32x256xf32>
      %slice3A_857 = vector.extract_strided_slice %reshape3A_833 {offsets = [0, 0, 0], sizes = [4, 1, 32], strides = [1, 1, 1]} : vector<4x16x32xf32> to vector<4x1x32xf32>
      %squeeze3A_858 = vector.shape_cast %slice3A_857 : vector<4x1x32xf32> to vector<4x32xf32>
      %broadcast_in_dim3A_859 = vector.shape_cast %squeeze3A_858 : vector<4x32xf32> to vector<4x32x1xf32>
      %mul3A_860 = vector.broadcast %broadcast_in_dim3A_859 : vector<4x32x1xf32> to vector<4x32x256xf32>
      %mul3A_861 = arith.mulf %add3A_856, %mul3A_860 : vector<4x32x256xf32>
      %reduce_sum3A_862 = arith.constant dense<0.000000e+00> : vector<4x256xf32>
      %reduce_sum3A_863 = vector.multi_reduction <add>, %mul3A_861, %reduce_sum3A_862 [1] : vector<4x32x256xf32> to vector<4x256xf32>
      %slice3A_864 = vector.extract_strided_slice %reshape3A_830 {offsets = [0, 1, 0], sizes = [4, 1, 256], strides = [1, 1, 1]} : vector<4x16x256xf32> to vector<4x1x256xf32>
      %squeeze3A_865 = vector.shape_cast %slice3A_864 : vector<4x1x256xf32> to vector<4x256xf32>
      %broadcast_in_dim3A_866 = vector.shape_cast %squeeze3A_865 : vector<4x256xf32> to vector<4x1x256xf32>
      %broadcast_in_dim3A_867 = vector.shape_cast %neg3A_829 : vector<32x256xf32> to vector<1x32x256xf32>
      %mul3A_868 = vector.broadcast %broadcast_in_dim3A_866 : vector<4x1x256xf32> to vector<4x32x256xf32>
      %mul3A_869 = vector.broadcast %broadcast_in_dim3A_867 : vector<1x32x256xf32> to vector<4x32x256xf32>
      %mul3A_870 = arith.mulf %mul3A_868, %mul3A_869 : vector<4x32x256xf32>
      %exp3A_871 = math.exp %mul3A_870 : vector<4x32x256xf32>
      %slice3A_872 = vector.extract_strided_slice %reshape3A_831 {offsets = [0, 1, 0], sizes = [4, 1, 256], strides = [1, 1, 1]} : vector<4x16x256xf32> to vector<4x1x256xf32>
      %squeeze3A_873 = vector.shape_cast %slice3A_872 : vector<4x1x256xf32> to vector<4x256xf32>
      %broadcast_in_dim3A_874 = vector.shape_cast %squeeze3A_873 : vector<4x256xf32> to vector<4x1x256xf32>
      %slice3A_875 = vector.extract_strided_slice %reshape3A_832 {offsets = [0, 1, 0], sizes = [4, 1, 32], strides = [1, 1, 1]} : vector<4x16x32xf32> to vector<4x1x32xf32>
      %squeeze3A_876 = vector.shape_cast %slice3A_875 : vector<4x1x32xf32> to vector<4x32xf32>
      %broadcast_in_dim3A_877 = vector.shape_cast %squeeze3A_876 : vector<4x32xf32> to vector<4x32x1xf32>
      %mul3A_878 = arith.mulf %exp3A_871, %add3A_856 : vector<4x32x256xf32>
      %mul3A_879 = vector.broadcast %broadcast_in_dim3A_866 : vector<4x1x256xf32> to vector<4x32x256xf32>
      %mul3A_880 = vector.broadcast %broadcast_in_dim3A_877 : vector<4x32x1xf32> to vector<4x32x256xf32>
      %mul3A_881 = arith.mulf %mul3A_879, %mul3A_880 : vector<4x32x256xf32>
      %mul3A_882 = vector.broadcast %broadcast_in_dim3A_874 : vector<4x1x256xf32> to vector<4x32x256xf32>
      %mul3A_883 = arith.mulf %mul3A_881, %mul3A_882 : vector<4x32x256xf32>
      %add3A_884 = arith.addf %mul3A_878, %mul3A_883 : vector<4x32x256xf32>
      %slice3A_885 = vector.extract_strided_slice %reshape3A_833 {offsets = [0, 1, 0], sizes = [4, 1, 32], strides = [1, 1, 1]} : vector<4x16x32xf32> to vector<4x1x32xf32>
      %squeeze3A_886 = vector.shape_cast %slice3A_885 : vector<4x1x32xf32> to vector<4x32xf32>
      %broadcast_in_dim3A_887 = vector.shape_cast %squeeze3A_886 : vector<4x32xf32> to vector<4x32x1xf32>
      %mul3A_888 = vector.broadcast %broadcast_in_dim3A_887 : vector<4x32x1xf32> to vector<4x32x256xf32>
      %mul3A_889 = arith.mulf %add3A_884, %mul3A_888 : vector<4x32x256xf32>
      %reduce_sum3A_890 = arith.constant dense<0.000000e+00> : vector<4x256xf32>
      %reduce_sum3A_891 = vector.multi_reduction <add>, %mul3A_889, %reduce_sum3A_890 [1] : vector<4x32x256xf32> to vector<4x256xf32>
      %slice3A_892 = vector.extract_strided_slice %reshape3A_830 {offsets = [0, 2, 0], sizes = [4, 1, 256], strides = [1, 1, 1]} : vector<4x16x256xf32> to vector<4x1x256xf32>
      %squeeze3A_893 = vector.shape_cast %slice3A_892 : vector<4x1x256xf32> to vector<4x256xf32>
      %broadcast_in_dim3A_894 = vector.shape_cast %squeeze3A_893 : vector<4x256xf32> to vector<4x1x256xf32>
      %broadcast_in_dim3A_895 = vector.shape_cast %neg3A_829 : vector<32x256xf32> to vector<1x32x256xf32>
      %mul3A_896 = vector.broadcast %broadcast_in_dim3A_894 : vector<4x1x256xf32> to vector<4x32x256xf32>
      %mul3A_897 = vector.broadcast %broadcast_in_dim3A_895 : vector<1x32x256xf32> to vector<4x32x256xf32>
      %mul3A_898 = arith.mulf %mul3A_896, %mul3A_897 : vector<4x32x256xf32>
      %exp3A_899 = math.exp %mul3A_898 : vector<4x32x256xf32>
      %slice3A_900 = vector.extract_strided_slice %reshape3A_831 {offsets = [0, 2, 0], sizes = [4, 1, 256], strides = [1, 1, 1]} : vector<4x16x256xf32> to vector<4x1x256xf32>
      %squeeze3A_901 = vector.shape_cast %slice3A_900 : vector<4x1x256xf32> to vector<4x256xf32>
      %broadcast_in_dim3A_902 = vector.shape_cast %squeeze3A_901 : vector<4x256xf32> to vector<4x1x256xf32>
      %slice3A_903 = vector.extract_strided_slice %reshape3A_832 {offsets = [0, 2, 0], sizes = [4, 1, 32], strides = [1, 1, 1]} : vector<4x16x32xf32> to vector<4x1x32xf32>
      %squeeze3A_904 = vector.shape_cast %slice3A_903 : vector<4x1x32xf32> to vector<4x32xf32>
      %broadcast_in_dim3A_905 = vector.shape_cast %squeeze3A_904 : vector<4x32xf32> to vector<4x32x1xf32>
      %mul3A_906 = arith.mulf %exp3A_899, %add3A_884 : vector<4x32x256xf32>
      %mul3A_907 = vector.broadcast %broadcast_in_dim3A_894 : vector<4x1x256xf32> to vector<4x32x256xf32>
      %mul3A_908 = vector.broadcast %broadcast_in_dim3A_905 : vector<4x32x1xf32> to vector<4x32x256xf32>
      %mul3A_909 = arith.mulf %mul3A_907, %mul3A_908 : vector<4x32x256xf32>
      %mul3A_910 = vector.broadcast %broadcast_in_dim3A_902 : vector<4x1x256xf32> to vector<4x32x256xf32>
      %mul3A_911 = arith.mulf %mul3A_909, %mul3A_910 : vector<4x32x256xf32>
      %add3A_912 = arith.addf %mul3A_906, %mul3A_911 : vector<4x32x256xf32>
      %slice3A_913 = vector.extract_strided_slice %reshape3A_833 {offsets = [0, 2, 0], sizes = [4, 1, 32], strides = [1, 1, 1]} : vector<4x16x32xf32> to vector<4x1x32xf32>
      %squeeze3A_914 = vector.shape_cast %slice3A_913 : vector<4x1x32xf32> to vector<4x32xf32>
      %broadcast_in_dim3A_915 = vector.shape_cast %squeeze3A_914 : vector<4x32xf32> to vector<4x32x1xf32>
      %mul3A_916 = vector.broadcast %broadcast_in_dim3A_915 : vector<4x32x1xf32> to vector<4x32x256xf32>
      %mul3A_917 = arith.mulf %add3A_912, %mul3A_916 : vector<4x32x256xf32>
      %reduce_sum3A_918 = arith.constant dense<0.000000e+00> : vector<4x256xf32>
      %reduce_sum3A_919 = vector.multi_reduction <add>, %mul3A_917, %reduce_sum3A_918 [1] : vector<4x32x256xf32> to vector<4x256xf32>
      %slice3A_920 = vector.extract_strided_slice %reshape3A_830 {offsets = [0, 3, 0], sizes = [4, 1, 256], strides = [1, 1, 1]} : vector<4x16x256xf32> to vector<4x1x256xf32>
      %squeeze3A_921 = vector.shape_cast %slice3A_920 : vector<4x1x256xf32> to vector<4x256xf32>
      %broadcast_in_dim3A_922 = vector.shape_cast %squeeze3A_921 : vector<4x256xf32> to vector<4x1x256xf32>
      %broadcast_in_dim3A_923 = vector.shape_cast %neg3A_829 : vector<32x256xf32> to vector<1x32x256xf32>
      %mul3A_924 = vector.broadcast %broadcast_in_dim3A_922 : vector<4x1x256xf32> to vector<4x32x256xf32>
      %mul3A_925 = vector.broadcast %broadcast_in_dim3A_923 : vector<1x32x256xf32> to vector<4x32x256xf32>
      %mul3A_926 = arith.mulf %mul3A_924, %mul3A_925 : vector<4x32x256xf32>
      %exp3A_927 = math.exp %mul3A_926 : vector<4x32x256xf32>
      %slice3A_928 = vector.extract_strided_slice %reshape3A_831 {offsets = [0, 3, 0], sizes = [4, 1, 256], strides = [1, 1, 1]} : vector<4x16x256xf32> to vector<4x1x256xf32>
      %squeeze3A_929 = vector.shape_cast %slice3A_928 : vector<4x1x256xf32> to vector<4x256xf32>
      %broadcast_in_dim3A_930 = vector.shape_cast %squeeze3A_929 : vector<4x256xf32> to vector<4x1x256xf32>
      %slice3A_931 = vector.extract_strided_slice %reshape3A_832 {offsets = [0, 3, 0], sizes = [4, 1, 32], strides = [1, 1, 1]} : vector<4x16x32xf32> to vector<4x1x32xf32>
      %squeeze3A_932 = vector.shape_cast %slice3A_931 : vector<4x1x32xf32> to vector<4x32xf32>
      %broadcast_in_dim3A_933 = vector.shape_cast %squeeze3A_932 : vector<4x32xf32> to vector<4x32x1xf32>
      %mul3A_934 = arith.mulf %exp3A_927, %add3A_912 : vector<4x32x256xf32>
      %mul3A_935 = vector.broadcast %broadcast_in_dim3A_922 : vector<4x1x256xf32> to vector<4x32x256xf32>
      %mul3A_936 = vector.broadcast %broadcast_in_dim3A_933 : vector<4x32x1xf32> to vector<4x32x256xf32>
      %mul3A_937 = arith.mulf %mul3A_935, %mul3A_936 : vector<4x32x256xf32>
      %mul3A_938 = vector.broadcast %broadcast_in_dim3A_930 : vector<4x1x256xf32> to vector<4x32x256xf32>
      %mul3A_939 = arith.mulf %mul3A_937, %mul3A_938 : vector<4x32x256xf32>
      %add3A_940 = arith.addf %mul3A_934, %mul3A_939 : vector<4x32x256xf32>
      %slice3A_941 = vector.extract_strided_slice %reshape3A_833 {offsets = [0, 3, 0], sizes = [4, 1, 32], strides = [1, 1, 1]} : vector<4x16x32xf32> to vector<4x1x32xf32>
      %squeeze3A_942 = vector.shape_cast %slice3A_941 : vector<4x1x32xf32> to vector<4x32xf32>
      %broadcast_in_dim3A_943 = vector.shape_cast %squeeze3A_942 : vector<4x32xf32> to vector<4x32x1xf32>
      %mul3A_944 = vector.broadcast %broadcast_in_dim3A_943 : vector<4x32x1xf32> to vector<4x32x256xf32>
      %mul3A_945 = arith.mulf %add3A_940, %mul3A_944 : vector<4x32x256xf32>
      %reduce_sum3A_946 = arith.constant dense<0.000000e+00> : vector<4x256xf32>
      %reduce_sum3A_947 = vector.multi_reduction <add>, %mul3A_945, %reduce_sum3A_946 [1] : vector<4x32x256xf32> to vector<4x256xf32>
      %slice3A_948 = vector.extract_strided_slice %reshape3A_830 {offsets = [0, 4, 0], sizes = [4, 1, 256], strides = [1, 1, 1]} : vector<4x16x256xf32> to vector<4x1x256xf32>
      %squeeze3A_949 = vector.shape_cast %slice3A_948 : vector<4x1x256xf32> to vector<4x256xf32>
      %broadcast_in_dim3A_950 = vector.shape_cast %squeeze3A_949 : vector<4x256xf32> to vector<4x1x256xf32>
      %broadcast_in_dim3A_951 = vector.shape_cast %neg3A_829 : vector<32x256xf32> to vector<1x32x256xf32>
      %mul3A_952 = vector.broadcast %broadcast_in_dim3A_950 : vector<4x1x256xf32> to vector<4x32x256xf32>
      %mul3A_953 = vector.broadcast %broadcast_in_dim3A_951 : vector<1x32x256xf32> to vector<4x32x256xf32>
      %mul3A_954 = arith.mulf %mul3A_952, %mul3A_953 : vector<4x32x256xf32>
      %exp3A_955 = math.exp %mul3A_954 : vector<4x32x256xf32>
      %slice3A_956 = vector.extract_strided_slice %reshape3A_831 {offsets = [0, 4, 0], sizes = [4, 1, 256], strides = [1, 1, 1]} : vector<4x16x256xf32> to vector<4x1x256xf32>
      %squeeze3A_957 = vector.shape_cast %slice3A_956 : vector<4x1x256xf32> to vector<4x256xf32>
      %broadcast_in_dim3A_958 = vector.shape_cast %squeeze3A_957 : vector<4x256xf32> to vector<4x1x256xf32>
      %slice3A_959 = vector.extract_strided_slice %reshape3A_832 {offsets = [0, 4, 0], sizes = [4, 1, 32], strides = [1, 1, 1]} : vector<4x16x32xf32> to vector<4x1x32xf32>
      %squeeze3A_960 = vector.shape_cast %slice3A_959 : vector<4x1x32xf32> to vector<4x32xf32>
      %broadcast_in_dim3A_961 = vector.shape_cast %squeeze3A_960 : vector<4x32xf32> to vector<4x32x1xf32>
      %mul3A_962 = arith.mulf %exp3A_955, %add3A_940 : vector<4x32x256xf32>
      %mul3A_963 = vector.broadcast %broadcast_in_dim3A_950 : vector<4x1x256xf32> to vector<4x32x256xf32>
      %mul3A_964 = vector.broadcast %broadcast_in_dim3A_961 : vector<4x32x1xf32> to vector<4x32x256xf32>
      %mul3A_965 = arith.mulf %mul3A_963, %mul3A_964 : vector<4x32x256xf32>
      %mul3A_966 = vector.broadcast %broadcast_in_dim3A_958 : vector<4x1x256xf32> to vector<4x32x256xf32>
      %mul3A_967 = arith.mulf %mul3A_965, %mul3A_966 : vector<4x32x256xf32>
      %add3A_968 = arith.addf %mul3A_962, %mul3A_967 : vector<4x32x256xf32>
      %slice3A_969 = vector.extract_strided_slice %reshape3A_833 {offsets = [0, 4, 0], sizes = [4, 1, 32], strides = [1, 1, 1]} : vector<4x16x32xf32> to vector<4x1x32xf32>
      %squeeze3A_970 = vector.shape_cast %slice3A_969 : vector<4x1x32xf32> to vector<4x32xf32>
      %broadcast_in_dim3A_971 = vector.shape_cast %squeeze3A_970 : vector<4x32xf32> to vector<4x32x1xf32>
      %mul3A_972 = vector.broadcast %broadcast_in_dim3A_971 : vector<4x32x1xf32> to vector<4x32x256xf32>
      %mul3A_973 = arith.mulf %add3A_968, %mul3A_972 : vector<4x32x256xf32>
      %reduce_sum3A_974 = arith.constant dense<0.000000e+00> : vector<4x256xf32>
      %reduce_sum3A_975 = vector.multi_reduction <add>, %mul3A_973, %reduce_sum3A_974 [1] : vector<4x32x256xf32> to vector<4x256xf32>
      %slice3A_976 = vector.extract_strided_slice %reshape3A_830 {offsets = [0, 5, 0], sizes = [4, 1, 256], strides = [1, 1, 1]} : vector<4x16x256xf32> to vector<4x1x256xf32>
      %squeeze3A_977 = vector.shape_cast %slice3A_976 : vector<4x1x256xf32> to vector<4x256xf32>
      %broadcast_in_dim3A_978 = vector.shape_cast %squeeze3A_977 : vector<4x256xf32> to vector<4x1x256xf32>
      %broadcast_in_dim3A_979 = vector.shape_cast %neg3A_829 : vector<32x256xf32> to vector<1x32x256xf32>
      %mul3A_980 = vector.broadcast %broadcast_in_dim3A_978 : vector<4x1x256xf32> to vector<4x32x256xf32>
      %mul3A_981 = vector.broadcast %broadcast_in_dim3A_979 : vector<1x32x256xf32> to vector<4x32x256xf32>
      %mul3A_982 = arith.mulf %mul3A_980, %mul3A_981 : vector<4x32x256xf32>
      %exp3A_983 = math.exp %mul3A_982 : vector<4x32x256xf32>
      %slice3A_984 = vector.extract_strided_slice %reshape3A_831 {offsets = [0, 5, 0], sizes = [4, 1, 256], strides = [1, 1, 1]} : vector<4x16x256xf32> to vector<4x1x256xf32>
      %squeeze3A_985 = vector.shape_cast %slice3A_984 : vector<4x1x256xf32> to vector<4x256xf32>
      %broadcast_in_dim3A_986 = vector.shape_cast %squeeze3A_985 : vector<4x256xf32> to vector<4x1x256xf32>
      %slice3A_987 = vector.extract_strided_slice %reshape3A_832 {offsets = [0, 5, 0], sizes = [4, 1, 32], strides = [1, 1, 1]} : vector<4x16x32xf32> to vector<4x1x32xf32>
      %squeeze3A_988 = vector.shape_cast %slice3A_987 : vector<4x1x32xf32> to vector<4x32xf32>
      %broadcast_in_dim3A_989 = vector.shape_cast %squeeze3A_988 : vector<4x32xf32> to vector<4x32x1xf32>
      %mul3A_990 = arith.mulf %exp3A_983, %add3A_968 : vector<4x32x256xf32>
      %mul3A_991 = vector.broadcast %broadcast_in_dim3A_978 : vector<4x1x256xf32> to vector<4x32x256xf32>
      %mul3A_992 = vector.broadcast %broadcast_in_dim3A_989 : vector<4x32x1xf32> to vector<4x32x256xf32>
      %mul3A_993 = arith.mulf %mul3A_991, %mul3A_992 : vector<4x32x256xf32>
      %mul3A_994 = vector.broadcast %broadcast_in_dim3A_986 : vector<4x1x256xf32> to vector<4x32x256xf32>
      %mul3A_995 = arith.mulf %mul3A_993, %mul3A_994 : vector<4x32x256xf32>
      %add3A_996 = arith.addf %mul3A_990, %mul3A_995 : vector<4x32x256xf32>
      %slice3A_997 = vector.extract_strided_slice %reshape3A_833 {offsets = [0, 5, 0], sizes = [4, 1, 32], strides = [1, 1, 1]} : vector<4x16x32xf32> to vector<4x1x32xf32>
      %squeeze3A_998 = vector.shape_cast %slice3A_997 : vector<4x1x32xf32> to vector<4x32xf32>
      %broadcast_in_dim3A_999 = vector.shape_cast %squeeze3A_998 : vector<4x32xf32> to vector<4x32x1xf32>
      %mul3A_1000 = vector.broadcast %broadcast_in_dim3A_999 : vector<4x32x1xf32> to vector<4x32x256xf32>
      %mul3A_1001 = arith.mulf %add3A_996, %mul3A_1000 : vector<4x32x256xf32>
      %reduce_sum3A_1002 = arith.constant dense<0.000000e+00> : vector<4x256xf32>
      %reduce_sum3A_1003 = vector.multi_reduction <add>, %mul3A_1001, %reduce_sum3A_1002 [1] : vector<4x32x256xf32> to vector<4x256xf32>
      %slice3A_1004 = vector.extract_strided_slice %reshape3A_830 {offsets = [0, 6, 0], sizes = [4, 1, 256], strides = [1, 1, 1]} : vector<4x16x256xf32> to vector<4x1x256xf32>
      %squeeze3A_1005 = vector.shape_cast %slice3A_1004 : vector<4x1x256xf32> to vector<4x256xf32>
      %broadcast_in_dim3A_1006 = vector.shape_cast %squeeze3A_1005 : vector<4x256xf32> to vector<4x1x256xf32>
      %broadcast_in_dim3A_1007 = vector.shape_cast %neg3A_829 : vector<32x256xf32> to vector<1x32x256xf32>
      %mul3A_1008 = vector.broadcast %broadcast_in_dim3A_1006 : vector<4x1x256xf32> to vector<4x32x256xf32>
      %mul3A_1009 = vector.broadcast %broadcast_in_dim3A_1007 : vector<1x32x256xf32> to vector<4x32x256xf32>
      %mul3A_1010 = arith.mulf %mul3A_1008, %mul3A_1009 : vector<4x32x256xf32>
      %exp3A_1011 = math.exp %mul3A_1010 : vector<4x32x256xf32>
      %slice3A_1012 = vector.extract_strided_slice %reshape3A_831 {offsets = [0, 6, 0], sizes = [4, 1, 256], strides = [1, 1, 1]} : vector<4x16x256xf32> to vector<4x1x256xf32>
      %squeeze3A_1013 = vector.shape_cast %slice3A_1012 : vector<4x1x256xf32> to vector<4x256xf32>
      %broadcast_in_dim3A_1014 = vector.shape_cast %squeeze3A_1013 : vector<4x256xf32> to vector<4x1x256xf32>
      %slice3A_1015 = vector.extract_strided_slice %reshape3A_832 {offsets = [0, 6, 0], sizes = [4, 1, 32], strides = [1, 1, 1]} : vector<4x16x32xf32> to vector<4x1x32xf32>
      %squeeze3A_1016 = vector.shape_cast %slice3A_1015 : vector<4x1x32xf32> to vector<4x32xf32>
      %broadcast_in_dim3A_1017 = vector.shape_cast %squeeze3A_1016 : vector<4x32xf32> to vector<4x32x1xf32>
      %mul3A_1018 = arith.mulf %exp3A_1011, %add3A_996 : vector<4x32x256xf32>
      %mul3A_1019 = vector.broadcast %broadcast_in_dim3A_1006 : vector<4x1x256xf32> to vector<4x32x256xf32>
      %mul3A_1020 = vector.broadcast %broadcast_in_dim3A_1017 : vector<4x32x1xf32> to vector<4x32x256xf32>
      %mul3A_1021 = arith.mulf %mul3A_1019, %mul3A_1020 : vector<4x32x256xf32>
      %mul3A_1022 = vector.broadcast %broadcast_in_dim3A_1014 : vector<4x1x256xf32> to vector<4x32x256xf32>
      %mul3A_1023 = arith.mulf %mul3A_1021, %mul3A_1022 : vector<4x32x256xf32>
      %add3A_1024 = arith.addf %mul3A_1018, %mul3A_1023 : vector<4x32x256xf32>
      %slice3A_1025 = vector.extract_strided_slice %reshape3A_833 {offsets = [0, 6, 0], sizes = [4, 1, 32], strides = [1, 1, 1]} : vector<4x16x32xf32> to vector<4x1x32xf32>
      %squeeze3A_1026 = vector.shape_cast %slice3A_1025 : vector<4x1x32xf32> to vector<4x32xf32>
      %broadcast_in_dim3A_1027 = vector.shape_cast %squeeze3A_1026 : vector<4x32xf32> to vector<4x32x1xf32>
      %mul3A_1028 = vector.broadcast %broadcast_in_dim3A_1027 : vector<4x32x1xf32> to vector<4x32x256xf32>
      %mul3A_1029 = arith.mulf %add3A_1024, %mul3A_1028 : vector<4x32x256xf32>
      %reduce_sum3A_1030 = arith.constant dense<0.000000e+00> : vector<4x256xf32>
      %reduce_sum3A_1031 = vector.multi_reduction <add>, %mul3A_1029, %reduce_sum3A_1030 [1] : vector<4x32x256xf32> to vector<4x256xf32>
      %slice3A_1032 = vector.extract_strided_slice %reshape3A_830 {offsets = [0, 7, 0], sizes = [4, 1, 256], strides = [1, 1, 1]} : vector<4x16x256xf32> to vector<4x1x256xf32>
      %squeeze3A_1033 = vector.shape_cast %slice3A_1032 : vector<4x1x256xf32> to vector<4x256xf32>
      %broadcast_in_dim3A_1034 = vector.shape_cast %squeeze3A_1033 : vector<4x256xf32> to vector<4x1x256xf32>
      %broadcast_in_dim3A_1035 = vector.shape_cast %neg3A_829 : vector<32x256xf32> to vector<1x32x256xf32>
      %mul3A_1036 = vector.broadcast %broadcast_in_dim3A_1034 : vector<4x1x256xf32> to vector<4x32x256xf32>
      %mul3A_1037 = vector.broadcast %broadcast_in_dim3A_1035 : vector<1x32x256xf32> to vector<4x32x256xf32>
      %mul3A_1038 = arith.mulf %mul3A_1036, %mul3A_1037 : vector<4x32x256xf32>
      %exp3A_1039 = math.exp %mul3A_1038 : vector<4x32x256xf32>
      %slice3A_1040 = vector.extract_strided_slice %reshape3A_831 {offsets = [0, 7, 0], sizes = [4, 1, 256], strides = [1, 1, 1]} : vector<4x16x256xf32> to vector<4x1x256xf32>
      %squeeze3A_1041 = vector.shape_cast %slice3A_1040 : vector<4x1x256xf32> to vector<4x256xf32>
      %broadcast_in_dim3A_1042 = vector.shape_cast %squeeze3A_1041 : vector<4x256xf32> to vector<4x1x256xf32>
      %slice3A_1043 = vector.extract_strided_slice %reshape3A_832 {offsets = [0, 7, 0], sizes = [4, 1, 32], strides = [1, 1, 1]} : vector<4x16x32xf32> to vector<4x1x32xf32>
      %squeeze3A_1044 = vector.shape_cast %slice3A_1043 : vector<4x1x32xf32> to vector<4x32xf32>
      %broadcast_in_dim3A_1045 = vector.shape_cast %squeeze3A_1044 : vector<4x32xf32> to vector<4x32x1xf32>
      %mul3A_1046 = arith.mulf %exp3A_1039, %add3A_1024 : vector<4x32x256xf32>
      %mul3A_1047 = vector.broadcast %broadcast_in_dim3A_1034 : vector<4x1x256xf32> to vector<4x32x256xf32>
      %mul3A_1048 = vector.broadcast %broadcast_in_dim3A_1045 : vector<4x32x1xf32> to vector<4x32x256xf32>
      %mul3A_1049 = arith.mulf %mul3A_1047, %mul3A_1048 : vector<4x32x256xf32>
      %mul3A_1050 = vector.broadcast %broadcast_in_dim3A_1042 : vector<4x1x256xf32> to vector<4x32x256xf32>
      %mul3A_1051 = arith.mulf %mul3A_1049, %mul3A_1050 : vector<4x32x256xf32>
      %add3A_1052 = arith.addf %mul3A_1046, %mul3A_1051 : vector<4x32x256xf32>
      %slice3A_1053 = vector.extract_strided_slice %reshape3A_833 {offsets = [0, 7, 0], sizes = [4, 1, 32], strides = [1, 1, 1]} : vector<4x16x32xf32> to vector<4x1x32xf32>
      %squeeze3A_1054 = vector.shape_cast %slice3A_1053 : vector<4x1x32xf32> to vector<4x32xf32>
      %broadcast_in_dim3A_1055 = vector.shape_cast %squeeze3A_1054 : vector<4x32xf32> to vector<4x32x1xf32>
      %mul3A_1056 = vector.broadcast %broadcast_in_dim3A_1055 : vector<4x32x1xf32> to vector<4x32x256xf32>
      %mul3A_1057 = arith.mulf %add3A_1052, %mul3A_1056 : vector<4x32x256xf32>
      %reduce_sum3A_1058 = arith.constant dense<0.000000e+00> : vector<4x256xf32>
      %reduce_sum3A_1059 = vector.multi_reduction <add>, %mul3A_1057, %reduce_sum3A_1058 [1] : vector<4x32x256xf32> to vector<4x256xf32>
      %slice3A_1060 = vector.extract_strided_slice %reshape3A_830 {offsets = [0, 8, 0], sizes = [4, 1, 256], strides = [1, 1, 1]} : vector<4x16x256xf32> to vector<4x1x256xf32>
      %squeeze3A_1061 = vector.shape_cast %slice3A_1060 : vector<4x1x256xf32> to vector<4x256xf32>
      %broadcast_in_dim3A_1062 = vector.shape_cast %squeeze3A_1061 : vector<4x256xf32> to vector<4x1x256xf32>
      %broadcast_in_dim3A_1063 = vector.shape_cast %neg3A_829 : vector<32x256xf32> to vector<1x32x256xf32>
      %mul3A_1064 = vector.broadcast %broadcast_in_dim3A_1062 : vector<4x1x256xf32> to vector<4x32x256xf32>
      %mul3A_1065 = vector.broadcast %broadcast_in_dim3A_1063 : vector<1x32x256xf32> to vector<4x32x256xf32>
      %mul3A_1066 = arith.mulf %mul3A_1064, %mul3A_1065 : vector<4x32x256xf32>
      %exp3A_1067 = math.exp %mul3A_1066 : vector<4x32x256xf32>
      %slice3A_1068 = vector.extract_strided_slice %reshape3A_831 {offsets = [0, 8, 0], sizes = [4, 1, 256], strides = [1, 1, 1]} : vector<4x16x256xf32> to vector<4x1x256xf32>
      %squeeze3A_1069 = vector.shape_cast %slice3A_1068 : vector<4x1x256xf32> to vector<4x256xf32>
      %broadcast_in_dim3A_1070 = vector.shape_cast %squeeze3A_1069 : vector<4x256xf32> to vector<4x1x256xf32>
      %slice3A_1071 = vector.extract_strided_slice %reshape3A_832 {offsets = [0, 8, 0], sizes = [4, 1, 32], strides = [1, 1, 1]} : vector<4x16x32xf32> to vector<4x1x32xf32>
      %squeeze3A_1072 = vector.shape_cast %slice3A_1071 : vector<4x1x32xf32> to vector<4x32xf32>
      %broadcast_in_dim3A_1073 = vector.shape_cast %squeeze3A_1072 : vector<4x32xf32> to vector<4x32x1xf32>
      %mul3A_1074 = arith.mulf %exp3A_1067, %add3A_1052 : vector<4x32x256xf32>
      %mul3A_1075 = vector.broadcast %broadcast_in_dim3A_1062 : vector<4x1x256xf32> to vector<4x32x256xf32>
      %mul3A_1076 = vector.broadcast %broadcast_in_dim3A_1073 : vector<4x32x1xf32> to vector<4x32x256xf32>
      %mul3A_1077 = arith.mulf %mul3A_1075, %mul3A_1076 : vector<4x32x256xf32>
      %mul3A_1078 = vector.broadcast %broadcast_in_dim3A_1070 : vector<4x1x256xf32> to vector<4x32x256xf32>
      %mul3A_1079 = arith.mulf %mul3A_1077, %mul3A_1078 : vector<4x32x256xf32>
      %add3A_1080 = arith.addf %mul3A_1074, %mul3A_1079 : vector<4x32x256xf32>
      %slice3A_1081 = vector.extract_strided_slice %reshape3A_833 {offsets = [0, 8, 0], sizes = [4, 1, 32], strides = [1, 1, 1]} : vector<4x16x32xf32> to vector<4x1x32xf32>
      %squeeze3A_1082 = vector.shape_cast %slice3A_1081 : vector<4x1x32xf32> to vector<4x32xf32>
      %broadcast_in_dim3A_1083 = vector.shape_cast %squeeze3A_1082 : vector<4x32xf32> to vector<4x32x1xf32>
      %mul3A_1084 = vector.broadcast %broadcast_in_dim3A_1083 : vector<4x32x1xf32> to vector<4x32x256xf32>
      %mul3A_1085 = arith.mulf %add3A_1080, %mul3A_1084 : vector<4x32x256xf32>
      %reduce_sum3A_1086 = arith.constant dense<0.000000e+00> : vector<4x256xf32>
      %reduce_sum3A_1087 = vector.multi_reduction <add>, %mul3A_1085, %reduce_sum3A_1086 [1] : vector<4x32x256xf32> to vector<4x256xf32>
      %slice3A_1088 = vector.extract_strided_slice %reshape3A_830 {offsets = [0, 9, 0], sizes = [4, 1, 256], strides = [1, 1, 1]} : vector<4x16x256xf32> to vector<4x1x256xf32>
      %squeeze3A_1089 = vector.shape_cast %slice3A_1088 : vector<4x1x256xf32> to vector<4x256xf32>
      %broadcast_in_dim3A_1090 = vector.shape_cast %squeeze3A_1089 : vector<4x256xf32> to vector<4x1x256xf32>
      %broadcast_in_dim3A_1091 = vector.shape_cast %neg3A_829 : vector<32x256xf32> to vector<1x32x256xf32>
      %mul3A_1092 = vector.broadcast %broadcast_in_dim3A_1090 : vector<4x1x256xf32> to vector<4x32x256xf32>
      %mul3A_1093 = vector.broadcast %broadcast_in_dim3A_1091 : vector<1x32x256xf32> to vector<4x32x256xf32>
      %mul3A_1094 = arith.mulf %mul3A_1092, %mul3A_1093 : vector<4x32x256xf32>
      %exp3A_1095 = math.exp %mul3A_1094 : vector<4x32x256xf32>
      %slice3A_1096 = vector.extract_strided_slice %reshape3A_831 {offsets = [0, 9, 0], sizes = [4, 1, 256], strides = [1, 1, 1]} : vector<4x16x256xf32> to vector<4x1x256xf32>
      %squeeze3A_1097 = vector.shape_cast %slice3A_1096 : vector<4x1x256xf32> to vector<4x256xf32>
      %broadcast_in_dim3A_1098 = vector.shape_cast %squeeze3A_1097 : vector<4x256xf32> to vector<4x1x256xf32>
      %slice3A_1099 = vector.extract_strided_slice %reshape3A_832 {offsets = [0, 9, 0], sizes = [4, 1, 32], strides = [1, 1, 1]} : vector<4x16x32xf32> to vector<4x1x32xf32>
      %squeeze3A_1100 = vector.shape_cast %slice3A_1099 : vector<4x1x32xf32> to vector<4x32xf32>
      %broadcast_in_dim3A_1101 = vector.shape_cast %squeeze3A_1100 : vector<4x32xf32> to vector<4x32x1xf32>
      %mul3A_1102 = arith.mulf %exp3A_1095, %add3A_1080 : vector<4x32x256xf32>
      %mul3A_1103 = vector.broadcast %broadcast_in_dim3A_1090 : vector<4x1x256xf32> to vector<4x32x256xf32>
      %mul3A_1104 = vector.broadcast %broadcast_in_dim3A_1101 : vector<4x32x1xf32> to vector<4x32x256xf32>
      %mul3A_1105 = arith.mulf %mul3A_1103, %mul3A_1104 : vector<4x32x256xf32>
      %mul3A_1106 = vector.broadcast %broadcast_in_dim3A_1098 : vector<4x1x256xf32> to vector<4x32x256xf32>
      %mul3A_1107 = arith.mulf %mul3A_1105, %mul3A_1106 : vector<4x32x256xf32>
      %add3A_1108 = arith.addf %mul3A_1102, %mul3A_1107 : vector<4x32x256xf32>
      %slice3A_1109 = vector.extract_strided_slice %reshape3A_833 {offsets = [0, 9, 0], sizes = [4, 1, 32], strides = [1, 1, 1]} : vector<4x16x32xf32> to vector<4x1x32xf32>
      %squeeze3A_1110 = vector.shape_cast %slice3A_1109 : vector<4x1x32xf32> to vector<4x32xf32>
      %broadcast_in_dim3A_1111 = vector.shape_cast %squeeze3A_1110 : vector<4x32xf32> to vector<4x32x1xf32>
      %mul3A_1112 = vector.broadcast %broadcast_in_dim3A_1111 : vector<4x32x1xf32> to vector<4x32x256xf32>
      %mul3A_1113 = arith.mulf %add3A_1108, %mul3A_1112 : vector<4x32x256xf32>
      %reduce_sum3A_1114 = arith.constant dense<0.000000e+00> : vector<4x256xf32>
      %reduce_sum3A_1115 = vector.multi_reduction <add>, %mul3A_1113, %reduce_sum3A_1114 [1] : vector<4x32x256xf32> to vector<4x256xf32>
      %slice3A_1116 = vector.extract_strided_slice %reshape3A_830 {offsets = [0, 10, 0], sizes = [4, 1, 256], strides = [1, 1, 1]} : vector<4x16x256xf32> to vector<4x1x256xf32>
      %squeeze3A_1117 = vector.shape_cast %slice3A_1116 : vector<4x1x256xf32> to vector<4x256xf32>
      %broadcast_in_dim3A_1118 = vector.shape_cast %squeeze3A_1117 : vector<4x256xf32> to vector<4x1x256xf32>
      %broadcast_in_dim3A_1119 = vector.shape_cast %neg3A_829 : vector<32x256xf32> to vector<1x32x256xf32>
      %mul3A_1120 = vector.broadcast %broadcast_in_dim3A_1118 : vector<4x1x256xf32> to vector<4x32x256xf32>
      %mul3A_1121 = vector.broadcast %broadcast_in_dim3A_1119 : vector<1x32x256xf32> to vector<4x32x256xf32>
      %mul3A_1122 = arith.mulf %mul3A_1120, %mul3A_1121 : vector<4x32x256xf32>
      %exp3A_1123 = math.exp %mul3A_1122 : vector<4x32x256xf32>
      %slice3A_1124 = vector.extract_strided_slice %reshape3A_831 {offsets = [0, 10, 0], sizes = [4, 1, 256], strides = [1, 1, 1]} : vector<4x16x256xf32> to vector<4x1x256xf32>
      %squeeze3A_1125 = vector.shape_cast %slice3A_1124 : vector<4x1x256xf32> to vector<4x256xf32>
      %broadcast_in_dim3A_1126 = vector.shape_cast %squeeze3A_1125 : vector<4x256xf32> to vector<4x1x256xf32>
      %slice3A_1127 = vector.extract_strided_slice %reshape3A_832 {offsets = [0, 10, 0], sizes = [4, 1, 32], strides = [1, 1, 1]} : vector<4x16x32xf32> to vector<4x1x32xf32>
      %squeeze3A_1128 = vector.shape_cast %slice3A_1127 : vector<4x1x32xf32> to vector<4x32xf32>
      %broadcast_in_dim3A_1129 = vector.shape_cast %squeeze3A_1128 : vector<4x32xf32> to vector<4x32x1xf32>
      %mul3A_1130 = arith.mulf %exp3A_1123, %add3A_1108 : vector<4x32x256xf32>
      %mul3A_1131 = vector.broadcast %broadcast_in_dim3A_1118 : vector<4x1x256xf32> to vector<4x32x256xf32>
      %mul3A_1132 = vector.broadcast %broadcast_in_dim3A_1129 : vector<4x32x1xf32> to vector<4x32x256xf32>
      %mul3A_1133 = arith.mulf %mul3A_1131, %mul3A_1132 : vector<4x32x256xf32>
      %mul3A_1134 = vector.broadcast %broadcast_in_dim3A_1126 : vector<4x1x256xf32> to vector<4x32x256xf32>
      %mul3A_1135 = arith.mulf %mul3A_1133, %mul3A_1134 : vector<4x32x256xf32>
      %add3A_1136 = arith.addf %mul3A_1130, %mul3A_1135 : vector<4x32x256xf32>
      %slice3A_1137 = vector.extract_strided_slice %reshape3A_833 {offsets = [0, 10, 0], sizes = [4, 1, 32], strides = [1, 1, 1]} : vector<4x16x32xf32> to vector<4x1x32xf32>
      %squeeze3A_1138 = vector.shape_cast %slice3A_1137 : vector<4x1x32xf32> to vector<4x32xf32>
      %broadcast_in_dim3A_1139 = vector.shape_cast %squeeze3A_1138 : vector<4x32xf32> to vector<4x32x1xf32>
      %mul3A_1140 = vector.broadcast %broadcast_in_dim3A_1139 : vector<4x32x1xf32> to vector<4x32x256xf32>
      %mul3A_1141 = arith.mulf %add3A_1136, %mul3A_1140 : vector<4x32x256xf32>
      %reduce_sum3A_1142 = arith.constant dense<0.000000e+00> : vector<4x256xf32>
      %reduce_sum3A_1143 = vector.multi_reduction <add>, %mul3A_1141, %reduce_sum3A_1142 [1] : vector<4x32x256xf32> to vector<4x256xf32>
      %slice3A_1144 = vector.extract_strided_slice %reshape3A_830 {offsets = [0, 11, 0], sizes = [4, 1, 256], strides = [1, 1, 1]} : vector<4x16x256xf32> to vector<4x1x256xf32>
      %squeeze3A_1145 = vector.shape_cast %slice3A_1144 : vector<4x1x256xf32> to vector<4x256xf32>
      %broadcast_in_dim3A_1146 = vector.shape_cast %squeeze3A_1145 : vector<4x256xf32> to vector<4x1x256xf32>
      %broadcast_in_dim3A_1147 = vector.shape_cast %neg3A_829 : vector<32x256xf32> to vector<1x32x256xf32>
      %mul3A_1148 = vector.broadcast %broadcast_in_dim3A_1146 : vector<4x1x256xf32> to vector<4x32x256xf32>
      %mul3A_1149 = vector.broadcast %broadcast_in_dim3A_1147 : vector<1x32x256xf32> to vector<4x32x256xf32>
      %mul3A_1150 = arith.mulf %mul3A_1148, %mul3A_1149 : vector<4x32x256xf32>
      %exp3A_1151 = math.exp %mul3A_1150 : vector<4x32x256xf32>
      %slice3A_1152 = vector.extract_strided_slice %reshape3A_831 {offsets = [0, 11, 0], sizes = [4, 1, 256], strides = [1, 1, 1]} : vector<4x16x256xf32> to vector<4x1x256xf32>
      %squeeze3A_1153 = vector.shape_cast %slice3A_1152 : vector<4x1x256xf32> to vector<4x256xf32>
      %broadcast_in_dim3A_1154 = vector.shape_cast %squeeze3A_1153 : vector<4x256xf32> to vector<4x1x256xf32>
      %slice3A_1155 = vector.extract_strided_slice %reshape3A_832 {offsets = [0, 11, 0], sizes = [4, 1, 32], strides = [1, 1, 1]} : vector<4x16x32xf32> to vector<4x1x32xf32>
      %squeeze3A_1156 = vector.shape_cast %slice3A_1155 : vector<4x1x32xf32> to vector<4x32xf32>
      %broadcast_in_dim3A_1157 = vector.shape_cast %squeeze3A_1156 : vector<4x32xf32> to vector<4x32x1xf32>
      %mul3A_1158 = arith.mulf %exp3A_1151, %add3A_1136 : vector<4x32x256xf32>
      %mul3A_1159 = vector.broadcast %broadcast_in_dim3A_1146 : vector<4x1x256xf32> to vector<4x32x256xf32>
      %mul3A_1160 = vector.broadcast %broadcast_in_dim3A_1157 : vector<4x32x1xf32> to vector<4x32x256xf32>
      %mul3A_1161 = arith.mulf %mul3A_1159, %mul3A_1160 : vector<4x32x256xf32>
      %mul3A_1162 = vector.broadcast %broadcast_in_dim3A_1154 : vector<4x1x256xf32> to vector<4x32x256xf32>
      %mul3A_1163 = arith.mulf %mul3A_1161, %mul3A_1162 : vector<4x32x256xf32>
      %add3A_1164 = arith.addf %mul3A_1158, %mul3A_1163 : vector<4x32x256xf32>
      %slice3A_1165 = vector.extract_strided_slice %reshape3A_833 {offsets = [0, 11, 0], sizes = [4, 1, 32], strides = [1, 1, 1]} : vector<4x16x32xf32> to vector<4x1x32xf32>
      %squeeze3A_1166 = vector.shape_cast %slice3A_1165 : vector<4x1x32xf32> to vector<4x32xf32>
      %broadcast_in_dim3A_1167 = vector.shape_cast %squeeze3A_1166 : vector<4x32xf32> to vector<4x32x1xf32>
      %mul3A_1168 = vector.broadcast %broadcast_in_dim3A_1167 : vector<4x32x1xf32> to vector<4x32x256xf32>
      %mul3A_1169 = arith.mulf %add3A_1164, %mul3A_1168 : vector<4x32x256xf32>
      %reduce_sum3A_1170 = arith.constant dense<0.000000e+00> : vector<4x256xf32>
      %reduce_sum3A_1171 = vector.multi_reduction <add>, %mul3A_1169, %reduce_sum3A_1170 [1] : vector<4x32x256xf32> to vector<4x256xf32>
      %slice3A_1172 = vector.extract_strided_slice %reshape3A_830 {offsets = [0, 12, 0], sizes = [4, 1, 256], strides = [1, 1, 1]} : vector<4x16x256xf32> to vector<4x1x256xf32>
      %squeeze3A_1173 = vector.shape_cast %slice3A_1172 : vector<4x1x256xf32> to vector<4x256xf32>
      %broadcast_in_dim3A_1174 = vector.shape_cast %squeeze3A_1173 : vector<4x256xf32> to vector<4x1x256xf32>
      %broadcast_in_dim3A_1175 = vector.shape_cast %neg3A_829 : vector<32x256xf32> to vector<1x32x256xf32>
      %mul3A_1176 = vector.broadcast %broadcast_in_dim3A_1174 : vector<4x1x256xf32> to vector<4x32x256xf32>
      %mul3A_1177 = vector.broadcast %broadcast_in_dim3A_1175 : vector<1x32x256xf32> to vector<4x32x256xf32>
      %mul3A_1178 = arith.mulf %mul3A_1176, %mul3A_1177 : vector<4x32x256xf32>
      %exp3A_1179 = math.exp %mul3A_1178 : vector<4x32x256xf32>
      %slice3A_1180 = vector.extract_strided_slice %reshape3A_831 {offsets = [0, 12, 0], sizes = [4, 1, 256], strides = [1, 1, 1]} : vector<4x16x256xf32> to vector<4x1x256xf32>
      %squeeze3A_1181 = vector.shape_cast %slice3A_1180 : vector<4x1x256xf32> to vector<4x256xf32>
      %broadcast_in_dim3A_1182 = vector.shape_cast %squeeze3A_1181 : vector<4x256xf32> to vector<4x1x256xf32>
      %slice3A_1183 = vector.extract_strided_slice %reshape3A_832 {offsets = [0, 12, 0], sizes = [4, 1, 32], strides = [1, 1, 1]} : vector<4x16x32xf32> to vector<4x1x32xf32>
      %squeeze3A_1184 = vector.shape_cast %slice3A_1183 : vector<4x1x32xf32> to vector<4x32xf32>
      %broadcast_in_dim3A_1185 = vector.shape_cast %squeeze3A_1184 : vector<4x32xf32> to vector<4x32x1xf32>
      %mul3A_1186 = arith.mulf %exp3A_1179, %add3A_1164 : vector<4x32x256xf32>
      %mul3A_1187 = vector.broadcast %broadcast_in_dim3A_1174 : vector<4x1x256xf32> to vector<4x32x256xf32>
      %mul3A_1188 = vector.broadcast %broadcast_in_dim3A_1185 : vector<4x32x1xf32> to vector<4x32x256xf32>
      %mul3A_1189 = arith.mulf %mul3A_1187, %mul3A_1188 : vector<4x32x256xf32>
      %mul3A_1190 = vector.broadcast %broadcast_in_dim3A_1182 : vector<4x1x256xf32> to vector<4x32x256xf32>
      %mul3A_1191 = arith.mulf %mul3A_1189, %mul3A_1190 : vector<4x32x256xf32>
      %add3A_1192 = arith.addf %mul3A_1186, %mul3A_1191 : vector<4x32x256xf32>
      %slice3A_1193 = vector.extract_strided_slice %reshape3A_833 {offsets = [0, 12, 0], sizes = [4, 1, 32], strides = [1, 1, 1]} : vector<4x16x32xf32> to vector<4x1x32xf32>
      %squeeze3A_1194 = vector.shape_cast %slice3A_1193 : vector<4x1x32xf32> to vector<4x32xf32>
      %broadcast_in_dim3A_1195 = vector.shape_cast %squeeze3A_1194 : vector<4x32xf32> to vector<4x32x1xf32>
      %mul3A_1196 = vector.broadcast %broadcast_in_dim3A_1195 : vector<4x32x1xf32> to vector<4x32x256xf32>
      %mul3A_1197 = arith.mulf %add3A_1192, %mul3A_1196 : vector<4x32x256xf32>
      %reduce_sum3A_1198 = arith.constant dense<0.000000e+00> : vector<4x256xf32>
      %reduce_sum3A_1199 = vector.multi_reduction <add>, %mul3A_1197, %reduce_sum3A_1198 [1] : vector<4x32x256xf32> to vector<4x256xf32>
      %slice3A_1200 = vector.extract_strided_slice %reshape3A_830 {offsets = [0, 13, 0], sizes = [4, 1, 256], strides = [1, 1, 1]} : vector<4x16x256xf32> to vector<4x1x256xf32>
      %squeeze3A_1201 = vector.shape_cast %slice3A_1200 : vector<4x1x256xf32> to vector<4x256xf32>
      %broadcast_in_dim3A_1202 = vector.shape_cast %squeeze3A_1201 : vector<4x256xf32> to vector<4x1x256xf32>
      %broadcast_in_dim3A_1203 = vector.shape_cast %neg3A_829 : vector<32x256xf32> to vector<1x32x256xf32>
      %mul3A_1204 = vector.broadcast %broadcast_in_dim3A_1202 : vector<4x1x256xf32> to vector<4x32x256xf32>
      %mul3A_1205 = vector.broadcast %broadcast_in_dim3A_1203 : vector<1x32x256xf32> to vector<4x32x256xf32>
      %mul3A_1206 = arith.mulf %mul3A_1204, %mul3A_1205 : vector<4x32x256xf32>
      %exp3A_1207 = math.exp %mul3A_1206 : vector<4x32x256xf32>
      %slice3A_1208 = vector.extract_strided_slice %reshape3A_831 {offsets = [0, 13, 0], sizes = [4, 1, 256], strides = [1, 1, 1]} : vector<4x16x256xf32> to vector<4x1x256xf32>
      %squeeze3A_1209 = vector.shape_cast %slice3A_1208 : vector<4x1x256xf32> to vector<4x256xf32>
      %broadcast_in_dim3A_1210 = vector.shape_cast %squeeze3A_1209 : vector<4x256xf32> to vector<4x1x256xf32>
      %slice3A_1211 = vector.extract_strided_slice %reshape3A_832 {offsets = [0, 13, 0], sizes = [4, 1, 32], strides = [1, 1, 1]} : vector<4x16x32xf32> to vector<4x1x32xf32>
      %squeeze3A_1212 = vector.shape_cast %slice3A_1211 : vector<4x1x32xf32> to vector<4x32xf32>
      %broadcast_in_dim3A_1213 = vector.shape_cast %squeeze3A_1212 : vector<4x32xf32> to vector<4x32x1xf32>
      %mul3A_1214 = arith.mulf %exp3A_1207, %add3A_1192 : vector<4x32x256xf32>
      %mul3A_1215 = vector.broadcast %broadcast_in_dim3A_1202 : vector<4x1x256xf32> to vector<4x32x256xf32>
      %mul3A_1216 = vector.broadcast %broadcast_in_dim3A_1213 : vector<4x32x1xf32> to vector<4x32x256xf32>
      %mul3A_1217 = arith.mulf %mul3A_1215, %mul3A_1216 : vector<4x32x256xf32>
      %mul3A_1218 = vector.broadcast %broadcast_in_dim3A_1210 : vector<4x1x256xf32> to vector<4x32x256xf32>
      %mul3A_1219 = arith.mulf %mul3A_1217, %mul3A_1218 : vector<4x32x256xf32>
      %add3A_1220 = arith.addf %mul3A_1214, %mul3A_1219 : vector<4x32x256xf32>
      %slice3A_1221 = vector.extract_strided_slice %reshape3A_833 {offsets = [0, 13, 0], sizes = [4, 1, 32], strides = [1, 1, 1]} : vector<4x16x32xf32> to vector<4x1x32xf32>
      %squeeze3A_1222 = vector.shape_cast %slice3A_1221 : vector<4x1x32xf32> to vector<4x32xf32>
      %broadcast_in_dim3A_1223 = vector.shape_cast %squeeze3A_1222 : vector<4x32xf32> to vector<4x32x1xf32>
      %mul3A_1224 = vector.broadcast %broadcast_in_dim3A_1223 : vector<4x32x1xf32> to vector<4x32x256xf32>
      %mul3A_1225 = arith.mulf %add3A_1220, %mul3A_1224 : vector<4x32x256xf32>
      %reduce_sum3A_1226 = arith.constant dense<0.000000e+00> : vector<4x256xf32>
      %reduce_sum3A_1227 = vector.multi_reduction <add>, %mul3A_1225, %reduce_sum3A_1226 [1] : vector<4x32x256xf32> to vector<4x256xf32>
      %slice3A_1228 = vector.extract_strided_slice %reshape3A_830 {offsets = [0, 14, 0], sizes = [4, 1, 256], strides = [1, 1, 1]} : vector<4x16x256xf32> to vector<4x1x256xf32>
      %squeeze3A_1229 = vector.shape_cast %slice3A_1228 : vector<4x1x256xf32> to vector<4x256xf32>
      %broadcast_in_dim3A_1230 = vector.shape_cast %squeeze3A_1229 : vector<4x256xf32> to vector<4x1x256xf32>
      %broadcast_in_dim3A_1231 = vector.shape_cast %neg3A_829 : vector<32x256xf32> to vector<1x32x256xf32>
      %mul3A_1232 = vector.broadcast %broadcast_in_dim3A_1230 : vector<4x1x256xf32> to vector<4x32x256xf32>
      %mul3A_1233 = vector.broadcast %broadcast_in_dim3A_1231 : vector<1x32x256xf32> to vector<4x32x256xf32>
      %mul3A_1234 = arith.mulf %mul3A_1232, %mul3A_1233 : vector<4x32x256xf32>
      %exp3A_1235 = math.exp %mul3A_1234 : vector<4x32x256xf32>
      %slice3A_1236 = vector.extract_strided_slice %reshape3A_831 {offsets = [0, 14, 0], sizes = [4, 1, 256], strides = [1, 1, 1]} : vector<4x16x256xf32> to vector<4x1x256xf32>
      %squeeze3A_1237 = vector.shape_cast %slice3A_1236 : vector<4x1x256xf32> to vector<4x256xf32>
      %broadcast_in_dim3A_1238 = vector.shape_cast %squeeze3A_1237 : vector<4x256xf32> to vector<4x1x256xf32>
      %slice3A_1239 = vector.extract_strided_slice %reshape3A_832 {offsets = [0, 14, 0], sizes = [4, 1, 32], strides = [1, 1, 1]} : vector<4x16x32xf32> to vector<4x1x32xf32>
      %squeeze3A_1240 = vector.shape_cast %slice3A_1239 : vector<4x1x32xf32> to vector<4x32xf32>
      %broadcast_in_dim3A_1241 = vector.shape_cast %squeeze3A_1240 : vector<4x32xf32> to vector<4x32x1xf32>
      %mul3A_1242 = arith.mulf %exp3A_1235, %add3A_1220 : vector<4x32x256xf32>
      %mul3A_1243 = vector.broadcast %broadcast_in_dim3A_1230 : vector<4x1x256xf32> to vector<4x32x256xf32>
      %mul3A_1244 = vector.broadcast %broadcast_in_dim3A_1241 : vector<4x32x1xf32> to vector<4x32x256xf32>
      %mul3A_1245 = arith.mulf %mul3A_1243, %mul3A_1244 : vector<4x32x256xf32>
      %mul3A_1246 = vector.broadcast %broadcast_in_dim3A_1238 : vector<4x1x256xf32> to vector<4x32x256xf32>
      %mul3A_1247 = arith.mulf %mul3A_1245, %mul3A_1246 : vector<4x32x256xf32>
      %add3A_1248 = arith.addf %mul3A_1242, %mul3A_1247 : vector<4x32x256xf32>
      %slice3A_1249 = vector.extract_strided_slice %reshape3A_833 {offsets = [0, 14, 0], sizes = [4, 1, 32], strides = [1, 1, 1]} : vector<4x16x32xf32> to vector<4x1x32xf32>
      %squeeze3A_1250 = vector.shape_cast %slice3A_1249 : vector<4x1x32xf32> to vector<4x32xf32>
      %broadcast_in_dim3A_1251 = vector.shape_cast %squeeze3A_1250 : vector<4x32xf32> to vector<4x32x1xf32>
      %mul3A_1252 = vector.broadcast %broadcast_in_dim3A_1251 : vector<4x32x1xf32> to vector<4x32x256xf32>
      %mul3A_1253 = arith.mulf %add3A_1248, %mul3A_1252 : vector<4x32x256xf32>
      %reduce_sum3A_1254 = arith.constant dense<0.000000e+00> : vector<4x256xf32>
      %reduce_sum3A_1255 = vector.multi_reduction <add>, %mul3A_1253, %reduce_sum3A_1254 [1] : vector<4x32x256xf32> to vector<4x256xf32>
      %slice3A_1256 = vector.extract_strided_slice %reshape3A_830 {offsets = [0, 15, 0], sizes = [4, 1, 256], strides = [1, 1, 1]} : vector<4x16x256xf32> to vector<4x1x256xf32>
      %squeeze3A_1257 = vector.shape_cast %slice3A_1256 : vector<4x1x256xf32> to vector<4x256xf32>
      %broadcast_in_dim3A_1258 = vector.shape_cast %squeeze3A_1257 : vector<4x256xf32> to vector<4x1x256xf32>
      %broadcast_in_dim3A_1259 = vector.shape_cast %neg3A_829 : vector<32x256xf32> to vector<1x32x256xf32>
      %mul3A_1260 = vector.broadcast %broadcast_in_dim3A_1258 : vector<4x1x256xf32> to vector<4x32x256xf32>
      %mul3A_1261 = vector.broadcast %broadcast_in_dim3A_1259 : vector<1x32x256xf32> to vector<4x32x256xf32>
      %mul3A_1262 = arith.mulf %mul3A_1260, %mul3A_1261 : vector<4x32x256xf32>
      %exp3A_1263 = math.exp %mul3A_1262 : vector<4x32x256xf32>
      %slice3A_1264 = vector.extract_strided_slice %reshape3A_831 {offsets = [0, 15, 0], sizes = [4, 1, 256], strides = [1, 1, 1]} : vector<4x16x256xf32> to vector<4x1x256xf32>
      %squeeze3A_1265 = vector.shape_cast %slice3A_1264 : vector<4x1x256xf32> to vector<4x256xf32>
      %broadcast_in_dim3A_1266 = vector.shape_cast %squeeze3A_1265 : vector<4x256xf32> to vector<4x1x256xf32>
      %slice3A_1267 = vector.extract_strided_slice %reshape3A_832 {offsets = [0, 15, 0], sizes = [4, 1, 32], strides = [1, 1, 1]} : vector<4x16x32xf32> to vector<4x1x32xf32>
      %squeeze3A_1268 = vector.shape_cast %slice3A_1267 : vector<4x1x32xf32> to vector<4x32xf32>
      %broadcast_in_dim3A_1269 = vector.shape_cast %squeeze3A_1268 : vector<4x32xf32> to vector<4x32x1xf32>
      %mul3A_1270 = arith.mulf %exp3A_1263, %add3A_1248 : vector<4x32x256xf32>
      %mul3A_1271 = vector.broadcast %broadcast_in_dim3A_1258 : vector<4x1x256xf32> to vector<4x32x256xf32>
      %mul3A_1272 = vector.broadcast %broadcast_in_dim3A_1269 : vector<4x32x1xf32> to vector<4x32x256xf32>
      %mul3A_1273 = arith.mulf %mul3A_1271, %mul3A_1272 : vector<4x32x256xf32>
      %mul3A_1274 = vector.broadcast %broadcast_in_dim3A_1266 : vector<4x1x256xf32> to vector<4x32x256xf32>
      %mul3A_1275 = arith.mulf %mul3A_1273, %mul3A_1274 : vector<4x32x256xf32>
      %add3A_1276 = arith.addf %mul3A_1270, %mul3A_1275 : vector<4x32x256xf32>
      %slice3A_1277 = vector.extract_strided_slice %reshape3A_833 {offsets = [0, 15, 0], sizes = [4, 1, 32], strides = [1, 1, 1]} : vector<4x16x32xf32> to vector<4x1x32xf32>
      %squeeze3A_1278 = vector.shape_cast %slice3A_1277 : vector<4x1x32xf32> to vector<4x32xf32>
      %broadcast_in_dim3A_1279 = vector.shape_cast %squeeze3A_1278 : vector<4x32xf32> to vector<4x32x1xf32>
      %mul3A_1280 = vector.broadcast %broadcast_in_dim3A_1279 : vector<4x32x1xf32> to vector<4x32x256xf32>
      %mul3A_1281 = arith.mulf %add3A_1276, %mul3A_1280 : vector<4x32x256xf32>
      %reduce_sum3A_1282 = arith.constant dense<0.000000e+00> : vector<4x256xf32>
      %reduce_sum3A_1283 = vector.multi_reduction <add>, %mul3A_1281, %reduce_sum3A_1282 [1] : vector<4x32x256xf32> to vector<4x256xf32>
      %stack3A_1284 = vector.shape_cast %reduce_sum3A_863 : vector<4x256xf32> to vector<4x1x256xf32>
      %stack3A_1285 = vector.shape_cast %reduce_sum3A_891 : vector<4x256xf32> to vector<4x1x256xf32>
      %stack3A_1286 = vector.shape_cast %reduce_sum3A_919 : vector<4x256xf32> to vector<4x1x256xf32>
      %stack3A_1287 = vector.shape_cast %reduce_sum3A_947 : vector<4x256xf32> to vector<4x1x256xf32>
      %stack3A_1288 = vector.shape_cast %reduce_sum3A_975 : vector<4x256xf32> to vector<4x1x256xf32>
      %stack3A_1289 = vector.shape_cast %reduce_sum3A_1003 : vector<4x256xf32> to vector<4x1x256xf32>
      %stack3A_1290 = vector.shape_cast %reduce_sum3A_1031 : vector<4x256xf32> to vector<4x1x256xf32>
      %stack3A_1291 = vector.shape_cast %reduce_sum3A_1059 : vector<4x256xf32> to vector<4x1x256xf32>
      %stack3A_1292 = vector.shape_cast %reduce_sum3A_1087 : vector<4x256xf32> to vector<4x1x256xf32>
      %stack3A_1293 = vector.shape_cast %reduce_sum3A_1115 : vector<4x256xf32> to vector<4x1x256xf32>
      %stack3A_1294 = vector.shape_cast %reduce_sum3A_1143 : vector<4x256xf32> to vector<4x1x256xf32>
      %stack3A_1295 = vector.shape_cast %reduce_sum3A_1171 : vector<4x256xf32> to vector<4x1x256xf32>
      %stack3A_1296 = vector.shape_cast %reduce_sum3A_1199 : vector<4x256xf32> to vector<4x1x256xf32>
      %stack3A_1297 = vector.shape_cast %reduce_sum3A_1227 : vector<4x256xf32> to vector<4x1x256xf32>
      %stack3A_1298 = vector.shape_cast %reduce_sum3A_1255 : vector<4x256xf32> to vector<4x1x256xf32>
      %stack3A_1299 = vector.shape_cast %reduce_sum3A_1283 : vector<4x256xf32> to vector<4x1x256xf32>
      %stack3A_1300 = tpu.concatenate %stack3A_1284, %stack3A_1285, %stack3A_1286, %stack3A_1287, %stack3A_1288, %stack3A_1289, %stack3A_1290, %stack3A_1291, %stack3A_1292, %stack3A_1293, %stack3A_1294, %stack3A_1295, %stack3A_1296, %stack3A_1297, %stack3A_1298, %stack3A_1299 in 1 : vector<4x1x256xf32>, vector<4x1x256xf32>, vector<4x1x256xf32>, vector<4x1x256xf32>, vector<4x1x256xf32>, vector<4x1x256xf32>, vector<4x1x256xf32>, vector<4x1x256xf32>, vector<4x1x256xf32>, vector<4x1x256xf32>, vector<4x1x256xf32>, vector<4x1x256xf32>, vector<4x1x256xf32>, vector<4x1x256xf32>, vector<4x1x256xf32>, vector<4x1x256xf32> -> vector<4x16x256xf32>
      %reshape3A_1301 = vector.shape_cast %stack3A_1300 : vector<4x16x256xf32> to vector<64x256xf32>
      %get3A_1302 = arith.constant 1 : index
      %get3A_1303 = arith.constant 0 : index
      %get3A_1304 = vector.load %arg17[%get3A_1302, %get3A_1303] : memref<3x256xf32, #tpu.memory_space<vmem>>, vector<1x256xf32>
      %get3A_1305 = vector.shape_cast %get3A_1304 : vector<1x256xf32> to vector<256xf32>
      %broadcast_in_dim3A_1306 = vector.shape_cast %get3A_1305 : vector<256xf32> to vector<1x256xf32>
      %mul3A_1307 = vector.broadcast %broadcast_in_dim3A_1306 : vector<1x256xf32> to vector<64x256xf32>
      %mul3A_1308 = arith.mulf %mul3A_772, %mul3A_1307 : vector<64x256xf32>
      %add3A_1309 = arith.addf %reshape3A_1301, %mul3A_1308 : vector<64x256xf32>
      %logistic3A_1310 = arith.negf %slice3A_709 : vector<64x256xf32>
      %logistic3A_1311 = math.exp %logistic3A_1310 : vector<64x256xf32>
      %logistic3A_1312 = arith.constant 1.000000e+00 : f32
      %logistic3A_1313 = vector.broadcast %logistic3A_1312 : f32 to vector<64x256xf32>
      %logistic3A_1314 = arith.addf %logistic3A_1313, %logistic3A_1311 : vector<64x256xf32>
      %logistic3A_1315 = arith.divf %logistic3A_1313, %logistic3A_1314 : vector<64x256xf32>
      %mul3A_1316 = arith.mulf %slice3A_709, %logistic3A_1315 : vector<64x256xf32>
      %mul3A_1317 = arith.mulf %add3A_1309, %mul3A_1316 : vector<64x256xf32>
      %get3A_1318 = arith.constant 1 : index
      %get3A_1319 = arith.constant 0 : index
      %get3A_1320 = arith.constant 0 : index
      %get3A_1321 = vector.load %arg18[%get3A_1318, %get3A_1319, %get3A_1320] : memref<3x256x128xf32, #tpu.memory_space<vmem>>, vector<1x256x128xf32>
      %get3A_1322 = vector.shape_cast %get3A_1321 : vector<1x256x128xf32> to vector<256x128xf32>
      %dot_general3A_1323 = arith.constant dense<0.000000e+00> : vector<64x128xf32>
      %dot_general3A_1324 = tpu.matmul %mul3A_1317, %get3A_1322, %dot_general3A_1323 {dimension_numbers = #tpu.dot_dimension_numbers<[1], [0], [0], [1], [0, 0, 1, 1], [], []>, precision = #tpu.contract_precision<fp32>, transpose_lhs_hint = false} : vector<64x256xf32>, vector<256x128xf32>, vector<64x128xf32> -> vector<64x128xf32>
      %add3A_1325 = arith.addf %add3A_662, %dot_general3A_1324 : vector<64x128xf32>
      %reduce_sum3A_1326 = arith.constant dense<0.000000e+00> : vector<64xf32>
      %reduce_sum3A_1327 = vector.multi_reduction <add>, %add3A_1325, %reduce_sum3A_1326 [1] : vector<64x128xf32> to vector<64xf32>
      %broadcast_in_dim3A_1328 = vector.shape_cast %reduce_sum3A_1327 : vector<64xf32> to vector<64x1xf32>
      %div3A_1329 = arith.constant 1.280000e+02 : f32
      %div3A_1330 = vector.broadcast %div3A_1329 : f32 to vector<64x1xf32>
      %div3A_1331 = arith.divf %broadcast_in_dim3A_1328, %div3A_1330 : vector<64x1xf32>
      %sub3A_1332 = vector.broadcast %div3A_1331 : vector<64x1xf32> to vector<64x128xf32>
      %sub3A_1333 = arith.subf %add3A_1325, %sub3A_1332 : vector<64x128xf32>
      %mul3A_1334 = arith.mulf %sub3A_1333, %sub3A_1333 : vector<64x128xf32>
      %reduce_sum3A_1335 = arith.constant dense<0.000000e+00> : vector<64xf32>
      %reduce_sum3A_1336 = vector.multi_reduction <add>, %mul3A_1334, %reduce_sum3A_1335 [1] : vector<64x128xf32> to vector<64xf32>
      %broadcast_in_dim3A_1337 = vector.shape_cast %reduce_sum3A_1336 : vector<64xf32> to vector<64x1xf32>
      %div3A_1338 = arith.constant 1.280000e+02 : f32
      %div3A_1339 = vector.broadcast %div3A_1338 : f32 to vector<64x1xf32>
      %div3A_1340 = arith.divf %broadcast_in_dim3A_1337, %div3A_1339 : vector<64x1xf32>
      %add3A_1341 = arith.constant 9.99999974E-6 : f32
      %add3A_1342 = vector.broadcast %add3A_1341 : f32 to vector<64x1xf32>
      %add3A_1343 = arith.addf %div3A_1340, %add3A_1342 : vector<64x1xf32>
      %sqrt3A_1344 = math.sqrt %add3A_1343 : vector<64x1xf32>
      %div3A_1345 = arith.constant 1.000000e+00 : f32
      %div3A_1346 = vector.broadcast %div3A_1345 : f32 to vector<64x1xf32>
      %div3A_1347 = arith.divf %div3A_1346, %sqrt3A_1344 : vector<64x1xf32>
      %mul3A_1348 = vector.broadcast %div3A_1347 : vector<64x1xf32> to vector<64x128xf32>
      %mul3A_1349 = arith.mulf %sub3A_1333, %mul3A_1348 : vector<64x128xf32>
      %get3A_1350 = arith.constant 2 : index
      %get3A_1351 = arith.constant 0 : index
      %get3A_1352 = vector.load %arg6[%get3A_1350, %get3A_1351] : memref<3x128xf32, #tpu.memory_space<vmem>>, vector<1x128xf32>
      %get3A_1353 = vector.shape_cast %get3A_1352 : vector<1x128xf32> to vector<128xf32>
      %broadcast_in_dim3A_1354 = vector.shape_cast %get3A_1353 : vector<128xf32> to vector<1x128xf32>
      %mul3A_1355 = vector.broadcast %broadcast_in_dim3A_1354 : vector<1x128xf32> to vector<64x128xf32>
      %mul3A_1356 = arith.mulf %mul3A_1349, %mul3A_1355 : vector<64x128xf32>
      %get3A_1357 = arith.constant 2 : index
      %get3A_1358 = arith.constant 0 : index
      %get3A_1359 = vector.load %arg7[%get3A_1357, %get3A_1358] : memref<3x128xf32, #tpu.memory_space<vmem>>, vector<1x128xf32>
      %get3A_1360 = vector.shape_cast %get3A_1359 : vector<1x128xf32> to vector<128xf32>
      %broadcast_in_dim3A_1361 = vector.shape_cast %get3A_1360 : vector<128xf32> to vector<1x128xf32>
      %add3A_1362 = vector.broadcast %broadcast_in_dim3A_1361 : vector<1x128xf32> to vector<64x128xf32>
      %add3A_1363 = arith.addf %mul3A_1356, %add3A_1362 : vector<64x128xf32>
      %get3A_1364 = arith.constant 2 : index
      %get3A_1365 = arith.constant 0 : index
      %get3A_1366 = arith.constant 0 : index
      %get3A_1367 = vector.load %arg8[%get3A_1364, %get3A_1365, %get3A_1366] : memref<3x128x512xf32, #tpu.memory_space<vmem>>, vector<1x128x512xf32>
      %get3A_1368 = vector.shape_cast %get3A_1367 : vector<1x128x512xf32> to vector<128x512xf32>
      %dot_general3A_1369 = arith.constant dense<0.000000e+00> : vector<64x512xf32>
      %dot_general3A_1370 = tpu.matmul %add3A_1363, %get3A_1368, %dot_general3A_1369 {dimension_numbers = #tpu.dot_dimension_numbers<[1], [0], [0], [1], [0, 0, 1, 1], [], []>, precision = #tpu.contract_precision<fp32>, transpose_lhs_hint = false} : vector<64x128xf32>, vector<128x512xf32>, vector<64x512xf32> -> vector<64x512xf32>
      %slice3A_1371 = vector.extract_strided_slice %dot_general3A_1370 {offsets = [0, 0], sizes = [64, 256], strides = [1, 1]} : vector<64x512xf32> to vector<64x256xf32>
      %slice3A_1372 = vector.extract_strided_slice %dot_general3A_1370 {offsets = [0, 256], sizes = [64, 256], strides = [1, 1]} : vector<64x512xf32> to vector<64x256xf32>
      %reshape3A_1373 = vector.shape_cast %slice3A_1371 : vector<64x256xf32> to vector<4x16x256xf32>
      %get3A_1374 = arith.constant 2 : index
      %get3A_1375 = arith.constant 0 : index
      %get3A_1376 = arith.constant 3 : index
      %get3A_1377 = vector.load %arg9[%get3A_1374, %get3A_1375, %get3A_1376] : memref<3x256x4xf32, #tpu.memory_space<vmem>>, vector<1x256x1xf32>
      %get3A_1378 = vector.shape_cast %get3A_1377 : vector<1x256x1xf32> to vector<256xf32>
      %broadcast_in_dim3A_1379 = vector.shape_cast %get3A_1378 : vector<256xf32> to vector<1x1x256xf32>
      %mul3A_1380 = vector.broadcast %broadcast_in_dim3A_1379 : vector<1x1x256xf32> to vector<4x16x256xf32>
      %mul3A_1381 = arith.mulf %reshape3A_1373, %mul3A_1380 : vector<4x16x256xf32>
      %broadcast_in_dim3A_1382 = arith.constant 0.000000e+00 : f32
      %broadcast_in_dim3A_1383 = vector.broadcast %broadcast_in_dim3A_1382 : f32 to vector<4x3x256xf32>
      %slice3A_1384 = vector.extract_strided_slice %reshape3A_1373 {offsets = [0, 0, 0], sizes = [4, 13, 256], strides = [1, 1, 1]} : vector<4x16x256xf32> to vector<4x13x256xf32>
      %concatenate3A_1385 = tpu.concatenate %broadcast_in_dim3A_1383, %slice3A_1384 in 1 : vector<4x3x256xf32>, vector<4x13x256xf32> -> vector<4x16x256xf32>
      %get3A_1386 = arith.constant 2 : index
      %get3A_1387 = arith.constant 0 : index
      %get3A_1388 = arith.constant 0 : index
      %get3A_1389 = vector.load %arg9[%get3A_1386, %get3A_1387, %get3A_1388] : memref<3x256x4xf32, #tpu.memory_space<vmem>>, vector<1x256x1xf32>
      %get3A_1390 = vector.shape_cast %get3A_1389 : vector<1x256x1xf32> to vector<256xf32>
      %broadcast_in_dim3A_1391 = vector.shape_cast %get3A_1390 : vector<256xf32> to vector<1x1x256xf32>
      %mul3A_1392 = vector.broadcast %broadcast_in_dim3A_1391 : vector<1x1x256xf32> to vector<4x16x256xf32>
      %mul3A_1393 = arith.mulf %concatenate3A_1385, %mul3A_1392 : vector<4x16x256xf32>
      %add3A_1394 = arith.addf %mul3A_1381, %mul3A_1393 : vector<4x16x256xf32>
      %broadcast_in_dim3A_1395 = arith.constant 0.000000e+00 : f32
      %broadcast_in_dim3A_1396 = vector.broadcast %broadcast_in_dim3A_1395 : f32 to vector<4x2x256xf32>
      %slice3A_1397 = vector.extract_strided_slice %reshape3A_1373 {offsets = [0, 0, 0], sizes = [4, 14, 256], strides = [1, 1, 1]} : vector<4x16x256xf32> to vector<4x14x256xf32>
      %concatenate3A_1398 = tpu.concatenate %broadcast_in_dim3A_1396, %slice3A_1397 in 1 : vector<4x2x256xf32>, vector<4x14x256xf32> -> vector<4x16x256xf32>
      %get3A_1399 = arith.constant 2 : index
      %get3A_1400 = arith.constant 0 : index
      %get3A_1401 = arith.constant 1 : index
      %get3A_1402 = vector.load %arg9[%get3A_1399, %get3A_1400, %get3A_1401] : memref<3x256x4xf32, #tpu.memory_space<vmem>>, vector<1x256x1xf32>
      %get3A_1403 = vector.shape_cast %get3A_1402 : vector<1x256x1xf32> to vector<256xf32>
      %broadcast_in_dim3A_1404 = vector.shape_cast %get3A_1403 : vector<256xf32> to vector<1x1x256xf32>
      %mul3A_1405 = vector.broadcast %broadcast_in_dim3A_1404 : vector<1x1x256xf32> to vector<4x16x256xf32>
      %mul3A_1406 = arith.mulf %concatenate3A_1398, %mul3A_1405 : vector<4x16x256xf32>
      %add3A_1407 = arith.addf %add3A_1394, %mul3A_1406 : vector<4x16x256xf32>
      %broadcast_in_dim3A_1408 = arith.constant 0.000000e+00 : f32
      %broadcast_in_dim3A_1409 = vector.broadcast %broadcast_in_dim3A_1408 : f32 to vector<4x1x256xf32>
      %slice3A_1410 = vector.extract_strided_slice %reshape3A_1373 {offsets = [0, 0, 0], sizes = [4, 15, 256], strides = [1, 1, 1]} : vector<4x16x256xf32> to vector<4x15x256xf32>
      %concatenate3A_1411 = tpu.concatenate %broadcast_in_dim3A_1409, %slice3A_1410 in 1 : vector<4x1x256xf32>, vector<4x15x256xf32> -> vector<4x16x256xf32>
      %get3A_1412 = arith.constant 2 : index
      %get3A_1413 = arith.constant 0 : index
      %get3A_1414 = arith.constant 2 : index
      %get3A_1415 = vector.load %arg9[%get3A_1412, %get3A_1413, %get3A_1414] : memref<3x256x4xf32, #tpu.memory_space<vmem>>, vector<1x256x1xf32>
      %get3A_1416 = vector.shape_cast %get3A_1415 : vector<1x256x1xf32> to vector<256xf32>
      %broadcast_in_dim3A_1417 = vector.shape_cast %get3A_1416 : vector<256xf32> to vector<1x1x256xf32>
      %mul3A_1418 = vector.broadcast %broadcast_in_dim3A_1417 : vector<1x1x256xf32> to vector<4x16x256xf32>
      %mul3A_1419 = arith.mulf %concatenate3A_1411, %mul3A_1418 : vector<4x16x256xf32>
      %add3A_1420 = arith.addf %add3A_1407, %mul3A_1419 : vector<4x16x256xf32>
      %reshape3A_1421 = vector.shape_cast %add3A_1420 : vector<4x16x256xf32> to vector<64x256xf32>
      %get3A_1422 = arith.constant 2 : index
      %get3A_1423 = arith.constant 0 : index
      %get3A_1424 = vector.load %arg10[%get3A_1422, %get3A_1423] : memref<3x256xf32, #tpu.memory_space<vmem>>, vector<1x256xf32>
      %get3A_1425 = vector.shape_cast %get3A_1424 : vector<1x256xf32> to vector<256xf32>
      %broadcast_in_dim3A_1426 = vector.shape_cast %get3A_1425 : vector<256xf32> to vector<1x256xf32>
      %add3A_1427 = vector.broadcast %broadcast_in_dim3A_1426 : vector<1x256xf32> to vector<64x256xf32>
      %add3A_1428 = arith.addf %reshape3A_1421, %add3A_1427 : vector<64x256xf32>
      %logistic3A_1429 = arith.negf %add3A_1428 : vector<64x256xf32>
      %logistic3A_1430 = math.exp %logistic3A_1429 : vector<64x256xf32>
      %logistic3A_1431 = arith.constant 1.000000e+00 : f32
      %logistic3A_1432 = vector.broadcast %logistic3A_1431 : f32 to vector<64x256xf32>
      %logistic3A_1433 = arith.addf %logistic3A_1432, %logistic3A_1430 : vector<64x256xf32>
      %logistic3A_1434 = arith.divf %logistic3A_1432, %logistic3A_1433 : vector<64x256xf32>
      %mul3A_1435 = arith.mulf %add3A_1428, %logistic3A_1434 : vector<64x256xf32>
      %get3A_1436 = arith.constant 2 : index
      %get3A_1437 = arith.constant 0 : index
      %get3A_1438 = arith.constant 0 : index
      %get3A_1439 = vector.load %arg11[%get3A_1436, %get3A_1437, %get3A_1438] : memref<3x256x8xf32, #tpu.memory_space<vmem>>, vector<1x256x8xf32>
      %get3A_1440 = vector.shape_cast %get3A_1439 : vector<1x256x8xf32> to vector<256x8xf32>
      %dot_general3A_1441 = arith.constant dense<0.000000e+00> : vector<64x8xf32>
      %dot_general3A_1442 = tpu.matmul %mul3A_1435, %get3A_1440, %dot_general3A_1441 {dimension_numbers = #tpu.dot_dimension_numbers<[1], [0], [0], [1], [0, 0, 1, 1], [], []>, precision = #tpu.contract_precision<fp32>, transpose_lhs_hint = false} : vector<64x256xf32>, vector<256x8xf32>, vector<64x8xf32> -> vector<64x8xf32>
      %get3A_1443 = arith.constant 2 : index
      %get3A_1444 = arith.constant 0 : index
      %get3A_1445 = arith.constant 0 : index
      %get3A_1446 = vector.load %arg14[%get3A_1443, %get3A_1444, %get3A_1445] : memref<3x8x256xf32, #tpu.memory_space<vmem>>, vector<1x8x256xf32>
      %get3A_1447 = vector.shape_cast %get3A_1446 : vector<1x8x256xf32> to vector<8x256xf32>
      %dot_general3A_1448 = arith.constant dense<0.000000e+00> : vector<64x256xf32>
      %dot_general3A_1449 = tpu.matmul %dot_general3A_1442, %get3A_1447, %dot_general3A_1448 {dimension_numbers = #tpu.dot_dimension_numbers<[1], [0], [0], [1], [0, 0, 1, 1], [], []>, precision = #tpu.contract_precision<fp32>, transpose_lhs_hint = false} : vector<64x8xf32>, vector<8x256xf32>, vector<64x256xf32> -> vector<64x256xf32>
      %get3A_1450 = arith.constant 2 : index
      %get3A_1451 = arith.constant 0 : index
      %get3A_1452 = vector.load %arg15[%get3A_1450, %get3A_1451] : memref<3x256xf32, #tpu.memory_space<vmem>>, vector<1x256xf32>
      %get3A_1453 = vector.shape_cast %get3A_1452 : vector<1x256xf32> to vector<256xf32>
      %broadcast_in_dim3A_1454 = vector.shape_cast %get3A_1453 : vector<256xf32> to vector<1x256xf32>
      %add3A_1455 = vector.broadcast %broadcast_in_dim3A_1454 : vector<1x256xf32> to vector<64x256xf32>
      %add3A_1456 = arith.addf %dot_general3A_1449, %add3A_1455 : vector<64x256xf32>
      %max3A_1457 = arith.constant 0.000000e+00 : f32
      %max3A_1458 = vector.broadcast %max3A_1457 : f32 to vector<64x256xf32>
      %max3A_1459 = arith.maximumf %add3A_1456, %max3A_1458 : vector<64x256xf32>
      %abs3A_1460 = math.absf %add3A_1456 : vector<64x256xf32>
      %neg3A_1461 = arith.constant 0.000000e+00 : f32
      %neg3A_1462 = vector.broadcast %neg3A_1461 : f32 to vector<64x256xf32>
      %neg3A_1463 = arith.subf %neg3A_1462, %abs3A_1460 : vector<64x256xf32>
      %exp3A_1464 = math.exp %neg3A_1463 : vector<64x256xf32>
      %add3A_1465 = arith.constant 1.000000e+00 : f32
      %add3A_1466 = vector.broadcast %add3A_1465 : f32 to vector<64x256xf32>
      %add3A_1467 = arith.addf %add3A_1466, %exp3A_1464 : vector<64x256xf32>
      %log3A_1468 = math.log %add3A_1467 : vector<64x256xf32>
      %add3A_1469 = arith.addf %max3A_1459, %log3A_1468 : vector<64x256xf32>
      %get3A_1470 = arith.constant 2 : index
      %get3A_1471 = arith.constant 0 : index
      %get3A_1472 = arith.constant 0 : index
      %get3A_1473 = vector.load %arg12[%get3A_1470, %get3A_1471, %get3A_1472] : memref<3x256x32xf32, #tpu.memory_space<vmem>>, vector<1x256x32xf32>
      %get3A_1474 = vector.shape_cast %get3A_1473 : vector<1x256x32xf32> to vector<256x32xf32>
      %dot_general3A_1475 = arith.constant dense<0.000000e+00> : vector<64x32xf32>
      %dot_general3A_1476 = tpu.matmul %mul3A_1435, %get3A_1474, %dot_general3A_1475 {dimension_numbers = #tpu.dot_dimension_numbers<[1], [0], [0], [1], [0, 0, 1, 1], [], []>, precision = #tpu.contract_precision<fp32>, transpose_lhs_hint = false} : vector<64x256xf32>, vector<256x32xf32>, vector<64x32xf32> -> vector<64x32xf32>
      %get3A_1477 = arith.constant 2 : index
      %get3A_1478 = arith.constant 0 : index
      %get3A_1479 = arith.constant 0 : index
      %get3A_1480 = vector.load %arg13[%get3A_1477, %get3A_1478, %get3A_1479] : memref<3x256x32xf32, #tpu.memory_space<vmem>>, vector<1x256x32xf32>
      %get3A_1481 = vector.shape_cast %get3A_1480 : vector<1x256x32xf32> to vector<256x32xf32>
      %dot_general3A_1482 = arith.constant dense<0.000000e+00> : vector<64x32xf32>
      %dot_general3A_1483 = tpu.matmul %mul3A_1435, %get3A_1481, %dot_general3A_1482 {dimension_numbers = #tpu.dot_dimension_numbers<[1], [0], [0], [1], [0, 0, 1, 1], [], []>, precision = #tpu.contract_precision<fp32>, transpose_lhs_hint = false} : vector<64x256xf32>, vector<256x32xf32>, vector<64x32xf32> -> vector<64x32xf32>
      %get3A_1484 = arith.constant 2 : index
      %get3A_1485 = arith.constant 0 : index
      %get3A_1486 = arith.constant 0 : index
      %get3A_1487 = vector.load %arg16[%get3A_1484, %get3A_1485, %get3A_1486] : memref<3x32x256xf32, #tpu.memory_space<vmem>>, vector<1x32x256xf32>
      %get3A_1488 = vector.shape_cast %get3A_1487 : vector<1x32x256xf32> to vector<32x256xf32>
      %exp3A_1489 = math.exp %get3A_1488 : vector<32x256xf32>
      %neg3A_1490 = arith.constant 0.000000e+00 : f32
      %neg3A_1491 = vector.broadcast %neg3A_1490 : f32 to vector<32x256xf32>
      %neg3A_1492 = arith.subf %neg3A_1491, %exp3A_1489 : vector<32x256xf32>
      %reshape3A_1493 = vector.shape_cast %add3A_1469 : vector<64x256xf32> to vector<4x16x256xf32>
      %reshape3A_1494 = vector.shape_cast %mul3A_1435 : vector<64x256xf32> to vector<4x16x256xf32>
      %reshape3A_1495 = vector.shape_cast %dot_general3A_1476 : vector<64x32xf32> to vector<4x16x32xf32>
      %reshape3A_1496 = vector.shape_cast %dot_general3A_1483 : vector<64x32xf32> to vector<4x16x32xf32>
      %broadcast_in_dim3A_1497 = arith.constant 0.000000e+00 : f32
      %broadcast_in_dim3A_1498 = vector.broadcast %broadcast_in_dim3A_1497 : f32 to vector<4x32x256xf32>
      %slice3A_1499 = vector.extract_strided_slice %reshape3A_1493 {offsets = [0, 0, 0], sizes = [4, 1, 256], strides = [1, 1, 1]} : vector<4x16x256xf32> to vector<4x1x256xf32>
      %squeeze3A_1500 = vector.shape_cast %slice3A_1499 : vector<4x1x256xf32> to vector<4x256xf32>
      %broadcast_in_dim3A_1501 = vector.shape_cast %squeeze3A_1500 : vector<4x256xf32> to vector<4x1x256xf32>
      %broadcast_in_dim3A_1502 = vector.shape_cast %neg3A_1492 : vector<32x256xf32> to vector<1x32x256xf32>
      %mul3A_1503 = vector.broadcast %broadcast_in_dim3A_1501 : vector<4x1x256xf32> to vector<4x32x256xf32>
      %mul3A_1504 = vector.broadcast %broadcast_in_dim3A_1502 : vector<1x32x256xf32> to vector<4x32x256xf32>
      %mul3A_1505 = arith.mulf %mul3A_1503, %mul3A_1504 : vector<4x32x256xf32>
      %exp3A_1506 = math.exp %mul3A_1505 : vector<4x32x256xf32>
      %slice3A_1507 = vector.extract_strided_slice %reshape3A_1494 {offsets = [0, 0, 0], sizes = [4, 1, 256], strides = [1, 1, 1]} : vector<4x16x256xf32> to vector<4x1x256xf32>
      %squeeze3A_1508 = vector.shape_cast %slice3A_1507 : vector<4x1x256xf32> to vector<4x256xf32>
      %broadcast_in_dim3A_1509 = vector.shape_cast %squeeze3A_1508 : vector<4x256xf32> to vector<4x1x256xf32>
      %slice3A_1510 = vector.extract_strided_slice %reshape3A_1495 {offsets = [0, 0, 0], sizes = [4, 1, 32], strides = [1, 1, 1]} : vector<4x16x32xf32> to vector<4x1x32xf32>
      %squeeze3A_1511 = vector.shape_cast %slice3A_1510 : vector<4x1x32xf32> to vector<4x32xf32>
      %broadcast_in_dim3A_1512 = vector.shape_cast %squeeze3A_1511 : vector<4x32xf32> to vector<4x32x1xf32>
      %mul3A_1513 = arith.mulf %exp3A_1506, %broadcast_in_dim3A_1498 : vector<4x32x256xf32>
      %mul3A_1514 = vector.broadcast %broadcast_in_dim3A_1501 : vector<4x1x256xf32> to vector<4x32x256xf32>
      %mul3A_1515 = vector.broadcast %broadcast_in_dim3A_1512 : vector<4x32x1xf32> to vector<4x32x256xf32>
      %mul3A_1516 = arith.mulf %mul3A_1514, %mul3A_1515 : vector<4x32x256xf32>
      %mul3A_1517 = vector.broadcast %broadcast_in_dim3A_1509 : vector<4x1x256xf32> to vector<4x32x256xf32>
      %mul3A_1518 = arith.mulf %mul3A_1516, %mul3A_1517 : vector<4x32x256xf32>
      %add3A_1519 = arith.addf %mul3A_1513, %mul3A_1518 : vector<4x32x256xf32>
      %slice3A_1520 = vector.extract_strided_slice %reshape3A_1496 {offsets = [0, 0, 0], sizes = [4, 1, 32], strides = [1, 1, 1]} : vector<4x16x32xf32> to vector<4x1x32xf32>
      %squeeze3A_1521 = vector.shape_cast %slice3A_1520 : vector<4x1x32xf32> to vector<4x32xf32>
      %broadcast_in_dim3A_1522 = vector.shape_cast %squeeze3A_1521 : vector<4x32xf32> to vector<4x32x1xf32>
      %mul3A_1523 = vector.broadcast %broadcast_in_dim3A_1522 : vector<4x32x1xf32> to vector<4x32x256xf32>
      %mul3A_1524 = arith.mulf %add3A_1519, %mul3A_1523 : vector<4x32x256xf32>
      %reduce_sum3A_1525 = arith.constant dense<0.000000e+00> : vector<4x256xf32>
      %reduce_sum3A_1526 = vector.multi_reduction <add>, %mul3A_1524, %reduce_sum3A_1525 [1] : vector<4x32x256xf32> to vector<4x256xf32>
      %slice3A_1527 = vector.extract_strided_slice %reshape3A_1493 {offsets = [0, 1, 0], sizes = [4, 1, 256], strides = [1, 1, 1]} : vector<4x16x256xf32> to vector<4x1x256xf32>
      %squeeze3A_1528 = vector.shape_cast %slice3A_1527 : vector<4x1x256xf32> to vector<4x256xf32>
      %broadcast_in_dim3A_1529 = vector.shape_cast %squeeze3A_1528 : vector<4x256xf32> to vector<4x1x256xf32>
      %broadcast_in_dim3A_1530 = vector.shape_cast %neg3A_1492 : vector<32x256xf32> to vector<1x32x256xf32>
      %mul3A_1531 = vector.broadcast %broadcast_in_dim3A_1529 : vector<4x1x256xf32> to vector<4x32x256xf32>
      %mul3A_1532 = vector.broadcast %broadcast_in_dim3A_1530 : vector<1x32x256xf32> to vector<4x32x256xf32>
      %mul3A_1533 = arith.mulf %mul3A_1531, %mul3A_1532 : vector<4x32x256xf32>
      %exp3A_1534 = math.exp %mul3A_1533 : vector<4x32x256xf32>
      %slice3A_1535 = vector.extract_strided_slice %reshape3A_1494 {offsets = [0, 1, 0], sizes = [4, 1, 256], strides = [1, 1, 1]} : vector<4x16x256xf32> to vector<4x1x256xf32>
      %squeeze3A_1536 = vector.shape_cast %slice3A_1535 : vector<4x1x256xf32> to vector<4x256xf32>
      %broadcast_in_dim3A_1537 = vector.shape_cast %squeeze3A_1536 : vector<4x256xf32> to vector<4x1x256xf32>
      %slice3A_1538 = vector.extract_strided_slice %reshape3A_1495 {offsets = [0, 1, 0], sizes = [4, 1, 32], strides = [1, 1, 1]} : vector<4x16x32xf32> to vector<4x1x32xf32>
      %squeeze3A_1539 = vector.shape_cast %slice3A_1538 : vector<4x1x32xf32> to vector<4x32xf32>
      %broadcast_in_dim3A_1540 = vector.shape_cast %squeeze3A_1539 : vector<4x32xf32> to vector<4x32x1xf32>
      %mul3A_1541 = arith.mulf %exp3A_1534, %add3A_1519 : vector<4x32x256xf32>
      %mul3A_1542 = vector.broadcast %broadcast_in_dim3A_1529 : vector<4x1x256xf32> to vector<4x32x256xf32>
      %mul3A_1543 = vector.broadcast %broadcast_in_dim3A_1540 : vector<4x32x1xf32> to vector<4x32x256xf32>
      %mul3A_1544 = arith.mulf %mul3A_1542, %mul3A_1543 : vector<4x32x256xf32>
      %mul3A_1545 = vector.broadcast %broadcast_in_dim3A_1537 : vector<4x1x256xf32> to vector<4x32x256xf32>
      %mul3A_1546 = arith.mulf %mul3A_1544, %mul3A_1545 : vector<4x32x256xf32>
      %add3A_1547 = arith.addf %mul3A_1541, %mul3A_1546 : vector<4x32x256xf32>
      %slice3A_1548 = vector.extract_strided_slice %reshape3A_1496 {offsets = [0, 1, 0], sizes = [4, 1, 32], strides = [1, 1, 1]} : vector<4x16x32xf32> to vector<4x1x32xf32>
      %squeeze3A_1549 = vector.shape_cast %slice3A_1548 : vector<4x1x32xf32> to vector<4x32xf32>
      %broadcast_in_dim3A_1550 = vector.shape_cast %squeeze3A_1549 : vector<4x32xf32> to vector<4x32x1xf32>
      %mul3A_1551 = vector.broadcast %broadcast_in_dim3A_1550 : vector<4x32x1xf32> to vector<4x32x256xf32>
      %mul3A_1552 = arith.mulf %add3A_1547, %mul3A_1551 : vector<4x32x256xf32>
      %reduce_sum3A_1553 = arith.constant dense<0.000000e+00> : vector<4x256xf32>
      %reduce_sum3A_1554 = vector.multi_reduction <add>, %mul3A_1552, %reduce_sum3A_1553 [1] : vector<4x32x256xf32> to vector<4x256xf32>
      %slice3A_1555 = vector.extract_strided_slice %reshape3A_1493 {offsets = [0, 2, 0], sizes = [4, 1, 256], strides = [1, 1, 1]} : vector<4x16x256xf32> to vector<4x1x256xf32>
      %squeeze3A_1556 = vector.shape_cast %slice3A_1555 : vector<4x1x256xf32> to vector<4x256xf32>
      %broadcast_in_dim3A_1557 = vector.shape_cast %squeeze3A_1556 : vector<4x256xf32> to vector<4x1x256xf32>
      %broadcast_in_dim3A_1558 = vector.shape_cast %neg3A_1492 : vector<32x256xf32> to vector<1x32x256xf32>
      %mul3A_1559 = vector.broadcast %broadcast_in_dim3A_1557 : vector<4x1x256xf32> to vector<4x32x256xf32>
      %mul3A_1560 = vector.broadcast %broadcast_in_dim3A_1558 : vector<1x32x256xf32> to vector<4x32x256xf32>
      %mul3A_1561 = arith.mulf %mul3A_1559, %mul3A_1560 : vector<4x32x256xf32>
      %exp3A_1562 = math.exp %mul3A_1561 : vector<4x32x256xf32>
      %slice3A_1563 = vector.extract_strided_slice %reshape3A_1494 {offsets = [0, 2, 0], sizes = [4, 1, 256], strides = [1, 1, 1]} : vector<4x16x256xf32> to vector<4x1x256xf32>
      %squeeze3A_1564 = vector.shape_cast %slice3A_1563 : vector<4x1x256xf32> to vector<4x256xf32>
      %broadcast_in_dim3A_1565 = vector.shape_cast %squeeze3A_1564 : vector<4x256xf32> to vector<4x1x256xf32>
      %slice3A_1566 = vector.extract_strided_slice %reshape3A_1495 {offsets = [0, 2, 0], sizes = [4, 1, 32], strides = [1, 1, 1]} : vector<4x16x32xf32> to vector<4x1x32xf32>
      %squeeze3A_1567 = vector.shape_cast %slice3A_1566 : vector<4x1x32xf32> to vector<4x32xf32>
      %broadcast_in_dim3A_1568 = vector.shape_cast %squeeze3A_1567 : vector<4x32xf32> to vector<4x32x1xf32>
      %mul3A_1569 = arith.mulf %exp3A_1562, %add3A_1547 : vector<4x32x256xf32>
      %mul3A_1570 = vector.broadcast %broadcast_in_dim3A_1557 : vector<4x1x256xf32> to vector<4x32x256xf32>
      %mul3A_1571 = vector.broadcast %broadcast_in_dim3A_1568 : vector<4x32x1xf32> to vector<4x32x256xf32>
      %mul3A_1572 = arith.mulf %mul3A_1570, %mul3A_1571 : vector<4x32x256xf32>
      %mul3A_1573 = vector.broadcast %broadcast_in_dim3A_1565 : vector<4x1x256xf32> to vector<4x32x256xf32>
      %mul3A_1574 = arith.mulf %mul3A_1572, %mul3A_1573 : vector<4x32x256xf32>
      %add3A_1575 = arith.addf %mul3A_1569, %mul3A_1574 : vector<4x32x256xf32>
      %slice3A_1576 = vector.extract_strided_slice %reshape3A_1496 {offsets = [0, 2, 0], sizes = [4, 1, 32], strides = [1, 1, 1]} : vector<4x16x32xf32> to vector<4x1x32xf32>
      %squeeze3A_1577 = vector.shape_cast %slice3A_1576 : vector<4x1x32xf32> to vector<4x32xf32>
      %broadcast_in_dim3A_1578 = vector.shape_cast %squeeze3A_1577 : vector<4x32xf32> to vector<4x32x1xf32>
      %mul3A_1579 = vector.broadcast %broadcast_in_dim3A_1578 : vector<4x32x1xf32> to vector<4x32x256xf32>
      %mul3A_1580 = arith.mulf %add3A_1575, %mul3A_1579 : vector<4x32x256xf32>
      %reduce_sum3A_1581 = arith.constant dense<0.000000e+00> : vector<4x256xf32>
      %reduce_sum3A_1582 = vector.multi_reduction <add>, %mul3A_1580, %reduce_sum3A_1581 [1] : vector<4x32x256xf32> to vector<4x256xf32>
      %slice3A_1583 = vector.extract_strided_slice %reshape3A_1493 {offsets = [0, 3, 0], sizes = [4, 1, 256], strides = [1, 1, 1]} : vector<4x16x256xf32> to vector<4x1x256xf32>
      %squeeze3A_1584 = vector.shape_cast %slice3A_1583 : vector<4x1x256xf32> to vector<4x256xf32>
      %broadcast_in_dim3A_1585 = vector.shape_cast %squeeze3A_1584 : vector<4x256xf32> to vector<4x1x256xf32>
      %broadcast_in_dim3A_1586 = vector.shape_cast %neg3A_1492 : vector<32x256xf32> to vector<1x32x256xf32>
      %mul3A_1587 = vector.broadcast %broadcast_in_dim3A_1585 : vector<4x1x256xf32> to vector<4x32x256xf32>
      %mul3A_1588 = vector.broadcast %broadcast_in_dim3A_1586 : vector<1x32x256xf32> to vector<4x32x256xf32>
      %mul3A_1589 = arith.mulf %mul3A_1587, %mul3A_1588 : vector<4x32x256xf32>
      %exp3A_1590 = math.exp %mul3A_1589 : vector<4x32x256xf32>
      %slice3A_1591 = vector.extract_strided_slice %reshape3A_1494 {offsets = [0, 3, 0], sizes = [4, 1, 256], strides = [1, 1, 1]} : vector<4x16x256xf32> to vector<4x1x256xf32>
      %squeeze3A_1592 = vector.shape_cast %slice3A_1591 : vector<4x1x256xf32> to vector<4x256xf32>
      %broadcast_in_dim3A_1593 = vector.shape_cast %squeeze3A_1592 : vector<4x256xf32> to vector<4x1x256xf32>
      %slice3A_1594 = vector.extract_strided_slice %reshape3A_1495 {offsets = [0, 3, 0], sizes = [4, 1, 32], strides = [1, 1, 1]} : vector<4x16x32xf32> to vector<4x1x32xf32>
      %squeeze3A_1595 = vector.shape_cast %slice3A_1594 : vector<4x1x32xf32> to vector<4x32xf32>
      %broadcast_in_dim3A_1596 = vector.shape_cast %squeeze3A_1595 : vector<4x32xf32> to vector<4x32x1xf32>
      %mul3A_1597 = arith.mulf %exp3A_1590, %add3A_1575 : vector<4x32x256xf32>
      %mul3A_1598 = vector.broadcast %broadcast_in_dim3A_1585 : vector<4x1x256xf32> to vector<4x32x256xf32>
      %mul3A_1599 = vector.broadcast %broadcast_in_dim3A_1596 : vector<4x32x1xf32> to vector<4x32x256xf32>
      %mul3A_1600 = arith.mulf %mul3A_1598, %mul3A_1599 : vector<4x32x256xf32>
      %mul3A_1601 = vector.broadcast %broadcast_in_dim3A_1593 : vector<4x1x256xf32> to vector<4x32x256xf32>
      %mul3A_1602 = arith.mulf %mul3A_1600, %mul3A_1601 : vector<4x32x256xf32>
      %add3A_1603 = arith.addf %mul3A_1597, %mul3A_1602 : vector<4x32x256xf32>
      %slice3A_1604 = vector.extract_strided_slice %reshape3A_1496 {offsets = [0, 3, 0], sizes = [4, 1, 32], strides = [1, 1, 1]} : vector<4x16x32xf32> to vector<4x1x32xf32>
      %squeeze3A_1605 = vector.shape_cast %slice3A_1604 : vector<4x1x32xf32> to vector<4x32xf32>
      %broadcast_in_dim3A_1606 = vector.shape_cast %squeeze3A_1605 : vector<4x32xf32> to vector<4x32x1xf32>
      %mul3A_1607 = vector.broadcast %broadcast_in_dim3A_1606 : vector<4x32x1xf32> to vector<4x32x256xf32>
      %mul3A_1608 = arith.mulf %add3A_1603, %mul3A_1607 : vector<4x32x256xf32>
      %reduce_sum3A_1609 = arith.constant dense<0.000000e+00> : vector<4x256xf32>
      %reduce_sum3A_1610 = vector.multi_reduction <add>, %mul3A_1608, %reduce_sum3A_1609 [1] : vector<4x32x256xf32> to vector<4x256xf32>
      %slice3A_1611 = vector.extract_strided_slice %reshape3A_1493 {offsets = [0, 4, 0], sizes = [4, 1, 256], strides = [1, 1, 1]} : vector<4x16x256xf32> to vector<4x1x256xf32>
      %squeeze3A_1612 = vector.shape_cast %slice3A_1611 : vector<4x1x256xf32> to vector<4x256xf32>
      %broadcast_in_dim3A_1613 = vector.shape_cast %squeeze3A_1612 : vector<4x256xf32> to vector<4x1x256xf32>
      %broadcast_in_dim3A_1614 = vector.shape_cast %neg3A_1492 : vector<32x256xf32> to vector<1x32x256xf32>
      %mul3A_1615 = vector.broadcast %broadcast_in_dim3A_1613 : vector<4x1x256xf32> to vector<4x32x256xf32>
      %mul3A_1616 = vector.broadcast %broadcast_in_dim3A_1614 : vector<1x32x256xf32> to vector<4x32x256xf32>
      %mul3A_1617 = arith.mulf %mul3A_1615, %mul3A_1616 : vector<4x32x256xf32>
      %exp3A_1618 = math.exp %mul3A_1617 : vector<4x32x256xf32>
      %slice3A_1619 = vector.extract_strided_slice %reshape3A_1494 {offsets = [0, 4, 0], sizes = [4, 1, 256], strides = [1, 1, 1]} : vector<4x16x256xf32> to vector<4x1x256xf32>
      %squeeze3A_1620 = vector.shape_cast %slice3A_1619 : vector<4x1x256xf32> to vector<4x256xf32>
      %broadcast_in_dim3A_1621 = vector.shape_cast %squeeze3A_1620 : vector<4x256xf32> to vector<4x1x256xf32>
      %slice3A_1622 = vector.extract_strided_slice %reshape3A_1495 {offsets = [0, 4, 0], sizes = [4, 1, 32], strides = [1, 1, 1]} : vector<4x16x32xf32> to vector<4x1x32xf32>
      %squeeze3A_1623 = vector.shape_cast %slice3A_1622 : vector<4x1x32xf32> to vector<4x32xf32>
      %broadcast_in_dim3A_1624 = vector.shape_cast %squeeze3A_1623 : vector<4x32xf32> to vector<4x32x1xf32>
      %mul3A_1625 = arith.mulf %exp3A_1618, %add3A_1603 : vector<4x32x256xf32>
      %mul3A_1626 = vector.broadcast %broadcast_in_dim3A_1613 : vector<4x1x256xf32> to vector<4x32x256xf32>
      %mul3A_1627 = vector.broadcast %broadcast_in_dim3A_1624 : vector<4x32x1xf32> to vector<4x32x256xf32>
      %mul3A_1628 = arith.mulf %mul3A_1626, %mul3A_1627 : vector<4x32x256xf32>
      %mul3A_1629 = vector.broadcast %broadcast_in_dim3A_1621 : vector<4x1x256xf32> to vector<4x32x256xf32>
      %mul3A_1630 = arith.mulf %mul3A_1628, %mul3A_1629 : vector<4x32x256xf32>
      %add3A_1631 = arith.addf %mul3A_1625, %mul3A_1630 : vector<4x32x256xf32>
      %slice3A_1632 = vector.extract_strided_slice %reshape3A_1496 {offsets = [0, 4, 0], sizes = [4, 1, 32], strides = [1, 1, 1]} : vector<4x16x32xf32> to vector<4x1x32xf32>
      %squeeze3A_1633 = vector.shape_cast %slice3A_1632 : vector<4x1x32xf32> to vector<4x32xf32>
      %broadcast_in_dim3A_1634 = vector.shape_cast %squeeze3A_1633 : vector<4x32xf32> to vector<4x32x1xf32>
      %mul3A_1635 = vector.broadcast %broadcast_in_dim3A_1634 : vector<4x32x1xf32> to vector<4x32x256xf32>
      %mul3A_1636 = arith.mulf %add3A_1631, %mul3A_1635 : vector<4x32x256xf32>
      %reduce_sum3A_1637 = arith.constant dense<0.000000e+00> : vector<4x256xf32>
      %reduce_sum3A_1638 = vector.multi_reduction <add>, %mul3A_1636, %reduce_sum3A_1637 [1] : vector<4x32x256xf32> to vector<4x256xf32>
      %slice3A_1639 = vector.extract_strided_slice %reshape3A_1493 {offsets = [0, 5, 0], sizes = [4, 1, 256], strides = [1, 1, 1]} : vector<4x16x256xf32> to vector<4x1x256xf32>
      %squeeze3A_1640 = vector.shape_cast %slice3A_1639 : vector<4x1x256xf32> to vector<4x256xf32>
      %broadcast_in_dim3A_1641 = vector.shape_cast %squeeze3A_1640 : vector<4x256xf32> to vector<4x1x256xf32>
      %broadcast_in_dim3A_1642 = vector.shape_cast %neg3A_1492 : vector<32x256xf32> to vector<1x32x256xf32>
      %mul3A_1643 = vector.broadcast %broadcast_in_dim3A_1641 : vector<4x1x256xf32> to vector<4x32x256xf32>
      %mul3A_1644 = vector.broadcast %broadcast_in_dim3A_1642 : vector<1x32x256xf32> to vector<4x32x256xf32>
      %mul3A_1645 = arith.mulf %mul3A_1643, %mul3A_1644 : vector<4x32x256xf32>
      %exp3A_1646 = math.exp %mul3A_1645 : vector<4x32x256xf32>
      %slice3A_1647 = vector.extract_strided_slice %reshape3A_1494 {offsets = [0, 5, 0], sizes = [4, 1, 256], strides = [1, 1, 1]} : vector<4x16x256xf32> to vector<4x1x256xf32>
      %squeeze3A_1648 = vector.shape_cast %slice3A_1647 : vector<4x1x256xf32> to vector<4x256xf32>
      %broadcast_in_dim3A_1649 = vector.shape_cast %squeeze3A_1648 : vector<4x256xf32> to vector<4x1x256xf32>
      %slice3A_1650 = vector.extract_strided_slice %reshape3A_1495 {offsets = [0, 5, 0], sizes = [4, 1, 32], strides = [1, 1, 1]} : vector<4x16x32xf32> to vector<4x1x32xf32>
      %squeeze3A_1651 = vector.shape_cast %slice3A_1650 : vector<4x1x32xf32> to vector<4x32xf32>
      %broadcast_in_dim3A_1652 = vector.shape_cast %squeeze3A_1651 : vector<4x32xf32> to vector<4x32x1xf32>
      %mul3A_1653 = arith.mulf %exp3A_1646, %add3A_1631 : vector<4x32x256xf32>
      %mul3A_1654 = vector.broadcast %broadcast_in_dim3A_1641 : vector<4x1x256xf32> to vector<4x32x256xf32>
      %mul3A_1655 = vector.broadcast %broadcast_in_dim3A_1652 : vector<4x32x1xf32> to vector<4x32x256xf32>
      %mul3A_1656 = arith.mulf %mul3A_1654, %mul3A_1655 : vector<4x32x256xf32>
      %mul3A_1657 = vector.broadcast %broadcast_in_dim3A_1649 : vector<4x1x256xf32> to vector<4x32x256xf32>
      %mul3A_1658 = arith.mulf %mul3A_1656, %mul3A_1657 : vector<4x32x256xf32>
      %add3A_1659 = arith.addf %mul3A_1653, %mul3A_1658 : vector<4x32x256xf32>
      %slice3A_1660 = vector.extract_strided_slice %reshape3A_1496 {offsets = [0, 5, 0], sizes = [4, 1, 32], strides = [1, 1, 1]} : vector<4x16x32xf32> to vector<4x1x32xf32>
      %squeeze3A_1661 = vector.shape_cast %slice3A_1660 : vector<4x1x32xf32> to vector<4x32xf32>
      %broadcast_in_dim3A_1662 = vector.shape_cast %squeeze3A_1661 : vector<4x32xf32> to vector<4x32x1xf32>
      %mul3A_1663 = vector.broadcast %broadcast_in_dim3A_1662 : vector<4x32x1xf32> to vector<4x32x256xf32>
      %mul3A_1664 = arith.mulf %add3A_1659, %mul3A_1663 : vector<4x32x256xf32>
      %reduce_sum3A_1665 = arith.constant dense<0.000000e+00> : vector<4x256xf32>
      %reduce_sum3A_1666 = vector.multi_reduction <add>, %mul3A_1664, %reduce_sum3A_1665 [1] : vector<4x32x256xf32> to vector<4x256xf32>
      %slice3A_1667 = vector.extract_strided_slice %reshape3A_1493 {offsets = [0, 6, 0], sizes = [4, 1, 256], strides = [1, 1, 1]} : vector<4x16x256xf32> to vector<4x1x256xf32>
      %squeeze3A_1668 = vector.shape_cast %slice3A_1667 : vector<4x1x256xf32> to vector<4x256xf32>
      %broadcast_in_dim3A_1669 = vector.shape_cast %squeeze3A_1668 : vector<4x256xf32> to vector<4x1x256xf32>
      %broadcast_in_dim3A_1670 = vector.shape_cast %neg3A_1492 : vector<32x256xf32> to vector<1x32x256xf32>
      %mul3A_1671 = vector.broadcast %broadcast_in_dim3A_1669 : vector<4x1x256xf32> to vector<4x32x256xf32>
      %mul3A_1672 = vector.broadcast %broadcast_in_dim3A_1670 : vector<1x32x256xf32> to vector<4x32x256xf32>
      %mul3A_1673 = arith.mulf %mul3A_1671, %mul3A_1672 : vector<4x32x256xf32>
      %exp3A_1674 = math.exp %mul3A_1673 : vector<4x32x256xf32>
      %slice3A_1675 = vector.extract_strided_slice %reshape3A_1494 {offsets = [0, 6, 0], sizes = [4, 1, 256], strides = [1, 1, 1]} : vector<4x16x256xf32> to vector<4x1x256xf32>
      %squeeze3A_1676 = vector.shape_cast %slice3A_1675 : vector<4x1x256xf32> to vector<4x256xf32>
      %broadcast_in_dim3A_1677 = vector.shape_cast %squeeze3A_1676 : vector<4x256xf32> to vector<4x1x256xf32>
      %slice3A_1678 = vector.extract_strided_slice %reshape3A_1495 {offsets = [0, 6, 0], sizes = [4, 1, 32], strides = [1, 1, 1]} : vector<4x16x32xf32> to vector<4x1x32xf32>
      %squeeze3A_1679 = vector.shape_cast %slice3A_1678 : vector<4x1x32xf32> to vector<4x32xf32>
      %broadcast_in_dim3A_1680 = vector.shape_cast %squeeze3A_1679 : vector<4x32xf32> to vector<4x32x1xf32>
      %mul3A_1681 = arith.mulf %exp3A_1674, %add3A_1659 : vector<4x32x256xf32>
      %mul3A_1682 = vector.broadcast %broadcast_in_dim3A_1669 : vector<4x1x256xf32> to vector<4x32x256xf32>
      %mul3A_1683 = vector.broadcast %broadcast_in_dim3A_1680 : vector<4x32x1xf32> to vector<4x32x256xf32>
      %mul3A_1684 = arith.mulf %mul3A_1682, %mul3A_1683 : vector<4x32x256xf32>
      %mul3A_1685 = vector.broadcast %broadcast_in_dim3A_1677 : vector<4x1x256xf32> to vector<4x32x256xf32>
      %mul3A_1686 = arith.mulf %mul3A_1684, %mul3A_1685 : vector<4x32x256xf32>
      %add3A_1687 = arith.addf %mul3A_1681, %mul3A_1686 : vector<4x32x256xf32>
      %slice3A_1688 = vector.extract_strided_slice %reshape3A_1496 {offsets = [0, 6, 0], sizes = [4, 1, 32], strides = [1, 1, 1]} : vector<4x16x32xf32> to vector<4x1x32xf32>
      %squeeze3A_1689 = vector.shape_cast %slice3A_1688 : vector<4x1x32xf32> to vector<4x32xf32>
      %broadcast_in_dim3A_1690 = vector.shape_cast %squeeze3A_1689 : vector<4x32xf32> to vector<4x32x1xf32>
      %mul3A_1691 = vector.broadcast %broadcast_in_dim3A_1690 : vector<4x32x1xf32> to vector<4x32x256xf32>
      %mul3A_1692 = arith.mulf %add3A_1687, %mul3A_1691 : vector<4x32x256xf32>
      %reduce_sum3A_1693 = arith.constant dense<0.000000e+00> : vector<4x256xf32>
      %reduce_sum3A_1694 = vector.multi_reduction <add>, %mul3A_1692, %reduce_sum3A_1693 [1] : vector<4x32x256xf32> to vector<4x256xf32>
      %slice3A_1695 = vector.extract_strided_slice %reshape3A_1493 {offsets = [0, 7, 0], sizes = [4, 1, 256], strides = [1, 1, 1]} : vector<4x16x256xf32> to vector<4x1x256xf32>
      %squeeze3A_1696 = vector.shape_cast %slice3A_1695 : vector<4x1x256xf32> to vector<4x256xf32>
      %broadcast_in_dim3A_1697 = vector.shape_cast %squeeze3A_1696 : vector<4x256xf32> to vector<4x1x256xf32>
      %broadcast_in_dim3A_1698 = vector.shape_cast %neg3A_1492 : vector<32x256xf32> to vector<1x32x256xf32>
      %mul3A_1699 = vector.broadcast %broadcast_in_dim3A_1697 : vector<4x1x256xf32> to vector<4x32x256xf32>
      %mul3A_1700 = vector.broadcast %broadcast_in_dim3A_1698 : vector<1x32x256xf32> to vector<4x32x256xf32>
      %mul3A_1701 = arith.mulf %mul3A_1699, %mul3A_1700 : vector<4x32x256xf32>
      %exp3A_1702 = math.exp %mul3A_1701 : vector<4x32x256xf32>
      %slice3A_1703 = vector.extract_strided_slice %reshape3A_1494 {offsets = [0, 7, 0], sizes = [4, 1, 256], strides = [1, 1, 1]} : vector<4x16x256xf32> to vector<4x1x256xf32>
      %squeeze3A_1704 = vector.shape_cast %slice3A_1703 : vector<4x1x256xf32> to vector<4x256xf32>
      %broadcast_in_dim3A_1705 = vector.shape_cast %squeeze3A_1704 : vector<4x256xf32> to vector<4x1x256xf32>
      %slice3A_1706 = vector.extract_strided_slice %reshape3A_1495 {offsets = [0, 7, 0], sizes = [4, 1, 32], strides = [1, 1, 1]} : vector<4x16x32xf32> to vector<4x1x32xf32>
      %squeeze3A_1707 = vector.shape_cast %slice3A_1706 : vector<4x1x32xf32> to vector<4x32xf32>
      %broadcast_in_dim3A_1708 = vector.shape_cast %squeeze3A_1707 : vector<4x32xf32> to vector<4x32x1xf32>
      %mul3A_1709 = arith.mulf %exp3A_1702, %add3A_1687 : vector<4x32x256xf32>
      %mul3A_1710 = vector.broadcast %broadcast_in_dim3A_1697 : vector<4x1x256xf32> to vector<4x32x256xf32>
      %mul3A_1711 = vector.broadcast %broadcast_in_dim3A_1708 : vector<4x32x1xf32> to vector<4x32x256xf32>
      %mul3A_1712 = arith.mulf %mul3A_1710, %mul3A_1711 : vector<4x32x256xf32>
      %mul3A_1713 = vector.broadcast %broadcast_in_dim3A_1705 : vector<4x1x256xf32> to vector<4x32x256xf32>
      %mul3A_1714 = arith.mulf %mul3A_1712, %mul3A_1713 : vector<4x32x256xf32>
      %add3A_1715 = arith.addf %mul3A_1709, %mul3A_1714 : vector<4x32x256xf32>
      %slice3A_1716 = vector.extract_strided_slice %reshape3A_1496 {offsets = [0, 7, 0], sizes = [4, 1, 32], strides = [1, 1, 1]} : vector<4x16x32xf32> to vector<4x1x32xf32>
      %squeeze3A_1717 = vector.shape_cast %slice3A_1716 : vector<4x1x32xf32> to vector<4x32xf32>
      %broadcast_in_dim3A_1718 = vector.shape_cast %squeeze3A_1717 : vector<4x32xf32> to vector<4x32x1xf32>
      %mul3A_1719 = vector.broadcast %broadcast_in_dim3A_1718 : vector<4x32x1xf32> to vector<4x32x256xf32>
      %mul3A_1720 = arith.mulf %add3A_1715, %mul3A_1719 : vector<4x32x256xf32>
      %reduce_sum3A_1721 = arith.constant dense<0.000000e+00> : vector<4x256xf32>
      %reduce_sum3A_1722 = vector.multi_reduction <add>, %mul3A_1720, %reduce_sum3A_1721 [1] : vector<4x32x256xf32> to vector<4x256xf32>
      %slice3A_1723 = vector.extract_strided_slice %reshape3A_1493 {offsets = [0, 8, 0], sizes = [4, 1, 256], strides = [1, 1, 1]} : vector<4x16x256xf32> to vector<4x1x256xf32>
      %squeeze3A_1724 = vector.shape_cast %slice3A_1723 : vector<4x1x256xf32> to vector<4x256xf32>
      %broadcast_in_dim3A_1725 = vector.shape_cast %squeeze3A_1724 : vector<4x256xf32> to vector<4x1x256xf32>
      %broadcast_in_dim3A_1726 = vector.shape_cast %neg3A_1492 : vector<32x256xf32> to vector<1x32x256xf32>
      %mul3A_1727 = vector.broadcast %broadcast_in_dim3A_1725 : vector<4x1x256xf32> to vector<4x32x256xf32>
      %mul3A_1728 = vector.broadcast %broadcast_in_dim3A_1726 : vector<1x32x256xf32> to vector<4x32x256xf32>
      %mul3A_1729 = arith.mulf %mul3A_1727, %mul3A_1728 : vector<4x32x256xf32>
      %exp3A_1730 = math.exp %mul3A_1729 : vector<4x32x256xf32>
      %slice3A_1731 = vector.extract_strided_slice %reshape3A_1494 {offsets = [0, 8, 0], sizes = [4, 1, 256], strides = [1, 1, 1]} : vector<4x16x256xf32> to vector<4x1x256xf32>
      %squeeze3A_1732 = vector.shape_cast %slice3A_1731 : vector<4x1x256xf32> to vector<4x256xf32>
      %broadcast_in_dim3A_1733 = vector.shape_cast %squeeze3A_1732 : vector<4x256xf32> to vector<4x1x256xf32>
      %slice3A_1734 = vector.extract_strided_slice %reshape3A_1495 {offsets = [0, 8, 0], sizes = [4, 1, 32], strides = [1, 1, 1]} : vector<4x16x32xf32> to vector<4x1x32xf32>
      %squeeze3A_1735 = vector.shape_cast %slice3A_1734 : vector<4x1x32xf32> to vector<4x32xf32>
      %broadcast_in_dim3A_1736 = vector.shape_cast %squeeze3A_1735 : vector<4x32xf32> to vector<4x32x1xf32>
      %mul3A_1737 = arith.mulf %exp3A_1730, %add3A_1715 : vector<4x32x256xf32>
      %mul3A_1738 = vector.broadcast %broadcast_in_dim3A_1725 : vector<4x1x256xf32> to vector<4x32x256xf32>
      %mul3A_1739 = vector.broadcast %broadcast_in_dim3A_1736 : vector<4x32x1xf32> to vector<4x32x256xf32>
      %mul3A_1740 = arith.mulf %mul3A_1738, %mul3A_1739 : vector<4x32x256xf32>
      %mul3A_1741 = vector.broadcast %broadcast_in_dim3A_1733 : vector<4x1x256xf32> to vector<4x32x256xf32>
      %mul3A_1742 = arith.mulf %mul3A_1740, %mul3A_1741 : vector<4x32x256xf32>
      %add3A_1743 = arith.addf %mul3A_1737, %mul3A_1742 : vector<4x32x256xf32>
      %slice3A_1744 = vector.extract_strided_slice %reshape3A_1496 {offsets = [0, 8, 0], sizes = [4, 1, 32], strides = [1, 1, 1]} : vector<4x16x32xf32> to vector<4x1x32xf32>
      %squeeze3A_1745 = vector.shape_cast %slice3A_1744 : vector<4x1x32xf32> to vector<4x32xf32>
      %broadcast_in_dim3A_1746 = vector.shape_cast %squeeze3A_1745 : vector<4x32xf32> to vector<4x32x1xf32>
      %mul3A_1747 = vector.broadcast %broadcast_in_dim3A_1746 : vector<4x32x1xf32> to vector<4x32x256xf32>
      %mul3A_1748 = arith.mulf %add3A_1743, %mul3A_1747 : vector<4x32x256xf32>
      %reduce_sum3A_1749 = arith.constant dense<0.000000e+00> : vector<4x256xf32>
      %reduce_sum3A_1750 = vector.multi_reduction <add>, %mul3A_1748, %reduce_sum3A_1749 [1] : vector<4x32x256xf32> to vector<4x256xf32>
      %slice3A_1751 = vector.extract_strided_slice %reshape3A_1493 {offsets = [0, 9, 0], sizes = [4, 1, 256], strides = [1, 1, 1]} : vector<4x16x256xf32> to vector<4x1x256xf32>
      %squeeze3A_1752 = vector.shape_cast %slice3A_1751 : vector<4x1x256xf32> to vector<4x256xf32>
      %broadcast_in_dim3A_1753 = vector.shape_cast %squeeze3A_1752 : vector<4x256xf32> to vector<4x1x256xf32>
      %broadcast_in_dim3A_1754 = vector.shape_cast %neg3A_1492 : vector<32x256xf32> to vector<1x32x256xf32>
      %mul3A_1755 = vector.broadcast %broadcast_in_dim3A_1753 : vector<4x1x256xf32> to vector<4x32x256xf32>
      %mul3A_1756 = vector.broadcast %broadcast_in_dim3A_1754 : vector<1x32x256xf32> to vector<4x32x256xf32>
      %mul3A_1757 = arith.mulf %mul3A_1755, %mul3A_1756 : vector<4x32x256xf32>
      %exp3A_1758 = math.exp %mul3A_1757 : vector<4x32x256xf32>
      %slice3A_1759 = vector.extract_strided_slice %reshape3A_1494 {offsets = [0, 9, 0], sizes = [4, 1, 256], strides = [1, 1, 1]} : vector<4x16x256xf32> to vector<4x1x256xf32>
      %squeeze3A_1760 = vector.shape_cast %slice3A_1759 : vector<4x1x256xf32> to vector<4x256xf32>
      %broadcast_in_dim3A_1761 = vector.shape_cast %squeeze3A_1760 : vector<4x256xf32> to vector<4x1x256xf32>
      %slice3A_1762 = vector.extract_strided_slice %reshape3A_1495 {offsets = [0, 9, 0], sizes = [4, 1, 32], strides = [1, 1, 1]} : vector<4x16x32xf32> to vector<4x1x32xf32>
      %squeeze3A_1763 = vector.shape_cast %slice3A_1762 : vector<4x1x32xf32> to vector<4x32xf32>
      %broadcast_in_dim3A_1764 = vector.shape_cast %squeeze3A_1763 : vector<4x32xf32> to vector<4x32x1xf32>
      %mul3A_1765 = arith.mulf %exp3A_1758, %add3A_1743 : vector<4x32x256xf32>
      %mul3A_1766 = vector.broadcast %broadcast_in_dim3A_1753 : vector<4x1x256xf32> to vector<4x32x256xf32>
      %mul3A_1767 = vector.broadcast %broadcast_in_dim3A_1764 : vector<4x32x1xf32> to vector<4x32x256xf32>
      %mul3A_1768 = arith.mulf %mul3A_1766, %mul3A_1767 : vector<4x32x256xf32>
      %mul3A_1769 = vector.broadcast %broadcast_in_dim3A_1761 : vector<4x1x256xf32> to vector<4x32x256xf32>
      %mul3A_1770 = arith.mulf %mul3A_1768, %mul3A_1769 : vector<4x32x256xf32>
      %add3A_1771 = arith.addf %mul3A_1765, %mul3A_1770 : vector<4x32x256xf32>
      %slice3A_1772 = vector.extract_strided_slice %reshape3A_1496 {offsets = [0, 9, 0], sizes = [4, 1, 32], strides = [1, 1, 1]} : vector<4x16x32xf32> to vector<4x1x32xf32>
      %squeeze3A_1773 = vector.shape_cast %slice3A_1772 : vector<4x1x32xf32> to vector<4x32xf32>
      %broadcast_in_dim3A_1774 = vector.shape_cast %squeeze3A_1773 : vector<4x32xf32> to vector<4x32x1xf32>
      %mul3A_1775 = vector.broadcast %broadcast_in_dim3A_1774 : vector<4x32x1xf32> to vector<4x32x256xf32>
      %mul3A_1776 = arith.mulf %add3A_1771, %mul3A_1775 : vector<4x32x256xf32>
      %reduce_sum3A_1777 = arith.constant dense<0.000000e+00> : vector<4x256xf32>
      %reduce_sum3A_1778 = vector.multi_reduction <add>, %mul3A_1776, %reduce_sum3A_1777 [1] : vector<4x32x256xf32> to vector<4x256xf32>
      %slice3A_1779 = vector.extract_strided_slice %reshape3A_1493 {offsets = [0, 10, 0], sizes = [4, 1, 256], strides = [1, 1, 1]} : vector<4x16x256xf32> to vector<4x1x256xf32>
      %squeeze3A_1780 = vector.shape_cast %slice3A_1779 : vector<4x1x256xf32> to vector<4x256xf32>
      %broadcast_in_dim3A_1781 = vector.shape_cast %squeeze3A_1780 : vector<4x256xf32> to vector<4x1x256xf32>
      %broadcast_in_dim3A_1782 = vector.shape_cast %neg3A_1492 : vector<32x256xf32> to vector<1x32x256xf32>
      %mul3A_1783 = vector.broadcast %broadcast_in_dim3A_1781 : vector<4x1x256xf32> to vector<4x32x256xf32>
      %mul3A_1784 = vector.broadcast %broadcast_in_dim3A_1782 : vector<1x32x256xf32> to vector<4x32x256xf32>
      %mul3A_1785 = arith.mulf %mul3A_1783, %mul3A_1784 : vector<4x32x256xf32>
      %exp3A_1786 = math.exp %mul3A_1785 : vector<4x32x256xf32>
      %slice3A_1787 = vector.extract_strided_slice %reshape3A_1494 {offsets = [0, 10, 0], sizes = [4, 1, 256], strides = [1, 1, 1]} : vector<4x16x256xf32> to vector<4x1x256xf32>
      %squeeze3A_1788 = vector.shape_cast %slice3A_1787 : vector<4x1x256xf32> to vector<4x256xf32>
      %broadcast_in_dim3A_1789 = vector.shape_cast %squeeze3A_1788 : vector<4x256xf32> to vector<4x1x256xf32>
      %slice3A_1790 = vector.extract_strided_slice %reshape3A_1495 {offsets = [0, 10, 0], sizes = [4, 1, 32], strides = [1, 1, 1]} : vector<4x16x32xf32> to vector<4x1x32xf32>
      %squeeze3A_1791 = vector.shape_cast %slice3A_1790 : vector<4x1x32xf32> to vector<4x32xf32>
      %broadcast_in_dim3A_1792 = vector.shape_cast %squeeze3A_1791 : vector<4x32xf32> to vector<4x32x1xf32>
      %mul3A_1793 = arith.mulf %exp3A_1786, %add3A_1771 : vector<4x32x256xf32>
      %mul3A_1794 = vector.broadcast %broadcast_in_dim3A_1781 : vector<4x1x256xf32> to vector<4x32x256xf32>
      %mul3A_1795 = vector.broadcast %broadcast_in_dim3A_1792 : vector<4x32x1xf32> to vector<4x32x256xf32>
      %mul3A_1796 = arith.mulf %mul3A_1794, %mul3A_1795 : vector<4x32x256xf32>
      %mul3A_1797 = vector.broadcast %broadcast_in_dim3A_1789 : vector<4x1x256xf32> to vector<4x32x256xf32>
      %mul3A_1798 = arith.mulf %mul3A_1796, %mul3A_1797 : vector<4x32x256xf32>
      %add3A_1799 = arith.addf %mul3A_1793, %mul3A_1798 : vector<4x32x256xf32>
      %slice3A_1800 = vector.extract_strided_slice %reshape3A_1496 {offsets = [0, 10, 0], sizes = [4, 1, 32], strides = [1, 1, 1]} : vector<4x16x32xf32> to vector<4x1x32xf32>
      %squeeze3A_1801 = vector.shape_cast %slice3A_1800 : vector<4x1x32xf32> to vector<4x32xf32>
      %broadcast_in_dim3A_1802 = vector.shape_cast %squeeze3A_1801 : vector<4x32xf32> to vector<4x32x1xf32>
      %mul3A_1803 = vector.broadcast %broadcast_in_dim3A_1802 : vector<4x32x1xf32> to vector<4x32x256xf32>
      %mul3A_1804 = arith.mulf %add3A_1799, %mul3A_1803 : vector<4x32x256xf32>
      %reduce_sum3A_1805 = arith.constant dense<0.000000e+00> : vector<4x256xf32>
      %reduce_sum3A_1806 = vector.multi_reduction <add>, %mul3A_1804, %reduce_sum3A_1805 [1] : vector<4x32x256xf32> to vector<4x256xf32>
      %slice3A_1807 = vector.extract_strided_slice %reshape3A_1493 {offsets = [0, 11, 0], sizes = [4, 1, 256], strides = [1, 1, 1]} : vector<4x16x256xf32> to vector<4x1x256xf32>
      %squeeze3A_1808 = vector.shape_cast %slice3A_1807 : vector<4x1x256xf32> to vector<4x256xf32>
      %broadcast_in_dim3A_1809 = vector.shape_cast %squeeze3A_1808 : vector<4x256xf32> to vector<4x1x256xf32>
      %broadcast_in_dim3A_1810 = vector.shape_cast %neg3A_1492 : vector<32x256xf32> to vector<1x32x256xf32>
      %mul3A_1811 = vector.broadcast %broadcast_in_dim3A_1809 : vector<4x1x256xf32> to vector<4x32x256xf32>
      %mul3A_1812 = vector.broadcast %broadcast_in_dim3A_1810 : vector<1x32x256xf32> to vector<4x32x256xf32>
      %mul3A_1813 = arith.mulf %mul3A_1811, %mul3A_1812 : vector<4x32x256xf32>
      %exp3A_1814 = math.exp %mul3A_1813 : vector<4x32x256xf32>
      %slice3A_1815 = vector.extract_strided_slice %reshape3A_1494 {offsets = [0, 11, 0], sizes = [4, 1, 256], strides = [1, 1, 1]} : vector<4x16x256xf32> to vector<4x1x256xf32>
      %squeeze3A_1816 = vector.shape_cast %slice3A_1815 : vector<4x1x256xf32> to vector<4x256xf32>
      %broadcast_in_dim3A_1817 = vector.shape_cast %squeeze3A_1816 : vector<4x256xf32> to vector<4x1x256xf32>
      %slice3A_1818 = vector.extract_strided_slice %reshape3A_1495 {offsets = [0, 11, 0], sizes = [4, 1, 32], strides = [1, 1, 1]} : vector<4x16x32xf32> to vector<4x1x32xf32>
      %squeeze3A_1819 = vector.shape_cast %slice3A_1818 : vector<4x1x32xf32> to vector<4x32xf32>
      %broadcast_in_dim3A_1820 = vector.shape_cast %squeeze3A_1819 : vector<4x32xf32> to vector<4x32x1xf32>
      %mul3A_1821 = arith.mulf %exp3A_1814, %add3A_1799 : vector<4x32x256xf32>
      %mul3A_1822 = vector.broadcast %broadcast_in_dim3A_1809 : vector<4x1x256xf32> to vector<4x32x256xf32>
      %mul3A_1823 = vector.broadcast %broadcast_in_dim3A_1820 : vector<4x32x1xf32> to vector<4x32x256xf32>
      %mul3A_1824 = arith.mulf %mul3A_1822, %mul3A_1823 : vector<4x32x256xf32>
      %mul3A_1825 = vector.broadcast %broadcast_in_dim3A_1817 : vector<4x1x256xf32> to vector<4x32x256xf32>
      %mul3A_1826 = arith.mulf %mul3A_1824, %mul3A_1825 : vector<4x32x256xf32>
      %add3A_1827 = arith.addf %mul3A_1821, %mul3A_1826 : vector<4x32x256xf32>
      %slice3A_1828 = vector.extract_strided_slice %reshape3A_1496 {offsets = [0, 11, 0], sizes = [4, 1, 32], strides = [1, 1, 1]} : vector<4x16x32xf32> to vector<4x1x32xf32>
      %squeeze3A_1829 = vector.shape_cast %slice3A_1828 : vector<4x1x32xf32> to vector<4x32xf32>
      %broadcast_in_dim3A_1830 = vector.shape_cast %squeeze3A_1829 : vector<4x32xf32> to vector<4x32x1xf32>
      %mul3A_1831 = vector.broadcast %broadcast_in_dim3A_1830 : vector<4x32x1xf32> to vector<4x32x256xf32>
      %mul3A_1832 = arith.mulf %add3A_1827, %mul3A_1831 : vector<4x32x256xf32>
      %reduce_sum3A_1833 = arith.constant dense<0.000000e+00> : vector<4x256xf32>
      %reduce_sum3A_1834 = vector.multi_reduction <add>, %mul3A_1832, %reduce_sum3A_1833 [1] : vector<4x32x256xf32> to vector<4x256xf32>
      %slice3A_1835 = vector.extract_strided_slice %reshape3A_1493 {offsets = [0, 12, 0], sizes = [4, 1, 256], strides = [1, 1, 1]} : vector<4x16x256xf32> to vector<4x1x256xf32>
      %squeeze3A_1836 = vector.shape_cast %slice3A_1835 : vector<4x1x256xf32> to vector<4x256xf32>
      %broadcast_in_dim3A_1837 = vector.shape_cast %squeeze3A_1836 : vector<4x256xf32> to vector<4x1x256xf32>
      %broadcast_in_dim3A_1838 = vector.shape_cast %neg3A_1492 : vector<32x256xf32> to vector<1x32x256xf32>
      %mul3A_1839 = vector.broadcast %broadcast_in_dim3A_1837 : vector<4x1x256xf32> to vector<4x32x256xf32>
      %mul3A_1840 = vector.broadcast %broadcast_in_dim3A_1838 : vector<1x32x256xf32> to vector<4x32x256xf32>
      %mul3A_1841 = arith.mulf %mul3A_1839, %mul3A_1840 : vector<4x32x256xf32>
      %exp3A_1842 = math.exp %mul3A_1841 : vector<4x32x256xf32>
      %slice3A_1843 = vector.extract_strided_slice %reshape3A_1494 {offsets = [0, 12, 0], sizes = [4, 1, 256], strides = [1, 1, 1]} : vector<4x16x256xf32> to vector<4x1x256xf32>
      %squeeze3A_1844 = vector.shape_cast %slice3A_1843 : vector<4x1x256xf32> to vector<4x256xf32>
      %broadcast_in_dim3A_1845 = vector.shape_cast %squeeze3A_1844 : vector<4x256xf32> to vector<4x1x256xf32>
      %slice3A_1846 = vector.extract_strided_slice %reshape3A_1495 {offsets = [0, 12, 0], sizes = [4, 1, 32], strides = [1, 1, 1]} : vector<4x16x32xf32> to vector<4x1x32xf32>
      %squeeze3A_1847 = vector.shape_cast %slice3A_1846 : vector<4x1x32xf32> to vector<4x32xf32>
      %broadcast_in_dim3A_1848 = vector.shape_cast %squeeze3A_1847 : vector<4x32xf32> to vector<4x32x1xf32>
      %mul3A_1849 = arith.mulf %exp3A_1842, %add3A_1827 : vector<4x32x256xf32>
      %mul3A_1850 = vector.broadcast %broadcast_in_dim3A_1837 : vector<4x1x256xf32> to vector<4x32x256xf32>
      %mul3A_1851 = vector.broadcast %broadcast_in_dim3A_1848 : vector<4x32x1xf32> to vector<4x32x256xf32>
      %mul3A_1852 = arith.mulf %mul3A_1850, %mul3A_1851 : vector<4x32x256xf32>
      %mul3A_1853 = vector.broadcast %broadcast_in_dim3A_1845 : vector<4x1x256xf32> to vector<4x32x256xf32>
      %mul3A_1854 = arith.mulf %mul3A_1852, %mul3A_1853 : vector<4x32x256xf32>
      %add3A_1855 = arith.addf %mul3A_1849, %mul3A_1854 : vector<4x32x256xf32>
      %slice3A_1856 = vector.extract_strided_slice %reshape3A_1496 {offsets = [0, 12, 0], sizes = [4, 1, 32], strides = [1, 1, 1]} : vector<4x16x32xf32> to vector<4x1x32xf32>
      %squeeze3A_1857 = vector.shape_cast %slice3A_1856 : vector<4x1x32xf32> to vector<4x32xf32>
      %broadcast_in_dim3A_1858 = vector.shape_cast %squeeze3A_1857 : vector<4x32xf32> to vector<4x32x1xf32>
      %mul3A_1859 = vector.broadcast %broadcast_in_dim3A_1858 : vector<4x32x1xf32> to vector<4x32x256xf32>
      %mul3A_1860 = arith.mulf %add3A_1855, %mul3A_1859 : vector<4x32x256xf32>
      %reduce_sum3A_1861 = arith.constant dense<0.000000e+00> : vector<4x256xf32>
      %reduce_sum3A_1862 = vector.multi_reduction <add>, %mul3A_1860, %reduce_sum3A_1861 [1] : vector<4x32x256xf32> to vector<4x256xf32>
      %slice3A_1863 = vector.extract_strided_slice %reshape3A_1493 {offsets = [0, 13, 0], sizes = [4, 1, 256], strides = [1, 1, 1]} : vector<4x16x256xf32> to vector<4x1x256xf32>
      %squeeze3A_1864 = vector.shape_cast %slice3A_1863 : vector<4x1x256xf32> to vector<4x256xf32>
      %broadcast_in_dim3A_1865 = vector.shape_cast %squeeze3A_1864 : vector<4x256xf32> to vector<4x1x256xf32>
      %broadcast_in_dim3A_1866 = vector.shape_cast %neg3A_1492 : vector<32x256xf32> to vector<1x32x256xf32>
      %mul3A_1867 = vector.broadcast %broadcast_in_dim3A_1865 : vector<4x1x256xf32> to vector<4x32x256xf32>
      %mul3A_1868 = vector.broadcast %broadcast_in_dim3A_1866 : vector<1x32x256xf32> to vector<4x32x256xf32>
      %mul3A_1869 = arith.mulf %mul3A_1867, %mul3A_1868 : vector<4x32x256xf32>
      %exp3A_1870 = math.exp %mul3A_1869 : vector<4x32x256xf32>
      %slice3A_1871 = vector.extract_strided_slice %reshape3A_1494 {offsets = [0, 13, 0], sizes = [4, 1, 256], strides = [1, 1, 1]} : vector<4x16x256xf32> to vector<4x1x256xf32>
      %squeeze3A_1872 = vector.shape_cast %slice3A_1871 : vector<4x1x256xf32> to vector<4x256xf32>
      %broadcast_in_dim3A_1873 = vector.shape_cast %squeeze3A_1872 : vector<4x256xf32> to vector<4x1x256xf32>
      %slice3A_1874 = vector.extract_strided_slice %reshape3A_1495 {offsets = [0, 13, 0], sizes = [4, 1, 32], strides = [1, 1, 1]} : vector<4x16x32xf32> to vector<4x1x32xf32>
      %squeeze3A_1875 = vector.shape_cast %slice3A_1874 : vector<4x1x32xf32> to vector<4x32xf32>
      %broadcast_in_dim3A_1876 = vector.shape_cast %squeeze3A_1875 : vector<4x32xf32> to vector<4x32x1xf32>
      %mul3A_1877 = arith.mulf %exp3A_1870, %add3A_1855 : vector<4x32x256xf32>
      %mul3A_1878 = vector.broadcast %broadcast_in_dim3A_1865 : vector<4x1x256xf32> to vector<4x32x256xf32>
      %mul3A_1879 = vector.broadcast %broadcast_in_dim3A_1876 : vector<4x32x1xf32> to vector<4x32x256xf32>
      %mul3A_1880 = arith.mulf %mul3A_1878, %mul3A_1879 : vector<4x32x256xf32>
      %mul3A_1881 = vector.broadcast %broadcast_in_dim3A_1873 : vector<4x1x256xf32> to vector<4x32x256xf32>
      %mul3A_1882 = arith.mulf %mul3A_1880, %mul3A_1881 : vector<4x32x256xf32>
      %add3A_1883 = arith.addf %mul3A_1877, %mul3A_1882 : vector<4x32x256xf32>
      %slice3A_1884 = vector.extract_strided_slice %reshape3A_1496 {offsets = [0, 13, 0], sizes = [4, 1, 32], strides = [1, 1, 1]} : vector<4x16x32xf32> to vector<4x1x32xf32>
      %squeeze3A_1885 = vector.shape_cast %slice3A_1884 : vector<4x1x32xf32> to vector<4x32xf32>
      %broadcast_in_dim3A_1886 = vector.shape_cast %squeeze3A_1885 : vector<4x32xf32> to vector<4x32x1xf32>
      %mul3A_1887 = vector.broadcast %broadcast_in_dim3A_1886 : vector<4x32x1xf32> to vector<4x32x256xf32>
      %mul3A_1888 = arith.mulf %add3A_1883, %mul3A_1887 : vector<4x32x256xf32>
      %reduce_sum3A_1889 = arith.constant dense<0.000000e+00> : vector<4x256xf32>
      %reduce_sum3A_1890 = vector.multi_reduction <add>, %mul3A_1888, %reduce_sum3A_1889 [1] : vector<4x32x256xf32> to vector<4x256xf32>
      %slice3A_1891 = vector.extract_strided_slice %reshape3A_1493 {offsets = [0, 14, 0], sizes = [4, 1, 256], strides = [1, 1, 1]} : vector<4x16x256xf32> to vector<4x1x256xf32>
      %squeeze3A_1892 = vector.shape_cast %slice3A_1891 : vector<4x1x256xf32> to vector<4x256xf32>
      %broadcast_in_dim3A_1893 = vector.shape_cast %squeeze3A_1892 : vector<4x256xf32> to vector<4x1x256xf32>
      %broadcast_in_dim3A_1894 = vector.shape_cast %neg3A_1492 : vector<32x256xf32> to vector<1x32x256xf32>
      %mul3A_1895 = vector.broadcast %broadcast_in_dim3A_1893 : vector<4x1x256xf32> to vector<4x32x256xf32>
      %mul3A_1896 = vector.broadcast %broadcast_in_dim3A_1894 : vector<1x32x256xf32> to vector<4x32x256xf32>
      %mul3A_1897 = arith.mulf %mul3A_1895, %mul3A_1896 : vector<4x32x256xf32>
      %exp3A_1898 = math.exp %mul3A_1897 : vector<4x32x256xf32>
      %slice3A_1899 = vector.extract_strided_slice %reshape3A_1494 {offsets = [0, 14, 0], sizes = [4, 1, 256], strides = [1, 1, 1]} : vector<4x16x256xf32> to vector<4x1x256xf32>
      %squeeze3A_1900 = vector.shape_cast %slice3A_1899 : vector<4x1x256xf32> to vector<4x256xf32>
      %broadcast_in_dim3A_1901 = vector.shape_cast %squeeze3A_1900 : vector<4x256xf32> to vector<4x1x256xf32>
      %slice3A_1902 = vector.extract_strided_slice %reshape3A_1495 {offsets = [0, 14, 0], sizes = [4, 1, 32], strides = [1, 1, 1]} : vector<4x16x32xf32> to vector<4x1x32xf32>
      %squeeze3A_1903 = vector.shape_cast %slice3A_1902 : vector<4x1x32xf32> to vector<4x32xf32>
      %broadcast_in_dim3A_1904 = vector.shape_cast %squeeze3A_1903 : vector<4x32xf32> to vector<4x32x1xf32>
      %mul3A_1905 = arith.mulf %exp3A_1898, %add3A_1883 : vector<4x32x256xf32>
      %mul3A_1906 = vector.broadcast %broadcast_in_dim3A_1893 : vector<4x1x256xf32> to vector<4x32x256xf32>
      %mul3A_1907 = vector.broadcast %broadcast_in_dim3A_1904 : vector<4x32x1xf32> to vector<4x32x256xf32>
      %mul3A_1908 = arith.mulf %mul3A_1906, %mul3A_1907 : vector<4x32x256xf32>
      %mul3A_1909 = vector.broadcast %broadcast_in_dim3A_1901 : vector<4x1x256xf32> to vector<4x32x256xf32>
      %mul3A_1910 = arith.mulf %mul3A_1908, %mul3A_1909 : vector<4x32x256xf32>
      %add3A_1911 = arith.addf %mul3A_1905, %mul3A_1910 : vector<4x32x256xf32>
      %slice3A_1912 = vector.extract_strided_slice %reshape3A_1496 {offsets = [0, 14, 0], sizes = [4, 1, 32], strides = [1, 1, 1]} : vector<4x16x32xf32> to vector<4x1x32xf32>
      %squeeze3A_1913 = vector.shape_cast %slice3A_1912 : vector<4x1x32xf32> to vector<4x32xf32>
      %broadcast_in_dim3A_1914 = vector.shape_cast %squeeze3A_1913 : vector<4x32xf32> to vector<4x32x1xf32>
      %mul3A_1915 = vector.broadcast %broadcast_in_dim3A_1914 : vector<4x32x1xf32> to vector<4x32x256xf32>
      %mul3A_1916 = arith.mulf %add3A_1911, %mul3A_1915 : vector<4x32x256xf32>
      %reduce_sum3A_1917 = arith.constant dense<0.000000e+00> : vector<4x256xf32>
      %reduce_sum3A_1918 = vector.multi_reduction <add>, %mul3A_1916, %reduce_sum3A_1917 [1] : vector<4x32x256xf32> to vector<4x256xf32>
      %slice3A_1919 = vector.extract_strided_slice %reshape3A_1493 {offsets = [0, 15, 0], sizes = [4, 1, 256], strides = [1, 1, 1]} : vector<4x16x256xf32> to vector<4x1x256xf32>
      %squeeze3A_1920 = vector.shape_cast %slice3A_1919 : vector<4x1x256xf32> to vector<4x256xf32>
      %broadcast_in_dim3A_1921 = vector.shape_cast %squeeze3A_1920 : vector<4x256xf32> to vector<4x1x256xf32>
      %broadcast_in_dim3A_1922 = vector.shape_cast %neg3A_1492 : vector<32x256xf32> to vector<1x32x256xf32>
      %mul3A_1923 = vector.broadcast %broadcast_in_dim3A_1921 : vector<4x1x256xf32> to vector<4x32x256xf32>
      %mul3A_1924 = vector.broadcast %broadcast_in_dim3A_1922 : vector<1x32x256xf32> to vector<4x32x256xf32>
      %mul3A_1925 = arith.mulf %mul3A_1923, %mul3A_1924 : vector<4x32x256xf32>
      %exp3A_1926 = math.exp %mul3A_1925 : vector<4x32x256xf32>
      %slice3A_1927 = vector.extract_strided_slice %reshape3A_1494 {offsets = [0, 15, 0], sizes = [4, 1, 256], strides = [1, 1, 1]} : vector<4x16x256xf32> to vector<4x1x256xf32>
      %squeeze3A_1928 = vector.shape_cast %slice3A_1927 : vector<4x1x256xf32> to vector<4x256xf32>
      %broadcast_in_dim3A_1929 = vector.shape_cast %squeeze3A_1928 : vector<4x256xf32> to vector<4x1x256xf32>
      %slice3A_1930 = vector.extract_strided_slice %reshape3A_1495 {offsets = [0, 15, 0], sizes = [4, 1, 32], strides = [1, 1, 1]} : vector<4x16x32xf32> to vector<4x1x32xf32>
      %squeeze3A_1931 = vector.shape_cast %slice3A_1930 : vector<4x1x32xf32> to vector<4x32xf32>
      %broadcast_in_dim3A_1932 = vector.shape_cast %squeeze3A_1931 : vector<4x32xf32> to vector<4x32x1xf32>
      %mul3A_1933 = arith.mulf %exp3A_1926, %add3A_1911 : vector<4x32x256xf32>
      %mul3A_1934 = vector.broadcast %broadcast_in_dim3A_1921 : vector<4x1x256xf32> to vector<4x32x256xf32>
      %mul3A_1935 = vector.broadcast %broadcast_in_dim3A_1932 : vector<4x32x1xf32> to vector<4x32x256xf32>
      %mul3A_1936 = arith.mulf %mul3A_1934, %mul3A_1935 : vector<4x32x256xf32>
      %mul3A_1937 = vector.broadcast %broadcast_in_dim3A_1929 : vector<4x1x256xf32> to vector<4x32x256xf32>
      %mul3A_1938 = arith.mulf %mul3A_1936, %mul3A_1937 : vector<4x32x256xf32>
      %add3A_1939 = arith.addf %mul3A_1933, %mul3A_1938 : vector<4x32x256xf32>
      %slice3A_1940 = vector.extract_strided_slice %reshape3A_1496 {offsets = [0, 15, 0], sizes = [4, 1, 32], strides = [1, 1, 1]} : vector<4x16x32xf32> to vector<4x1x32xf32>
      %squeeze3A_1941 = vector.shape_cast %slice3A_1940 : vector<4x1x32xf32> to vector<4x32xf32>
      %broadcast_in_dim3A_1942 = vector.shape_cast %squeeze3A_1941 : vector<4x32xf32> to vector<4x32x1xf32>
      %mul3A_1943 = vector.broadcast %broadcast_in_dim3A_1942 : vector<4x32x1xf32> to vector<4x32x256xf32>
      %mul3A_1944 = arith.mulf %add3A_1939, %mul3A_1943 : vector<4x32x256xf32>
      %reduce_sum3A_1945 = arith.constant dense<0.000000e+00> : vector<4x256xf32>
      %reduce_sum3A_1946 = vector.multi_reduction <add>, %mul3A_1944, %reduce_sum3A_1945 [1] : vector<4x32x256xf32> to vector<4x256xf32>
      %stack3A_1947 = vector.shape_cast %reduce_sum3A_1526 : vector<4x256xf32> to vector<4x1x256xf32>
      %stack3A_1948 = vector.shape_cast %reduce_sum3A_1554 : vector<4x256xf32> to vector<4x1x256xf32>
      %stack3A_1949 = vector.shape_cast %reduce_sum3A_1582 : vector<4x256xf32> to vector<4x1x256xf32>
      %stack3A_1950 = vector.shape_cast %reduce_sum3A_1610 : vector<4x256xf32> to vector<4x1x256xf32>
      %stack3A_1951 = vector.shape_cast %reduce_sum3A_1638 : vector<4x256xf32> to vector<4x1x256xf32>
      %stack3A_1952 = vector.shape_cast %reduce_sum3A_1666 : vector<4x256xf32> to vector<4x1x256xf32>
      %stack3A_1953 = vector.shape_cast %reduce_sum3A_1694 : vector<4x256xf32> to vector<4x1x256xf32>
      %stack3A_1954 = vector.shape_cast %reduce_sum3A_1722 : vector<4x256xf32> to vector<4x1x256xf32>
      %stack3A_1955 = vector.shape_cast %reduce_sum3A_1750 : vector<4x256xf32> to vector<4x1x256xf32>
      %stack3A_1956 = vector.shape_cast %reduce_sum3A_1778 : vector<4x256xf32> to vector<4x1x256xf32>
      %stack3A_1957 = vector.shape_cast %reduce_sum3A_1806 : vector<4x256xf32> to vector<4x1x256xf32>
      %stack3A_1958 = vector.shape_cast %reduce_sum3A_1834 : vector<4x256xf32> to vector<4x1x256xf32>
      %stack3A_1959 = vector.shape_cast %reduce_sum3A_1862 : vector<4x256xf32> to vector<4x1x256xf32>
      %stack3A_1960 = vector.shape_cast %reduce_sum3A_1890 : vector<4x256xf32> to vector<4x1x256xf32>
      %stack3A_1961 = vector.shape_cast %reduce_sum3A_1918 : vector<4x256xf32> to vector<4x1x256xf32>
      %stack3A_1962 = vector.shape_cast %reduce_sum3A_1946 : vector<4x256xf32> to vector<4x1x256xf32>
      %stack3A_1963 = tpu.concatenate %stack3A_1947, %stack3A_1948, %stack3A_1949, %stack3A_1950, %stack3A_1951, %stack3A_1952, %stack3A_1953, %stack3A_1954, %stack3A_1955, %stack3A_1956, %stack3A_1957, %stack3A_1958, %stack3A_1959, %stack3A_1960, %stack3A_1961, %stack3A_1962 in 1 : vector<4x1x256xf32>, vector<4x1x256xf32>, vector<4x1x256xf32>, vector<4x1x256xf32>, vector<4x1x256xf32>, vector<4x1x256xf32>, vector<4x1x256xf32>, vector<4x1x256xf32>, vector<4x1x256xf32>, vector<4x1x256xf32>, vector<4x1x256xf32>, vector<4x1x256xf32>, vector<4x1x256xf32>, vector<4x1x256xf32>, vector<4x1x256xf32>, vector<4x1x256xf32> -> vector<4x16x256xf32>
      %reshape3A_1964 = vector.shape_cast %stack3A_1963 : vector<4x16x256xf32> to vector<64x256xf32>
      %get3A_1965 = arith.constant 2 : index
      %get3A_1966 = arith.constant 0 : index
      %get3A_1967 = vector.load %arg17[%get3A_1965, %get3A_1966] : memref<3x256xf32, #tpu.memory_space<vmem>>, vector<1x256xf32>
      %get3A_1968 = vector.shape_cast %get3A_1967 : vector<1x256xf32> to vector<256xf32>
      %broadcast_in_dim3A_1969 = vector.shape_cast %get3A_1968 : vector<256xf32> to vector<1x256xf32>
      %mul3A_1970 = vector.broadcast %broadcast_in_dim3A_1969 : vector<1x256xf32> to vector<64x256xf32>
      %mul3A_1971 = arith.mulf %mul3A_1435, %mul3A_1970 : vector<64x256xf32>
      %add3A_1972 = arith.addf %reshape3A_1964, %mul3A_1971 : vector<64x256xf32>
      %logistic3A_1973 = arith.negf %slice3A_1372 : vector<64x256xf32>
      %logistic3A_1974 = math.exp %logistic3A_1973 : vector<64x256xf32>
      %logistic3A_1975 = arith.constant 1.000000e+00 : f32
      %logistic3A_1976 = vector.broadcast %logistic3A_1975 : f32 to vector<64x256xf32>
      %logistic3A_1977 = arith.addf %logistic3A_1976, %logistic3A_1974 : vector<64x256xf32>
      %logistic3A_1978 = arith.divf %logistic3A_1976, %logistic3A_1977 : vector<64x256xf32>
      %mul3A_1979 = arith.mulf %slice3A_1372, %logistic3A_1978 : vector<64x256xf32>
      %mul3A_1980 = arith.mulf %add3A_1972, %mul3A_1979 : vector<64x256xf32>
      %get3A_1981 = arith.constant 2 : index
      %get3A_1982 = arith.constant 0 : index
      %get3A_1983 = arith.constant 0 : index
      %get3A_1984 = vector.load %arg18[%get3A_1981, %get3A_1982, %get3A_1983] : memref<3x256x128xf32, #tpu.memory_space<vmem>>, vector<1x256x128xf32>
      %get3A_1985 = vector.shape_cast %get3A_1984 : vector<1x256x128xf32> to vector<256x128xf32>
      %dot_general3A_1986 = arith.constant dense<0.000000e+00> : vector<64x128xf32>
      %dot_general3A_1987 = tpu.matmul %mul3A_1980, %get3A_1985, %dot_general3A_1986 {dimension_numbers = #tpu.dot_dimension_numbers<[1], [0], [0], [1], [0, 0, 1, 1], [], []>, precision = #tpu.contract_precision<fp32>, transpose_lhs_hint = false} : vector<64x256xf32>, vector<256x128xf32>, vector<64x128xf32> -> vector<64x128xf32>
      %add3A_1988 = arith.addf %add3A_1325, %dot_general3A_1987 : vector<64x128xf32>
      %reshape3A_1989 = vector.shape_cast %add3A_1988 : vector<64x128xf32> to vector<4x16x128xf32>
      %slice3A_1990 = vector.extract_strided_slice %reshape3A_1989 {offsets = [0, 15, 0], sizes = [4, 1, 128], strides = [1, 1, 1]} : vector<4x16x128xf32> to vector<4x1x128xf32>
      %squeeze3A_1991 = vector.shape_cast %slice3A_1990 : vector<4x1x128xf32> to vector<4x128xf32>
      %get3A_1992 = arith.constant 0 : index
      %get3A_1993 = arith.constant 0 : index
      %get3A_1994 = vector.load %arg19[%get3A_1992, %get3A_1993] : memref<128x64xf32, #tpu.memory_space<vmem>>, vector<128x64xf32>
      %dot_general3A_1995 = arith.constant dense<0.000000e+00> : vector<4x64xf32>
      %dot_general3A_1996 = tpu.matmul %squeeze3A_1991, %get3A_1994, %dot_general3A_1995 {dimension_numbers = #tpu.dot_dimension_numbers<[1], [0], [0], [1], [0, 0, 1, 1], [], []>, precision = #tpu.contract_precision<fp32>, transpose_lhs_hint = false} : vector<4x128xf32>, vector<128x64xf32>, vector<4x64xf32> -> vector<4x64xf32>
      %get3A_1997 = arith.constant 0 : index
      %get3A_1998 = arith.constant 0 : index
      %get3A_1999 = vector.load %arg20[%get3A_1997, %get3A_1998] : memref<1x64xf32, #tpu.memory_space<vmem>>, vector<1x64xf32>
      %add3A_2000 = vector.broadcast %get3A_1999 : vector<1x64xf32> to vector<4x64xf32>
      %add3A_2001 = arith.addf %dot_general3A_1996, %add3A_2000 : vector<4x64xf32>
      %max3A_2002 = arith.constant 0.000000e+00 : f32
      %max3A_2003 = vector.broadcast %max3A_2002 : f32 to vector<4x64xf32>
      %max3A_2004 = arith.maximumf %add3A_2001, %max3A_2003 : vector<4x64xf32>
      %get3A_2005 = arith.constant 0 : index
      %get3A_2006 = arith.constant 0 : index
      %get3A_2007 = vector.load %arg21[%get3A_2005, %get3A_2006] : memref<1x64xf32, #tpu.memory_space<vmem>>, vector<1x64xf32>
      %mul3A_2008 = vector.broadcast %get3A_2007 : vector<1x64xf32> to vector<4x64xf32>
      %mul3A_2009 = arith.mulf %max3A_2004, %mul3A_2008 : vector<4x64xf32>
      %reduce_sum3A_2010 = arith.constant dense<0.000000e+00> : vector<4xf32>
      %reduce_sum3A_2011 = vector.multi_reduction <add>, %mul3A_2009, %reduce_sum3A_2010 [1] : vector<4x64xf32> to vector<4xf32>
      %broadcast_in_dim3A_2012 = vector.shape_cast %reduce_sum3A_2011 : vector<4xf32> to vector<4x1xf32>
      %get3A_2013 = arith.constant 0 : index
      %get3A_2014 = arith.constant 0 : index
      %get3A_2015 = vector.load %arg22[%get3A_2013, %get3A_2014] : memref<1x1xf32, #tpu.memory_space<vmem>>, vector<1x1xf32>
      %add3A_2016 = vector.broadcast %get3A_2015 : vector<1x1xf32> to vector<4x1xf32>
      %add3A_2017 = arith.addf %broadcast_in_dim3A_2012, %add3A_2016 : vector<4x1xf32>
      %get3A_2018 = arith.constant 0 : index
      %get3A_2019 = arith.constant 0 : index
      %get3A_2020 = vector.load %arg23[%get3A_2018, %get3A_2019] : memref<128x64xf32, #tpu.memory_space<vmem>>, vector<128x64xf32>
      %dot_general3A_2021 = arith.constant dense<0.000000e+00> : vector<4x64xf32>
      %dot_general3A_2022 = tpu.matmul %squeeze3A_1991, %get3A_2020, %dot_general3A_2021 {dimension_numbers = #tpu.dot_dimension_numbers<[1], [0], [0], [1], [0, 0, 1, 1], [], []>, precision = #tpu.contract_precision<fp32>, transpose_lhs_hint = false} : vector<4x128xf32>, vector<128x64xf32>, vector<4x64xf32> -> vector<4x64xf32>
      %get3A_2023 = arith.constant 0 : index
      %get3A_2024 = arith.constant 0 : index
      %get3A_2025 = vector.load %arg24[%get3A_2023, %get3A_2024] : memref<1x64xf32, #tpu.memory_space<vmem>>, vector<1x64xf32>
      %add3A_2026 = vector.broadcast %get3A_2025 : vector<1x64xf32> to vector<4x64xf32>
      %add3A_2027 = arith.addf %dot_general3A_2022, %add3A_2026 : vector<4x64xf32>
      %max3A_2028 = arith.constant 0.000000e+00 : f32
      %max3A_2029 = vector.broadcast %max3A_2028 : f32 to vector<4x64xf32>
      %max3A_2030 = arith.maximumf %add3A_2027, %max3A_2029 : vector<4x64xf32>
      %get3A_2031 = arith.constant 0 : index
      %get3A_2032 = arith.constant 0 : index
      %get3A_2033 = vector.load %arg25[%get3A_2031, %get3A_2032] : memref<1x64xf32, #tpu.memory_space<vmem>>, vector<1x64xf32>
      %mul3A_2034 = vector.broadcast %get3A_2033 : vector<1x64xf32> to vector<4x64xf32>
      %mul3A_2035 = arith.mulf %max3A_2030, %mul3A_2034 : vector<4x64xf32>
      %reduce_sum3A_2036 = arith.constant dense<0.000000e+00> : vector<4xf32>
      %reduce_sum3A_2037 = vector.multi_reduction <add>, %mul3A_2035, %reduce_sum3A_2036 [1] : vector<4x64xf32> to vector<4xf32>
      %broadcast_in_dim3A_2038 = vector.shape_cast %reduce_sum3A_2037 : vector<4xf32> to vector<4x1xf32>
      %get3A_2039 = arith.constant 0 : index
      %get3A_2040 = arith.constant 0 : index
      %get3A_2041 = vector.load %arg26[%get3A_2039, %get3A_2040] : memref<1x1xf32, #tpu.memory_space<vmem>>, vector<1x1xf32>
      %add3A_2042 = vector.broadcast %get3A_2041 : vector<1x1xf32> to vector<4x1xf32>
      %add3A_2043 = arith.addf %broadcast_in_dim3A_2038, %add3A_2042 : vector<4x1xf32>
      %broadcast_in_dim3A_2044 = arith.constant 0.000000e+00 : f32
      %broadcast_in_dim3A_2045 = vector.broadcast %broadcast_in_dim3A_2044 : f32 to vector<4x126xf32>
      %concatenate3A_2046 = tpu.concatenate %add3A_2017, %add3A_2043, %broadcast_in_dim3A_2045 in 1 : vector<4x1xf32>, vector<4x1xf32>, vector<4x126xf32> -> vector<4x128xf32>
      %swap3A = arith.constant 0 : index
      %swap3A_2047 = arith.constant 0 : index
      %swap3A_2048 = vector.load %arg27[%swap3A, %swap3A_2047] : memref<4x128xf32, #tpu.memory_space<vmem>>, vector<4x128xf32>
      tpu.vector_store %arg27[%swap3A, %swap3A_2047], %concatenate3A_2046 {strides = array<i32>} : memref<4x128xf32, #tpu.memory_space<vmem>>, vector<4x128xf32>,
    } else {
    }
    return
  }
  func.func @transform_0(%arg0: i32) -> (i32, i32) {
    %min3A = arith.constant 11 : i32
    %min3A_0 = arith.minsi %arg0, %min3A : i32
    %c0_i32 = arith.constant 0 : i32
    %c0_i32_1 = arith.constant 0 : i32
    return %min3A_0, %c0_i32 : i32, i32
  }
  func.func @transform_1(%arg0: i32) -> (i32, i32, i32) {
    %min3A = arith.constant 11 : i32
    %min3A_0 = arith.minsi %arg0, %min3A : i32
    %c0_i32 = arith.constant 0 : i32
    %c0_i32_1 = arith.constant 0 : i32
    %c0_i32_2 = arith.constant 0 : i32
    return %min3A_0, %c0_i32, %c0_i32_1 : i32, i32, i32
  }
  func.func @transform_2(%arg0: i32) -> (i32, i32) {
    %c0_i32 = arith.constant 0 : i32
    %c0_i32_0 = arith.constant 0 : i32
    %c0_i32_1 = arith.constant 0 : i32
    return %c0_i32, %c0_i32_0 : i32, i32
  }
  func.func @transform_3(%arg0: i32) -> (i32, i32) {
    %c0_i32 = arith.constant 0 : i32
    %c0_i32_0 = arith.constant 0 : i32
    %c0_i32_1 = arith.constant 0 : i32
    return %c0_i32, %c0_i32_0 : i32, i32
  }
  func.func @transform_4(%arg0: i32) -> (i32, i32) {
    %c0_i32 = arith.constant 0 : i32
    %c0_i32_0 = arith.constant 0 : i32
    %c0_i32_1 = arith.constant 0 : i32
    return %c0_i32, %c0_i32_0 : i32, i32
  }
  func.func @transform_5(%arg0: i32) -> (i32, i32) {
    %c0_i32 = arith.constant 0 : i32
    %c0_i32_0 = arith.constant 0 : i32
    %c0_i32_1 = arith.constant 0 : i32
    return %c0_i32, %c0_i32_0 : i32, i32
  }
  func.func @transform_6(%arg0: i32) -> (i32, i32) {
    %c0_i32 = arith.constant 0 : i32
    %c0_i32_0 = arith.constant 0 : i32
    %c0_i32_1 = arith.constant 0 : i32
    return %c0_i32, %c0_i32_0 : i32, i32
  }
  func.func @transform_7(%arg0: i32) -> (i32, i32, i32) {
    %c0_i32 = arith.constant 0 : i32
    %c0_i32_0 = arith.constant 0 : i32
    %c0_i32_1 = arith.constant 0 : i32
    %c0_i32_2 = arith.constant 0 : i32
    return %c0_i32, %c0_i32_0, %c0_i32_1 : i32, i32, i32
  }
  func.func @transform_8(%arg0: i32) -> (i32, i32, i32) {
    %c0_i32 = arith.constant 0 : i32
    %c0_i32_0 = arith.constant 0 : i32
    %c0_i32_1 = arith.constant 0 : i32
    %c0_i32_2 = arith.constant 0 : i32
    return %c0_i32, %c0_i32_0, %c0_i32_1 : i32, i32, i32
  }
  func.func @transform_9(%arg0: i32) -> (i32, i32) {
    %c0_i32 = arith.constant 0 : i32
    %c0_i32_0 = arith.constant 0 : i32
    %c0_i32_1 = arith.constant 0 : i32
    return %c0_i32, %c0_i32_0 : i32, i32
  }
  func.func @transform_10(%arg0: i32) -> (i32, i32, i32) {
    %c0_i32 = arith.constant 0 : i32
    %c0_i32_0 = arith.constant 0 : i32
    %c0_i32_1 = arith.constant 0 : i32
    %c0_i32_2 = arith.constant 0 : i32
    return %c0_i32, %c0_i32_0, %c0_i32_1 : i32, i32, i32
  }
  func.func @transform_11(%arg0: i32) -> (i32, i32, i32) {
    %c0_i32 = arith.constant 0 : i32
    %c0_i32_0 = arith.constant 0 : i32
    %c0_i32_1 = arith.constant 0 : i32
    %c0_i32_2 = arith.constant 0 : i32
    return %c0_i32, %c0_i32_0, %c0_i32_1 : i32, i32, i32
  }
  func.func @transform_12(%arg0: i32) -> (i32, i32, i32) {
    %c0_i32 = arith.constant 0 : i32
    %c0_i32_0 = arith.constant 0 : i32
    %c0_i32_1 = arith.constant 0 : i32
    %c0_i32_2 = arith.constant 0 : i32
    return %c0_i32, %c0_i32_0, %c0_i32_1 : i32, i32, i32
  }
  func.func @transform_13(%arg0: i32) -> (i32, i32, i32) {
    %c0_i32 = arith.constant 0 : i32
    %c0_i32_0 = arith.constant 0 : i32
    %c0_i32_1 = arith.constant 0 : i32
    %c0_i32_2 = arith.constant 0 : i32
    return %c0_i32, %c0_i32_0, %c0_i32_1 : i32, i32, i32
  }
  func.func @transform_14(%arg0: i32) -> (i32, i32) {
    %c0_i32 = arith.constant 0 : i32
    %c0_i32_0 = arith.constant 0 : i32
    %c0_i32_1 = arith.constant 0 : i32
    return %c0_i32, %c0_i32_0 : i32, i32
  }
  func.func @transform_15(%arg0: i32) -> (i32, i32, i32) {
    %c0_i32 = arith.constant 0 : i32
    %c0_i32_0 = arith.constant 0 : i32
    %c0_i32_1 = arith.constant 0 : i32
    %c0_i32_2 = arith.constant 0 : i32
    return %c0_i32, %c0_i32_0, %c0_i32_1 : i32, i32, i32
  }
  func.func @transform_16(%arg0: i32) -> (i32, i32) {
    %c0_i32 = arith.constant 0 : i32
    %c0_i32_0 = arith.constant 0 : i32
    %c0_i32_1 = arith.constant 0 : i32
    return %c0_i32, %c0_i32_0 : i32, i32
  }
  func.func @transform_17(%arg0: i32) -> (i32, i32, i32) {
    %c0_i32 = arith.constant 0 : i32
    %c0_i32_0 = arith.constant 0 : i32
    %c0_i32_1 = arith.constant 0 : i32
    %c0_i32_2 = arith.constant 0 : i32
    return %c0_i32, %c0_i32_0, %c0_i32_1 : i32, i32, i32
  }
  func.func @transform_18(%arg0: i32) -> (i32, i32) {
    %c0_i32 = arith.constant 0 : i32
    %c0_i32_0 = arith.constant 0 : i32
    %c0_i32_1 = arith.constant 0 : i32
    return %c0_i32, %c0_i32_0 : i32, i32
  }
  func.func @transform_19(%arg0: i32) -> (i32, i32) {
    %c0_i32 = arith.constant 0 : i32
    %c0_i32_0 = arith.constant 0 : i32
    %c0_i32_1 = arith.constant 0 : i32
    return %c0_i32, %c0_i32_0 : i32, i32
  }
  func.func @transform_20(%arg0: i32) -> (i32, i32) {
    %c0_i32 = arith.constant 0 : i32
    %c0_i32_0 = arith.constant 0 : i32
    %c0_i32_1 = arith.constant 0 : i32
    return %c0_i32, %c0_i32_0 : i32, i32
  }
  func.func @transform_21(%arg0: i32) -> (i32, i32) {
    %c0_i32 = arith.constant 0 : i32
    %c0_i32_0 = arith.constant 0 : i32
    %c0_i32_1 = arith.constant 0 : i32
    return %c0_i32, %c0_i32_0 : i32, i32
  }
  func.func @transform_22(%arg0: i32) -> (i32, i32) {
    %c0_i32 = arith.constant 0 : i32
    %c0_i32_0 = arith.constant 0 : i32
    %c0_i32_1 = arith.constant 0 : i32
    return %c0_i32, %c0_i32_0 : i32, i32
  }
  func.func @transform_23(%arg0: i32) -> (i32, i32) {
    %c0_i32 = arith.constant 0 : i32
    %c0_i32_0 = arith.constant 0 : i32
    %c0_i32_1 = arith.constant 0 : i32
    return %c0_i32, %c0_i32_0 : i32, i32
  }
  func.func @transform_24(%arg0: i32) -> (i32, i32) {
    %c0_i32 = arith.constant 0 : i32
    %c0_i32_0 = arith.constant 0 : i32
    %c0_i32_1 = arith.constant 0 : i32
    return %c0_i32, %c0_i32_0 : i32, i32
  }
  func.func @transform_25(%arg0: i32) -> (i32, i32) {
    %c0_i32 = arith.constant 0 : i32
    %c0_i32_0 = arith.constant 0 : i32
    %c0_i32_1 = arith.constant 0 : i32
    return %c0_i32, %c0_i32_0 : i32, i32
  }
  func.func @transform_26(%arg0: i32) -> (i32, i32) {
    %c0_i32 = arith.constant 0 : i32
    %c0_i32_0 = arith.constant 0 : i32
    %c0_i32_1 = arith.constant 0 : i32
    return %c0_i32, %c0_i32_0 : i32, i32
  }
}

</mosaic_0001>

<sc_bundles>
// kernel: kernel.5.cloned.1.call-start
scs
__scs_entry_jumppad:
0x0: {  	(pc) =	sbr.rel $0x88, $3  }
0x1: {  	(tag) =	ssettag $0x0;
	lr =	simm.s32 $0x1  }
0x2: {  	[smem:$0x3F88] =	sst lr;
	_ =	strace $0xD0000000  }
0x3: {  	_ = 	snop  }
0x4: {  	_ = 	snop  }
0x5: {  	_ = 	snop  }
0x6: {  	_ = 	snop  }
0x7: {  	_ = 	snop  }
__scs_overlays_trampoline_lowered:
0x8: {  	[smem:$0x3F97] =	sst s0  }
0x9: {  	[smem:$0x3F98] =	sst s1  }
0xa: {  	[smem:$0x3F99] =	sst s2  }
0xb: {  	[smem:$0x3F9A] =	sst s3  }
0xc: {  	[smem:$0x3F9B] =	sst s4  }
0xd: {  	[smem:$0x3F9C] =	sst s5  }
0xe: {  	[smem:$0x3F9D] =	sst s6  }
0xf: {  	[smem:$0x3F9E] =	sst s7  }
0x10: {  	[smem:$0x3F9F] =	sst s8  }
0x11: {  	[smem:$0x3FA0] =	sst s9;
	s0 =	simm.s32 @!p0 $0x0  }
0x12: {  	s1 =	sld [smem:$0x3F86];
	s0 =	simm.s32 @p0 $0x1  }
0x13: {  	[smem:$0x3FA1] =	sst s0;
	s0 =	simm.s32 @!p1 $0x0  }
0x14: {  	s2 =	sld [smem:$0x3F85];
	s0 =	simm.s32 @p1 $0x1  }
0x15: {  	[smem:$0x3FA2] =	sst s0;
	s0 =	simm.s32 @!p2 $0x0  }
0x16: {  	s3 =	sld [smem:$0x3FDB];
	s0 =	simm.s32 @p2 $0x1  }
0x17: {  	s4 =	simm.s32 $0x1BF5;
	[smem:$0x3FA4] =	sst s0  }
0x18: {  	s0 =	sld [smem:$0x3F87];
	_ =	swait.ge [sflag:s4], $0x0  }
0x19: {  	s7 =	sld [smem:$0x3F88]  }
0x1a: {  	s8 =	sadd.s32 $0xFFFFE003, lr  }
0x1b: {  	s9 =	sadd.s32 $0xFFFFFEF7, lr;
	s5 =	simm.s32 $0xFFFFFFFF;
	p2 =	slt.u32 s8, $0xFFFFF086  }
0x1c: {  	p1 =	slt.u32 s9, $0xF7A;
	s5 =	simm.s32 @!p2 $0x0  }
0x1d: {  	s5 =	simm.s32 @p1 $0x1;
	p0 =	seq.s32 s7, s2  }
0x1e: {  	s7 =	smul.u32 @!p0 $0xF7A, s2;
	p2 =	seq.s32 @!p0 s5, $0x0  }
0x1f: {  	s9 =	smul.u32 $0xF7A, s1;
	s8 =	simm.s32 @!p0 $0x1BF5;
	p2 =	por !p2, p0  }
0x20: {  	[sflag:s8] =	ssyncset.s32 @!p0 $0xFFFFF086;
	s6 =	sadd.s32 @!p0 s3, s7;
	s7 =	simm.s32 @!p0 $0x108  }
0x21: {  	s3 =	sadd.s32 s3, s9;
	s6 =	sadd.s32 @!p0 $0x88, s6;
	s7 =	simm.s32 @p2 $0x1082  }
0x22: {  	[simem:s7], [sflag:s8] =	dma.local @!p0 [hbm:s6], $0xF7A  }
0x23: {  	s9 =	sor.u32 $0xD0000000, s2;
	s6 =	simm.s32 $0x108;
	_ =	swait.ge @!p0 [sflag:s8], $0x0  }
0x24: {  	s3 =	sadd.s32 $0x88, s3;
	s6 =	simm.s32 @!p1 $0x1082;
	[sflag:s4] =	ssyncset.s32 $0xFFFFF086  }
0x25: {  	[simem:s6], [sflag:s4] =	dma.local [hbm:s3], $0xF7A  }
0x26: {  	[smem:$0x3F88] =	sst s1;
	(tag) =	ssettag s2;
	_ =	strace s9  }
0x27: {  	s1 =	sld [smem:$0x3F98]  }
0x28: {  	s2 =	sld [smem:$0x3F99]  }
0x29: {  	s4 =	sld [smem:$0x3F9B]  }
0x2a: {  	p0 =	seq.s32 s5, $0x0;
	s5 =	sld [smem:$0x3F9C]  }
0x2b: {  	s6 =	sld [smem:$0x3F9D]  }
0x2c: {  	s7 =	sld [smem:$0x3F9E]  }
0x2d: {  	s3 =	simm.s32 $0x108;
	s8 =	sld [smem:$0x3F9F]  }
0x2e: {  	s3 =	simm.s32 @!p0 $0x1082;
	s9 =	sld [smem:$0x3FA0]  }
0x2f: {  	lr =	sadd.s32 s0, s3;
	s0 =	sld [smem:$0x3F97]  }
0x30: {  	s3 =	sld [smem:$0x3F9A]  }
0x31: {  	[smem:$0x3FA3] =	sst s10  }
0x32: {  	s10 =	sld [smem:$0x3FA1];
	_ =	sdelay $0x3  }
0x33: {  	p0 =	seq.s32 s10, $0x1;
	s10 =	sld [smem:$0x3FA3];
	_ =	sdelay $0x3  }
0x34: {  	[smem:$0x3FA3] =	sst s10  }
0x35: {  	s10 =	sld [smem:$0x3FA2];
	_ =	sdelay $0x3  }
0x36: {  	p1 =	seq.s32 s10, $0x1;
	s10 =	sld [smem:$0x3FA3];
	_ =	sdelay $0x3  }
0x37: {  	[smem:$0x3FA3] =	sst s10  }
0x38: {  	s10 =	sld [smem:$0x3FA4]  }
0x39: {  	_ = 	snop;
	(pc) =	sbr.ind lr, $3  }
0x3a: {  	_ = 	snop  }
0x3b: {  	_ = 	snop  }
0x3c: {  	p2 =	seq.s32 s10, $0x1;
	s10 =	sld [smem:$0x3FA3]  }
0x3d: {  	_ =	shalt  }
0x3e: {  	_ =	shalt  }
0x3f: {  	_ =	shalt  }
0x40: {  	_ =	shalt  }
0x41: {  	_ =	shalt  }
0x42: {  	_ =	shalt  }
0x43: {  	_ =	shalt  }
0x44: {  	_ =	shalt  }
0x45: {  	_ =	shalt  }
0x46: {  	_ =	shalt  }
0x47: {  	_ =	shalt  }
0x48: {  	_ =	shalt  }
0x49: {  	_ =	shalt  }
0x4a: {  	_ =	shalt  }
0x4b: {  	_ =	shalt  }
0x4c: {  	_ =	shalt  }
0x4d: {  	_ =	shalt  }
0x4e: {  	_ =	shalt  }
0x4f: {  	_ =	shalt  }
0x50: {  	_ =	shalt  }
0x51: {  	_ =	shalt  }
0x52: {  	_ =	shalt  }
0x53: {  	_ =	shalt  }
0x54: {  	_ =	shalt  }
0x55: {  	_ =	shalt  }
0x56: {  	_ =	shalt  }
0x57: {  	_ =	shalt  }
0x58: {  	_ =	shalt  }
0x59: {  	_ =	shalt  }
0x5a: {  	_ =	shalt  }
0x5b: {  	_ =	shalt  }
0x5c: {  	_ =	shalt  }
0x5d: {  	_ =	shalt  }
0x5e: {  	_ =	shalt  }
0x5f: {  	_ =	shalt  }
0x60: {  	_ =	shalt  }
0x61: {  	_ =	shalt  }
0x62: {  	_ =	shalt  }
0x63: {  	_ =	shalt  }
0x64: {  	_ =	shalt  }
0x65: {  	_ =	shalt  }
0x66: {  	_ =	shalt  }
0x67: {  	_ =	shalt  }
0x68: {  	_ =	shalt  }
0x69: {  	_ =	shalt  }
0x6a: {  	_ =	shalt  }
0x6b: {  	_ =	shalt  }
0x6c: {  	_ =	shalt  }
0x6d: {  	_ =	shalt  }
0x6e: {  	_ =	shalt  }
0x6f: {  	_ =	shalt  }
0x70: {  	_ =	shalt  }
0x71: {  	_ =	shalt  }
0x72: {  	_ =	shalt  }
0x73: {  	_ =	shalt  }
0x74: {  	_ =	shalt  }
0x75: {  	_ =	shalt  }
0x76: {  	_ =	shalt  }
0x77: {  	_ =	shalt  }
0x78: {  	_ =	shalt  }
0x79: {  	_ =	shalt  }
0x7a: {  	_ =	shalt  }
0x7b: {  	_ =	shalt  }
0x7c: {  	_ =	shalt  }
0x7d: {  	_ =	shalt  }
0x7e: {  	_ =	shalt  }
0x7f: {  	_ =	shalt  }
0x80: {  	_ =	shalt  }
0x81: {  	_ =	shalt  }
0x82: {  	_ =	shalt  }
0x83: {  	_ =	shalt  }
0x84: {  	_ =	shalt  }
0x85: {  	_ =	shalt  }
0x86: {  	_ =	shalt  }
0x87: {  	_ =	shalt  }
.Lfunc_end0:
.L_simem_size_0:
called_computation_lowered:
.L_overlay_start_0:
0x88: {  	s2 =	sld [smem:$0x3FD9]  }
0x89: {  	s3 =	sld [smem:$0x3FFE];
	_ =	sdelay $0x1  }
0x8a: {  	s1 =	srdreg.scid  }
0x8b: {  	s0 =	sand.u32 $0x1, s1  }
0x8c: {  	s16 =	sshll.u32 s0, $0xA;
	s2 =	sadd.s32 s3, s2  }
0x8d: {  	s2 =	sadd.s32 s2, s16  }
0x8e: {  	[smem:$0x3FAF] =	sst s2  }
0x8f: {  	_ = 	snop  }
0x90: {  	(tm) =	ssettm $0x1  }
0x91: {  	s17 =	sld [smem:$0x3FFB];
	_ =	sdelay $0x3  }
0x92: {  	_ =	strace s17  }
0x93: {  	s2 =	sld [smem:$0x3FFC];
	_ =	sdelay $0x3  }
0x94: {  	_ =	strace s2  }
0x95: {  	s2 =	sld [smem:$0x3FFD];
	_ =	sdelay $0x3  }
0x96: {  	_ =	strace s2  }
0x97: {  	_ =	strace $0x8FFFFFFF  }
0x98: {  	s18 =	sld [smem:$0x3FDB];
	_ =	sdelay $0x1  }
0x99: {  	s19 =	simm.s32 $_scs_section_size  }
0x9a: {  	s4 =	simm.s32 $_size__tile_overlayer_lowered;
	s5 =	simm.s32 $_tile_overlayer_lowered  }
0x9b: {  	s22 =	simm.s32 $0x1BFF;
	s21 =	sshll.u32 s5, $0x1;
	s2 =	sadd.s32 s19, s18  }
0x9c: {  	s6 =	simm.s32 $0x0;
	s20 =	sshll.u32 s4, $0x1;
	s4 =	sadd.s32 s21, s2  }
0x9d: {  	[timem:s6], [sflag:s22] =	dma.local [hbm:s4], s20  }
0x9e: {  	_ =	swait.ge [sflag:s22], s20  }
0x9f: {  	s3 =	ssub.s32 $0x0, s20;
	[sflag:s22] =	ssyncset.done $0x0  }
0xa0: {  	[sflag:s22] =	ssyncadd.s32 s3;
	_ =	sdelay $0x1  }
0xa1: {  	s23 =	simm.s32 $0x1B8B  }
0xa2: {  	_ =	swait.ge [sflag:s23], $0x1  }
0xa3: {  	[sflag:s23] =	ssyncset.done $0x0  }
0xa4: {  	s25 =	simm.s32 $0x1B8E;
	s24 =	sld [smem:$0x3FFE];
	[sflag:s23] =	ssyncadd.s32 $0xFFFFFFFF  }
0xa5: {  	s26 =	simm.s32 $execute0_lowered;
	[smem:$0x3FD2] =	sst s25  }
0xa6: {  	s4 =	sshll.u32 s26, $0x1;
	_ =	strace $0x80000046;
	[dreg:$0x1] =	wrdreg $0xFFFFFFFF  }
0xa7: {  	s28 =	simm.s32 $_size_execute0_lowered;
	s2 =	sadd.s32 s2, s4;
	[dreg:$0x0] =	wrdreg $0x0  }
0xa8: {  	s4 =	sshll.u32 s28, $0x1;
	[dreg:$0x2] =	wrdreg s2  }
0xa9: {  	[dreg:$0x3] =	wrdreg s4  }
0xaa: {  	[dreg:$0x4] =	wrdreg $0xC0  }
0xab: {  	_ =	task [dreg:s6], $0x5FFFF  }
0xac: {  	[dreg:$0x1] =	wrdreg $0xFFFFFFFF  }
0xad: {  	[dreg:$0x0] =	wrdreg $0x60  }
0xae: {  	[dreg:$0x2] =	wrdreg s24  }
0xaf: {  	[dreg:$0x3] =	wrdreg $0x9  }
0xb0: {  	_ =	task.clear_ibuf [dreg:s6], $0x4FFFF;
	_ =	strace $0x90000046  }
0xb1: {  	s29 =	simm.s32 $0x9;
	_ =	strace $0x80000048  }
0xb2: {  	_ =	swait.ge [sflag:s29], $0x1  }
0xb3: {  	[sflag:s29] =	ssyncadd.s32 $0xFFFFFFFF  }
0xb4: {  	_ =	strace $0x90000048  }
0xb5: {  	_ =	sfence  }
0xb6: {  	s30 =	sld [smem:$0x0];
	_ =	sdelay $0x2  }
0xb7: {  	s31 =	sshll.u32 s1, $0xD;
	s1 =	sshrl.u32 s1, $0x2  }
0xb8: {  	s3 =	sand.u32 $0x4000, s31;
	s1 =	sadd.s32 s1, s30  }
0xb9: {  	s0 =	sor.u32 s3, s0;
	s1 =	sshll.u32 s1, $0x11  }
0xba: {  	s0 =	sor.u32 s1, s0  }
0xbb: {  	s0 =	sadd.s32 $0x8F2B, s0  }
0xbc: {  	[sflag:s0] =	ssyncadd.remote.s32 $0x1  }
0xbd: {  	_ =	sfence.sel $0xFFFF  }
0xbe: {  	[dreg:$0x0] =	wrdreg $0xFFFFFFFF;
	(pc) =	sbr.abs _section_cstart, $3  }
0xbf: {  	[dreg:$0x1] =	wrdreg $0xFFFFFFFF  }
0xc0: {  	_ =	task.clear_ibuf [dreg:s6], $0x2FFFF;
	_ =	strace $0x9FFFFFFF  }
0xc1: {  	(tm) =	ssettm $0x7FFFFFFF  }
tec
execute0_lowered:
.L_overlay_start_1:
0x0: {  	(tag) =	ssettag $0x1  }
0x1: {  	s0 =	srdreg.scid;
	s4 =	rddreg [dreg:$0x0]  }
0x2: {  	s1 =	stileid.u32;
	s2 =	simm.s32 $0x0;
	s7 =	simm.s32 $0x100  }
0x3: {  	s8 =	simm.s32 $0x900;
	s9 =	simm.s32 $0x1100;
	s10 =	simm.s32 $0x1900  }
0x4: {  	s11 =	simm.s32 $0x2100;
	s12 =	simm.s32 $0x2900;
	s13 =	simm.s32 $0x3100  }
0x5: {  	s14 =	simm.s32 $0x3900;
	s15 =	simm.s32 $0x4100;
	s16 =	simm.s32 $0x4900  }
0x6: {  	s17 =	simm.s32 $0x5100;
	s18 =	simm.s32 $0x5900;
	s19 =	simm.s32 $0x6100  }
0x7: {  	s20 =	simm.s32 $0x6900;
	s21 =	simm.s32 $0x7100;
	s22 =	simm.s32 $0x7900  }
0x8: {  	s23 =	simm.s32 $0x8100;
	s24 =	simm.s32 $0x8900;
	s0 =	sand.u32 $0x1, s0  }
0x9: {  	s25 =	simm.s32 $0x9100;
	s28 =	simm.s32 $0xA100;
	s3 =	sshll.u32 s0, $0x4  }
0xa: {  	s29 =	simm.s32 $0xA900;
	s30 =	simm.s32 $0xB100;
	s3 =	sor.u32 s1, s3  }
0xb: {  	s31 =	simm.s32 $0xB900;
	s0 =	ssub.s32 $0x2, s0;
	s5 =	smul.u32 $0x18, s3  }
0xc: {  	[smem:$0x7FF] =	sst s2;
	s26 =	sshrl.u32 s0, $0x1;
	s6 =	smul.u32 $0x1800, s3  }
0xd: {  	_ =	strace $0x80000047;
	s3 =	sadd.s32 $0x4200, s4;
	s0 =	ssub.s32 s0, s26  }
0xe: {  	v2 =	vlaneseq.u32;
	s26 =	simm.s32 $0x9900;
	s5 =	sadd.s32 s5, s4;
	s4 =	sadd.s32 s6, s4  }
0xf: {  	vm0 =	vmmov $0xffff;
	v1 =	vshrl.u32 v2, $0x3;
	s6 =	simm.s32 $0x2;
	s5 =	sadd.s32 $0x3E00, s5;
	s4 =	sadd.s32 $0x14200, s4  }
0x10: {  	v0 =	vand.u32 $0x7, v2;
	v2 =	vor.u32 $0x8, v2;
	v1 =	vmul.u32 $0x8, v1;
	[dreg:$0x2] =	wrdreg s5;
	s5 =	smax.u32 s0, $0x1;
	s0 =	simm.s32 $0x1  }
.LBB2_1:
0x11: {  	s1 =	rddreg [dreg:$0x2]  }
0x12: {  	[tilespmem:s2], [sflag:$0x2] =	stream.linear.gather [hbm4b:s1+s2], $0xC0, $0x38;
	[tilespmem:$0xC100] =	vst v63  }
0x13: {  	_ =	swait.ge [sflag:s6], $0xC0  }
0x14: {  	[sflag:s6] =	ssyncset.done $0x0  }
0x15: {  	[sflag:s6] =	ssyncadd.s32 $0xFFFFFF40  }
0x16: {  	v3 =	vld [tilespmem:$0x0];
	_ =	sdelay $0x4  }
0x17: {  	v4 =	vshll.u32 v3, $0x1  }
0x18: {  	v3 =	vand.u32 $0x7, v3;
	v4 =	vand.u32 $0xFFFFFFF0, v4  }
0x19: {  	v3 =	vor.u32 v3, v4  }
0x1a: {  	v4 =	vperm.xlane v3, v0;
	_ =	sdelay $0x1  }
0x1b: {  	v3 =	vperm.xlane v3, v2;
	v4 =	vadd.s32 v1, v4;
	_ =	sdelay $0x1  }
0x1c: {  	v3 =	vadd.s32 v1, v3;
	_ =	sdelay $0x2  }
0x1d: {  	[tilespmem:s7], [sflag:$0x1] =	stream.indirect_vreg.gather [hbm4b:s3+s2], $0x80, v4, vm0, $0xb8;
	[tilespmem:$0xC100] =	vst v63  }
0x1e: {  	_ = 	snop  }
0x1f: {  	[tilespmem:s8], [sflag:$0x1] =	stream.indirect_vreg.gather [hbm4b:s3+s2], $0x80, v3, vm0, $0xb8;
	[tilespmem:$0xC100] =	vst v63  }
0x20: {  	v3 =	vld [tilespmem:$0x10];
	_ =	sdelay $0x4  }
0x21: {  	v53 =	vshll.u32 v3, $0x1  }
0x22: {  	v3 =	vand.u32 $0x7, v3;
	v4 =	vand.u32 $0xFFFFFFF0, v53  }
0x23: {  	v3 =	vor.u32 v3, v4  }
0x24: {  	v4 =	vperm.xlane v3, v0;
	_ =	sdelay $0x1  }
0x25: {  	v3 =	vperm.xlane v3, v2;
	v4 =	vadd.s32 v1, v4;
	_ =	sdelay $0x1  }
0x26: {  	v3 =	vadd.s32 v1, v3;
	_ =	sdelay $0x2  }
0x27: {  	[tilespmem:s9], [sflag:$0x1] =	stream.indirect_vreg.gather [hbm4b:s3+s2], $0x80, v4, vm0, $0xb8;
	[tilespmem:$0xC100] =	vst v63  }
0x28: {  	_ = 	snop  }
0x29: {  	[tilespmem:s10], [sflag:$0x1] =	stream.indirect_vreg.gather [hbm4b:s3+s2], $0x80, v3, vm0, $0xb8;
	[tilespmem:$0xC100] =	vst v63  }
0x2a: {  	v3 =	vld [tilespmem:$0x20];
	_ =	sdelay $0x4  }
0x2b: {  	v54 =	vshll.u32 v3, $0x1  }
0x2c: {  	v3 =	vand.u32 $0x7, v3;
	v4 =	vand.u32 $0xFFFFFFF0, v54  }
0x2d: {  	v3 =	vor.u32 v3, v4  }
0x2e: {  	v4 =	vperm.xlane v3, v0;
	_ =	sdelay $0x1  }
0x2f: {  	v3 =	vperm.xlane v3, v2;
	v4 =	vadd.s32 v1, v4;
	_ =	sdelay $0x1  }
0x30: {  	v3 =	vadd.s32 v1, v3;
	_ =	sdelay $0x2  }
0x31: {  	[tilespmem:s11], [sflag:$0x1] =	stream.indirect_vreg.gather [hbm4b:s3+s2], $0x80, v4, vm0, $0xb8;
	[tilespmem:$0xC100] =	vst v63  }
0x32: {  	_ = 	snop  }
0x33: {  	[tilespmem:s12], [sflag:$0x1] =	stream.indirect_vreg.gather [hbm4b:s3+s2], $0x80, v3, vm0, $0xb8;
	[tilespmem:$0xC100] =	vst v63  }
0x34: {  	v3 =	vld [tilespmem:$0x30];
	_ =	sdelay $0x4  }
0x35: {  	v55 =	vshll.u32 v3, $0x1  }
0x36: {  	v3 =	vand.u32 $0x7, v3;
	v4 =	vand.u32 $0xFFFFFFF0, v55  }
0x37: {  	v3 =	vor.u32 v3, v4  }
0x38: {  	v4 =	vperm.xlane v3, v0;
	_ =	sdelay $0x1  }
0x39: {  	v3 =	vperm.xlane v3, v2;
	v4 =	vadd.s32 v1, v4;
	_ =	sdelay $0x1  }
0x3a: {  	v3 =	vadd.s32 v1, v3;
	_ =	sdelay $0x2  }
0x3b: {  	[tilespmem:s13], [sflag:$0x1] =	stream.indirect_vreg.gather [hbm4b:s3+s2], $0x80, v4, vm0, $0xb8;
	[tilespmem:$0xC100] =	vst v63  }
0x3c: {  	_ = 	snop  }
0x3d: {  	[tilespmem:s14], [sflag:$0x1] =	stream.indirect_vreg.gather [hbm4b:s3+s2], $0x80, v3, vm0, $0xb8;
	[tilespmem:$0xC100] =	vst v63  }
0x3e: {  	v3 =	vld [tilespmem:$0x40];
	_ =	sdelay $0x4  }
0x3f: {  	v56 =	vshll.u32 v3, $0x1  }
0x40: {  	v3 =	vand.u32 $0x7, v3;
	v4 =	vand.u32 $0xFFFFFFF0, v56  }
0x41: {  	v3 =	vor.u32 v3, v4  }
0x42: {  	v4 =	vperm.xlane v3, v0;
	_ =	sdelay $0x1  }
0x43: {  	v3 =	vperm.xlane v3, v2;
	v4 =	vadd.s32 v1, v4;
	_ =	sdelay $0x1  }
0x44: {  	v3 =	vadd.s32 v1, v3;
	_ =	sdelay $0x2  }
0x45: {  	[tilespmem:s15], [sflag:$0x1] =	stream.indirect_vreg.gather [hbm4b:s3+s2], $0x80, v4, vm0, $0xb8;
	[tilespmem:$0xC100] =	vst v63  }
0x46: {  	_ = 	snop  }
0x47: {  	[tilespmem:s16], [sflag:$0x1] =	stream.indirect_vreg.gather [hbm4b:s3+s2], $0x80, v3, vm0, $0xb8;
	[tilespmem:$0xC100] =	vst v63  }
0x48: {  	v3 =	vld [tilespmem:$0x50];
	_ =	sdelay $0x4  }
0x49: {  	v57 =	vshll.u32 v3, $0x1  }
0x4a: {  	v3 =	vand.u32 $0x7, v3;
	v4 =	vand.u32 $0xFFFFFFF0, v57  }
0x4b: {  	v3 =	vor.u32 v3, v4  }
0x4c: {  	v4 =	vperm.xlane v3, v0;
	_ =	sdelay $0x1  }
0x4d: {  	v3 =	vperm.xlane v3, v2;
	v4 =	vadd.s32 v1, v4;
	_ =	sdelay $0x1  }
0x4e: {  	v3 =	vadd.s32 v1, v3;
	_ =	sdelay $0x2  }
0x4f: {  	[tilespmem:s17], [sflag:$0x1] =	stream.indirect_vreg.gather [hbm4b:s3+s2], $0x80, v4, vm0, $0xb8;
	[tilespmem:$0xC100] =	vst v63  }
0x50: {  	_ = 	snop  }
0x51: {  	[tilespmem:s18], [sflag:$0x1] =	stream.indirect_vreg.gather [hbm4b:s3+s2], $0x80, v3, vm0, $0xb8;
	[tilespmem:$0xC100] =	vst v63  }
0x52: {  	v3 =	vld [tilespmem:$0x60];
	_ =	sdelay $0x4  }
0x53: {  	v58 =	vshll.u32 v3, $0x1  }
0x54: {  	v3 =	vand.u32 $0x7, v3;
	v4 =	vand.u32 $0xFFFFFFF0, v58  }
0x55: {  	v3 =	vor.u32 v3, v4  }
0x56: {  	v4 =	vperm.xlane v3, v0;
	_ =	sdelay $0x1  }
0x57: {  	v3 =	vperm.xlane v3, v2;
	v4 =	vadd.s32 v1, v4;
	_ =	sdelay $0x1  }
0x58: {  	v3 =	vadd.s32 v1, v3;
	_ =	sdelay $0x2  }
0x59: {  	[tilespmem:s19], [sflag:$0x1] =	stream.indirect_vreg.gather [hbm4b:s3+s2], $0x80, v4, vm0, $0xb8;
	[tilespmem:$0xC100] =	vst v63  }
0x5a: {  	_ = 	snop  }
0x5b: {  	[tilespmem:s20], [sflag:$0x1] =	stream.indirect_vreg.gather [hbm4b:s3+s2], $0x80, v3, vm0, $0xb8;
	[tilespmem:$0xC100] =	vst v63  }
0x5c: {  	v3 =	vld [tilespmem:$0x70];
	_ =	sdelay $0x4  }
0x5d: {  	v59 =	vshll.u32 v3, $0x1  }
0x5e: {  	v3 =	vand.u32 $0x7, v3;
	v4 =	vand.u32 $0xFFFFFFF0, v59  }
0x5f: {  	v3 =	vor.u32 v3, v4  }
0x60: {  	v4 =	vperm.xlane v3, v0;
	_ =	sdelay $0x1  }
0x61: {  	v3 =	vperm.xlane v3, v2;
	v4 =	vadd.s32 v1, v4;
	_ =	sdelay $0x1  }
0x62: {  	v3 =	vadd.s32 v1, v3;
	_ =	sdelay $0x2  }
0x63: {  	[tilespmem:s21], [sflag:$0x1] =	stream.indirect_vreg.gather [hbm4b:s3+s2], $0x80, v4, vm0, $0xb8;
	[tilespmem:$0xC100] =	vst v63  }
0x64: {  	_ = 	snop  }
0x65: {  	[tilespmem:s22], [sflag:$0x1] =	stream.indirect_vreg.gather [hbm4b:s3+s2], $0x80, v3, vm0, $0xb8;
	[tilespmem:$0xC100] =	vst v63  }
0x66: {  	v3 =	vld [tilespmem:$0x80];
	_ =	sdelay $0x4  }
0x67: {  	v60 =	vshll.u32 v3, $0x1  }
0x68: {  	v3 =	vand.u32 $0x7, v3;
	v4 =	vand.u32 $0xFFFFFFF0, v60  }
0x69: {  	v3 =	vor.u32 v3, v4  }
0x6a: {  	v4 =	vperm.xlane v3, v0;
	_ =	sdelay $0x1  }
0x6b: {  	v3 =	vperm.xlane v3, v2;
	v4 =	vadd.s32 v1, v4;
	_ =	sdelay $0x1  }
0x6c: {  	v3 =	vadd.s32 v1, v3;
	_ =	sdelay $0x2  }
0x6d: {  	[tilespmem:s23], [sflag:$0x1] =	stream.indirect_vreg.gather [hbm4b:s3+s2], $0x80, v4, vm0, $0xb8;
	[tilespmem:$0xC100] =	vst v63  }
0x6e: {  	_ = 	snop  }
0x6f: {  	[tilespmem:s24], [sflag:$0x1] =	stream.indirect_vreg.gather [hbm4b:s3+s2], $0x80, v3, vm0, $0xb8;
	[tilespmem:$0xC100] =	vst v63  }
0x70: {  	v3 =	vld [tilespmem:$0x90];
	_ =	sdelay $0x4  }
0x71: {  	v61 =	vshll.u32 v3, $0x1  }
0x72: {  	v3 =	vand.u32 $0x7, v3;
	v4 =	vand.u32 $0xFFFFFFF0, v61  }
0x73: {  	v3 =	vor.u32 v3, v4  }
0x74: {  	v4 =	vperm.xlane v3, v0;
	_ =	sdelay $0x1  }
0x75: {  	v3 =	vperm.xlane v3, v2;
	v4 =	vadd.s32 v1, v4;
	_ =	sdelay $0x1  }
0x76: {  	v3 =	vadd.s32 v1, v3;
	_ =	sdelay $0x2  }
0x77: {  	[tilespmem:s25], [sflag:$0x1] =	stream.indirect_vreg.gather [hbm4b:s3+s2], $0x80, v4, vm0, $0xb8;
	[tilespmem:$0xC100] =	vst v63  }
0x78: {  	_ = 	snop  }
0x79: {  	[tilespmem:s26], [sflag:$0x1] =	stream.indirect_vreg.gather [hbm4b:s3+s2], $0x80, v3, vm0, $0xb8;
	[tilespmem:$0xC100] =	vst v63  }
0x7a: {  	v3 =	vld [tilespmem:$0xA0];
	_ =	sdelay $0x4  }
0x7b: {  	v62 =	vshll.u32 v3, $0x1  }
0x7c: {  	v3 =	vand.u32 $0x7, v3;
	v4 =	vand.u32 $0xFFFFFFF0, v62  }
0x7d: {  	v3 =	vor.u32 v3, v4  }
0x7e: {  	v4 =	vperm.xlane v3, v0;
	_ =	sdelay $0x1  }
0x7f: {  	v3 =	vperm.xlane v3, v2;
	v4 =	vadd.s32 v1, v4;
	_ =	sdelay $0x1  }
0x80: {  	v3 =	vadd.s32 v1, v3;
	_ =	sdelay $0x2  }
0x81: {  	[tilespmem:s28], [sflag:$0x1] =	stream.indirect_vreg.gather [hbm4b:s3+s2], $0x80, v4, vm0, $0xb8;
	[tilespmem:$0xC100] =	vst v63  }
0x82: {  	_ = 	snop  }
0x83: {  	[tilespmem:s29], [sflag:$0x1] =	stream.indirect_vreg.gather [hbm4b:s3+s2], $0x80, v3, vm0, $0xb8;
	[tilespmem:$0xC100] =	vst v63  }
0x84: {  	v3 =	vld [tilespmem:$0xB0];
	_ =	sdelay $0x4  }
0x85: {  	v63 =	vshll.u32 v3, $0x1  }
0x86: {  	v3 =	vand.u32 $0x7, v3;
	v4 =	vand.u32 $0xFFFFFFF0, v63  }
0x87: {  	v3 =	vor.u32 v3, v4  }
0x88: {  	v4 =	vperm.xlane v3, v0;
	_ =	sdelay $0x1  }
0x89: {  	v3 =	vperm.xlane v3, v2;
	v4 =	vadd.s32 v1, v4;
	_ =	sdelay $0x1  }
0x8a: {  	v3 =	vadd.s32 v1, v3;
	_ =	sdelay $0x2  }
0x8b: {  	[tilespmem:s30], [sflag:$0x1] =	stream.indirect_vreg.gather [hbm4b:s3+s2], $0x80, v4, vm0, $0xb8;
	[tilespmem:$0xC100] =	vst v63  }
0x8c: {  	_ = 	snop  }
0x8d: {  	[tilespmem:s31], [sflag:$0x1] =	stream.indirect_vreg.gather [hbm4b:s3+s2], $0x80, v3, vm0, $0xb8;
	[tilespmem:$0xC100] =	vst v63  }
0x8e: {  	_ =	swait.ge [sflag:s0], $0x8000  }
0x8f: {  	[sflag:s0] =	ssyncset.done $0x0  }
0x90: {  	[sflag:s0] =	ssyncadd.s32 $0xFFFF8000  }
0x91: {  	_ =	swait.ge [sflag:s0], $0x4000  }
0x92: {  	p0 =	sne.s32 s5, $0x1;
	[sflag:s0] =	ssyncset.done $0x0  }
.Ltmp0:
0x93: {  	[sflag:s0] =	ssyncadd.s32 $0xFFFFC000;
	(pc) =	sbr.rel @p0 .LBB2_1-.Ltmp0, $4  }
0x94: {  	[hbm4b:s4+s2] =	stream.linear.scatter [tilespmem:s7], [sflag:$0x2], $0xC000, $0x38;
	[tilespmem:$0xC100] =	vst v63  }
0x95: {  	_ =	swait.ge [sflag:s6], $0xC000  }
0x96: {  	[sflag:s6] =	ssyncset.done $0x0  }
0x97: {  	s5 =	sadd.s32 $0xFFFFFFFF, s5;
	[sflag:s6] =	ssyncadd.s32 $0xFFFF4000  }
0x98: {  	_ =	sfence.sel $0x180000  }
0x99: {  	[bflag:$0x0] =	sbarrier.arrive $0xFFFF  }
0x9a: {  	_ =	strace $0x90000047  }
0x9b: {  	s0 =	stileid.u32;
	[bflag:$0x2] =	sbarrier.arrive $0xFFFF  }
0x9c: {  	p0 =	sne.s32 s0, $0x0;
	s0 =	rddreg [dreg:$0x1]  }
0x9d: {  	s0 =	sadd.s32 @!p0 $0x100000, s0  }
0x9e: {  	[sflag:s0] =	ssyncadd.tile.s32 @!p0 $0x1;
	_ =	shalt  }
.Lfunc_end2:
_tile_overlayer_lowered:
.L_overlay_start_2:
0x9f: {  	(tag) =	ssettag $0x2  }
0xa0: {  	s0 =	rddreg [dreg:$0x0];
	s2 =	stileid.u32  }
0xa1: {  	s1 =	rddreg [dreg:$0x1];
	p0 =	sne.s32 s2, $0x0  }
0xa2: {  	s3 =	rddreg [dreg:$0x2];
	[bflag:$0x3] =	sbarrier.arrive $0xFFFF;
	s2 =	simm.s32 @!p0 $0x1C02  }
0xa3: {  	[timem:s3], [sflag:s2] =	dma.local @!p0 [hbm:s0], s1  }
0xa4: {  	s0 =	simm.s32 @!p0 $0x2  }
0xa5: {  	_ =	swait.ge @!p0 [sflag:s0], s1  }
0xa6: {  	s1 =	ssub.s32 @!p0 $0x0, s1;
	[sflag:s0] =	ssyncset.done @!p0 $0x0  }
0xa7: {  	[sflag:s0] =	ssyncadd.s32 @!p0 s1  }
0xa8: {  	[bflag:$0x3] =	sbarrier.arrive $0xFFFF  }
0xa9: {  	_ =	shalt  }

</sc_bundles>
